<compile_context>
chip_gen: v7x
topology: tpu7x:2x2x1
jax: 0.10.2.dev20260603
libtpu: 0.0.44.dev20260713+nightly
codegen_flags: <defaults>
</compile_context>

<pallas_src>
import jax
import jax.numpy as jnp
from jax import lax
from jax.experimental import pallas as pl
from jax.experimental.pallas import tpu as pltpu
from jax.experimental.pallas import tpu_sc as plsc

B = 16384
HID = 1024
HOP = 8
K = 4
NREL_PAD = 1024
LAMBDA_NOISE = 1.0

_HHALF = HID // 2


def _rel_table_body(r_ref, w_ref, b_ref, vi_ref):
    v = (
        jnp.dot(r_ref[...], w_ref[...], preferred_element_type=jnp.float32)
        + b_ref[...]
    )
    lo = v[:, :_HHALF].astype(jnp.bfloat16).astype(jnp.float32)
    hi = v[:, _HHALF:].astype(jnp.bfloat16).astype(jnp.float32)
    lo_bits = jax.lax.bitcast_convert_type(lo, jnp.uint32) >> 16
    hi_bits = jax.lax.bitcast_convert_type(hi, jnp.uint32) & jnp.uint32(
        0xFFFF0000
    )
    vi_ref[...] = jax.lax.bitcast_convert_type(lo_bits | hi_bits, jnp.int32)


def _rel_table(r_bf, w1b_bf, b1_row):
    return pl.pallas_call(
        _rel_table_body,
        out_shape=jax.ShapeDtypeStruct((NREL_PAD, _HHALF), jnp.int32),
    )(r_bf, w1b_bf, b1_row)


_NC = 2
_NS = 16
_NW = _NC * _NS
_NSPLIT = 2
_BS = B // _NSPLIT
_BPW = _BS // _NW
_CH = 32
_NCHUNK = _BPW // _CH
_TOT = 2 * _NCHUNK


def _sc_gather_body(table_hbm, ids_hbm, out_hbm, idx, buf0, buf1, sem0, sem1):
    wid = lax.axis_index("s") * _NC + lax.axis_index("c")
    base = wid * _BPW
    pltpu.sync_copy(ids_hbm.at[pl.ds(base, _BPW)], idx)
    bufs = (buf0, buf1)
    sems = (sem0, sem1)

    cps = [None] * _NCHUNK
    cps[0] = pltpu.async_copy(
        table_hbm.at[idx.at[pl.ds(0, _CH)]], bufs[0], sems[0]
    )
    for k in range(_NCHUNK):
        cur = k & 1
        if k + 1 < _NCHUNK:
            cps[k + 1] = pltpu.async_copy(
                table_hbm.at[idx.at[pl.ds((k + 1) * _CH, _CH)]],
                bufs[1 - cur], sems[1 - cur],
            )
        cps[k].wait()
        pltpu.sync_copy(bufs[cur], out_hbm.at[pl.ds(base + k * _CH, _CH)])


def _sc_gather(table, ids_half):
    width = table.shape[1]
    f = pl.kernel(
        _sc_gather_body,
        out_type=jax.ShapeDtypeStruct((_BS, width), table.dtype),
        mesh=plsc.VectorSubcoreMesh(core_axis_name="c", subcore_axis_name="s"),
        scratch_types=[
            pltpu.VMEM((_BPW,), jnp.int32),
            pltpu.VMEM((_CH, width), table.dtype),
            pltpu.VMEM((_CH, width), table.dtype),
            pltpu.SemaphoreType.DMA,
            pltpu.SemaphoreType.DMA,
        ],
    )
    return f(table, ids_half)


_TILE = 512
_NTILE = _BS // _TILE


def _mlp_body(ge_ref, gv_ref, w_ref, out_ref, acc_ref):
    i = pl.program_id(0)

    @pl.when(i == 0)
    def _():
        acc_ref[...] = jnp.zeros_like(acc_ref)

    h = jnp.dot(
        ge_ref[...].astype(jnp.bfloat16), w_ref[...],
        preferred_element_type=jnp.float32,
    )
    gvi = gv_ref[...]
    lo_f = jax.lax.bitcast_convert_type(gvi << 16, jnp.float32)
    hi_f = jax.lax.bitcast_convert_type(gvi & jnp.int32(-65536), jnp.float32)
    gv = jnp.concatenate([lo_f, hi_f], axis=1)
    h = jnp.maximum(h + gv, 0.0)
    acc_ref[...] += jnp.sum(h, axis=0, keepdims=True)

    @pl.when(i == pl.num_programs(0) - 1)
    def _():
        out_ref[...] = acc_ref[...]


def _mlp_sum(ge, gv, w1a_bf):
    return pl.pallas_call(
        _mlp_body,
        grid=(_NTILE,),
        in_specs=[
            pl.BlockSpec((_TILE, HID), lambda i: (i, 0)),
            pl.BlockSpec((_TILE, _HHALF), lambda i: (i, 0)),
            pl.BlockSpec((HID, HID), lambda i: (0, 0)),
        ],
        out_specs=pl.BlockSpec((1, HID), lambda i: (0, 0)),
        out_shape=jax.ShapeDtypeStruct((1, HID), jnp.float32),
        scratch_shapes=[pltpu.VMEM((1, HID), jnp.float32)],
    )(ge, gv, w1a_bf)


def _route_body(hs_ref, w2_ref, b2_ref, hop_ref, wn_ref, eps_ref, g_ref, q_ref):
    hsum = jnp.sum(hs_ref[...], axis=0, keepdims=True)
    c = (
        jnp.dot(hsum * (1.0 / B), w2_ref[...],
                preferred_element_type=jnp.float32)
        + b2_ref[...]
    )
    qc = jnp.sum(hop_ref[...] * c, axis=1, keepdims=True)
    s = jnp.sum(c * wn_ref[...], axis=1, keepdims=True)
    sigma = jnp.maximum(s, 0.0) + jnp.log1p(jnp.exp(-jnp.abs(s)))
    q = qc + LAMBDA_NOISE * eps_ref[...] * sigma

    iot = lax.broadcasted_iota(jnp.int32, (HOP, 1), 0)
    qw = q
    vals, idxs = [], []
    for _ in range(K):
        m = jnp.max(qw, axis=0, keepdims=True)
        ii = jnp.min(jnp.where(qw == m, iot, HOP), axis=0, keepdims=True)
        vals.append(m)
        idxs.append(ii)
        qw = jnp.where(iot == ii, -jnp.inf, qw)
    es = [jnp.exp(v - vals[0]) for v in vals]
    z = es[0] + es[1] + es[2] + es[3]
    g = jnp.zeros((HOP, 1), jnp.float32)
    for ii, e in zip(idxs, es):
        g = g + jnp.where(iot == ii, e / z, 0.0)
    g_ref[...] = g
    q_ref[...] = q


def _route(hs_stack, W2, b2_row, hop_embed, wn_row, eps_col):
    return pl.pallas_call(
        _route_body,
        out_shape=(
            jax.ShapeDtypeStruct((HOP, 1), jnp.float32),
            jax.ShapeDtypeStruct((HOP, 1), jnp.float32),
        ),
    )(hs_stack, W2, b2_row, hop_embed, wn_row, eps_col)


def kernel(subs, rels, entity_embed, relation_embed, hop_embed,
           W1, b1, W2, b2, w_n, noise_eps):
    w1a_bf = W1[:HID].astype(jnp.bfloat16)
    w1b_bf = W1[HID:].astype(jnp.bfloat16)
    r_bf = jnp.pad(
        relation_embed, ((0, NREL_PAD - relation_embed.shape[0]), (0, 0))
    ).astype(jnp.bfloat16)

    ges = [
        _sc_gather(entity_embed,
                   lax.slice_in_dim(subs, s * _BS, (s + 1) * _BS))
        for s in range(_NSPLIT)
    ]
    r_bf, w1b_bf, b1_row, _ = lax.optimization_barrier(
        (r_bf, w1b_bf, b1.reshape(1, HID), ges[0])
    )
    v = _rel_table(r_bf, w1b_bf, b1_row)
    gvs = [
        _sc_gather(v, lax.slice_in_dim(rels, s * _BS, (s + 1) * _BS))
        for s in range(_NSPLIT)
    ]
    hsums = [_mlp_sum(ges[s], gvs[s], w1a_bf) for s in range(_NSPLIT)]
    g, q = _route(
        jnp.concatenate(hsums, axis=0), W2, b2.reshape(1, HID), hop_embed,
        w_n.reshape(1, HID), noise_eps.reshape(HOP, 1),
    )
    return (g.reshape(HOP), q.reshape(HOP))

# --- scband reference (transcript-rebuilt; emitter-appended) ---
"""Pipeline reference for scband-mo-e-for-hops-26096221290522 (READ-ONLY COPY).

The authoritative reference and input builder live on the scoring server;
editing this copy changes nothing except your own understanding.
"""

import jax, jax.numpy as jnp
import numpy as np

B = 16384
HID = 1024
N_ENT = 110000
N_REL_VOCAB = 1001
HOP_RANGE = 8
NUM_EXPERTS = 4
LAMBDA_NOISE = 1.0
TEMPERATURE = 1.0


def softplus(x):
    return jnp.logaddexp(x, 0.0)


def setup_inputs(seed: int = 0) -> dict:
    key = jax.random.key(seed)
    ks = jax.random.split(key, 12)
    subs = jax.random.randint(ks[0], (B,), 0, N_ENT, dtype=jnp.int32)
    rels = jax.random.randint(ks[1], (B,), 0, N_REL_VOCAB, dtype=jnp.int32)
    entity_embed = jax.random.normal(ks[2], (N_ENT, HID), jnp.float32) * 0.02
    relation_embed = jax.random.normal(ks[3], (N_REL_VOCAB, HID), jnp.float32) * 0.02
    hop_embed = jax.random.normal(ks[4], (HOP_RANGE, HID), jnp.float32) * 0.02
    W1 = jax.random.normal(ks[5], (2 * HID, HID), jnp.float32) * (1.0 / np.sqrt(2 * HID))
    b1 = jnp.zeros((HID,), jnp.float32)
    W2 = jax.random.normal(ks[6], (HID, HID), jnp.float32) * (1.0 / np.sqrt(HID))
    b2 = jnp.zeros((HID,), jnp.float32)
    w_n = jax.random.normal(ks[7], (HID, 1), jnp.float32) * (1.0 / np.sqrt(HID))
    noise_eps = jax.random.normal(ks[8], (HOP_RANGE,), jnp.float32)
    return {
        "subs": subs,
        "rels": rels,
        "entity_embed": entity_embed,
        "relation_embed": relation_embed,
        "hop_embed": hop_embed,
        "W1": W1,
        "b1": b1,
        "W2": W2,
        "b2": b2,
        "w_n": w_n,
        "noise_eps": noise_eps,
    }


def reference(subs, rels, entity_embed, relation_embed, hop_embed, W1, b1, W2, b2, w_n, noise_eps):
    # embedding lookups (transductive mode: raw subs indices)
    q_sub_embed = jnp.take(entity_embed, subs, axis=0)          # [B, HID]
    q_rel_embed = jnp.take(relation_embed, rels, axis=0)        # [B, HID]
    c = jnp.concatenate([q_sub_embed, q_rel_embed], axis=-1)    # [B, 2*HID]
    # context_mlp: Linear -> ReLU -> Linear
    h = jax.nn.relu(c @ W1 + b1)
    c = h @ W2 + b2                                             # [B, HID]
    c_i = jnp.mean(c, axis=0, keepdims=True)                    # [1, HID]
    # hop embeddings for hops min_hop..max_hop -> indices 0..HOP_RANGE-1
    phi_hop = hop_embed                                         # [HOP_RANGE, HID]
    Q = (c_i @ phi_hop.T)[0]                                    # [HOP_RANGE]
    # noisy gating: randn_like(Q) * softplus(W_n(c_i))
    sigma = softplus(c_i @ w_n)[0]                              # [1], broadcasts
    Q = Q + LAMBDA_NOISE * noise_eps * sigma
    # top-k gating
    topk_values, topk_indices = jax.lax.top_k(Q, NUM_EXPERTS)
    G_topk = jax.nn.softmax(topk_values / TEMPERATURE)
    G_full = jnp.zeros((HOP_RANGE,), Q.dtype).at[topk_indices].set(G_topk)
    return (G_full, Q)

if __name__ == "__main__":
    import jax
    _d = setup_inputs()
    print(jax.jit(kernel)(*tuple(_d.values())))

</pallas_src>

<mosaic_0001>
#map = affine_map<(d0, d1) -> (0, 0)>
#map1 = affine_map<(d0, d1) -> (0)>
module attributes {stable_mosaic.version = 14 : i64} {
  func.func @_sc_gather_body(%arg0: i32, %arg1: i32, %arg2: memref<110000x1024xf32, #tpu.memory_space<hbm>>, %arg3: memref<8192xi32, #tpu.memory_space<hbm>>, %arg4: memref<8192x1024xf32, #tpu.memory_space<hbm>>, %arg5: memref<256xi32, #tpu.memory_space<vmem>>, %arg6: memref<32x1024xf32, #tpu.memory_space<vmem>>, %arg7: memref<32x1024xf32, #tpu.memory_space<vmem>>, %arg8: memref<!tpu.dma_semaphore, #tpu.memory_space<semaphore_mem>>, %arg9: memref<!tpu.dma_semaphore, #tpu.memory_space<semaphore_mem>>) attributes {dimension_semantics = [#tpu.dimension_semantics<core_parallel>, #tpu.dimension_semantics<subcore_parallel>], iteration_bounds = array<i64: 2, 16>, scalar_prefetch = 0 : i64, scratch_operands = 5 : i64, tpu.core_type = #tpu.core_type<sc_vector_subcore>, window_params = [{transform_indices = #map}, {transform_indices = #map1}, {transform_indices = #map}]} {
    %mul3A = arith.constant 2 : i32
    %mul3A_0 = arith.muli %arg1, %mul3A : i32
    %add3A = arith.addi %mul3A_0, %arg0 : i32
    %mul3A_1 = arith.constant 256 : i32
    %mul3A_2 = arith.muli %add3A, %mul3A_1 : i32
    "tpu.region"() ({
      %run_scoped3A = tpu.sem_alloc : memref<!tpu.dma_semaphore, #tpu.memory_space<semaphore_mem>>
      %dma_start3A_97 = tpu.memref_slice %arg3[%mul3A_2] : memref<8192xi32, #tpu.memory_space<hbm>> -> memref<256xi32, #tpu.memory_space<hbm>>
      %dma_start3A_98 = tpu.memref_slice %arg3[%mul3A_2] : memref<8192xi32, #tpu.memory_space<hbm>> -> memref<256xi32, #tpu.memory_space<hbm>>
      tpu.enqueue_dma source(%dma_start3A_98 : memref<256xi32, #tpu.memory_space<hbm>>) target(%arg5 : memref<256xi32, #tpu.memory_space<vmem>>) target_semaphore(%run_scoped3A : memref<!tpu.dma_semaphore, #tpu.memory_space<semaphore_mem>>)
      %dma_wait3A_99 = tpu.memref_slice %arg3[%mul3A_2] : memref<8192xi32, #tpu.memory_space<hbm>> -> memref<256xi32, #tpu.memory_space<hbm>>
      %dma_wait3A_100 = tpu.memref_slice %arg3[%mul3A_2] : memref<8192xi32, #tpu.memory_space<hbm>> -> memref<256xi32, #tpu.memory_space<hbm>>
      tpu.wait_dma2 semaphore(%run_scoped3A : memref<!tpu.dma_semaphore, #tpu.memory_space<semaphore_mem>>) src(%dma_wait3A_100 : memref<256xi32, #tpu.memory_space<hbm>>) dst(%arg5 : memref<256xi32, #tpu.memory_space<vmem>>)
      tpu.yield
    }) : () -> ()
    %dma_start3A = arith.constant 0 : i32
    %dma_start3A_3 = tpu.memref_slice %arg5[%dma_start3A] : memref<256xi32, #tpu.memory_space<vmem>> -> memref<32xi32, #tpu.memory_space<vmem>>
    %dma_start3A_4 = arith.constant 0 : i32
    %dma_start3A_5 = arith.constant 0 : i32
    %dma_start3A_6 = tpu.memref_slice %arg2[%dma_start3A_4, %dma_start3A_5] : memref<110000x1024xf32, #tpu.memory_space<hbm>> -> memref<110000x1024xf32, #tpu.memory_space<hbm>>
    tpu.enqueue_indirect_dma source(%dma_start3A_6 : memref<110000x1024xf32, #tpu.memory_space<hbm>>) target(%arg6 : memref<32x1024xf32, #tpu.memory_space<vmem>>) offsets(%dma_start3A_3 : memref<32xi32, #tpu.memory_space<vmem>>) semaphore(%arg8 : memref<!tpu.dma_semaphore, #tpu.memory_space<semaphore_mem>>)
    %dma_start3A_7 = arith.constant 32 : i32
    %dma_start3A_8 = tpu.memref_slice %arg5[%dma_start3A_7] : memref<256xi32, #tpu.memory_space<vmem>> -> memref<32xi32, #tpu.memory_space<vmem>>
    %dma_start3A_9 = arith.constant 0 : i32
    %dma_start3A_10 = arith.constant 0 : i32
    %dma_start3A_11 = tpu.memref_slice %arg2[%dma_start3A_9, %dma_start3A_10] : memref<110000x1024xf32, #tpu.memory_space<hbm>> -> memref<110000x1024xf32, #tpu.memory_space<hbm>>
    tpu.enqueue_indirect_dma source(%dma_start3A_11 : memref<110000x1024xf32, #tpu.memory_space<hbm>>) target(%arg7 : memref<32x1024xf32, #tpu.memory_space<vmem>>) offsets(%dma_start3A_8 : memref<32xi32, #tpu.memory_space<vmem>>) semaphore(%arg9 : memref<!tpu.dma_semaphore, #tpu.memory_space<semaphore_mem>>)
    %dma_wait3A = arith.constant 0 : i32
    %dma_wait3A_12 = tpu.memref_slice %arg5[%dma_wait3A] : memref<256xi32, #tpu.memory_space<vmem>> -> memref<32xi32, #tpu.memory_space<vmem>>
    %dma_wait3A_13 = arith.constant 0 : i32
    %dma_wait3A_14 = arith.constant 0 : i32
    %dma_wait3A_15 = tpu.memref_slice %arg2[%dma_wait3A_13, %dma_wait3A_14] : memref<110000x1024xf32, #tpu.memory_space<hbm>> -> memref<110000x1024xf32, #tpu.memory_space<hbm>>
    tpu.wait_indirect_dma semaphore(%arg8 : memref<!tpu.dma_semaphore, #tpu.memory_space<semaphore_mem>>) src(%dma_wait3A_15 : memref<110000x1024xf32, #tpu.memory_space<hbm>>) dst(%arg6 : memref<32x1024xf32, #tpu.memory_space<vmem>>)
    %add3A_16 = arith.constant 0 : i32
    %add3A_17 = arith.addi %mul3A_2, %add3A_16 : i32
    "tpu.region"() ({
      %run_scoped3A = tpu.sem_alloc : memref<!tpu.dma_semaphore, #tpu.memory_space<semaphore_mem>>
      %dma_start3A_97 = arith.constant 0 : i32
      %dma_start3A_98 = tpu.memref_slice %arg4[%add3A_17, %dma_start3A_97] : memref<8192x1024xf32, #tpu.memory_space<hbm>> -> memref<32x1024xf32, #tpu.memory_space<hbm>>
      %dma_start3A_99 = arith.constant 0 : i32
      %dma_start3A_100 = tpu.memref_slice %arg4[%add3A_17, %dma_start3A_99] : memref<8192x1024xf32, #tpu.memory_space<hbm>> -> memref<32x1024xf32, #tpu.memory_space<hbm>>
      tpu.enqueue_dma source(%arg6 : memref<32x1024xf32, #tpu.memory_space<vmem>>) target(%dma_start3A_100 : memref<32x1024xf32, #tpu.memory_space<hbm>>) target_semaphore(%run_scoped3A : memref<!tpu.dma_semaphore, #tpu.memory_space<semaphore_mem>>)
      %dma_wait3A_101 = arith.constant 0 : i32
      %dma_wait3A_102 = tpu.memref_slice %arg4[%add3A_17, %dma_wait3A_101] : memref<8192x1024xf32, #tpu.memory_space<hbm>> -> memref<32x1024xf32, #tpu.memory_space<hbm>>
      %dma_wait3A_103 = arith.constant 0 : i32
      %dma_wait3A_104 = tpu.memref_slice %arg4[%add3A_17, %dma_wait3A_103] : memref<8192x1024xf32, #tpu.memory_space<hbm>> -> memref<32x1024xf32, #tpu.memory_space<hbm>>
      tpu.wait_dma2 semaphore(%run_scoped3A : memref<!tpu.dma_semaphore, #tpu.memory_space<semaphore_mem>>) src(%arg6 : memref<32x1024xf32, #tpu.memory_space<vmem>>) dst(%dma_wait3A_104 : memref<32x1024xf32, #tpu.memory_space<hbm>>)
      tpu.yield
    }) : () -> ()
    %dma_start3A_18 = arith.constant 64 : i32
    %dma_start3A_19 = tpu.memref_slice %arg5[%dma_start3A_18] : memref<256xi32, #tpu.memory_space<vmem>> -> memref<32xi32, #tpu.memory_space<vmem>>
    %dma_start3A_20 = arith.constant 0 : i32
    %dma_start3A_21 = arith.constant 0 : i32
    %dma_start3A_22 = tpu.memref_slice %arg2[%dma_start3A_20, %dma_start3A_21] : memref<110000x1024xf32, #tpu.memory_space<hbm>> -> memref<110000x1024xf32, #tpu.memory_space<hbm>>
    tpu.enqueue_indirect_dma source(%dma_start3A_22 : memref<110000x1024xf32, #tpu.memory_space<hbm>>) target(%arg6 : memref<32x1024xf32, #tpu.memory_space<vmem>>) offsets(%dma_start3A_19 : memref<32xi32, #tpu.memory_space<vmem>>) semaphore(%arg8 : memref<!tpu.dma_semaphore, #tpu.memory_space<semaphore_mem>>)
    %dma_wait3A_23 = arith.constant 32 : i32
    %dma_wait3A_24 = tpu.memref_slice %arg5[%dma_wait3A_23] : memref<256xi32, #tpu.memory_space<vmem>> -> memref<32xi32, #tpu.memory_space<vmem>>
    %dma_wait3A_25 = arith.constant 0 : i32
    %dma_wait3A_26 = arith.constant 0 : i32
    %dma_wait3A_27 = tpu.memref_slice %arg2[%dma_wait3A_25, %dma_wait3A_26] : memref<110000x1024xf32, #tpu.memory_space<hbm>> -> memref<110000x1024xf32, #tpu.memory_space<hbm>>
    tpu.wait_indirect_dma semaphore(%arg9 : memref<!tpu.dma_semaphore, #tpu.memory_space<semaphore_mem>>) src(%dma_wait3A_27 : memref<110000x1024xf32, #tpu.memory_space<hbm>>) dst(%arg7 : memref<32x1024xf32, #tpu.memory_space<vmem>>)
    %add3A_28 = arith.constant 32 : i32
    %add3A_29 = arith.addi %mul3A_2, %add3A_28 : i32
    "tpu.region"() ({
      %run_scoped3A = tpu.sem_alloc : memref<!tpu.dma_semaphore, #tpu.memory_space<semaphore_mem>>
      %dma_start3A_97 = arith.constant 0 : i32
      %dma_start3A_98 = tpu.memref_slice %arg4[%add3A_29, %dma_start3A_97] : memref<8192x1024xf32, #tpu.memory_space<hbm>> -> memref<32x1024xf32, #tpu.memory_space<hbm>>
      %dma_start3A_99 = arith.constant 0 : i32
      %dma_start3A_100 = tpu.memref_slice %arg4[%add3A_29, %dma_start3A_99] : memref<8192x1024xf32, #tpu.memory_space<hbm>> -> memref<32x1024xf32, #tpu.memory_space<hbm>>
      tpu.enqueue_dma source(%arg7 : memref<32x1024xf32, #tpu.memory_space<vmem>>) target(%dma_start3A_100 : memref<32x1024xf32, #tpu.memory_space<hbm>>) target_semaphore(%run_scoped3A : memref<!tpu.dma_semaphore, #tpu.memory_space<semaphore_mem>>)
      %dma_wait3A_101 = arith.constant 0 : i32
      %dma_wait3A_102 = tpu.memref_slice %arg4[%add3A_29, %dma_wait3A_101] : memref<8192x1024xf32, #tpu.memory_space<hbm>> -> memref<32x1024xf32, #tpu.memory_space<hbm>>
      %dma_wait3A_103 = arith.constant 0 : i32
      %dma_wait3A_104 = tpu.memref_slice %arg4[%add3A_29, %dma_wait3A_103] : memref<8192x1024xf32, #tpu.memory_space<hbm>> -> memref<32x1024xf32, #tpu.memory_space<hbm>>
      tpu.wait_dma2 semaphore(%run_scoped3A : memref<!tpu.dma_semaphore, #tpu.memory_space<semaphore_mem>>) src(%arg7 : memref<32x1024xf32, #tpu.memory_space<vmem>>) dst(%dma_wait3A_104 : memref<32x1024xf32, #tpu.memory_space<hbm>>)
      tpu.yield
    }) : () -> ()
    %dma_start3A_30 = arith.constant 96 : i32
    %dma_start3A_31 = tpu.memref_slice %arg5[%dma_start3A_30] : memref<256xi32, #tpu.memory_space<vmem>> -> memref<32xi32, #tpu.memory_space<vmem>>
    %dma_start3A_32 = arith.constant 0 : i32
    %dma_start3A_33 = arith.constant 0 : i32
    %dma_start3A_34 = tpu.memref_slice %arg2[%dma_start3A_32, %dma_start3A_33] : memref<110000x1024xf32, #tpu.memory_space<hbm>> -> memref<110000x1024xf32, #tpu.memory_space<hbm>>
    tpu.enqueue_indirect_dma source(%dma_start3A_34 : memref<110000x1024xf32, #tpu.memory_space<hbm>>) target(%arg7 : memref<32x1024xf32, #tpu.memory_space<vmem>>) offsets(%dma_start3A_31 : memref<32xi32, #tpu.memory_space<vmem>>) semaphore(%arg9 : memref<!tpu.dma_semaphore, #tpu.memory_space<semaphore_mem>>)
    %dma_wait3A_35 = arith.constant 64 : i32
    %dma_wait3A_36 = tpu.memref_slice %arg5[%dma_wait3A_35] : memref<256xi32, #tpu.memory_space<vmem>> -> memref<32xi32, #tpu.memory_space<vmem>>
    %dma_wait3A_37 = arith.constant 0 : i32
    %dma_wait3A_38 = arith.constant 0 : i32
    %dma_wait3A_39 = tpu.memref_slice %arg2[%dma_wait3A_37, %dma_wait3A_38] : memref<110000x1024xf32, #tpu.memory_space<hbm>> -> memref<110000x1024xf32, #tpu.memory_space<hbm>>
    tpu.wait_indirect_dma semaphore(%arg8 : memref<!tpu.dma_semaphore, #tpu.memory_space<semaphore_mem>>) src(%dma_wait3A_39 : memref<110000x1024xf32, #tpu.memory_space<hbm>>) dst(%arg6 : memref<32x1024xf32, #tpu.memory_space<vmem>>)
    %add3A_40 = arith.constant 64 : i32
    %add3A_41 = arith.addi %mul3A_2, %add3A_40 : i32
    "tpu.region"() ({
      %run_scoped3A = tpu.sem_alloc : memref<!tpu.dma_semaphore, #tpu.memory_space<semaphore_mem>>
      %dma_start3A_97 = arith.constant 0 : i32
      %dma_start3A_98 = tpu.memref_slice %arg4[%add3A_41, %dma_start3A_97] : memref<8192x1024xf32, #tpu.memory_space<hbm>> -> memref<32x1024xf32, #tpu.memory_space<hbm>>
      %dma_start3A_99 = arith.constant 0 : i32
      %dma_start3A_100 = tpu.memref_slice %arg4[%add3A_41, %dma_start3A_99] : memref<8192x1024xf32, #tpu.memory_space<hbm>> -> memref<32x1024xf32, #tpu.memory_space<hbm>>
      tpu.enqueue_dma source(%arg6 : memref<32x1024xf32, #tpu.memory_space<vmem>>) target(%dma_start3A_100 : memref<32x1024xf32, #tpu.memory_space<hbm>>) target_semaphore(%run_scoped3A : memref<!tpu.dma_semaphore, #tpu.memory_space<semaphore_mem>>)
      %dma_wait3A_101 = arith.constant 0 : i32
      %dma_wait3A_102 = tpu.memref_slice %arg4[%add3A_41, %dma_wait3A_101] : memref<8192x1024xf32, #tpu.memory_space<hbm>> -> memref<32x1024xf32, #tpu.memory_space<hbm>>
      %dma_wait3A_103 = arith.constant 0 : i32
      %dma_wait3A_104 = tpu.memref_slice %arg4[%add3A_41, %dma_wait3A_103] : memref<8192x1024xf32, #tpu.memory_space<hbm>> -> memref<32x1024xf32, #tpu.memory_space<hbm>>
      tpu.wait_dma2 semaphore(%run_scoped3A : memref<!tpu.dma_semaphore, #tpu.memory_space<semaphore_mem>>) src(%arg6 : memref<32x1024xf32, #tpu.memory_space<vmem>>) dst(%dma_wait3A_104 : memref<32x1024xf32, #tpu.memory_space<hbm>>)
      tpu.yield
    }) : () -> ()
    %dma_start3A_42 = arith.constant 128 : i32
    %dma_start3A_43 = tpu.memref_slice %arg5[%dma_start3A_42] : memref<256xi32, #tpu.memory_space<vmem>> -> memref<32xi32, #tpu.memory_space<vmem>>
    %dma_start3A_44 = arith.constant 0 : i32
    %dma_start3A_45 = arith.constant 0 : i32
    %dma_start3A_46 = tpu.memref_slice %arg2[%dma_start3A_44, %dma_start3A_45] : memref<110000x1024xf32, #tpu.memory_space<hbm>> -> memref<110000x1024xf32, #tpu.memory_space<hbm>>
    tpu.enqueue_indirect_dma source(%dma_start3A_46 : memref<110000x1024xf32, #tpu.memory_space<hbm>>) target(%arg6 : memref<32x1024xf32, #tpu.memory_space<vmem>>) offsets(%dma_start3A_43 : memref<32xi32, #tpu.memory_space<vmem>>) semaphore(%arg8 : memref<!tpu.dma_semaphore, #tpu.memory_space<semaphore_mem>>)
    %dma_wait3A_47 = arith.constant 96 : i32
    %dma_wait3A_48 = tpu.memref_slice %arg5[%dma_wait3A_47] : memref<256xi32, #tpu.memory_space<vmem>> -> memref<32xi32, #tpu.memory_space<vmem>>
    %dma_wait3A_49 = arith.constant 0 : i32
    %dma_wait3A_50 = arith.constant 0 : i32
    %dma_wait3A_51 = tpu.memref_slice %arg2[%dma_wait3A_49, %dma_wait3A_50] : memref<110000x1024xf32, #tpu.memory_space<hbm>> -> memref<110000x1024xf32, #tpu.memory_space<hbm>>
    tpu.wait_indirect_dma semaphore(%arg9 : memref<!tpu.dma_semaphore, #tpu.memory_space<semaphore_mem>>) src(%dma_wait3A_51 : memref<110000x1024xf32, #tpu.memory_space<hbm>>) dst(%arg7 : memref<32x1024xf32, #tpu.memory_space<vmem>>)
    %add3A_52 = arith.constant 96 : i32
    %add3A_53 = arith.addi %mul3A_2, %add3A_52 : i32
    "tpu.region"() ({
      %run_scoped3A = tpu.sem_alloc : memref<!tpu.dma_semaphore, #tpu.memory_space<semaphore_mem>>
      %dma_start3A_97 = arith.constant 0 : i32
      %dma_start3A_98 = tpu.memref_slice %arg4[%add3A_53, %dma_start3A_97] : memref<8192x1024xf32, #tpu.memory_space<hbm>> -> memref<32x1024xf32, #tpu.memory_space<hbm>>
      %dma_start3A_99 = arith.constant 0 : i32
      %dma_start3A_100 = tpu.memref_slice %arg4[%add3A_53, %dma_start3A_99] : memref<8192x1024xf32, #tpu.memory_space<hbm>> -> memref<32x1024xf32, #tpu.memory_space<hbm>>
      tpu.enqueue_dma source(%arg7 : memref<32x1024xf32, #tpu.memory_space<vmem>>) target(%dma_start3A_100 : memref<32x1024xf32, #tpu.memory_space<hbm>>) target_semaphore(%run_scoped3A : memref<!tpu.dma_semaphore, #tpu.memory_space<semaphore_mem>>)
      %dma_wait3A_101 = arith.constant 0 : i32
      %dma_wait3A_102 = tpu.memref_slice %arg4[%add3A_53, %dma_wait3A_101] : memref<8192x1024xf32, #tpu.memory_space<hbm>> -> memref<32x1024xf32, #tpu.memory_space<hbm>>
      %dma_wait3A_103 = arith.constant 0 : i32
      %dma_wait3A_104 = tpu.memref_slice %arg4[%add3A_53, %dma_wait3A_103] : memref<8192x1024xf32, #tpu.memory_space<hbm>> -> memref<32x1024xf32, #tpu.memory_space<hbm>>
      tpu.wait_dma2 semaphore(%run_scoped3A : memref<!tpu.dma_semaphore, #tpu.memory_space<semaphore_mem>>) src(%arg7 : memref<32x1024xf32, #tpu.memory_space<vmem>>) dst(%dma_wait3A_104 : memref<32x1024xf32, #tpu.memory_space<hbm>>)
      tpu.yield
    }) : () -> ()
    %dma_start3A_54 = arith.constant 160 : i32
    %dma_start3A_55 = tpu.memref_slice %arg5[%dma_start3A_54] : memref<256xi32, #tpu.memory_space<vmem>> -> memref<32xi32, #tpu.memory_space<vmem>>
    %dma_start3A_56 = arith.constant 0 : i32
    %dma_start3A_57 = arith.constant 0 : i32
    %dma_start3A_58 = tpu.memref_slice %arg2[%dma_start3A_56, %dma_start3A_57] : memref<110000x1024xf32, #tpu.memory_space<hbm>> -> memref<110000x1024xf32, #tpu.memory_space<hbm>>
    tpu.enqueue_indirect_dma source(%dma_start3A_58 : memref<110000x1024xf32, #tpu.memory_space<hbm>>) target(%arg7 : memref<32x1024xf32, #tpu.memory_space<vmem>>) offsets(%dma_start3A_55 : memref<32xi32, #tpu.memory_space<vmem>>) semaphore(%arg9 : memref<!tpu.dma_semaphore, #tpu.memory_space<semaphore_mem>>)
    %dma_wait3A_59 = arith.constant 128 : i32
    %dma_wait3A_60 = tpu.memref_slice %arg5[%dma_wait3A_59] : memref<256xi32, #tpu.memory_space<vmem>> -> memref<32xi32, #tpu.memory_space<vmem>>
    %dma_wait3A_61 = arith.constant 0 : i32
    %dma_wait3A_62 = arith.constant 0 : i32
    %dma_wait3A_63 = tpu.memref_slice %arg2[%dma_wait3A_61, %dma_wait3A_62] : memref<110000x1024xf32, #tpu.memory_space<hbm>> -> memref<110000x1024xf32, #tpu.memory_space<hbm>>
    tpu.wait_indirect_dma semaphore(%arg8 : memref<!tpu.dma_semaphore, #tpu.memory_space<semaphore_mem>>) src(%dma_wait3A_63 : memref<110000x1024xf32, #tpu.memory_space<hbm>>) dst(%arg6 : memref<32x1024xf32, #tpu.memory_space<vmem>>)
    %add3A_64 = arith.constant 128 : i32
    %add3A_65 = arith.addi %mul3A_2, %add3A_64 : i32
    "tpu.region"() ({
      %run_scoped3A = tpu.sem_alloc : memref<!tpu.dma_semaphore, #tpu.memory_space<semaphore_mem>>
      %dma_start3A_97 = arith.constant 0 : i32
      %dma_start3A_98 = tpu.memref_slice %arg4[%add3A_65, %dma_start3A_97] : memref<8192x1024xf32, #tpu.memory_space<hbm>> -> memref<32x1024xf32, #tpu.memory_space<hbm>>
      %dma_start3A_99 = arith.constant 0 : i32
      %dma_start3A_100 = tpu.memref_slice %arg4[%add3A_65, %dma_start3A_99] : memref<8192x1024xf32, #tpu.memory_space<hbm>> -> memref<32x1024xf32, #tpu.memory_space<hbm>>
      tpu.enqueue_dma source(%arg6 : memref<32x1024xf32, #tpu.memory_space<vmem>>) target(%dma_start3A_100 : memref<32x1024xf32, #tpu.memory_space<hbm>>) target_semaphore(%run_scoped3A : memref<!tpu.dma_semaphore, #tpu.memory_space<semaphore_mem>>)
      %dma_wait3A_101 = arith.constant 0 : i32
      %dma_wait3A_102 = tpu.memref_slice %arg4[%add3A_65, %dma_wait3A_101] : memref<8192x1024xf32, #tpu.memory_space<hbm>> -> memref<32x1024xf32, #tpu.memory_space<hbm>>
      %dma_wait3A_103 = arith.constant 0 : i32
      %dma_wait3A_104 = tpu.memref_slice %arg4[%add3A_65, %dma_wait3A_103] : memref<8192x1024xf32, #tpu.memory_space<hbm>> -> memref<32x1024xf32, #tpu.memory_space<hbm>>
      tpu.wait_dma2 semaphore(%run_scoped3A : memref<!tpu.dma_semaphore, #tpu.memory_space<semaphore_mem>>) src(%arg6 : memref<32x1024xf32, #tpu.memory_space<vmem>>) dst(%dma_wait3A_104 : memref<32x1024xf32, #tpu.memory_space<hbm>>)
      tpu.yield
    }) : () -> ()
    %dma_start3A_66 = arith.constant 192 : i32
    %dma_start3A_67 = tpu.memref_slice %arg5[%dma_start3A_66] : memref<256xi32, #tpu.memory_space<vmem>> -> memref<32xi32, #tpu.memory_space<vmem>>
    %dma_start3A_68 = arith.constant 0 : i32
    %dma_start3A_69 = arith.constant 0 : i32
    %dma_start3A_70 = tpu.memref_slice %arg2[%dma_start3A_68, %dma_start3A_69] : memref<110000x1024xf32, #tpu.memory_space<hbm>> -> memref<110000x1024xf32, #tpu.memory_space<hbm>>
    tpu.enqueue_indirect_dma source(%dma_start3A_70 : memref<110000x1024xf32, #tpu.memory_space<hbm>>) target(%arg6 : memref<32x1024xf32, #tpu.memory_space<vmem>>) offsets(%dma_start3A_67 : memref<32xi32, #tpu.memory_space<vmem>>) semaphore(%arg8 : memref<!tpu.dma_semaphore, #tpu.memory_space<semaphore_mem>>)
    %dma_wait3A_71 = arith.constant 160 : i32
    %dma_wait3A_72 = tpu.memref_slice %arg5[%dma_wait3A_71] : memref<256xi32, #tpu.memory_space<vmem>> -> memref<32xi32, #tpu.memory_space<vmem>>
    %dma_wait3A_73 = arith.constant 0 : i32
    %dma_wait3A_74 = arith.constant 0 : i32
    %dma_wait3A_75 = tpu.memref_slice %arg2[%dma_wait3A_73, %dma_wait3A_74] : memref<110000x1024xf32, #tpu.memory_space<hbm>> -> memref<110000x1024xf32, #tpu.memory_space<hbm>>
    tpu.wait_indirect_dma semaphore(%arg9 : memref<!tpu.dma_semaphore, #tpu.memory_space<semaphore_mem>>) src(%dma_wait3A_75 : memref<110000x1024xf32, #tpu.memory_space<hbm>>) dst(%arg7 : memref<32x1024xf32, #tpu.memory_space<vmem>>)
    %add3A_76 = arith.constant 160 : i32
    %add3A_77 = arith.addi %mul3A_2, %add3A_76 : i32
    "tpu.region"() ({
      %run_scoped3A = tpu.sem_alloc : memref<!tpu.dma_semaphore, #tpu.memory_space<semaphore_mem>>
      %dma_start3A_97 = arith.constant 0 : i32
      %dma_start3A_98 = tpu.memref_slice %arg4[%add3A_77, %dma_start3A_97] : memref<8192x1024xf32, #tpu.memory_space<hbm>> -> memref<32x1024xf32, #tpu.memory_space<hbm>>
      %dma_start3A_99 = arith.constant 0 : i32
      %dma_start3A_100 = tpu.memref_slice %arg4[%add3A_77, %dma_start3A_99] : memref<8192x1024xf32, #tpu.memory_space<hbm>> -> memref<32x1024xf32, #tpu.memory_space<hbm>>
      tpu.enqueue_dma source(%arg7 : memref<32x1024xf32, #tpu.memory_space<vmem>>) target(%dma_start3A_100 : memref<32x1024xf32, #tpu.memory_space<hbm>>) target_semaphore(%run_scoped3A : memref<!tpu.dma_semaphore, #tpu.memory_space<semaphore_mem>>)
      %dma_wait3A_101 = arith.constant 0 : i32
      %dma_wait3A_102 = tpu.memref_slice %arg4[%add3A_77, %dma_wait3A_101] : memref<8192x1024xf32, #tpu.memory_space<hbm>> -> memref<32x1024xf32, #tpu.memory_space<hbm>>
      %dma_wait3A_103 = arith.constant 0 : i32
      %dma_wait3A_104 = tpu.memref_slice %arg4[%add3A_77, %dma_wait3A_103] : memref<8192x1024xf32, #tpu.memory_space<hbm>> -> memref<32x1024xf32, #tpu.memory_space<hbm>>
      tpu.wait_dma2 semaphore(%run_scoped3A : memref<!tpu.dma_semaphore, #tpu.memory_space<semaphore_mem>>) src(%arg7 : memref<32x1024xf32, #tpu.memory_space<vmem>>) dst(%dma_wait3A_104 : memref<32x1024xf32, #tpu.memory_space<hbm>>)
      tpu.yield
    }) : () -> ()
    %dma_start3A_78 = arith.constant 224 : i32
    %dma_start3A_79 = tpu.memref_slice %arg5[%dma_start3A_78] : memref<256xi32, #tpu.memory_space<vmem>> -> memref<32xi32, #tpu.memory_space<vmem>>
    %dma_start3A_80 = arith.constant 0 : i32
    %dma_start3A_81 = arith.constant 0 : i32
    %dma_start3A_82 = tpu.memref_slice %arg2[%dma_start3A_80, %dma_start3A_81] : memref<110000x1024xf32, #tpu.memory_space<hbm>> -> memref<110000x1024xf32, #tpu.memory_space<hbm>>
    tpu.enqueue_indirect_dma source(%dma_start3A_82 : memref<110000x1024xf32, #tpu.memory_space<hbm>>) target(%arg7 : memref<32x1024xf32, #tpu.memory_space<vmem>>) offsets(%dma_start3A_79 : memref<32xi32, #tpu.memory_space<vmem>>) semaphore(%arg9 : memref<!tpu.dma_semaphore, #tpu.memory_space<semaphore_mem>>)
    %dma_wait3A_83 = arith.constant 192 : i32
    %dma_wait3A_84 = tpu.memref_slice %arg5[%dma_wait3A_83] : memref<256xi32, #tpu.memory_space<vmem>> -> memref<32xi32, #tpu.memory_space<vmem>>
    %dma_wait3A_85 = arith.constant 0 : i32
    %dma_wait3A_86 = arith.constant 0 : i32
    %dma_wait3A_87 = tpu.memref_slice %arg2[%dma_wait3A_85, %dma_wait3A_86] : memref<110000x1024xf32, #tpu.memory_space<hbm>> -> memref<110000x1024xf32, #tpu.memory_space<hbm>>
    tpu.wait_indirect_dma semaphore(%arg8 : memref<!tpu.dma_semaphore, #tpu.memory_space<semaphore_mem>>) src(%dma_wait3A_87 : memref<110000x1024xf32, #tpu.memory_space<hbm>>) dst(%arg6 : memref<32x1024xf32, #tpu.memory_space<vmem>>)
    %add3A_88 = arith.constant 192 : i32
    %add3A_89 = arith.addi %mul3A_2, %add3A_88 : i32
    "tpu.region"() ({
      %run_scoped3A = tpu.sem_alloc : memref<!tpu.dma_semaphore, #tpu.memory_space<semaphore_mem>>
      %dma_start3A_97 = arith.constant 0 : i32
      %dma_start3A_98 = tpu.memref_slice %arg4[%add3A_89, %dma_start3A_97] : memref<8192x1024xf32, #tpu.memory_space<hbm>> -> memref<32x1024xf32, #tpu.memory_space<hbm>>
      %dma_start3A_99 = arith.constant 0 : i32
      %dma_start3A_100 = tpu.memref_slice %arg4[%add3A_89, %dma_start3A_99] : memref<8192x1024xf32, #tpu.memory_space<hbm>> -> memref<32x1024xf32, #tpu.memory_space<hbm>>
      tpu.enqueue_dma source(%arg6 : memref<32x1024xf32, #tpu.memory_space<vmem>>) target(%dma_start3A_100 : memref<32x1024xf32, #tpu.memory_space<hbm>>) target_semaphore(%run_scoped3A : memref<!tpu.dma_semaphore, #tpu.memory_space<semaphore_mem>>)
      %dma_wait3A_101 = arith.constant 0 : i32
      %dma_wait3A_102 = tpu.memref_slice %arg4[%add3A_89, %dma_wait3A_101] : memref<8192x1024xf32, #tpu.memory_space<hbm>> -> memref<32x1024xf32, #tpu.memory_space<hbm>>
      %dma_wait3A_103 = arith.constant 0 : i32
      %dma_wait3A_104 = tpu.memref_slice %arg4[%add3A_89, %dma_wait3A_103] : memref<8192x1024xf32, #tpu.memory_space<hbm>> -> memref<32x1024xf32, #tpu.memory_space<hbm>>
      tpu.wait_dma2 semaphore(%run_scoped3A : memref<!tpu.dma_semaphore, #tpu.memory_space<semaphore_mem>>) src(%arg6 : memref<32x1024xf32, #tpu.memory_space<vmem>>) dst(%dma_wait3A_104 : memref<32x1024xf32, #tpu.memory_space<hbm>>)
      tpu.yield
    }) : () -> ()
    %dma_wait3A_90 = arith.constant 224 : i32
    %dma_wait3A_91 = tpu.memref_slice %arg5[%dma_wait3A_90] : memref<256xi32, #tpu.memory_space<vmem>> -> memref<32xi32, #tpu.memory_space<vmem>>
    %dma_wait3A_92 = arith.constant 0 : i32
    %dma_wait3A_93 = arith.constant 0 : i32
    %dma_wait3A_94 = tpu.memref_slice %arg2[%dma_wait3A_92, %dma_wait3A_93] : memref<110000x1024xf32, #tpu.memory_space<hbm>> -> memref<110000x1024xf32, #tpu.memory_space<hbm>>
    tpu.wait_indirect_dma semaphore(%arg9 : memref<!tpu.dma_semaphore, #tpu.memory_space<semaphore_mem>>) src(%dma_wait3A_94 : memref<110000x1024xf32, #tpu.memory_space<hbm>>) dst(%arg7 : memref<32x1024xf32, #tpu.memory_space<vmem>>)
    %add3A_95 = arith.constant 224 : i32
    %add3A_96 = arith.addi %mul3A_2, %add3A_95 : i32
    "tpu.region"() ({
      %run_scoped3A = tpu.sem_alloc : memref<!tpu.dma_semaphore, #tpu.memory_space<semaphore_mem>>
      %dma_start3A_97 = arith.constant 0 : i32
      %dma_start3A_98 = tpu.memref_slice %arg4[%add3A_96, %dma_start3A_97] : memref<8192x1024xf32, #tpu.memory_space<hbm>> -> memref<32x1024xf32, #tpu.memory_space<hbm>>
      %dma_start3A_99 = arith.constant 0 : i32
      %dma_start3A_100 = tpu.memref_slice %arg4[%add3A_96, %dma_start3A_99] : memref<8192x1024xf32, #tpu.memory_space<hbm>> -> memref<32x1024xf32, #tpu.memory_space<hbm>>
      tpu.enqueue_dma source(%arg7 : memref<32x1024xf32, #tpu.memory_space<vmem>>) target(%dma_start3A_100 : memref<32x1024xf32, #tpu.memory_space<hbm>>) target_semaphore(%run_scoped3A : memref<!tpu.dma_semaphore, #tpu.memory_space<semaphore_mem>>)
      %dma_wait3A_101 = arith.constant 0 : i32
      %dma_wait3A_102 = tpu.memref_slice %arg4[%add3A_96, %dma_wait3A_101] : memref<8192x1024xf32, #tpu.memory_space<hbm>> -> memref<32x1024xf32, #tpu.memory_space<hbm>>
      %dma_wait3A_103 = arith.constant 0 : i32
      %dma_wait3A_104 = tpu.memref_slice %arg4[%add3A_96, %dma_wait3A_103] : memref<8192x1024xf32, #tpu.memory_space<hbm>> -> memref<32x1024xf32, #tpu.memory_space<hbm>>
      tpu.wait_dma2 semaphore(%run_scoped3A : memref<!tpu.dma_semaphore, #tpu.memory_space<semaphore_mem>>) src(%arg7 : memref<32x1024xf32, #tpu.memory_space<vmem>>) dst(%dma_wait3A_104 : memref<32x1024xf32, #tpu.memory_space<hbm>>)
      tpu.yield
    }) : () -> ()
    return
  }
}

#map = affine_map<(d0, d1) -> (0, 0)>
#map1 = affine_map<(d0, d1) -> (0)>
module attributes {stable_mosaic.version = 14 : i64} {
  func.func @_sc_gather_body(%arg0: i32, %arg1: i32, %arg2: memref<1024x512xi32, #tpu.memory_space<hbm>>, %arg3: memref<8192xi32, #tpu.memory_space<hbm>>, %arg4: memref<8192x512xi32, #tpu.memory_space<hbm>>, %arg5: memref<256xi32, #tpu.memory_space<vmem>>, %arg6: memref<32x512xi32, #tpu.memory_space<vmem>>, %arg7: memref<32x512xi32, #tpu.memory_space<vmem>>, %arg8: memref<!tpu.dma_semaphore, #tpu.memory_space<semaphore_mem>>, %arg9: memref<!tpu.dma_semaphore, #tpu.memory_space<semaphore_mem>>) attributes {dimension_semantics = [#tpu.dimension_semantics<core_parallel>, #tpu.dimension_semantics<subcore_parallel>], iteration_bounds = array<i64: 2, 16>, scalar_prefetch = 0 : i64, scratch_operands = 5 : i64, tpu.core_type = #tpu.core_type<sc_vector_subcore>, window_params = [{transform_indices = #map}, {transform_indices = #map1}, {transform_indices = #map}]} {
    %mul3A = arith.constant 2 : i32
    %mul3A_0 = arith.muli %arg1, %mul3A : i32
    %add3A = arith.addi %mul3A_0, %arg0 : i32
    %mul3A_1 = arith.constant 256 : i32
    %mul3A_2 = arith.muli %add3A, %mul3A_1 : i32
    "tpu.region"() ({
      %run_scoped3A = tpu.sem_alloc : memref<!tpu.dma_semaphore, #tpu.memory_space<semaphore_mem>>
      %dma_start3A_97 = tpu.memref_slice %arg3[%mul3A_2] : memref<8192xi32, #tpu.memory_space<hbm>> -> memref<256xi32, #tpu.memory_space<hbm>>
      %dma_start3A_98 = tpu.memref_slice %arg3[%mul3A_2] : memref<8192xi32, #tpu.memory_space<hbm>> -> memref<256xi32, #tpu.memory_space<hbm>>
      tpu.enqueue_dma source(%dma_start3A_98 : memref<256xi32, #tpu.memory_space<hbm>>) target(%arg5 : memref<256xi32, #tpu.memory_space<vmem>>) target_semaphore(%run_scoped3A : memref<!tpu.dma_semaphore, #tpu.memory_space<semaphore_mem>>)
      %dma_wait3A_99 = tpu.memref_slice %arg3[%mul3A_2] : memref<8192xi32, #tpu.memory_space<hbm>> -> memref<256xi32, #tpu.memory_space<hbm>>
      %dma_wait3A_100 = tpu.memref_slice %arg3[%mul3A_2] : memref<8192xi32, #tpu.memory_space<hbm>> -> memref<256xi32, #tpu.memory_space<hbm>>
      tpu.wait_dma2 semaphore(%run_scoped3A : memref<!tpu.dma_semaphore, #tpu.memory_space<semaphore_mem>>) src(%dma_wait3A_100 : memref<256xi32, #tpu.memory_space<hbm>>) dst(%arg5 : memref<256xi32, #tpu.memory_space<vmem>>)
      tpu.yield
    }) : () -> ()
    %dma_start3A = arith.constant 0 : i32
    %dma_start3A_3 = tpu.memref_slice %arg5[%dma_start3A] : memref<256xi32, #tpu.memory_space<vmem>> -> memref<32xi32, #tpu.memory_space<vmem>>
    %dma_start3A_4 = arith.constant 0 : i32
    %dma_start3A_5 = arith.constant 0 : i32
    %dma_start3A_6 = tpu.memref_slice %arg2[%dma_start3A_4, %dma_start3A_5] : memref<1024x512xi32, #tpu.memory_space<hbm>> -> memref<1024x512xi32, #tpu.memory_space<hbm>>
    tpu.enqueue_indirect_dma source(%dma_start3A_6 : memref<1024x512xi32, #tpu.memory_space<hbm>>) target(%arg6 : memref<32x512xi32, #tpu.memory_space<vmem>>) offsets(%dma_start3A_3 : memref<32xi32, #tpu.memory_space<vmem>>) semaphore(%arg8 : memref<!tpu.dma_semaphore, #tpu.memory_space<semaphore_mem>>)
    %dma_start3A_7 = arith.constant 32 : i32
    %dma_start3A_8 = tpu.memref_slice %arg5[%dma_start3A_7] : memref<256xi32, #tpu.memory_space<vmem>> -> memref<32xi32, #tpu.memory_space<vmem>>
    %dma_start3A_9 = arith.constant 0 : i32
    %dma_start3A_10 = arith.constant 0 : i32
    %dma_start3A_11 = tpu.memref_slice %arg2[%dma_start3A_9, %dma_start3A_10] : memref<1024x512xi32, #tpu.memory_space<hbm>> -> memref<1024x512xi32, #tpu.memory_space<hbm>>
    tpu.enqueue_indirect_dma source(%dma_start3A_11 : memref<1024x512xi32, #tpu.memory_space<hbm>>) target(%arg7 : memref<32x512xi32, #tpu.memory_space<vmem>>) offsets(%dma_start3A_8 : memref<32xi32, #tpu.memory_space<vmem>>) semaphore(%arg9 : memref<!tpu.dma_semaphore, #tpu.memory_space<semaphore_mem>>)
    %dma_wait3A = arith.constant 0 : i32
    %dma_wait3A_12 = tpu.memref_slice %arg5[%dma_wait3A] : memref<256xi32, #tpu.memory_space<vmem>> -> memref<32xi32, #tpu.memory_space<vmem>>
    %dma_wait3A_13 = arith.constant 0 : i32
    %dma_wait3A_14 = arith.constant 0 : i32
    %dma_wait3A_15 = tpu.memref_slice %arg2[%dma_wait3A_13, %dma_wait3A_14] : memref<1024x512xi32, #tpu.memory_space<hbm>> -> memref<1024x512xi32, #tpu.memory_space<hbm>>
    tpu.wait_indirect_dma semaphore(%arg8 : memref<!tpu.dma_semaphore, #tpu.memory_space<semaphore_mem>>) src(%dma_wait3A_15 : memref<1024x512xi32, #tpu.memory_space<hbm>>) dst(%arg6 : memref<32x512xi32, #tpu.memory_space<vmem>>)
    %add3A_16 = arith.constant 0 : i32
    %add3A_17 = arith.addi %mul3A_2, %add3A_16 : i32
    "tpu.region"() ({
      %run_scoped3A = tpu.sem_alloc : memref<!tpu.dma_semaphore, #tpu.memory_space<semaphore_mem>>
      %dma_start3A_97 = arith.constant 0 : i32
      %dma_start3A_98 = tpu.memref_slice %arg4[%add3A_17, %dma_start3A_97] : memref<8192x512xi32, #tpu.memory_space<hbm>> -> memref<32x512xi32, #tpu.memory_space<hbm>>
      %dma_start3A_99 = arith.constant 0 : i32
      %dma_start3A_100 = tpu.memref_slice %arg4[%add3A_17, %dma_start3A_99] : memref<8192x512xi32, #tpu.memory_space<hbm>> -> memref<32x512xi32, #tpu.memory_space<hbm>>
      tpu.enqueue_dma source(%arg6 : memref<32x512xi32, #tpu.memory_space<vmem>>) target(%dma_start3A_100 : memref<32x512xi32, #tpu.memory_space<hbm>>) target_semaphore(%run_scoped3A : memref<!tpu.dma_semaphore, #tpu.memory_space<semaphore_mem>>)
      %dma_wait3A_101 = arith.constant 0 : i32
      %dma_wait3A_102 = tpu.memref_slice %arg4[%add3A_17, %dma_wait3A_101] : memref<8192x512xi32, #tpu.memory_space<hbm>> -> memref<32x512xi32, #tpu.memory_space<hbm>>
      %dma_wait3A_103 = arith.constant 0 : i32
      %dma_wait3A_104 = tpu.memref_slice %arg4[%add3A_17, %dma_wait3A_103] : memref<8192x512xi32, #tpu.memory_space<hbm>> -> memref<32x512xi32, #tpu.memory_space<hbm>>
      tpu.wait_dma2 semaphore(%run_scoped3A : memref<!tpu.dma_semaphore, #tpu.memory_space<semaphore_mem>>) src(%arg6 : memref<32x512xi32, #tpu.memory_space<vmem>>) dst(%dma_wait3A_104 : memref<32x512xi32, #tpu.memory_space<hbm>>)
      tpu.yield
    }) : () -> ()
    %dma_start3A_18 = arith.constant 64 : i32
    %dma_start3A_19 = tpu.memref_slice %arg5[%dma_start3A_18] : memref<256xi32, #tpu.memory_space<vmem>> -> memref<32xi32, #tpu.memory_space<vmem>>
    %dma_start3A_20 = arith.constant 0 : i32
    %dma_start3A_21 = arith.constant 0 : i32
    %dma_start3A_22 = tpu.memref_slice %arg2[%dma_start3A_20, %dma_start3A_21] : memref<1024x512xi32, #tpu.memory_space<hbm>> -> memref<1024x512xi32, #tpu.memory_space<hbm>>
    tpu.enqueue_indirect_dma source(%dma_start3A_22 : memref<1024x512xi32, #tpu.memory_space<hbm>>) target(%arg6 : memref<32x512xi32, #tpu.memory_space<vmem>>) offsets(%dma_start3A_19 : memref<32xi32, #tpu.memory_space<vmem>>) semaphore(%arg8 : memref<!tpu.dma_semaphore, #tpu.memory_space<semaphore_mem>>)
    %dma_wait3A_23 = arith.constant 32 : i32
    %dma_wait3A_24 = tpu.memref_slice %arg5[%dma_wait3A_23] : memref<256xi32, #tpu.memory_space<vmem>> -> memref<32xi32, #tpu.memory_space<vmem>>
    %dma_wait3A_25 = arith.constant 0 : i32
    %dma_wait3A_26 = arith.constant 0 : i32
    %dma_wait3A_27 = tpu.memref_slice %arg2[%dma_wait3A_25, %dma_wait3A_26] : memref<1024x512xi32, #tpu.memory_space<hbm>> -> memref<1024x512xi32, #tpu.memory_space<hbm>>
    tpu.wait_indirect_dma semaphore(%arg9 : memref<!tpu.dma_semaphore, #tpu.memory_space<semaphore_mem>>) src(%dma_wait3A_27 : memref<1024x512xi32, #tpu.memory_space<hbm>>) dst(%arg7 : memref<32x512xi32, #tpu.memory_space<vmem>>)
    %add3A_28 = arith.constant 32 : i32
    %add3A_29 = arith.addi %mul3A_2, %add3A_28 : i32
    "tpu.region"() ({
      %run_scoped3A = tpu.sem_alloc : memref<!tpu.dma_semaphore, #tpu.memory_space<semaphore_mem>>
      %dma_start3A_97 = arith.constant 0 : i32
      %dma_start3A_98 = tpu.memref_slice %arg4[%add3A_29, %dma_start3A_97] : memref<8192x512xi32, #tpu.memory_space<hbm>> -> memref<32x512xi32, #tpu.memory_space<hbm>>
      %dma_start3A_99 = arith.constant 0 : i32
      %dma_start3A_100 = tpu.memref_slice %arg4[%add3A_29, %dma_start3A_99] : memref<8192x512xi32, #tpu.memory_space<hbm>> -> memref<32x512xi32, #tpu.memory_space<hbm>>
      tpu.enqueue_dma source(%arg7 : memref<32x512xi32, #tpu.memory_space<vmem>>) target(%dma_start3A_100 : memref<32x512xi32, #tpu.memory_space<hbm>>) target_semaphore(%run_scoped3A : memref<!tpu.dma_semaphore, #tpu.memory_space<semaphore_mem>>)
      %dma_wait3A_101 = arith.constant 0 : i32
      %dma_wait3A_102 = tpu.memref_slice %arg4[%add3A_29, %dma_wait3A_101] : memref<8192x512xi32, #tpu.memory_space<hbm>> -> memref<32x512xi32, #tpu.memory_space<hbm>>
      %dma_wait3A_103 = arith.constant 0 : i32
      %dma_wait3A_104 = tpu.memref_slice %arg4[%add3A_29, %dma_wait3A_103] : memref<8192x512xi32, #tpu.memory_space<hbm>> -> memref<32x512xi32, #tpu.memory_space<hbm>>
      tpu.wait_dma2 semaphore(%run_scoped3A : memref<!tpu.dma_semaphore, #tpu.memory_space<semaphore_mem>>) src(%arg7 : memref<32x512xi32, #tpu.memory_space<vmem>>) dst(%dma_wait3A_104 : memref<32x512xi32, #tpu.memory_space<hbm>>)
      tpu.yield
    }) : () -> ()
    %dma_start3A_30 = arith.constant 96 : i32
    %dma_start3A_31 = tpu.memref_slice %arg5[%dma_start3A_30] : memref<256xi32, #tpu.memory_space<vmem>> -> memref<32xi32, #tpu.memory_space<vmem>>
    %dma_start3A_32 = arith.constant 0 : i32
    %dma_start3A_33 = arith.constant 0 : i32
    %dma_start3A_34 = tpu.memref_slice %arg2[%dma_start3A_32, %dma_start3A_33] : memref<1024x512xi32, #tpu.memory_space<hbm>> -> memref<1024x512xi32, #tpu.memory_space<hbm>>
    tpu.enqueue_indirect_dma source(%dma_start3A_34 : memref<1024x512xi32, #tpu.memory_space<hbm>>) target(%arg7 : memref<32x512xi32, #tpu.memory_space<vmem>>) offsets(%dma_start3A_31 : memref<32xi32, #tpu.memory_space<vmem>>) semaphore(%arg9 : memref<!tpu.dma_semaphore, #tpu.memory_space<semaphore_mem>>)
    %dma_wait3A_35 = arith.constant 64 : i32
    %dma_wait3A_36 = tpu.memref_slice %arg5[%dma_wait3A_35] : memref<256xi32, #tpu.memory_space<vmem>> -> memref<32xi32, #tpu.memory_space<vmem>>
    %dma_wait3A_37 = arith.constant 0 : i32
    %dma_wait3A_38 = arith.constant 0 : i32
    %dma_wait3A_39 = tpu.memref_slice %arg2[%dma_wait3A_37, %dma_wait3A_38] : memref<1024x512xi32, #tpu.memory_space<hbm>> -> memref<1024x512xi32, #tpu.memory_space<hbm>>
    tpu.wait_indirect_dma semaphore(%arg8 : memref<!tpu.dma_semaphore, #tpu.memory_space<semaphore_mem>>) src(%dma_wait3A_39 : memref<1024x512xi32, #tpu.memory_space<hbm>>) dst(%arg6 : memref<32x512xi32, #tpu.memory_space<vmem>>)
    %add3A_40 = arith.constant 64 : i32
    %add3A_41 = arith.addi %mul3A_2, %add3A_40 : i32
    "tpu.region"() ({
      %run_scoped3A = tpu.sem_alloc : memref<!tpu.dma_semaphore, #tpu.memory_space<semaphore_mem>>
      %dma_start3A_97 = arith.constant 0 : i32
      %dma_start3A_98 = tpu.memref_slice %arg4[%add3A_41, %dma_start3A_97] : memref<8192x512xi32, #tpu.memory_space<hbm>> -> memref<32x512xi32, #tpu.memory_space<hbm>>
      %dma_start3A_99 = arith.constant 0 : i32
      %dma_start3A_100 = tpu.memref_slice %arg4[%add3A_41, %dma_start3A_99] : memref<8192x512xi32, #tpu.memory_space<hbm>> -> memref<32x512xi32, #tpu.memory_space<hbm>>
      tpu.enqueue_dma source(%arg6 : memref<32x512xi32, #tpu.memory_space<vmem>>) target(%dma_start3A_100 : memref<32x512xi32, #tpu.memory_space<hbm>>) target_semaphore(%run_scoped3A : memref<!tpu.dma_semaphore, #tpu.memory_space<semaphore_mem>>)
      %dma_wait3A_101 = arith.constant 0 : i32
      %dma_wait3A_102 = tpu.memref_slice %arg4[%add3A_41, %dma_wait3A_101] : memref<8192x512xi32, #tpu.memory_space<hbm>> -> memref<32x512xi32, #tpu.memory_space<hbm>>
      %dma_wait3A_103 = arith.constant 0 : i32
      %dma_wait3A_104 = tpu.memref_slice %arg4[%add3A_41, %dma_wait3A_103] : memref<8192x512xi32, #tpu.memory_space<hbm>> -> memref<32x512xi32, #tpu.memory_space<hbm>>
      tpu.wait_dma2 semaphore(%run_scoped3A : memref<!tpu.dma_semaphore, #tpu.memory_space<semaphore_mem>>) src(%arg6 : memref<32x512xi32, #tpu.memory_space<vmem>>) dst(%dma_wait3A_104 : memref<32x512xi32, #tpu.memory_space<hbm>>)
      tpu.yield
    }) : () -> ()
    %dma_start3A_42 = arith.constant 128 : i32
    %dma_start3A_43 = tpu.memref_slice %arg5[%dma_start3A_42] : memref<256xi32, #tpu.memory_space<vmem>> -> memref<32xi32, #tpu.memory_space<vmem>>
    %dma_start3A_44 = arith.constant 0 : i32
    %dma_start3A_45 = arith.constant 0 : i32
    %dma_start3A_46 = tpu.memref_slice %arg2[%dma_start3A_44, %dma_start3A_45] : memref<1024x512xi32, #tpu.memory_space<hbm>> -> memref<1024x512xi32, #tpu.memory_space<hbm>>
    tpu.enqueue_indirect_dma source(%dma_start3A_46 : memref<1024x512xi32, #tpu.memory_space<hbm>>) target(%arg6 : memref<32x512xi32, #tpu.memory_space<vmem>>) offsets(%dma_start3A_43 : memref<32xi32, #tpu.memory_space<vmem>>) semaphore(%arg8 : memref<!tpu.dma_semaphore, #tpu.memory_space<semaphore_mem>>)
    %dma_wait3A_47 = arith.constant 96 : i32
    %dma_wait3A_48 = tpu.memref_slice %arg5[%dma_wait3A_47] : memref<256xi32, #tpu.memory_space<vmem>> -> memref<32xi32, #tpu.memory_space<vmem>>
    %dma_wait3A_49 = arith.constant 0 : i32
    %dma_wait3A_50 = arith.constant 0 : i32
    %dma_wait3A_51 = tpu.memref_slice %arg2[%dma_wait3A_49, %dma_wait3A_50] : memref<1024x512xi32, #tpu.memory_space<hbm>> -> memref<1024x512xi32, #tpu.memory_space<hbm>>
    tpu.wait_indirect_dma semaphore(%arg9 : memref<!tpu.dma_semaphore, #tpu.memory_space<semaphore_mem>>) src(%dma_wait3A_51 : memref<1024x512xi32, #tpu.memory_space<hbm>>) dst(%arg7 : memref<32x512xi32, #tpu.memory_space<vmem>>)
    %add3A_52 = arith.constant 96 : i32
    %add3A_53 = arith.addi %mul3A_2, %add3A_52 : i32
    "tpu.region"() ({
      %run_scoped3A = tpu.sem_alloc : memref<!tpu.dma_semaphore, #tpu.memory_space<semaphore_mem>>
      %dma_start3A_97 = arith.constant 0 : i32
      %dma_start3A_98 = tpu.memref_slice %arg4[%add3A_53, %dma_start3A_97] : memref<8192x512xi32, #tpu.memory_space<hbm>> -> memref<32x512xi32, #tpu.memory_space<hbm>>
      %dma_start3A_99 = arith.constant 0 : i32
      %dma_start3A_100 = tpu.memref_slice %arg4[%add3A_53, %dma_start3A_99] : memref<8192x512xi32, #tpu.memory_space<hbm>> -> memref<32x512xi32, #tpu.memory_space<hbm>>
      tpu.enqueue_dma source(%arg7 : memref<32x512xi32, #tpu.memory_space<vmem>>) target(%dma_start3A_100 : memref<32x512xi32, #tpu.memory_space<hbm>>) target_semaphore(%run_scoped3A : memref<!tpu.dma_semaphore, #tpu.memory_space<semaphore_mem>>)
      %dma_wait3A_101 = arith.constant 0 : i32
      %dma_wait3A_102 = tpu.memref_slice %arg4[%add3A_53, %dma_wait3A_101] : memref<8192x512xi32, #tpu.memory_space<hbm>> -> memref<32x512xi32, #tpu.memory_space<hbm>>
      %dma_wait3A_103 = arith.constant 0 : i32
      %dma_wait3A_104 = tpu.memref_slice %arg4[%add3A_53, %dma_wait3A_103] : memref<8192x512xi32, #tpu.memory_space<hbm>> -> memref<32x512xi32, #tpu.memory_space<hbm>>
      tpu.wait_dma2 semaphore(%run_scoped3A : memref<!tpu.dma_semaphore, #tpu.memory_space<semaphore_mem>>) src(%arg7 : memref<32x512xi32, #tpu.memory_space<vmem>>) dst(%dma_wait3A_104 : memref<32x512xi32, #tpu.memory_space<hbm>>)
      tpu.yield
    }) : () -> ()
    %dma_start3A_54 = arith.constant 160 : i32
    %dma_start3A_55 = tpu.memref_slice %arg5[%dma_start3A_54] : memref<256xi32, #tpu.memory_space<vmem>> -> memref<32xi32, #tpu.memory_space<vmem>>
    %dma_start3A_56 = arith.constant 0 : i32
    %dma_start3A_57 = arith.constant 0 : i32
    %dma_start3A_58 = tpu.memref_slice %arg2[%dma_start3A_56, %dma_start3A_57] : memref<1024x512xi32, #tpu.memory_space<hbm>> -> memref<1024x512xi32, #tpu.memory_space<hbm>>
    tpu.enqueue_indirect_dma source(%dma_start3A_58 : memref<1024x512xi32, #tpu.memory_space<hbm>>) target(%arg7 : memref<32x512xi32, #tpu.memory_space<vmem>>) offsets(%dma_start3A_55 : memref<32xi32, #tpu.memory_space<vmem>>) semaphore(%arg9 : memref<!tpu.dma_semaphore, #tpu.memory_space<semaphore_mem>>)
    %dma_wait3A_59 = arith.constant 128 : i32
    %dma_wait3A_60 = tpu.memref_slice %arg5[%dma_wait3A_59] : memref<256xi32, #tpu.memory_space<vmem>> -> memref<32xi32, #tpu.memory_space<vmem>>
    %dma_wait3A_61 = arith.constant 0 : i32
    %dma_wait3A_62 = arith.constant 0 : i32
    %dma_wait3A_63 = tpu.memref_slice %arg2[%dma_wait3A_61, %dma_wait3A_62] : memref<1024x512xi32, #tpu.memory_space<hbm>> -> memref<1024x512xi32, #tpu.memory_space<hbm>>
    tpu.wait_indirect_dma semaphore(%arg8 : memref<!tpu.dma_semaphore, #tpu.memory_space<semaphore_mem>>) src(%dma_wait3A_63 : memref<1024x512xi32, #tpu.memory_space<hbm>>) dst(%arg6 : memref<32x512xi32, #tpu.memory_space<vmem>>)
    %add3A_64 = arith.constant 128 : i32
    %add3A_65 = arith.addi %mul3A_2, %add3A_64 : i32
    "tpu.region"() ({
      %run_scoped3A = tpu.sem_alloc : memref<!tpu.dma_semaphore, #tpu.memory_space<semaphore_mem>>
      %dma_start3A_97 = arith.constant 0 : i32
      %dma_start3A_98 = tpu.memref_slice %arg4[%add3A_65, %dma_start3A_97] : memref<8192x512xi32, #tpu.memory_space<hbm>> -> memref<32x512xi32, #tpu.memory_space<hbm>>
      %dma_start3A_99 = arith.constant 0 : i32
      %dma_start3A_100 = tpu.memref_slice %arg4[%add3A_65, %dma_start3A_99] : memref<8192x512xi32, #tpu.memory_space<hbm>> -> memref<32x512xi32, #tpu.memory_space<hbm>>
      tpu.enqueue_dma source(%arg6 : memref<32x512xi32, #tpu.memory_space<vmem>>) target(%dma_start3A_100 : memref<32x512xi32, #tpu.memory_space<hbm>>) target_semaphore(%run_scoped3A : memref<!tpu.dma_semaphore, #tpu.memory_space<semaphore_mem>>)
      %dma_wait3A_101 = arith.constant 0 : i32
      %dma_wait3A_102 = tpu.memref_slice %arg4[%add3A_65, %dma_wait3A_101] : memref<8192x512xi32, #tpu.memory_space<hbm>> -> memref<32x512xi32, #tpu.memory_space<hbm>>
      %dma_wait3A_103 = arith.constant 0 : i32
      %dma_wait3A_104 = tpu.memref_slice %arg4[%add3A_65, %dma_wait3A_103] : memref<8192x512xi32, #tpu.memory_space<hbm>> -> memref<32x512xi32, #tpu.memory_space<hbm>>
      tpu.wait_dma2 semaphore(%run_scoped3A : memref<!tpu.dma_semaphore, #tpu.memory_space<semaphore_mem>>) src(%arg6 : memref<32x512xi32, #tpu.memory_space<vmem>>) dst(%dma_wait3A_104 : memref<32x512xi32, #tpu.memory_space<hbm>>)
      tpu.yield
    }) : () -> ()
    %dma_start3A_66 = arith.constant 192 : i32
    %dma_start3A_67 = tpu.memref_slice %arg5[%dma_start3A_66] : memref<256xi32, #tpu.memory_space<vmem>> -> memref<32xi32, #tpu.memory_space<vmem>>
    %dma_start3A_68 = arith.constant 0 : i32
    %dma_start3A_69 = arith.constant 0 : i32
    %dma_start3A_70 = tpu.memref_slice %arg2[%dma_start3A_68, %dma_start3A_69] : memref<1024x512xi32, #tpu.memory_space<hbm>> -> memref<1024x512xi32, #tpu.memory_space<hbm>>
    tpu.enqueue_indirect_dma source(%dma_start3A_70 : memref<1024x512xi32, #tpu.memory_space<hbm>>) target(%arg6 : memref<32x512xi32, #tpu.memory_space<vmem>>) offsets(%dma_start3A_67 : memref<32xi32, #tpu.memory_space<vmem>>) semaphore(%arg8 : memref<!tpu.dma_semaphore, #tpu.memory_space<semaphore_mem>>)
    %dma_wait3A_71 = arith.constant 160 : i32
    %dma_wait3A_72 = tpu.memref_slice %arg5[%dma_wait3A_71] : memref<256xi32, #tpu.memory_space<vmem>> -> memref<32xi32, #tpu.memory_space<vmem>>
    %dma_wait3A_73 = arith.constant 0 : i32
    %dma_wait3A_74 = arith.constant 0 : i32
    %dma_wait3A_75 = tpu.memref_slice %arg2[%dma_wait3A_73, %dma_wait3A_74] : memref<1024x512xi32, #tpu.memory_space<hbm>> -> memref<1024x512xi32, #tpu.memory_space<hbm>>
    tpu.wait_indirect_dma semaphore(%arg9 : memref<!tpu.dma_semaphore, #tpu.memory_space<semaphore_mem>>) src(%dma_wait3A_75 : memref<1024x512xi32, #tpu.memory_space<hbm>>) dst(%arg7 : memref<32x512xi32, #tpu.memory_space<vmem>>)
    %add3A_76 = arith.constant 160 : i32
    %add3A_77 = arith.addi %mul3A_2, %add3A_76 : i32
    "tpu.region"() ({
      %run_scoped3A = tpu.sem_alloc : memref<!tpu.dma_semaphore, #tpu.memory_space<semaphore_mem>>
      %dma_start3A_97 = arith.constant 0 : i32
      %dma_start3A_98 = tpu.memref_slice %arg4[%add3A_77, %dma_start3A_97] : memref<8192x512xi32, #tpu.memory_space<hbm>> -> memref<32x512xi32, #tpu.memory_space<hbm>>
      %dma_start3A_99 = arith.constant 0 : i32
      %dma_start3A_100 = tpu.memref_slice %arg4[%add3A_77, %dma_start3A_99] : memref<8192x512xi32, #tpu.memory_space<hbm>> -> memref<32x512xi32, #tpu.memory_space<hbm>>
      tpu.enqueue_dma source(%arg7 : memref<32x512xi32, #tpu.memory_space<vmem>>) target(%dma_start3A_100 : memref<32x512xi32, #tpu.memory_space<hbm>>) target_semaphore(%run_scoped3A : memref<!tpu.dma_semaphore, #tpu.memory_space<semaphore_mem>>)
      %dma_wait3A_101 = arith.constant 0 : i32
      %dma_wait3A_102 = tpu.memref_slice %arg4[%add3A_77, %dma_wait3A_101] : memref<8192x512xi32, #tpu.memory_space<hbm>> -> memref<32x512xi32, #tpu.memory_space<hbm>>
      %dma_wait3A_103 = arith.constant 0 : i32
      %dma_wait3A_104 = tpu.memref_slice %arg4[%add3A_77, %dma_wait3A_103] : memref<8192x512xi32, #tpu.memory_space<hbm>> -> memref<32x512xi32, #tpu.memory_space<hbm>>
      tpu.wait_dma2 semaphore(%run_scoped3A : memref<!tpu.dma_semaphore, #tpu.memory_space<semaphore_mem>>) src(%arg7 : memref<32x512xi32, #tpu.memory_space<vmem>>) dst(%dma_wait3A_104 : memref<32x512xi32, #tpu.memory_space<hbm>>)
      tpu.yield
    }) : () -> ()
    %dma_start3A_78 = arith.constant 224 : i32
    %dma_start3A_79 = tpu.memref_slice %arg5[%dma_start3A_78] : memref<256xi32, #tpu.memory_space<vmem>> -> memref<32xi32, #tpu.memory_space<vmem>>
    %dma_start3A_80 = arith.constant 0 : i32
    %dma_start3A_81 = arith.constant 0 : i32
    %dma_start3A_82 = tpu.memref_slice %arg2[%dma_start3A_80, %dma_start3A_81] : memref<1024x512xi32, #tpu.memory_space<hbm>> -> memref<1024x512xi32, #tpu.memory_space<hbm>>
    tpu.enqueue_indirect_dma source(%dma_start3A_82 : memref<1024x512xi32, #tpu.memory_space<hbm>>) target(%arg7 : memref<32x512xi32, #tpu.memory_space<vmem>>) offsets(%dma_start3A_79 : memref<32xi32, #tpu.memory_space<vmem>>) semaphore(%arg9 : memref<!tpu.dma_semaphore, #tpu.memory_space<semaphore_mem>>)
    %dma_wait3A_83 = arith.constant 192 : i32
    %dma_wait3A_84 = tpu.memref_slice %arg5[%dma_wait3A_83] : memref<256xi32, #tpu.memory_space<vmem>> -> memref<32xi32, #tpu.memory_space<vmem>>
    %dma_wait3A_85 = arith.constant 0 : i32
    %dma_wait3A_86 = arith.constant 0 : i32
    %dma_wait3A_87 = tpu.memref_slice %arg2[%dma_wait3A_85, %dma_wait3A_86] : memref<1024x512xi32, #tpu.memory_space<hbm>> -> memref<1024x512xi32, #tpu.memory_space<hbm>>
    tpu.wait_indirect_dma semaphore(%arg8 : memref<!tpu.dma_semaphore, #tpu.memory_space<semaphore_mem>>) src(%dma_wait3A_87 : memref<1024x512xi32, #tpu.memory_space<hbm>>) dst(%arg6 : memref<32x512xi32, #tpu.memory_space<vmem>>)
    %add3A_88 = arith.constant 192 : i32
    %add3A_89 = arith.addi %mul3A_2, %add3A_88 : i32
    "tpu.region"() ({
      %run_scoped3A = tpu.sem_alloc : memref<!tpu.dma_semaphore, #tpu.memory_space<semaphore_mem>>
      %dma_start3A_97 = arith.constant 0 : i32
      %dma_start3A_98 = tpu.memref_slice %arg4[%add3A_89, %dma_start3A_97] : memref<8192x512xi32, #tpu.memory_space<hbm>> -> memref<32x512xi32, #tpu.memory_space<hbm>>
      %dma_start3A_99 = arith.constant 0 : i32
      %dma_start3A_100 = tpu.memref_slice %arg4[%add3A_89, %dma_start3A_99] : memref<8192x512xi32, #tpu.memory_space<hbm>> -> memref<32x512xi32, #tpu.memory_space<hbm>>
      tpu.enqueue_dma source(%arg6 : memref<32x512xi32, #tpu.memory_space<vmem>>) target(%dma_start3A_100 : memref<32x512xi32, #tpu.memory_space<hbm>>) target_semaphore(%run_scoped3A : memref<!tpu.dma_semaphore, #tpu.memory_space<semaphore_mem>>)
      %dma_wait3A_101 = arith.constant 0 : i32
      %dma_wait3A_102 = tpu.memref_slice %arg4[%add3A_89, %dma_wait3A_101] : memref<8192x512xi32, #tpu.memory_space<hbm>> -> memref<32x512xi32, #tpu.memory_space<hbm>>
      %dma_wait3A_103 = arith.constant 0 : i32
      %dma_wait3A_104 = tpu.memref_slice %arg4[%add3A_89, %dma_wait3A_103] : memref<8192x512xi32, #tpu.memory_space<hbm>> -> memref<32x512xi32, #tpu.memory_space<hbm>>
      tpu.wait_dma2 semaphore(%run_scoped3A : memref<!tpu.dma_semaphore, #tpu.memory_space<semaphore_mem>>) src(%arg6 : memref<32x512xi32, #tpu.memory_space<vmem>>) dst(%dma_wait3A_104 : memref<32x512xi32, #tpu.memory_space<hbm>>)
      tpu.yield
    }) : () -> ()
    %dma_wait3A_90 = arith.constant 224 : i32
    %dma_wait3A_91 = tpu.memref_slice %arg5[%dma_wait3A_90] : memref<256xi32, #tpu.memory_space<vmem>> -> memref<32xi32, #tpu.memory_space<vmem>>
    %dma_wait3A_92 = arith.constant 0 : i32
    %dma_wait3A_93 = arith.constant 0 : i32
    %dma_wait3A_94 = tpu.memref_slice %arg2[%dma_wait3A_92, %dma_wait3A_93] : memref<1024x512xi32, #tpu.memory_space<hbm>> -> memref<1024x512xi32, #tpu.memory_space<hbm>>
    tpu.wait_indirect_dma semaphore(%arg9 : memref<!tpu.dma_semaphore, #tpu.memory_space<semaphore_mem>>) src(%dma_wait3A_94 : memref<1024x512xi32, #tpu.memory_space<hbm>>) dst(%arg7 : memref<32x512xi32, #tpu.memory_space<vmem>>)
    %add3A_95 = arith.constant 224 : i32
    %add3A_96 = arith.addi %mul3A_2, %add3A_95 : i32
    "tpu.region"() ({
      %run_scoped3A = tpu.sem_alloc : memref<!tpu.dma_semaphore, #tpu.memory_space<semaphore_mem>>
      %dma_start3A_97 = arith.constant 0 : i32
      %dma_start3A_98 = tpu.memref_slice %arg4[%add3A_96, %dma_start3A_97] : memref<8192x512xi32, #tpu.memory_space<hbm>> -> memref<32x512xi32, #tpu.memory_space<hbm>>
      %dma_start3A_99 = arith.constant 0 : i32
      %dma_start3A_100 = tpu.memref_slice %arg4[%add3A_96, %dma_start3A_99] : memref<8192x512xi32, #tpu.memory_space<hbm>> -> memref<32x512xi32, #tpu.memory_space<hbm>>
      tpu.enqueue_dma source(%arg7 : memref<32x512xi32, #tpu.memory_space<vmem>>) target(%dma_start3A_100 : memref<32x512xi32, #tpu.memory_space<hbm>>) target_semaphore(%run_scoped3A : memref<!tpu.dma_semaphore, #tpu.memory_space<semaphore_mem>>)
      %dma_wait3A_101 = arith.constant 0 : i32
      %dma_wait3A_102 = tpu.memref_slice %arg4[%add3A_96, %dma_wait3A_101] : memref<8192x512xi32, #tpu.memory_space<hbm>> -> memref<32x512xi32, #tpu.memory_space<hbm>>
      %dma_wait3A_103 = arith.constant 0 : i32
      %dma_wait3A_104 = tpu.memref_slice %arg4[%add3A_96, %dma_wait3A_103] : memref<8192x512xi32, #tpu.memory_space<hbm>> -> memref<32x512xi32, #tpu.memory_space<hbm>>
      tpu.wait_dma2 semaphore(%run_scoped3A : memref<!tpu.dma_semaphore, #tpu.memory_space<semaphore_mem>>) src(%arg7 : memref<32x512xi32, #tpu.memory_space<vmem>>) dst(%dma_wait3A_104 : memref<32x512xi32, #tpu.memory_space<hbm>>)
      tpu.yield
    }) : () -> ()
    return
  }
}

#map = affine_map<(d0, d1) -> (0, 0)>
#map1 = affine_map<(d0, d1) -> (0)>
module attributes {stable_mosaic.version = 14 : i64} {
  func.func @_sc_gather_body(%arg0: i32, %arg1: i32, %arg2: memref<110000x1024xf32, #tpu.memory_space<hbm>>, %arg3: memref<8192xi32, #tpu.memory_space<hbm>>, %arg4: memref<8192x1024xf32, #tpu.memory_space<hbm>>, %arg5: memref<256xi32, #tpu.memory_space<vmem>>, %arg6: memref<32x1024xf32, #tpu.memory_space<vmem>>, %arg7: memref<32x1024xf32, #tpu.memory_space<vmem>>, %arg8: memref<!tpu.dma_semaphore, #tpu.memory_space<semaphore_mem>>, %arg9: memref<!tpu.dma_semaphore, #tpu.memory_space<semaphore_mem>>) attributes {dimension_semantics = [#tpu.dimension_semantics<core_parallel>, #tpu.dimension_semantics<subcore_parallel>], iteration_bounds = array<i64: 2, 16>, scalar_prefetch = 0 : i64, scratch_operands = 5 : i64, tpu.core_type = #tpu.core_type<sc_vector_subcore>, window_params = [{transform_indices = #map}, {transform_indices = #map1}, {transform_indices = #map}]} {
    %mul3A = arith.constant 2 : i32
    %mul3A_0 = arith.muli %arg1, %mul3A : i32
    %add3A = arith.addi %mul3A_0, %arg0 : i32
    %mul3A_1 = arith.constant 256 : i32
    %mul3A_2 = arith.muli %add3A, %mul3A_1 : i32
    "tpu.region"() ({
      %run_scoped3A = tpu.sem_alloc : memref<!tpu.dma_semaphore, #tpu.memory_space<semaphore_mem>>
      %dma_start3A_97 = tpu.memref_slice %arg3[%mul3A_2] : memref<8192xi32, #tpu.memory_space<hbm>> -> memref<256xi32, #tpu.memory_space<hbm>>
      %dma_start3A_98 = tpu.memref_slice %arg3[%mul3A_2] : memref<8192xi32, #tpu.memory_space<hbm>> -> memref<256xi32, #tpu.memory_space<hbm>>
      tpu.enqueue_dma source(%dma_start3A_98 : memref<256xi32, #tpu.memory_space<hbm>>) target(%arg5 : memref<256xi32, #tpu.memory_space<vmem>>) target_semaphore(%run_scoped3A : memref<!tpu.dma_semaphore, #tpu.memory_space<semaphore_mem>>)
      %dma_wait3A_99 = tpu.memref_slice %arg3[%mul3A_2] : memref<8192xi32, #tpu.memory_space<hbm>> -> memref<256xi32, #tpu.memory_space<hbm>>
      %dma_wait3A_100 = tpu.memref_slice %arg3[%mul3A_2] : memref<8192xi32, #tpu.memory_space<hbm>> -> memref<256xi32, #tpu.memory_space<hbm>>
      tpu.wait_dma2 semaphore(%run_scoped3A : memref<!tpu.dma_semaphore, #tpu.memory_space<semaphore_mem>>) src(%dma_wait3A_100 : memref<256xi32, #tpu.memory_space<hbm>>) dst(%arg5 : memref<256xi32, #tpu.memory_space<vmem>>)
      tpu.yield
    }) : () -> ()
    %dma_start3A = arith.constant 0 : i32
    %dma_start3A_3 = tpu.memref_slice %arg5[%dma_start3A] : memref<256xi32, #tpu.memory_space<vmem>> -> memref<32xi32, #tpu.memory_space<vmem>>
    %dma_start3A_4 = arith.constant 0 : i32
    %dma_start3A_5 = arith.constant 0 : i32
    %dma_start3A_6 = tpu.memref_slice %arg2[%dma_start3A_4, %dma_start3A_5] : memref<110000x1024xf32, #tpu.memory_space<hbm>> -> memref<110000x1024xf32, #tpu.memory_space<hbm>>
    tpu.enqueue_indirect_dma source(%dma_start3A_6 : memref<110000x1024xf32, #tpu.memory_space<hbm>>) target(%arg6 : memref<32x1024xf32, #tpu.memory_space<vmem>>) offsets(%dma_start3A_3 : memref<32xi32, #tpu.memory_space<vmem>>) semaphore(%arg8 : memref<!tpu.dma_semaphore, #tpu.memory_space<semaphore_mem>>)
    %dma_start3A_7 = arith.constant 32 : i32
    %dma_start3A_8 = tpu.memref_slice %arg5[%dma_start3A_7] : memref<256xi32, #tpu.memory_space<vmem>> -> memref<32xi32, #tpu.memory_space<vmem>>
    %dma_start3A_9 = arith.constant 0 : i32
    %dma_start3A_10 = arith.constant 0 : i32
    %dma_start3A_11 = tpu.memref_slice %arg2[%dma_start3A_9, %dma_start3A_10] : memref<110000x1024xf32, #tpu.memory_space<hbm>> -> memref<110000x1024xf32, #tpu.memory_space<hbm>>
    tpu.enqueue_indirect_dma source(%dma_start3A_11 : memref<110000x1024xf32, #tpu.memory_space<hbm>>) target(%arg7 : memref<32x1024xf32, #tpu.memory_space<vmem>>) offsets(%dma_start3A_8 : memref<32xi32, #tpu.memory_space<vmem>>) semaphore(%arg9 : memref<!tpu.dma_semaphore, #tpu.memory_space<semaphore_mem>>)
    %dma_wait3A = arith.constant 0 : i32
    %dma_wait3A_12 = tpu.memref_slice %arg5[%dma_wait3A] : memref<256xi32, #tpu.memory_space<vmem>> -> memref<32xi32, #tpu.memory_space<vmem>>
    %dma_wait3A_13 = arith.constant 0 : i32
    %dma_wait3A_14 = arith.constant 0 : i32
    %dma_wait3A_15 = tpu.memref_slice %arg2[%dma_wait3A_13, %dma_wait3A_14] : memref<110000x1024xf32, #tpu.memory_space<hbm>> -> memref<110000x1024xf32, #tpu.memory_space<hbm>>
    tpu.wait_indirect_dma semaphore(%arg8 : memref<!tpu.dma_semaphore, #tpu.memory_space<semaphore_mem>>) src(%dma_wait3A_15 : memref<110000x1024xf32, #tpu.memory_space<hbm>>) dst(%arg6 : memref<32x1024xf32, #tpu.memory_space<vmem>>)
    %add3A_16 = arith.constant 0 : i32
    %add3A_17 = arith.addi %mul3A_2, %add3A_16 : i32
    "tpu.region"() ({
      %run_scoped3A = tpu.sem_alloc : memref<!tpu.dma_semaphore, #tpu.memory_space<semaphore_mem>>
      %dma_start3A_97 = arith.constant 0 : i32
      %dma_start3A_98 = tpu.memref_slice %arg4[%add3A_17, %dma_start3A_97] : memref<8192x1024xf32, #tpu.memory_space<hbm>> -> memref<32x1024xf32, #tpu.memory_space<hbm>>
      %dma_start3A_99 = arith.constant 0 : i32
      %dma_start3A_100 = tpu.memref_slice %arg4[%add3A_17, %dma_start3A_99] : memref<8192x1024xf32, #tpu.memory_space<hbm>> -> memref<32x1024xf32, #tpu.memory_space<hbm>>
      tpu.enqueue_dma source(%arg6 : memref<32x1024xf32, #tpu.memory_space<vmem>>) target(%dma_start3A_100 : memref<32x1024xf32, #tpu.memory_space<hbm>>) target_semaphore(%run_scoped3A : memref<!tpu.dma_semaphore, #tpu.memory_space<semaphore_mem>>)
      %dma_wait3A_101 = arith.constant 0 : i32
      %dma_wait3A_102 = tpu.memref_slice %arg4[%add3A_17, %dma_wait3A_101] : memref<8192x1024xf32, #tpu.memory_space<hbm>> -> memref<32x1024xf32, #tpu.memory_space<hbm>>
      %dma_wait3A_103 = arith.constant 0 : i32
      %dma_wait3A_104 = tpu.memref_slice %arg4[%add3A_17, %dma_wait3A_103] : memref<8192x1024xf32, #tpu.memory_space<hbm>> -> memref<32x1024xf32, #tpu.memory_space<hbm>>
      tpu.wait_dma2 semaphore(%run_scoped3A : memref<!tpu.dma_semaphore, #tpu.memory_space<semaphore_mem>>) src(%arg6 : memref<32x1024xf32, #tpu.memory_space<vmem>>) dst(%dma_wait3A_104 : memref<32x1024xf32, #tpu.memory_space<hbm>>)
      tpu.yield
    }) : () -> ()
    %dma_start3A_18 = arith.constant 64 : i32
    %dma_start3A_19 = tpu.memref_slice %arg5[%dma_start3A_18] : memref<256xi32, #tpu.memory_space<vmem>> -> memref<32xi32, #tpu.memory_space<vmem>>
    %dma_start3A_20 = arith.constant 0 : i32
    %dma_start3A_21 = arith.constant 0 : i32
    %dma_start3A_22 = tpu.memref_slice %arg2[%dma_start3A_20, %dma_start3A_21] : memref<110000x1024xf32, #tpu.memory_space<hbm>> -> memref<110000x1024xf32, #tpu.memory_space<hbm>>
    tpu.enqueue_indirect_dma source(%dma_start3A_22 : memref<110000x1024xf32, #tpu.memory_space<hbm>>) target(%arg6 : memref<32x1024xf32, #tpu.memory_space<vmem>>) offsets(%dma_start3A_19 : memref<32xi32, #tpu.memory_space<vmem>>) semaphore(%arg8 : memref<!tpu.dma_semaphore, #tpu.memory_space<semaphore_mem>>)
    %dma_wait3A_23 = arith.constant 32 : i32
    %dma_wait3A_24 = tpu.memref_slice %arg5[%dma_wait3A_23] : memref<256xi32, #tpu.memory_space<vmem>> -> memref<32xi32, #tpu.memory_space<vmem>>
    %dma_wait3A_25 = arith.constant 0 : i32
    %dma_wait3A_26 = arith.constant 0 : i32
    %dma_wait3A_27 = tpu.memref_slice %arg2[%dma_wait3A_25, %dma_wait3A_26] : memref<110000x1024xf32, #tpu.memory_space<hbm>> -> memref<110000x1024xf32, #tpu.memory_space<hbm>>
    tpu.wait_indirect_dma semaphore(%arg9 : memref<!tpu.dma_semaphore, #tpu.memory_space<semaphore_mem>>) src(%dma_wait3A_27 : memref<110000x1024xf32, #tpu.memory_space<hbm>>) dst(%arg7 : memref<32x1024xf32, #tpu.memory_space<vmem>>)
    %add3A_28 = arith.constant 32 : i32
    %add3A_29 = arith.addi %mul3A_2, %add3A_28 : i32
    "tpu.region"() ({
      %run_scoped3A = tpu.sem_alloc : memref<!tpu.dma_semaphore, #tpu.memory_space<semaphore_mem>>
      %dma_start3A_97 = arith.constant 0 : i32
      %dma_start3A_98 = tpu.memref_slice %arg4[%add3A_29, %dma_start3A_97] : memref<8192x1024xf32, #tpu.memory_space<hbm>> -> memref<32x1024xf32, #tpu.memory_space<hbm>>
      %dma_start3A_99 = arith.constant 0 : i32
      %dma_start3A_100 = tpu.memref_slice %arg4[%add3A_29, %dma_start3A_99] : memref<8192x1024xf32, #tpu.memory_space<hbm>> -> memref<32x1024xf32, #tpu.memory_space<hbm>>
      tpu.enqueue_dma source(%arg7 : memref<32x1024xf32, #tpu.memory_space<vmem>>) target(%dma_start3A_100 : memref<32x1024xf32, #tpu.memory_space<hbm>>) target_semaphore(%run_scoped3A : memref<!tpu.dma_semaphore, #tpu.memory_space<semaphore_mem>>)
      %dma_wait3A_101 = arith.constant 0 : i32
      %dma_wait3A_102 = tpu.memref_slice %arg4[%add3A_29, %dma_wait3A_101] : memref<8192x1024xf32, #tpu.memory_space<hbm>> -> memref<32x1024xf32, #tpu.memory_space<hbm>>
      %dma_wait3A_103 = arith.constant 0 : i32
      %dma_wait3A_104 = tpu.memref_slice %arg4[%add3A_29, %dma_wait3A_103] : memref<8192x1024xf32, #tpu.memory_space<hbm>> -> memref<32x1024xf32, #tpu.memory_space<hbm>>
      tpu.wait_dma2 semaphore(%run_scoped3A : memref<!tpu.dma_semaphore, #tpu.memory_space<semaphore_mem>>) src(%arg7 : memref<32x1024xf32, #tpu.memory_space<vmem>>) dst(%dma_wait3A_104 : memref<32x1024xf32, #tpu.memory_space<hbm>>)
      tpu.yield
    }) : () -> ()
    %dma_start3A_30 = arith.constant 96 : i32
    %dma_start3A_31 = tpu.memref_slice %arg5[%dma_start3A_30] : memref<256xi32, #tpu.memory_space<vmem>> -> memref<32xi32, #tpu.memory_space<vmem>>
    %dma_start3A_32 = arith.constant 0 : i32
    %dma_start3A_33 = arith.constant 0 : i32
    %dma_start3A_34 = tpu.memref_slice %arg2[%dma_start3A_32, %dma_start3A_33] : memref<110000x1024xf32, #tpu.memory_space<hbm>> -> memref<110000x1024xf32, #tpu.memory_space<hbm>>
    tpu.enqueue_indirect_dma source(%dma_start3A_34 : memref<110000x1024xf32, #tpu.memory_space<hbm>>) target(%arg7 : memref<32x1024xf32, #tpu.memory_space<vmem>>) offsets(%dma_start3A_31 : memref<32xi32, #tpu.memory_space<vmem>>) semaphore(%arg9 : memref<!tpu.dma_semaphore, #tpu.memory_space<semaphore_mem>>)
    %dma_wait3A_35 = arith.constant 64 : i32
    %dma_wait3A_36 = tpu.memref_slice %arg5[%dma_wait3A_35] : memref<256xi32, #tpu.memory_space<vmem>> -> memref<32xi32, #tpu.memory_space<vmem>>
    %dma_wait3A_37 = arith.constant 0 : i32
    %dma_wait3A_38 = arith.constant 0 : i32
    %dma_wait3A_39 = tpu.memref_slice %arg2[%dma_wait3A_37, %dma_wait3A_38] : memref<110000x1024xf32, #tpu.memory_space<hbm>> -> memref<110000x1024xf32, #tpu.memory_space<hbm>>
    tpu.wait_indirect_dma semaphore(%arg8 : memref<!tpu.dma_semaphore, #tpu.memory_space<semaphore_mem>>) src(%dma_wait3A_39 : memref<110000x1024xf32, #tpu.memory_space<hbm>>) dst(%arg6 : memref<32x1024xf32, #tpu.memory_space<vmem>>)
    %add3A_40 = arith.constant 64 : i32
    %add3A_41 = arith.addi %mul3A_2, %add3A_40 : i32
    "tpu.region"() ({
      %run_scoped3A = tpu.sem_alloc : memref<!tpu.dma_semaphore, #tpu.memory_space<semaphore_mem>>
      %dma_start3A_97 = arith.constant 0 : i32
      %dma_start3A_98 = tpu.memref_slice %arg4[%add3A_41, %dma_start3A_97] : memref<8192x1024xf32, #tpu.memory_space<hbm>> -> memref<32x1024xf32, #tpu.memory_space<hbm>>
      %dma_start3A_99 = arith.constant 0 : i32
      %dma_start3A_100 = tpu.memref_slice %arg4[%add3A_41, %dma_start3A_99] : memref<8192x1024xf32, #tpu.memory_space<hbm>> -> memref<32x1024xf32, #tpu.memory_space<hbm>>
      tpu.enqueue_dma source(%arg6 : memref<32x1024xf32, #tpu.memory_space<vmem>>) target(%dma_start3A_100 : memref<32x1024xf32, #tpu.memory_space<hbm>>) target_semaphore(%run_scoped3A : memref<!tpu.dma_semaphore, #tpu.memory_space<semaphore_mem>>)
      %dma_wait3A_101 = arith.constant 0 : i32
      %dma_wait3A_102 = tpu.memref_slice %arg4[%add3A_41, %dma_wait3A_101] : memref<8192x1024xf32, #tpu.memory_space<hbm>> -> memref<32x1024xf32, #tpu.memory_space<hbm>>
      %dma_wait3A_103 = arith.constant 0 : i32
      %dma_wait3A_104 = tpu.memref_slice %arg4[%add3A_41, %dma_wait3A_103] : memref<8192x1024xf32, #tpu.memory_space<hbm>> -> memref<32x1024xf32, #tpu.memory_space<hbm>>
      tpu.wait_dma2 semaphore(%run_scoped3A : memref<!tpu.dma_semaphore, #tpu.memory_space<semaphore_mem>>) src(%arg6 : memref<32x1024xf32, #tpu.memory_space<vmem>>) dst(%dma_wait3A_104 : memref<32x1024xf32, #tpu.memory_space<hbm>>)
      tpu.yield
    }) : () -> ()
    %dma_start3A_42 = arith.constant 128 : i32
    %dma_start3A_43 = tpu.memref_slice %arg5[%dma_start3A_42] : memref<256xi32, #tpu.memory_space<vmem>> -> memref<32xi32, #tpu.memory_space<vmem>>
    %dma_start3A_44 = arith.constant 0 : i32
    %dma_start3A_45 = arith.constant 0 : i32
    %dma_start3A_46 = tpu.memref_slice %arg2[%dma_start3A_44, %dma_start3A_45] : memref<110000x1024xf32, #tpu.memory_space<hbm>> -> memref<110000x1024xf32, #tpu.memory_space<hbm>>
    tpu.enqueue_indirect_dma source(%dma_start3A_46 : memref<110000x1024xf32, #tpu.memory_space<hbm>>) target(%arg6 : memref<32x1024xf32, #tpu.memory_space<vmem>>) offsets(%dma_start3A_43 : memref<32xi32, #tpu.memory_space<vmem>>) semaphore(%arg8 : memref<!tpu.dma_semaphore, #tpu.memory_space<semaphore_mem>>)
    %dma_wait3A_47 = arith.constant 96 : i32
    %dma_wait3A_48 = tpu.memref_slice %arg5[%dma_wait3A_47] : memref<256xi32, #tpu.memory_space<vmem>> -> memref<32xi32, #tpu.memory_space<vmem>>
    %dma_wait3A_49 = arith.constant 0 : i32
    %dma_wait3A_50 = arith.constant 0 : i32
    %dma_wait3A_51 = tpu.memref_slice %arg2[%dma_wait3A_49, %dma_wait3A_50] : memref<110000x1024xf32, #tpu.memory_space<hbm>> -> memref<110000x1024xf32, #tpu.memory_space<hbm>>
    tpu.wait_indirect_dma semaphore(%arg9 : memref<!tpu.dma_semaphore, #tpu.memory_space<semaphore_mem>>) src(%dma_wait3A_51 : memref<110000x1024xf32, #tpu.memory_space<hbm>>) dst(%arg7 : memref<32x1024xf32, #tpu.memory_space<vmem>>)
    %add3A_52 = arith.constant 96 : i32
    %add3A_53 = arith.addi %mul3A_2, %add3A_52 : i32
    "tpu.region"() ({
      %run_scoped3A = tpu.sem_alloc : memref<!tpu.dma_semaphore, #tpu.memory_space<semaphore_mem>>
      %dma_start3A_97 = arith.constant 0 : i32
      %dma_start3A_98 = tpu.memref_slice %arg4[%add3A_53, %dma_start3A_97] : memref<8192x1024xf32, #tpu.memory_space<hbm>> -> memref<32x1024xf32, #tpu.memory_space<hbm>>
      %dma_start3A_99 = arith.constant 0 : i32
      %dma_start3A_100 = tpu.memref_slice %arg4[%add3A_53, %dma_start3A_99] : memref<8192x1024xf32, #tpu.memory_space<hbm>> -> memref<32x1024xf32, #tpu.memory_space<hbm>>
      tpu.enqueue_dma source(%arg7 : memref<32x1024xf32, #tpu.memory_space<vmem>>) target(%dma_start3A_100 : memref<32x1024xf32, #tpu.memory_space<hbm>>) target_semaphore(%run_scoped3A : memref<!tpu.dma_semaphore, #tpu.memory_space<semaphore_mem>>)
      %dma_wait3A_101 = arith.constant 0 : i32
      %dma_wait3A_102 = tpu.memref_slice %arg4[%add3A_53, %dma_wait3A_101] : memref<8192x1024xf32, #tpu.memory_space<hbm>> -> memref<32x1024xf32, #tpu.memory_space<hbm>>
      %dma_wait3A_103 = arith.constant 0 : i32
      %dma_wait3A_104 = tpu.memref_slice %arg4[%add3A_53, %dma_wait3A_103] : memref<8192x1024xf32, #tpu.memory_space<hbm>> -> memref<32x1024xf32, #tpu.memory_space<hbm>>
      tpu.wait_dma2 semaphore(%run_scoped3A : memref<!tpu.dma_semaphore, #tpu.memory_space<semaphore_mem>>) src(%arg7 : memref<32x1024xf32, #tpu.memory_space<vmem>>) dst(%dma_wait3A_104 : memref<32x1024xf32, #tpu.memory_space<hbm>>)
      tpu.yield
    }) : () -> ()
    %dma_start3A_54 = arith.constant 160 : i32
    %dma_start3A_55 = tpu.memref_slice %arg5[%dma_start3A_54] : memref<256xi32, #tpu.memory_space<vmem>> -> memref<32xi32, #tpu.memory_space<vmem>>
    %dma_start3A_56 = arith.constant 0 : i32
    %dma_start3A_57 = arith.constant 0 : i32
    %dma_start3A_58 = tpu.memref_slice %arg2[%dma_start3A_56, %dma_start3A_57] : memref<110000x1024xf32, #tpu.memory_space<hbm>> -> memref<110000x1024xf32, #tpu.memory_space<hbm>>
    tpu.enqueue_indirect_dma source(%dma_start3A_58 : memref<110000x1024xf32, #tpu.memory_space<hbm>>) target(%arg7 : memref<32x1024xf32, #tpu.memory_space<vmem>>) offsets(%dma_start3A_55 : memref<32xi32, #tpu.memory_space<vmem>>) semaphore(%arg9 : memref<!tpu.dma_semaphore, #tpu.memory_space<semaphore_mem>>)
    %dma_wait3A_59 = arith.constant 128 : i32
    %dma_wait3A_60 = tpu.memref_slice %arg5[%dma_wait3A_59] : memref<256xi32, #tpu.memory_space<vmem>> -> memref<32xi32, #tpu.memory_space<vmem>>
    %dma_wait3A_61 = arith.constant 0 : i32
    %dma_wait3A_62 = arith.constant 0 : i32
    %dma_wait3A_63 = tpu.memref_slice %arg2[%dma_wait3A_61, %dma_wait3A_62] : memref<110000x1024xf32, #tpu.memory_space<hbm>> -> memref<110000x1024xf32, #tpu.memory_space<hbm>>
    tpu.wait_indirect_dma semaphore(%arg8 : memref<!tpu.dma_semaphore, #tpu.memory_space<semaphore_mem>>) src(%dma_wait3A_63 : memref<110000x1024xf32, #tpu.memory_space<hbm>>) dst(%arg6 : memref<32x1024xf32, #tpu.memory_space<vmem>>)
    %add3A_64 = arith.constant 128 : i32
    %add3A_65 = arith.addi %mul3A_2, %add3A_64 : i32
    "tpu.region"() ({
      %run_scoped3A = tpu.sem_alloc : memref<!tpu.dma_semaphore, #tpu.memory_space<semaphore_mem>>
      %dma_start3A_97 = arith.constant 0 : i32
      %dma_start3A_98 = tpu.memref_slice %arg4[%add3A_65, %dma_start3A_97] : memref<8192x1024xf32, #tpu.memory_space<hbm>> -> memref<32x1024xf32, #tpu.memory_space<hbm>>
      %dma_start3A_99 = arith.constant 0 : i32
      %dma_start3A_100 = tpu.memref_slice %arg4[%add3A_65, %dma_start3A_99] : memref<8192x1024xf32, #tpu.memory_space<hbm>> -> memref<32x1024xf32, #tpu.memory_space<hbm>>
      tpu.enqueue_dma source(%arg6 : memref<32x1024xf32, #tpu.memory_space<vmem>>) target(%dma_start3A_100 : memref<32x1024xf32, #tpu.memory_space<hbm>>) target_semaphore(%run_scoped3A : memref<!tpu.dma_semaphore, #tpu.memory_space<semaphore_mem>>)
      %dma_wait3A_101 = arith.constant 0 : i32
      %dma_wait3A_102 = tpu.memref_slice %arg4[%add3A_65, %dma_wait3A_101] : memref<8192x1024xf32, #tpu.memory_space<hbm>> -> memref<32x1024xf32, #tpu.memory_space<hbm>>
      %dma_wait3A_103 = arith.constant 0 : i32
      %dma_wait3A_104 = tpu.memref_slice %arg4[%add3A_65, %dma_wait3A_103] : memref<8192x1024xf32, #tpu.memory_space<hbm>> -> memref<32x1024xf32, #tpu.memory_space<hbm>>
      tpu.wait_dma2 semaphore(%run_scoped3A : memref<!tpu.dma_semaphore, #tpu.memory_space<semaphore_mem>>) src(%arg6 : memref<32x1024xf32, #tpu.memory_space<vmem>>) dst(%dma_wait3A_104 : memref<32x1024xf32, #tpu.memory_space<hbm>>)
      tpu.yield
    }) : () -> ()
    %dma_start3A_66 = arith.constant 192 : i32
    %dma_start3A_67 = tpu.memref_slice %arg5[%dma_start3A_66] : memref<256xi32, #tpu.memory_space<vmem>> -> memref<32xi32, #tpu.memory_space<vmem>>
    %dma_start3A_68 = arith.constant 0 : i32
    %dma_start3A_69 = arith.constant 0 : i32
    %dma_start3A_70 = tpu.memref_slice %arg2[%dma_start3A_68, %dma_start3A_69] : memref<110000x1024xf32, #tpu.memory_space<hbm>> -> memref<110000x1024xf32, #tpu.memory_space<hbm>>
    tpu.enqueue_indirect_dma source(%dma_start3A_70 : memref<110000x1024xf32, #tpu.memory_space<hbm>>) target(%arg6 : memref<32x1024xf32, #tpu.memory_space<vmem>>) offsets(%dma_start3A_67 : memref<32xi32, #tpu.memory_space<vmem>>) semaphore(%arg8 : memref<!tpu.dma_semaphore, #tpu.memory_space<semaphore_mem>>)
    %dma_wait3A_71 = arith.constant 160 : i32
    %dma_wait3A_72 = tpu.memref_slice %arg5[%dma_wait3A_71] : memref<256xi32, #tpu.memory_space<vmem>> -> memref<32xi32, #tpu.memory_space<vmem>>
    %dma_wait3A_73 = arith.constant 0 : i32
    %dma_wait3A_74 = arith.constant 0 : i32
    %dma_wait3A_75 = tpu.memref_slice %arg2[%dma_wait3A_73, %dma_wait3A_74] : memref<110000x1024xf32, #tpu.memory_space<hbm>> -> memref<110000x1024xf32, #tpu.memory_space<hbm>>
    tpu.wait_indirect_dma semaphore(%arg9 : memref<!tpu.dma_semaphore, #tpu.memory_space<semaphore_mem>>) src(%dma_wait3A_75 : memref<110000x1024xf32, #tpu.memory_space<hbm>>) dst(%arg7 : memref<32x1024xf32, #tpu.memory_space<vmem>>)
    %add3A_76 = arith.constant 160 : i32
    %add3A_77 = arith.addi %mul3A_2, %add3A_76 : i32
    "tpu.region"() ({
      %run_scoped3A = tpu.sem_alloc : memref<!tpu.dma_semaphore, #tpu.memory_space<semaphore_mem>>
      %dma_start3A_97 = arith.constant 0 : i32
      %dma_start3A_98 = tpu.memref_slice %arg4[%add3A_77, %dma_start3A_97] : memref<8192x1024xf32, #tpu.memory_space<hbm>> -> memref<32x1024xf32, #tpu.memory_space<hbm>>
      %dma_start3A_99 = arith.constant 0 : i32
      %dma_start3A_100 = tpu.memref_slice %arg4[%add3A_77, %dma_start3A_99] : memref<8192x1024xf32, #tpu.memory_space<hbm>> -> memref<32x1024xf32, #tpu.memory_space<hbm>>
      tpu.enqueue_dma source(%arg7 : memref<32x1024xf32, #tpu.memory_space<vmem>>) target(%dma_start3A_100 : memref<32x1024xf32, #tpu.memory_space<hbm>>) target_semaphore(%run_scoped3A : memref<!tpu.dma_semaphore, #tpu.memory_space<semaphore_mem>>)
      %dma_wait3A_101 = arith.constant 0 : i32
      %dma_wait3A_102 = tpu.memref_slice %arg4[%add3A_77, %dma_wait3A_101] : memref<8192x1024xf32, #tpu.memory_space<hbm>> -> memref<32x1024xf32, #tpu.memory_space<hbm>>
      %dma_wait3A_103 = arith.constant 0 : i32
      %dma_wait3A_104 = tpu.memref_slice %arg4[%add3A_77, %dma_wait3A_103] : memref<8192x1024xf32, #tpu.memory_space<hbm>> -> memref<32x1024xf32, #tpu.memory_space<hbm>>
      tpu.wait_dma2 semaphore(%run_scoped3A : memref<!tpu.dma_semaphore, #tpu.memory_space<semaphore_mem>>) src(%arg7 : memref<32x1024xf32, #tpu.memory_space<vmem>>) dst(%dma_wait3A_104 : memref<32x1024xf32, #tpu.memory_space<hbm>>)
      tpu.yield
    }) : () -> ()
    %dma_start3A_78 = arith.constant 224 : i32
    %dma_start3A_79 = tpu.memref_slice %arg5[%dma_start3A_78] : memref<256xi32, #tpu.memory_space<vmem>> -> memref<32xi32, #tpu.memory_space<vmem>>
    %dma_start3A_80 = arith.constant 0 : i32
    %dma_start3A_81 = arith.constant 0 : i32
    %dma_start3A_82 = tpu.memref_slice %arg2[%dma_start3A_80, %dma_start3A_81] : memref<110000x1024xf32, #tpu.memory_space<hbm>> -> memref<110000x1024xf32, #tpu.memory_space<hbm>>
    tpu.enqueue_indirect_dma source(%dma_start3A_82 : memref<110000x1024xf32, #tpu.memory_space<hbm>>) target(%arg7 : memref<32x1024xf32, #tpu.memory_space<vmem>>) offsets(%dma_start3A_79 : memref<32xi32, #tpu.memory_space<vmem>>) semaphore(%arg9 : memref<!tpu.dma_semaphore, #tpu.memory_space<semaphore_mem>>)
    %dma_wait3A_83 = arith.constant 192 : i32
    %dma_wait3A_84 = tpu.memref_slice %arg5[%dma_wait3A_83] : memref<256xi32, #tpu.memory_space<vmem>> -> memref<32xi32, #tpu.memory_space<vmem>>
    %dma_wait3A_85 = arith.constant 0 : i32
    %dma_wait3A_86 = arith.constant 0 : i32
    %dma_wait3A_87 = tpu.memref_slice %arg2[%dma_wait3A_85, %dma_wait3A_86] : memref<110000x1024xf32, #tpu.memory_space<hbm>> -> memref<110000x1024xf32, #tpu.memory_space<hbm>>
    tpu.wait_indirect_dma semaphore(%arg8 : memref<!tpu.dma_semaphore, #tpu.memory_space<semaphore_mem>>) src(%dma_wait3A_87 : memref<110000x1024xf32, #tpu.memory_space<hbm>>) dst(%arg6 : memref<32x1024xf32, #tpu.memory_space<vmem>>)
    %add3A_88 = arith.constant 192 : i32
    %add3A_89 = arith.addi %mul3A_2, %add3A_88 : i32
    "tpu.region"() ({
      %run_scoped3A = tpu.sem_alloc : memref<!tpu.dma_semaphore, #tpu.memory_space<semaphore_mem>>
      %dma_start3A_97 = arith.constant 0 : i32
      %dma_start3A_98 = tpu.memref_slice %arg4[%add3A_89, %dma_start3A_97] : memref<8192x1024xf32, #tpu.memory_space<hbm>> -> memref<32x1024xf32, #tpu.memory_space<hbm>>
      %dma_start3A_99 = arith.constant 0 : i32
      %dma_start3A_100 = tpu.memref_slice %arg4[%add3A_89, %dma_start3A_99] : memref<8192x1024xf32, #tpu.memory_space<hbm>> -> memref<32x1024xf32, #tpu.memory_space<hbm>>
      tpu.enqueue_dma source(%arg6 : memref<32x1024xf32, #tpu.memory_space<vmem>>) target(%dma_start3A_100 : memref<32x1024xf32, #tpu.memory_space<hbm>>) target_semaphore(%run_scoped3A : memref<!tpu.dma_semaphore, #tpu.memory_space<semaphore_mem>>)
      %dma_wait3A_101 = arith.constant 0 : i32
      %dma_wait3A_102 = tpu.memref_slice %arg4[%add3A_89, %dma_wait3A_101] : memref<8192x1024xf32, #tpu.memory_space<hbm>> -> memref<32x1024xf32, #tpu.memory_space<hbm>>
      %dma_wait3A_103 = arith.constant 0 : i32
      %dma_wait3A_104 = tpu.memref_slice %arg4[%add3A_89, %dma_wait3A_103] : memref<8192x1024xf32, #tpu.memory_space<hbm>> -> memref<32x1024xf32, #tpu.memory_space<hbm>>
      tpu.wait_dma2 semaphore(%run_scoped3A : memref<!tpu.dma_semaphore, #tpu.memory_space<semaphore_mem>>) src(%arg6 : memref<32x1024xf32, #tpu.memory_space<vmem>>) dst(%dma_wait3A_104 : memref<32x1024xf32, #tpu.memory_space<hbm>>)
      tpu.yield
    }) : () -> ()
    %dma_wait3A_90 = arith.constant 224 : i32
    %dma_wait3A_91 = tpu.memref_slice %arg5[%dma_wait3A_90] : memref<256xi32, #tpu.memory_space<vmem>> -> memref<32xi32, #tpu.memory_space<vmem>>
    %dma_wait3A_92 = arith.constant 0 : i32
    %dma_wait3A_93 = arith.constant 0 : i32
    %dma_wait3A_94 = tpu.memref_slice %arg2[%dma_wait3A_92, %dma_wait3A_93] : memref<110000x1024xf32, #tpu.memory_space<hbm>> -> memref<110000x1024xf32, #tpu.memory_space<hbm>>
    tpu.wait_indirect_dma semaphore(%arg9 : memref<!tpu.dma_semaphore, #tpu.memory_space<semaphore_mem>>) src(%dma_wait3A_94 : memref<110000x1024xf32, #tpu.memory_space<hbm>>) dst(%arg7 : memref<32x1024xf32, #tpu.memory_space<vmem>>)
    %add3A_95 = arith.constant 224 : i32
    %add3A_96 = arith.addi %mul3A_2, %add3A_95 : i32
    "tpu.region"() ({
      %run_scoped3A = tpu.sem_alloc : memref<!tpu.dma_semaphore, #tpu.memory_space<semaphore_mem>>
      %dma_start3A_97 = arith.constant 0 : i32
      %dma_start3A_98 = tpu.memref_slice %arg4[%add3A_96, %dma_start3A_97] : memref<8192x1024xf32, #tpu.memory_space<hbm>> -> memref<32x1024xf32, #tpu.memory_space<hbm>>
      %dma_start3A_99 = arith.constant 0 : i32
      %dma_start3A_100 = tpu.memref_slice %arg4[%add3A_96, %dma_start3A_99] : memref<8192x1024xf32, #tpu.memory_space<hbm>> -> memref<32x1024xf32, #tpu.memory_space<hbm>>
      tpu.enqueue_dma source(%arg7 : memref<32x1024xf32, #tpu.memory_space<vmem>>) target(%dma_start3A_100 : memref<32x1024xf32, #tpu.memory_space<hbm>>) target_semaphore(%run_scoped3A : memref<!tpu.dma_semaphore, #tpu.memory_space<semaphore_mem>>)
      %dma_wait3A_101 = arith.constant 0 : i32
      %dma_wait3A_102 = tpu.memref_slice %arg4[%add3A_96, %dma_wait3A_101] : memref<8192x1024xf32, #tpu.memory_space<hbm>> -> memref<32x1024xf32, #tpu.memory_space<hbm>>
      %dma_wait3A_103 = arith.constant 0 : i32
      %dma_wait3A_104 = tpu.memref_slice %arg4[%add3A_96, %dma_wait3A_103] : memref<8192x1024xf32, #tpu.memory_space<hbm>> -> memref<32x1024xf32, #tpu.memory_space<hbm>>
      tpu.wait_dma2 semaphore(%run_scoped3A : memref<!tpu.dma_semaphore, #tpu.memory_space<semaphore_mem>>) src(%arg7 : memref<32x1024xf32, #tpu.memory_space<vmem>>) dst(%dma_wait3A_104 : memref<32x1024xf32, #tpu.memory_space<hbm>>)
      tpu.yield
    }) : () -> ()
    return
  }
}

#map = affine_map<(d0, d1) -> (0, 0)>
#map1 = affine_map<(d0, d1) -> (0)>
module attributes {stable_mosaic.version = 14 : i64} {
  func.func @_sc_gather_body(%arg0: i32, %arg1: i32, %arg2: memref<1024x512xi32, #tpu.memory_space<hbm>>, %arg3: memref<8192xi32, #tpu.memory_space<hbm>>, %arg4: memref<8192x512xi32, #tpu.memory_space<hbm>>, %arg5: memref<256xi32, #tpu.memory_space<vmem>>, %arg6: memref<32x512xi32, #tpu.memory_space<vmem>>, %arg7: memref<32x512xi32, #tpu.memory_space<vmem>>, %arg8: memref<!tpu.dma_semaphore, #tpu.memory_space<semaphore_mem>>, %arg9: memref<!tpu.dma_semaphore, #tpu.memory_space<semaphore_mem>>) attributes {dimension_semantics = [#tpu.dimension_semantics<core_parallel>, #tpu.dimension_semantics<subcore_parallel>], iteration_bounds = array<i64: 2, 16>, scalar_prefetch = 0 : i64, scratch_operands = 5 : i64, tpu.core_type = #tpu.core_type<sc_vector_subcore>, window_params = [{transform_indices = #map}, {transform_indices = #map1}, {transform_indices = #map}]} {
    %mul3A = arith.constant 2 : i32
    %mul3A_0 = arith.muli %arg1, %mul3A : i32
    %add3A = arith.addi %mul3A_0, %arg0 : i32
    %mul3A_1 = arith.constant 256 : i32
    %mul3A_2 = arith.muli %add3A, %mul3A_1 : i32
    "tpu.region"() ({
      %run_scoped3A = tpu.sem_alloc : memref<!tpu.dma_semaphore, #tpu.memory_space<semaphore_mem>>
      %dma_start3A_97 = tpu.memref_slice %arg3[%mul3A_2] : memref<8192xi32, #tpu.memory_space<hbm>> -> memref<256xi32, #tpu.memory_space<hbm>>
      %dma_start3A_98 = tpu.memref_slice %arg3[%mul3A_2] : memref<8192xi32, #tpu.memory_space<hbm>> -> memref<256xi32, #tpu.memory_space<hbm>>
      tpu.enqueue_dma source(%dma_start3A_98 : memref<256xi32, #tpu.memory_space<hbm>>) target(%arg5 : memref<256xi32, #tpu.memory_space<vmem>>) target_semaphore(%run_scoped3A : memref<!tpu.dma_semaphore, #tpu.memory_space<semaphore_mem>>)
      %dma_wait3A_99 = tpu.memref_slice %arg3[%mul3A_2] : memref<8192xi32, #tpu.memory_space<hbm>> -> memref<256xi32, #tpu.memory_space<hbm>>
      %dma_wait3A_100 = tpu.memref_slice %arg3[%mul3A_2] : memref<8192xi32, #tpu.memory_space<hbm>> -> memref<256xi32, #tpu.memory_space<hbm>>
      tpu.wait_dma2 semaphore(%run_scoped3A : memref<!tpu.dma_semaphore, #tpu.memory_space<semaphore_mem>>) src(%dma_wait3A_100 : memref<256xi32, #tpu.memory_space<hbm>>) dst(%arg5 : memref<256xi32, #tpu.memory_space<vmem>>)
      tpu.yield
    }) : () -> ()
    %dma_start3A = arith.constant 0 : i32
    %dma_start3A_3 = tpu.memref_slice %arg5[%dma_start3A] : memref<256xi32, #tpu.memory_space<vmem>> -> memref<32xi32, #tpu.memory_space<vmem>>
    %dma_start3A_4 = arith.constant 0 : i32
    %dma_start3A_5 = arith.constant 0 : i32
    %dma_start3A_6 = tpu.memref_slice %arg2[%dma_start3A_4, %dma_start3A_5] : memref<1024x512xi32, #tpu.memory_space<hbm>> -> memref<1024x512xi32, #tpu.memory_space<hbm>>
    tpu.enqueue_indirect_dma source(%dma_start3A_6 : memref<1024x512xi32, #tpu.memory_space<hbm>>) target(%arg6 : memref<32x512xi32, #tpu.memory_space<vmem>>) offsets(%dma_start3A_3 : memref<32xi32, #tpu.memory_space<vmem>>) semaphore(%arg8 : memref<!tpu.dma_semaphore, #tpu.memory_space<semaphore_mem>>)
    %dma_start3A_7 = arith.constant 32 : i32
    %dma_start3A_8 = tpu.memref_slice %arg5[%dma_start3A_7] : memref<256xi32, #tpu.memory_space<vmem>> -> memref<32xi32, #tpu.memory_space<vmem>>
    %dma_start3A_9 = arith.constant 0 : i32
    %dma_start3A_10 = arith.constant 0 : i32
    %dma_start3A_11 = tpu.memref_slice %arg2[%dma_start3A_9, %dma_start3A_10] : memref<1024x512xi32, #tpu.memory_space<hbm>> -> memref<1024x512xi32, #tpu.memory_space<hbm>>
    tpu.enqueue_indirect_dma source(%dma_start3A_11 : memref<1024x512xi32, #tpu.memory_space<hbm>>) target(%arg7 : memref<32x512xi32, #tpu.memory_space<vmem>>) offsets(%dma_start3A_8 : memref<32xi32, #tpu.memory_space<vmem>>) semaphore(%arg9 : memref<!tpu.dma_semaphore, #tpu.memory_space<semaphore_mem>>)
    %dma_wait3A = arith.constant 0 : i32
    %dma_wait3A_12 = tpu.memref_slice %arg5[%dma_wait3A] : memref<256xi32, #tpu.memory_space<vmem>> -> memref<32xi32, #tpu.memory_space<vmem>>
    %dma_wait3A_13 = arith.constant 0 : i32
    %dma_wait3A_14 = arith.constant 0 : i32
    %dma_wait3A_15 = tpu.memref_slice %arg2[%dma_wait3A_13, %dma_wait3A_14] : memref<1024x512xi32, #tpu.memory_space<hbm>> -> memref<1024x512xi32, #tpu.memory_space<hbm>>
    tpu.wait_indirect_dma semaphore(%arg8 : memref<!tpu.dma_semaphore, #tpu.memory_space<semaphore_mem>>) src(%dma_wait3A_15 : memref<1024x512xi32, #tpu.memory_space<hbm>>) dst(%arg6 : memref<32x512xi32, #tpu.memory_space<vmem>>)
    %add3A_16 = arith.constant 0 : i32
    %add3A_17 = arith.addi %mul3A_2, %add3A_16 : i32
    "tpu.region"() ({
      %run_scoped3A = tpu.sem_alloc : memref<!tpu.dma_semaphore, #tpu.memory_space<semaphore_mem>>
      %dma_start3A_97 = arith.constant 0 : i32
      %dma_start3A_98 = tpu.memref_slice %arg4[%add3A_17, %dma_start3A_97] : memref<8192x512xi32, #tpu.memory_space<hbm>> -> memref<32x512xi32, #tpu.memory_space<hbm>>
      %dma_start3A_99 = arith.constant 0 : i32
      %dma_start3A_100 = tpu.memref_slice %arg4[%add3A_17, %dma_start3A_99] : memref<8192x512xi32, #tpu.memory_space<hbm>> -> memref<32x512xi32, #tpu.memory_space<hbm>>
      tpu.enqueue_dma source(%arg6 : memref<32x512xi32, #tpu.memory_space<vmem>>) target(%dma_start3A_100 : memref<32x512xi32, #tpu.memory_space<hbm>>) target_semaphore(%run_scoped3A : memref<!tpu.dma_semaphore, #tpu.memory_space<semaphore_mem>>)
      %dma_wait3A_101 = arith.constant 0 : i32
      %dma_wait3A_102 = tpu.memref_slice %arg4[%add3A_17, %dma_wait3A_101] : memref<8192x512xi32, #tpu.memory_space<hbm>> -> memref<32x512xi32, #tpu.memory_space<hbm>>
      %dma_wait3A_103 = arith.constant 0 : i32
      %dma_wait3A_104 = tpu.memref_slice %arg4[%add3A_17, %dma_wait3A_103] : memref<8192x512xi32, #tpu.memory_space<hbm>> -> memref<32x512xi32, #tpu.memory_space<hbm>>
      tpu.wait_dma2 semaphore(%run_scoped3A : memref<!tpu.dma_semaphore, #tpu.memory_space<semaphore_mem>>) src(%arg6 : memref<32x512xi32, #tpu.memory_space<vmem>>) dst(%dma_wait3A_104 : memref<32x512xi32, #tpu.memory_space<hbm>>)
      tpu.yield
    }) : () -> ()
    %dma_start3A_18 = arith.constant 64 : i32
    %dma_start3A_19 = tpu.memref_slice %arg5[%dma_start3A_18] : memref<256xi32, #tpu.memory_space<vmem>> -> memref<32xi32, #tpu.memory_space<vmem>>
    %dma_start3A_20 = arith.constant 0 : i32
    %dma_start3A_21 = arith.constant 0 : i32
    %dma_start3A_22 = tpu.memref_slice %arg2[%dma_start3A_20, %dma_start3A_21] : memref<1024x512xi32, #tpu.memory_space<hbm>> -> memref<1024x512xi32, #tpu.memory_space<hbm>>
    tpu.enqueue_indirect_dma source(%dma_start3A_22 : memref<1024x512xi32, #tpu.memory_space<hbm>>) target(%arg6 : memref<32x512xi32, #tpu.memory_space<vmem>>) offsets(%dma_start3A_19 : memref<32xi32, #tpu.memory_space<vmem>>) semaphore(%arg8 : memref<!tpu.dma_semaphore, #tpu.memory_space<semaphore_mem>>)
    %dma_wait3A_23 = arith.constant 32 : i32
    %dma_wait3A_24 = tpu.memref_slice %arg5[%dma_wait3A_23] : memref<256xi32, #tpu.memory_space<vmem>> -> memref<32xi32, #tpu.memory_space<vmem>>
    %dma_wait3A_25 = arith.constant 0 : i32
    %dma_wait3A_26 = arith.constant 0 : i32
    %dma_wait3A_27 = tpu.memref_slice %arg2[%dma_wait3A_25, %dma_wait3A_26] : memref<1024x512xi32, #tpu.memory_space<hbm>> -> memref<1024x512xi32, #tpu.memory_space<hbm>>
    tpu.wait_indirect_dma semaphore(%arg9 : memref<!tpu.dma_semaphore, #tpu.memory_space<semaphore_mem>>) src(%dma_wait3A_27 : memref<1024x512xi32, #tpu.memory_space<hbm>>) dst(%arg7 : memref<32x512xi32, #tpu.memory_space<vmem>>)
    %add3A_28 = arith.constant 32 : i32
    %add3A_29 = arith.addi %mul3A_2, %add3A_28 : i32
    "tpu.region"() ({
      %run_scoped3A = tpu.sem_alloc : memref<!tpu.dma_semaphore, #tpu.memory_space<semaphore_mem>>
      %dma_start3A_97 = arith.constant 0 : i32
      %dma_start3A_98 = tpu.memref_slice %arg4[%add3A_29, %dma_start3A_97] : memref<8192x512xi32, #tpu.memory_space<hbm>> -> memref<32x512xi32, #tpu.memory_space<hbm>>
      %dma_start3A_99 = arith.constant 0 : i32
      %dma_start3A_100 = tpu.memref_slice %arg4[%add3A_29, %dma_start3A_99] : memref<8192x512xi32, #tpu.memory_space<hbm>> -> memref<32x512xi32, #tpu.memory_space<hbm>>
      tpu.enqueue_dma source(%arg7 : memref<32x512xi32, #tpu.memory_space<vmem>>) target(%dma_start3A_100 : memref<32x512xi32, #tpu.memory_space<hbm>>) target_semaphore(%run_scoped3A : memref<!tpu.dma_semaphore, #tpu.memory_space<semaphore_mem>>)
      %dma_wait3A_101 = arith.constant 0 : i32
      %dma_wait3A_102 = tpu.memref_slice %arg4[%add3A_29, %dma_wait3A_101] : memref<8192x512xi32, #tpu.memory_space<hbm>> -> memref<32x512xi32, #tpu.memory_space<hbm>>
      %dma_wait3A_103 = arith.constant 0 : i32
      %dma_wait3A_104 = tpu.memref_slice %arg4[%add3A_29, %dma_wait3A_103] : memref<8192x512xi32, #tpu.memory_space<hbm>> -> memref<32x512xi32, #tpu.memory_space<hbm>>
      tpu.wait_dma2 semaphore(%run_scoped3A : memref<!tpu.dma_semaphore, #tpu.memory_space<semaphore_mem>>) src(%arg7 : memref<32x512xi32, #tpu.memory_space<vmem>>) dst(%dma_wait3A_104 : memref<32x512xi32, #tpu.memory_space<hbm>>)
      tpu.yield
    }) : () -> ()
    %dma_start3A_30 = arith.constant 96 : i32
    %dma_start3A_31 = tpu.memref_slice %arg5[%dma_start3A_30] : memref<256xi32, #tpu.memory_space<vmem>> -> memref<32xi32, #tpu.memory_space<vmem>>
    %dma_start3A_32 = arith.constant 0 : i32
    %dma_start3A_33 = arith.constant 0 : i32
    %dma_start3A_34 = tpu.memref_slice %arg2[%dma_start3A_32, %dma_start3A_33] : memref<1024x512xi32, #tpu.memory_space<hbm>> -> memref<1024x512xi32, #tpu.memory_space<hbm>>
    tpu.enqueue_indirect_dma source(%dma_start3A_34 : memref<1024x512xi32, #tpu.memory_space<hbm>>) target(%arg7 : memref<32x512xi32, #tpu.memory_space<vmem>>) offsets(%dma_start3A_31 : memref<32xi32, #tpu.memory_space<vmem>>) semaphore(%arg9 : memref<!tpu.dma_semaphore, #tpu.memory_space<semaphore_mem>>)
    %dma_wait3A_35 = arith.constant 64 : i32
    %dma_wait3A_36 = tpu.memref_slice %arg5[%dma_wait3A_35] : memref<256xi32, #tpu.memory_space<vmem>> -> memref<32xi32, #tpu.memory_space<vmem>>
    %dma_wait3A_37 = arith.constant 0 : i32
    %dma_wait3A_38 = arith.constant 0 : i32
    %dma_wait3A_39 = tpu.memref_slice %arg2[%dma_wait3A_37, %dma_wait3A_38] : memref<1024x512xi32, #tpu.memory_space<hbm>> -> memref<1024x512xi32, #tpu.memory_space<hbm>>
    tpu.wait_indirect_dma semaphore(%arg8 : memref<!tpu.dma_semaphore, #tpu.memory_space<semaphore_mem>>) src(%dma_wait3A_39 : memref<1024x512xi32, #tpu.memory_space<hbm>>) dst(%arg6 : memref<32x512xi32, #tpu.memory_space<vmem>>)
    %add3A_40 = arith.constant 64 : i32
    %add3A_41 = arith.addi %mul3A_2, %add3A_40 : i32
    "tpu.region"() ({
      %run_scoped3A = tpu.sem_alloc : memref<!tpu.dma_semaphore, #tpu.memory_space<semaphore_mem>>
      %dma_start3A_97 = arith.constant 0 : i32
      %dma_start3A_98 = tpu.memref_slice %arg4[%add3A_41, %dma_start3A_97] : memref<8192x512xi32, #tpu.memory_space<hbm>> -> memref<32x512xi32, #tpu.memory_space<hbm>>
      %dma_start3A_99 = arith.constant 0 : i32
      %dma_start3A_100 = tpu.memref_slice %arg4[%add3A_41, %dma_start3A_99] : memref<8192x512xi32, #tpu.memory_space<hbm>> -> memref<32x512xi32, #tpu.memory_space<hbm>>
      tpu.enqueue_dma source(%arg6 : memref<32x512xi32, #tpu.memory_space<vmem>>) target(%dma_start3A_100 : memref<32x512xi32, #tpu.memory_space<hbm>>) target_semaphore(%run_scoped3A : memref<!tpu.dma_semaphore, #tpu.memory_space<semaphore_mem>>)
      %dma_wait3A_101 = arith.constant 0 : i32
      %dma_wait3A_102 = tpu.memref_slice %arg4[%add3A_41, %dma_wait3A_101] : memref<8192x512xi32, #tpu.memory_space<hbm>> -> memref<32x512xi32, #tpu.memory_space<hbm>>
      %dma_wait3A_103 = arith.constant 0 : i32
      %dma_wait3A_104 = tpu.memref_slice %arg4[%add3A_41, %dma_wait3A_103] : memref<8192x512xi32, #tpu.memory_space<hbm>> -> memref<32x512xi32, #tpu.memory_space<hbm>>
      tpu.wait_dma2 semaphore(%run_scoped3A : memref<!tpu.dma_semaphore, #tpu.memory_space<semaphore_mem>>) src(%arg6 : memref<32x512xi32, #tpu.memory_space<vmem>>) dst(%dma_wait3A_104 : memref<32x512xi32, #tpu.memory_space<hbm>>)
      tpu.yield
    }) : () -> ()
    %dma_start3A_42 = arith.constant 128 : i32
    %dma_start3A_43 = tpu.memref_slice %arg5[%dma_start3A_42] : memref<256xi32, #tpu.memory_space<vmem>> -> memref<32xi32, #tpu.memory_space<vmem>>
    %dma_start3A_44 = arith.constant 0 : i32
    %dma_start3A_45 = arith.constant 0 : i32
    %dma_start3A_46 = tpu.memref_slice %arg2[%dma_start3A_44, %dma_start3A_45] : memref<1024x512xi32, #tpu.memory_space<hbm>> -> memref<1024x512xi32, #tpu.memory_space<hbm>>
    tpu.enqueue_indirect_dma source(%dma_start3A_46 : memref<1024x512xi32, #tpu.memory_space<hbm>>) target(%arg6 : memref<32x512xi32, #tpu.memory_space<vmem>>) offsets(%dma_start3A_43 : memref<32xi32, #tpu.memory_space<vmem>>) semaphore(%arg8 : memref<!tpu.dma_semaphore, #tpu.memory_space<semaphore_mem>>)
    %dma_wait3A_47 = arith.constant 96 : i32
    %dma_wait3A_48 = tpu.memref_slice %arg5[%dma_wait3A_47] : memref<256xi32, #tpu.memory_space<vmem>> -> memref<32xi32, #tpu.memory_space<vmem>>
    %dma_wait3A_49 = arith.constant 0 : i32
    %dma_wait3A_50 = arith.constant 0 : i32
    %dma_wait3A_51 = tpu.memref_slice %arg2[%dma_wait3A_49, %dma_wait3A_50] : memref<1024x512xi32, #tpu.memory_space<hbm>> -> memref<1024x512xi32, #tpu.memory_space<hbm>>
    tpu.wait_indirect_dma semaphore(%arg9 : memref<!tpu.dma_semaphore, #tpu.memory_space<semaphore_mem>>) src(%dma_wait3A_51 : memref<1024x512xi32, #tpu.memory_space<hbm>>) dst(%arg7 : memref<32x512xi32, #tpu.memory_space<vmem>>)
    %add3A_52 = arith.constant 96 : i32
    %add3A_53 = arith.addi %mul3A_2, %add3A_52 : i32
    "tpu.region"() ({
      %run_scoped3A = tpu.sem_alloc : memref<!tpu.dma_semaphore, #tpu.memory_space<semaphore_mem>>
      %dma_start3A_97 = arith.constant 0 : i32
      %dma_start3A_98 = tpu.memref_slice %arg4[%add3A_53, %dma_start3A_97] : memref<8192x512xi32, #tpu.memory_space<hbm>> -> memref<32x512xi32, #tpu.memory_space<hbm>>
      %dma_start3A_99 = arith.constant 0 : i32
      %dma_start3A_100 = tpu.memref_slice %arg4[%add3A_53, %dma_start3A_99] : memref<8192x512xi32, #tpu.memory_space<hbm>> -> memref<32x512xi32, #tpu.memory_space<hbm>>
      tpu.enqueue_dma source(%arg7 : memref<32x512xi32, #tpu.memory_space<vmem>>) target(%dma_start3A_100 : memref<32x512xi32, #tpu.memory_space<hbm>>) target_semaphore(%run_scoped3A : memref<!tpu.dma_semaphore, #tpu.memory_space<semaphore_mem>>)
      %dma_wait3A_101 = arith.constant 0 : i32
      %dma_wait3A_102 = tpu.memref_slice %arg4[%add3A_53, %dma_wait3A_101] : memref<8192x512xi32, #tpu.memory_space<hbm>> -> memref<32x512xi32, #tpu.memory_space<hbm>>
      %dma_wait3A_103 = arith.constant 0 : i32
      %dma_wait3A_104 = tpu.memref_slice %arg4[%add3A_53, %dma_wait3A_103] : memref<8192x512xi32, #tpu.memory_space<hbm>> -> memref<32x512xi32, #tpu.memory_space<hbm>>
      tpu.wait_dma2 semaphore(%run_scoped3A : memref<!tpu.dma_semaphore, #tpu.memory_space<semaphore_mem>>) src(%arg7 : memref<32x512xi32, #tpu.memory_space<vmem>>) dst(%dma_wait3A_104 : memref<32x512xi32, #tpu.memory_space<hbm>>)
      tpu.yield
    }) : () -> ()
    %dma_start3A_54 = arith.constant 160 : i32
    %dma_start3A_55 = tpu.memref_slice %arg5[%dma_start3A_54] : memref<256xi32, #tpu.memory_space<vmem>> -> memref<32xi32, #tpu.memory_space<vmem>>
    %dma_start3A_56 = arith.constant 0 : i32
    %dma_start3A_57 = arith.constant 0 : i32
    %dma_start3A_58 = tpu.memref_slice %arg2[%dma_start3A_56, %dma_start3A_57] : memref<1024x512xi32, #tpu.memory_space<hbm>> -> memref<1024x512xi32, #tpu.memory_space<hbm>>
    tpu.enqueue_indirect_dma source(%dma_start3A_58 : memref<1024x512xi32, #tpu.memory_space<hbm>>) target(%arg7 : memref<32x512xi32, #tpu.memory_space<vmem>>) offsets(%dma_start3A_55 : memref<32xi32, #tpu.memory_space<vmem>>) semaphore(%arg9 : memref<!tpu.dma_semaphore, #tpu.memory_space<semaphore_mem>>)
    %dma_wait3A_59 = arith.constant 128 : i32
    %dma_wait3A_60 = tpu.memref_slice %arg5[%dma_wait3A_59] : memref<256xi32, #tpu.memory_space<vmem>> -> memref<32xi32, #tpu.memory_space<vmem>>
    %dma_wait3A_61 = arith.constant 0 : i32
    %dma_wait3A_62 = arith.constant 0 : i32
    %dma_wait3A_63 = tpu.memref_slice %arg2[%dma_wait3A_61, %dma_wait3A_62] : memref<1024x512xi32, #tpu.memory_space<hbm>> -> memref<1024x512xi32, #tpu.memory_space<hbm>>
    tpu.wait_indirect_dma semaphore(%arg8 : memref<!tpu.dma_semaphore, #tpu.memory_space<semaphore_mem>>) src(%dma_wait3A_63 : memref<1024x512xi32, #tpu.memory_space<hbm>>) dst(%arg6 : memref<32x512xi32, #tpu.memory_space<vmem>>)
    %add3A_64 = arith.constant 128 : i32
    %add3A_65 = arith.addi %mul3A_2, %add3A_64 : i32
    "tpu.region"() ({
      %run_scoped3A = tpu.sem_alloc : memref<!tpu.dma_semaphore, #tpu.memory_space<semaphore_mem>>
      %dma_start3A_97 = arith.constant 0 : i32
      %dma_start3A_98 = tpu.memref_slice %arg4[%add3A_65, %dma_start3A_97] : memref<8192x512xi32, #tpu.memory_space<hbm>> -> memref<32x512xi32, #tpu.memory_space<hbm>>
      %dma_start3A_99 = arith.constant 0 : i32
      %dma_start3A_100 = tpu.memref_slice %arg4[%add3A_65, %dma_start3A_99] : memref<8192x512xi32, #tpu.memory_space<hbm>> -> memref<32x512xi32, #tpu.memory_space<hbm>>
      tpu.enqueue_dma source(%arg6 : memref<32x512xi32, #tpu.memory_space<vmem>>) target(%dma_start3A_100 : memref<32x512xi32, #tpu.memory_space<hbm>>) target_semaphore(%run_scoped3A : memref<!tpu.dma_semaphore, #tpu.memory_space<semaphore_mem>>)
      %dma_wait3A_101 = arith.constant 0 : i32
      %dma_wait3A_102 = tpu.memref_slice %arg4[%add3A_65, %dma_wait3A_101] : memref<8192x512xi32, #tpu.memory_space<hbm>> -> memref<32x512xi32, #tpu.memory_space<hbm>>
      %dma_wait3A_103 = arith.constant 0 : i32
      %dma_wait3A_104 = tpu.memref_slice %arg4[%add3A_65, %dma_wait3A_103] : memref<8192x512xi32, #tpu.memory_space<hbm>> -> memref<32x512xi32, #tpu.memory_space<hbm>>
      tpu.wait_dma2 semaphore(%run_scoped3A : memref<!tpu.dma_semaphore, #tpu.memory_space<semaphore_mem>>) src(%arg6 : memref<32x512xi32, #tpu.memory_space<vmem>>) dst(%dma_wait3A_104 : memref<32x512xi32, #tpu.memory_space<hbm>>)
      tpu.yield
    }) : () -> ()
    %dma_start3A_66 = arith.constant 192 : i32
    %dma_start3A_67 = tpu.memref_slice %arg5[%dma_start3A_66] : memref<256xi32, #tpu.memory_space<vmem>> -> memref<32xi32, #tpu.memory_space<vmem>>
    %dma_start3A_68 = arith.constant 0 : i32
    %dma_start3A_69 = arith.constant 0 : i32
    %dma_start3A_70 = tpu.memref_slice %arg2[%dma_start3A_68, %dma_start3A_69] : memref<1024x512xi32, #tpu.memory_space<hbm>> -> memref<1024x512xi32, #tpu.memory_space<hbm>>
    tpu.enqueue_indirect_dma source(%dma_start3A_70 : memref<1024x512xi32, #tpu.memory_space<hbm>>) target(%arg6 : memref<32x512xi32, #tpu.memory_space<vmem>>) offsets(%dma_start3A_67 : memref<32xi32, #tpu.memory_space<vmem>>) semaphore(%arg8 : memref<!tpu.dma_semaphore, #tpu.memory_space<semaphore_mem>>)
    %dma_wait3A_71 = arith.constant 160 : i32
    %dma_wait3A_72 = tpu.memref_slice %arg5[%dma_wait3A_71] : memref<256xi32, #tpu.memory_space<vmem>> -> memref<32xi32, #tpu.memory_space<vmem>>
    %dma_wait3A_73 = arith.constant 0 : i32
    %dma_wait3A_74 = arith.constant 0 : i32
    %dma_wait3A_75 = tpu.memref_slice %arg2[%dma_wait3A_73, %dma_wait3A_74] : memref<1024x512xi32, #tpu.memory_space<hbm>> -> memref<1024x512xi32, #tpu.memory_space<hbm>>
    tpu.wait_indirect_dma semaphore(%arg9 : memref<!tpu.dma_semaphore, #tpu.memory_space<semaphore_mem>>) src(%dma_wait3A_75 : memref<1024x512xi32, #tpu.memory_space<hbm>>) dst(%arg7 : memref<32x512xi32, #tpu.memory_space<vmem>>)
    %add3A_76 = arith.constant 160 : i32
    %add3A_77 = arith.addi %mul3A_2, %add3A_76 : i32
    "tpu.region"() ({
      %run_scoped3A = tpu.sem_alloc : memref<!tpu.dma_semaphore, #tpu.memory_space<semaphore_mem>>
      %dma_start3A_97 = arith.constant 0 : i32
      %dma_start3A_98 = tpu.memref_slice %arg4[%add3A_77, %dma_start3A_97] : memref<8192x512xi32, #tpu.memory_space<hbm>> -> memref<32x512xi32, #tpu.memory_space<hbm>>
      %dma_start3A_99 = arith.constant 0 : i32
      %dma_start3A_100 = tpu.memref_slice %arg4[%add3A_77, %dma_start3A_99] : memref<8192x512xi32, #tpu.memory_space<hbm>> -> memref<32x512xi32, #tpu.memory_space<hbm>>
      tpu.enqueue_dma source(%arg7 : memref<32x512xi32, #tpu.memory_space<vmem>>) target(%dma_start3A_100 : memref<32x512xi32, #tpu.memory_space<hbm>>) target_semaphore(%run_scoped3A : memref<!tpu.dma_semaphore, #tpu.memory_space<semaphore_mem>>)
      %dma_wait3A_101 = arith.constant 0 : i32
      %dma_wait3A_102 = tpu.memref_slice %arg4[%add3A_77, %dma_wait3A_101] : memref<8192x512xi32, #tpu.memory_space<hbm>> -> memref<32x512xi32, #tpu.memory_space<hbm>>
      %dma_wait3A_103 = arith.constant 0 : i32
      %dma_wait3A_104 = tpu.memref_slice %arg4[%add3A_77, %dma_wait3A_103] : memref<8192x512xi32, #tpu.memory_space<hbm>> -> memref<32x512xi32, #tpu.memory_space<hbm>>
      tpu.wait_dma2 semaphore(%run_scoped3A : memref<!tpu.dma_semaphore, #tpu.memory_space<semaphore_mem>>) src(%arg7 : memref<32x512xi32, #tpu.memory_space<vmem>>) dst(%dma_wait3A_104 : memref<32x512xi32, #tpu.memory_space<hbm>>)
      tpu.yield
    }) : () -> ()
    %dma_start3A_78 = arith.constant 224 : i32
    %dma_start3A_79 = tpu.memref_slice %arg5[%dma_start3A_78] : memref<256xi32, #tpu.memory_space<vmem>> -> memref<32xi32, #tpu.memory_space<vmem>>
    %dma_start3A_80 = arith.constant 0 : i32
    %dma_start3A_81 = arith.constant 0 : i32
    %dma_start3A_82 = tpu.memref_slice %arg2[%dma_start3A_80, %dma_start3A_81] : memref<1024x512xi32, #tpu.memory_space<hbm>> -> memref<1024x512xi32, #tpu.memory_space<hbm>>
    tpu.enqueue_indirect_dma source(%dma_start3A_82 : memref<1024x512xi32, #tpu.memory_space<hbm>>) target(%arg7 : memref<32x512xi32, #tpu.memory_space<vmem>>) offsets(%dma_start3A_79 : memref<32xi32, #tpu.memory_space<vmem>>) semaphore(%arg9 : memref<!tpu.dma_semaphore, #tpu.memory_space<semaphore_mem>>)
    %dma_wait3A_83 = arith.constant 192 : i32
    %dma_wait3A_84 = tpu.memref_slice %arg5[%dma_wait3A_83] : memref<256xi32, #tpu.memory_space<vmem>> -> memref<32xi32, #tpu.memory_space<vmem>>
    %dma_wait3A_85 = arith.constant 0 : i32
    %dma_wait3A_86 = arith.constant 0 : i32
    %dma_wait3A_87 = tpu.memref_slice %arg2[%dma_wait3A_85, %dma_wait3A_86] : memref<1024x512xi32, #tpu.memory_space<hbm>> -> memref<1024x512xi32, #tpu.memory_space<hbm>>
    tpu.wait_indirect_dma semaphore(%arg8 : memref<!tpu.dma_semaphore, #tpu.memory_space<semaphore_mem>>) src(%dma_wait3A_87 : memref<1024x512xi32, #tpu.memory_space<hbm>>) dst(%arg6 : memref<32x512xi32, #tpu.memory_space<vmem>>)
    %add3A_88 = arith.constant 192 : i32
    %add3A_89 = arith.addi %mul3A_2, %add3A_88 : i32
    "tpu.region"() ({
      %run_scoped3A = tpu.sem_alloc : memref<!tpu.dma_semaphore, #tpu.memory_space<semaphore_mem>>
      %dma_start3A_97 = arith.constant 0 : i32
      %dma_start3A_98 = tpu.memref_slice %arg4[%add3A_89, %dma_start3A_97] : memref<8192x512xi32, #tpu.memory_space<hbm>> -> memref<32x512xi32, #tpu.memory_space<hbm>>
      %dma_start3A_99 = arith.constant 0 : i32
      %dma_start3A_100 = tpu.memref_slice %arg4[%add3A_89, %dma_start3A_99] : memref<8192x512xi32, #tpu.memory_space<hbm>> -> memref<32x512xi32, #tpu.memory_space<hbm>>
      tpu.enqueue_dma source(%arg6 : memref<32x512xi32, #tpu.memory_space<vmem>>) target(%dma_start3A_100 : memref<32x512xi32, #tpu.memory_space<hbm>>) target_semaphore(%run_scoped3A : memref<!tpu.dma_semaphore, #tpu.memory_space<semaphore_mem>>)
      %dma_wait3A_101 = arith.constant 0 : i32
      %dma_wait3A_102 = tpu.memref_slice %arg4[%add3A_89, %dma_wait3A_101] : memref<8192x512xi32, #tpu.memory_space<hbm>> -> memref<32x512xi32, #tpu.memory_space<hbm>>
      %dma_wait3A_103 = arith.constant 0 : i32
      %dma_wait3A_104 = tpu.memref_slice %arg4[%add3A_89, %dma_wait3A_103] : memref<8192x512xi32, #tpu.memory_space<hbm>> -> memref<32x512xi32, #tpu.memory_space<hbm>>
      tpu.wait_dma2 semaphore(%run_scoped3A : memref<!tpu.dma_semaphore, #tpu.memory_space<semaphore_mem>>) src(%arg6 : memref<32x512xi32, #tpu.memory_space<vmem>>) dst(%dma_wait3A_104 : memref<32x512xi32, #tpu.memory_space<hbm>>)
      tpu.yield
    }) : () -> ()
    %dma_wait3A_90 = arith.constant 224 : i32
    %dma_wait3A_91 = tpu.memref_slice %arg5[%dma_wait3A_90] : memref<256xi32, #tpu.memory_space<vmem>> -> memref<32xi32, #tpu.memory_space<vmem>>
    %dma_wait3A_92 = arith.constant 0 : i32
    %dma_wait3A_93 = arith.constant 0 : i32
    %dma_wait3A_94 = tpu.memref_slice %arg2[%dma_wait3A_92, %dma_wait3A_93] : memref<1024x512xi32, #tpu.memory_space<hbm>> -> memref<1024x512xi32, #tpu.memory_space<hbm>>
    tpu.wait_indirect_dma semaphore(%arg9 : memref<!tpu.dma_semaphore, #tpu.memory_space<semaphore_mem>>) src(%dma_wait3A_94 : memref<1024x512xi32, #tpu.memory_space<hbm>>) dst(%arg7 : memref<32x512xi32, #tpu.memory_space<vmem>>)
    %add3A_95 = arith.constant 224 : i32
    %add3A_96 = arith.addi %mul3A_2, %add3A_95 : i32
    "tpu.region"() ({
      %run_scoped3A = tpu.sem_alloc : memref<!tpu.dma_semaphore, #tpu.memory_space<semaphore_mem>>
      %dma_start3A_97 = arith.constant 0 : i32
      %dma_start3A_98 = tpu.memref_slice %arg4[%add3A_96, %dma_start3A_97] : memref<8192x512xi32, #tpu.memory_space<hbm>> -> memref<32x512xi32, #tpu.memory_space<hbm>>
      %dma_start3A_99 = arith.constant 0 : i32
      %dma_start3A_100 = tpu.memref_slice %arg4[%add3A_96, %dma_start3A_99] : memref<8192x512xi32, #tpu.memory_space<hbm>> -> memref<32x512xi32, #tpu.memory_space<hbm>>
      tpu.enqueue_dma source(%arg7 : memref<32x512xi32, #tpu.memory_space<vmem>>) target(%dma_start3A_100 : memref<32x512xi32, #tpu.memory_space<hbm>>) target_semaphore(%run_scoped3A : memref<!tpu.dma_semaphore, #tpu.memory_space<semaphore_mem>>)
      %dma_wait3A_101 = arith.constant 0 : i32
      %dma_wait3A_102 = tpu.memref_slice %arg4[%add3A_96, %dma_wait3A_101] : memref<8192x512xi32, #tpu.memory_space<hbm>> -> memref<32x512xi32, #tpu.memory_space<hbm>>
      %dma_wait3A_103 = arith.constant 0 : i32
      %dma_wait3A_104 = tpu.memref_slice %arg4[%add3A_96, %dma_wait3A_103] : memref<8192x512xi32, #tpu.memory_space<hbm>> -> memref<32x512xi32, #tpu.memory_space<hbm>>
      tpu.wait_dma2 semaphore(%run_scoped3A : memref<!tpu.dma_semaphore, #tpu.memory_space<semaphore_mem>>) src(%arg7 : memref<32x512xi32, #tpu.memory_space<vmem>>) dst(%dma_wait3A_104 : memref<32x512xi32, #tpu.memory_space<hbm>>)
      tpu.yield
    }) : () -> ()
    return
  }
}

module attributes {stable_mosaic.version = 14 : i64} {
  func.func @_rel_table_body(%arg0: memref<1024x1024xbf16, #tpu.memory_space<vmem>>, %arg1: memref<1024x1024xbf16, #tpu.memory_space<vmem>>, %arg2: memref<1x1024xf32, #tpu.memory_space<vmem>>, %arg3: memref<1024x512xi32, #tpu.memory_space<vmem>>) attributes {dimension_semantics = [], scalar_prefetch = 0 : i64, scratch_operands = 0 : i64, tpu.core_type = #tpu.core_type<tc>} {
    %get3A = arith.constant 0 : index
    %get3A_0 = arith.constant 0 : index
    %get3A_1 = vector.load %arg0[%get3A, %get3A_0] : memref<1024x1024xbf16, #tpu.memory_space<vmem>>, vector<1024x1024xbf16>
    %get3A_2 = arith.constant 0 : index
    %get3A_3 = arith.constant 0 : index
    %get3A_4 = vector.load %arg1[%get3A_2, %get3A_3] : memref<1024x1024xbf16, #tpu.memory_space<vmem>>, vector<1024x1024xbf16>
    %dot_general3A = arith.constant dense<0.000000e+00> : vector<1024x1024xf32>
    %dot_general3A_5 = tpu.matmul %get3A_1, %get3A_4, %dot_general3A {dimension_numbers = #tpu.dot_dimension_numbers<[1], [0], [0], [1], [0, 0, 1, 1], [], []>, transpose_lhs_hint = false} : vector<1024x1024xbf16>, vector<1024x1024xbf16>, vector<1024x1024xf32> -> vector<1024x1024xf32>
    %get3A_6 = arith.constant 0 : index
    %get3A_7 = arith.constant 0 : index
    %get3A_8 = vector.load %arg2[%get3A_6, %get3A_7] : memref<1x1024xf32, #tpu.memory_space<vmem>>, vector<1x1024xf32>
    %add3A = vector.broadcast %get3A_8 : vector<1x1024xf32> to vector<1024x1024xf32>
    %add3A_9 = arith.addf %dot_general3A_5, %add3A : vector<1024x1024xf32>
    %slice3A = vector.extract_strided_slice %add3A_9 {offsets = [0, 0], sizes = [1024, 512], strides = [1, 1]} : vector<1024x1024xf32> to vector<1024x512xf32>
    %convert_element_type3A = arith.truncf %slice3A : vector<1024x512xf32> to vector<1024x512xbf16>
    %convert_element_type3A_10 = arith.extf %convert_element_type3A : vector<1024x512xbf16> to vector<1024x512xf32>
    %slice3A_11 = vector.extract_strided_slice %add3A_9 {offsets = [0, 512], sizes = [1024, 512], strides = [1, 1]} : vector<1024x1024xf32> to vector<1024x512xf32>
    %convert_element_type3A_12 = arith.truncf %slice3A_11 : vector<1024x512xf32> to vector<1024x512xbf16>
    %convert_element_type3A_13 = arith.extf %convert_element_type3A_12 : vector<1024x512xbf16> to vector<1024x512xf32>
    %bitcast_convert_type3A = tpu.bitcast %convert_element_type3A_10 : vector<1024x512xf32> -> vector<1024x512xi32>
    %shift_right_logical3A = arith.constant 16 : i32
    %shift_right_logical3A_14 = vector.broadcast %shift_right_logical3A : i32 to vector<1024x512xi32>
    %shift_right_logical3A_15 = arith.shrui %bitcast_convert_type3A, %shift_right_logical3A_14 : vector<1024x512xi32>
    %bitcast_convert_type3A_16 = tpu.bitcast %convert_element_type3A_13 : vector<1024x512xf32> -> vector<1024x512xi32>
    %and3A = arith.constant -65536 : i32
    %and3A_17 = vector.broadcast %and3A : i32 to vector<1024x512xi32>
    %and3A_18 = arith.andi %bitcast_convert_type3A_16, %and3A_17 : vector<1024x512xi32>
    %or3A = arith.ori %shift_right_logical3A_15, %and3A_18 : vector<1024x512xi32>
    %bitcast_convert_type3A_19 = tpu.bitcast %or3A : vector<1024x512xi32> -> vector<1024x512xi32>
    %swap3A = arith.constant 0 : index
    %swap3A_20 = arith.constant 0 : index
    %swap3A_21 = vector.load %arg3[%swap3A, %swap3A_20] : memref<1024x512xi32, #tpu.memory_space<vmem>>, vector<1024x512xi32>
    tpu.vector_store %arg3[%swap3A, %swap3A_20], %bitcast_convert_type3A_19 {strides = array<i32>} : memref<1024x512xi32, #tpu.memory_space<vmem>>, vector<1024x512xi32>,
    return
  }
}

module attributes {stable_mosaic.version = 14 : i64} {
  func.func @_mlp_body(%arg0: i32, %arg1: memref<512x1024xf32, #tpu.memory_space<vmem>>, %arg2: memref<512x512xi32, #tpu.memory_space<vmem>>, %arg3: memref<1024x1024xbf16, #tpu.memory_space<vmem>>, %arg4: memref<1x1024xf32, #tpu.memory_space<vmem>>, %arg5: memref<1x1024xf32, #tpu.memory_space<vmem>>) attributes {dimension_semantics = [#tpu.dimension_semantics<arbitrary>], iteration_bounds = array<i64: 16>, scalar_prefetch = 0 : i64, scratch_operands = 1 : i64, tpu.core_type = #tpu.core_type<tc>, window_params = [{transform_indices = @transform_0, window_bounds = array<i64: 512, 1024>}, {transform_indices = @transform_1, window_bounds = array<i64: 512, 512>}, {pipeline_mode = #tpu.pipeline_mode<synchronous>, transform_indices = @transform_2, window_bounds = array<i64: 1024, 1024>}, {pipeline_mode = #tpu.pipeline_mode<synchronous>, transform_indices = @transform_3, window_bounds = array<i64: 1, 1024>}]} {
    %eq3A = arith.constant 0 : i32
    %eq3A_0 = arith.cmpi eq, %arg0, %eq3A : i32
    %convert_element_type3A = arith.extui %eq3A_0 : i1 to i32
    %cond3A = arith.constant 0 : i32
    %cond3A_1 = arith.cmpi ne, %convert_element_type3A, %cond3A : i32
    scf.if %cond3A_1 {
      %broadcast_in_dim3A_31 = arith.constant 0.000000e+00 : f32
      %broadcast_in_dim3A_32 = vector.broadcast %broadcast_in_dim3A_31 : f32 to vector<1x1024xf32>
      %swap3A_33 = arith.constant 0 : index
      %swap3A_34 = arith.constant 0 : index
      %swap3A_35 = vector.load %arg5[%swap3A_33, %swap3A_34] : memref<1x1024xf32, #tpu.memory_space<vmem>>, vector<1x1024xf32>
      tpu.vector_store %arg5[%swap3A_33, %swap3A_34], %broadcast_in_dim3A_32 {strides = array<i32>} : memref<1x1024xf32, #tpu.memory_space<vmem>>, vector<1x1024xf32>,
    } else {
    }
    %get3A = arith.constant 0 : index
    %get3A_2 = arith.constant 0 : index
    %get3A_3 = vector.load %arg1[%get3A, %get3A_2] : memref<512x1024xf32, #tpu.memory_space<vmem>>, vector<512x1024xf32>
    %convert_element_type3A_4 = arith.truncf %get3A_3 : vector<512x1024xf32> to vector<512x1024xbf16>
    %get3A_5 = arith.constant 0 : index
    %get3A_6 = arith.constant 0 : index
    %get3A_7 = vector.load %arg3[%get3A_5, %get3A_6] : memref<1024x1024xbf16, #tpu.memory_space<vmem>>, vector<1024x1024xbf16>
    %dot_general3A = arith.constant dense<0.000000e+00> : vector<512x1024xf32>
    %dot_general3A_8 = tpu.matmul %convert_element_type3A_4, %get3A_7, %dot_general3A {dimension_numbers = #tpu.dot_dimension_numbers<[1], [0], [0], [1], [0, 0, 1, 1], [], []>, transpose_lhs_hint = false} : vector<512x1024xbf16>, vector<1024x1024xbf16>, vector<512x1024xf32> -> vector<512x1024xf32>
    %get3A_9 = arith.constant 0 : index
    %get3A_10 = arith.constant 0 : index
    %get3A_11 = vector.load %arg2[%get3A_9, %get3A_10] : memref<512x512xi32, #tpu.memory_space<vmem>>, vector<512x512xi32>
    %shift_left3A = arith.constant 16 : i32
    %shift_left3A_12 = vector.broadcast %shift_left3A : i32 to vector<512x512xi32>
    %shift_left3A_13 = arith.shli %get3A_11, %shift_left3A_12 : vector<512x512xi32>
    %bitcast_convert_type3A = tpu.bitcast %shift_left3A_13 : vector<512x512xi32> -> vector<512x512xf32>
    %and3A = arith.constant -65536 : i32
    %and3A_14 = vector.broadcast %and3A : i32 to vector<512x512xi32>
    %and3A_15 = arith.andi %get3A_11, %and3A_14 : vector<512x512xi32>
    %bitcast_convert_type3A_16 = tpu.bitcast %and3A_15 : vector<512x512xi32> -> vector<512x512xf32>
    %concatenate3A = tpu.concatenate %bitcast_convert_type3A, %bitcast_convert_type3A_16 in 1 : vector<512x512xf32>, vector<512x512xf32> -> vector<512x1024xf32>
    %add3A = arith.addf %dot_general3A_8, %concatenate3A : vector<512x1024xf32>
    %max3A = arith.constant 0.000000e+00 : f32
    %max3A_17 = vector.broadcast %max3A : f32 to vector<512x1024xf32>
    %max3A_18 = arith.maximumf %add3A, %max3A_17 : vector<512x1024xf32>
    %get3A_19 = arith.constant 0 : index
    %get3A_20 = arith.constant 0 : index
    %get3A_21 = vector.load %arg5[%get3A_19, %get3A_20] : memref<1x1024xf32, #tpu.memory_space<vmem>>, vector<1x1024xf32>
    %reduce_sum3A = arith.constant dense<0.000000e+00> : vector<1024xf32>
    %reduce_sum3A_22 = vector.multi_reduction <add>, %max3A_18, %reduce_sum3A [0] : vector<512x1024xf32> to vector<1024xf32>
    %broadcast_in_dim3A = vector.shape_cast %reduce_sum3A_22 : vector<1024xf32> to vector<1x1024xf32>
    %add3A_23 = arith.addf %get3A_21, %broadcast_in_dim3A : vector<1x1024xf32>
    %swap3A = arith.constant 0 : index
    %swap3A_24 = arith.constant 0 : index
    %swap3A_25 = vector.load %arg5[%swap3A, %swap3A_24] : memref<1x1024xf32, #tpu.memory_space<vmem>>, vector<1x1024xf32>
    tpu.vector_store %arg5[%swap3A, %swap3A_24], %add3A_23 {strides = array<i32>} : memref<1x1024xf32, #tpu.memory_space<vmem>>, vector<1x1024xf32>,
    %eq3A_26 = arith.constant 15 : i32
    %eq3A_27 = arith.cmpi eq, %arg0, %eq3A_26 : i32
    %convert_element_type3A_28 = arith.extui %eq3A_27 : i1 to i32
    %cond3A_29 = arith.constant 0 : i32
    %cond3A_30 = arith.cmpi ne, %convert_element_type3A_28, %cond3A_29 : i32
    scf.if %cond3A_30 {
      %get3A_31 = arith.constant 0 : index
      %get3A_32 = arith.constant 0 : index
      %get3A_33 = vector.load %arg5[%get3A_31, %get3A_32] : memref<1x1024xf32, #tpu.memory_space<vmem>>, vector<1x1024xf32>
      %swap3A_34 = arith.constant 0 : index
      %swap3A_35 = arith.constant 0 : index
      %swap3A_36 = vector.load %arg4[%swap3A_34, %swap3A_35] : memref<1x1024xf32, #tpu.memory_space<vmem>>, vector<1x1024xf32>
      tpu.vector_store %arg4[%swap3A_34, %swap3A_35], %get3A_33 {strides = array<i32>} : memref<1x1024xf32, #tpu.memory_space<vmem>>, vector<1x1024xf32>,
    } else {
    }
    return
  }
  func.func @transform_0(%arg0: i32) -> (i32, i32) {
    %c0_i32 = arith.constant 0 : i32
    %c0_i32_0 = arith.constant 0 : i32
    return %arg0, %c0_i32 : i32, i32
  }
  func.func @transform_1(%arg0: i32) -> (i32, i32) {
    %c0_i32 = arith.constant 0 : i32
    %c0_i32_0 = arith.constant 0 : i32
    return %arg0, %c0_i32 : i32, i32
  }
  func.func @transform_2(%arg0: i32) -> (i32, i32) {
    %c0_i32 = arith.constant 0 : i32
    %c0_i32_0 = arith.constant 0 : i32
    %c0_i32_1 = arith.constant 0 : i32
    return %c0_i32, %c0_i32_0 : i32, i32
  }
  func.func @transform_3(%arg0: i32) -> (i32, i32) {
    %c0_i32 = arith.constant 0 : i32
    %c0_i32_0 = arith.constant 0 : i32
    %c0_i32_1 = arith.constant 0 : i32
    return %c0_i32, %c0_i32_0 : i32, i32
  }
}

module attributes {stable_mosaic.version = 14 : i64} {
  func.func @_route_body(%arg0: memref<2x1024xf32, #tpu.memory_space<vmem>>, %arg1: memref<1024x1024xf32, #tpu.memory_space<vmem>>, %arg2: memref<1x1024xf32, #tpu.memory_space<vmem>>, %arg3: memref<8x1024xf32, #tpu.memory_space<vmem>>, %arg4: memref<1x1024xf32, #tpu.memory_space<vmem>>, %arg5: memref<8x1xf32, #tpu.memory_space<vmem>>, %arg6: memref<8x1xf32, #tpu.memory_space<vmem>>, %arg7: memref<8x1xf32, #tpu.memory_space<vmem>>) attributes {dimension_semantics = [], scalar_prefetch = 0 : i64, scratch_operands = 0 : i64, tpu.core_type = #tpu.core_type<tc>} {
    %get3A = arith.constant 0 : index
    %get3A_0 = arith.constant 0 : index
    %get3A_1 = vector.load %arg0[%get3A, %get3A_0] : memref<2x1024xf32, #tpu.memory_space<vmem>>, vector<2x1024xf32>
    %reduce_sum3A = arith.constant dense<0.000000e+00> : vector<1024xf32>
    %reduce_sum3A_2 = vector.multi_reduction <add>, %get3A_1, %reduce_sum3A [0] : vector<2x1024xf32> to vector<1024xf32>
    %broadcast_in_dim3A = vector.shape_cast %reduce_sum3A_2 : vector<1024xf32> to vector<1x1024xf32>
    %mul3A = arith.constant 6.10351563E-5 : f32
    %mul3A_3 = vector.broadcast %mul3A : f32 to vector<1x1024xf32>
    %mul3A_4 = arith.mulf %broadcast_in_dim3A, %mul3A_3 : vector<1x1024xf32>
    %get3A_5 = arith.constant 0 : index
    %get3A_6 = arith.constant 0 : index
    %get3A_7 = vector.load %arg1[%get3A_5, %get3A_6] : memref<1024x1024xf32, #tpu.memory_space<vmem>>, vector<1024x1024xf32>
    %dot_general3A = arith.constant dense<0.000000e+00> : vector<1x1024xf32>
    %dot_general3A_8 = tpu.matmul %mul3A_4, %get3A_7, %dot_general3A {dimension_numbers = #tpu.dot_dimension_numbers<[1], [0], [0], [1], [0, 0, 1, 1], [], []>, transpose_lhs_hint = false} : vector<1x1024xf32>, vector<1024x1024xf32>, vector<1x1024xf32> -> vector<1x1024xf32>
    %get3A_9 = arith.constant 0 : index
    %get3A_10 = arith.constant 0 : index
    %get3A_11 = vector.load %arg2[%get3A_9, %get3A_10] : memref<1x1024xf32, #tpu.memory_space<vmem>>, vector<1x1024xf32>
    %add3A = arith.addf %dot_general3A_8, %get3A_11 : vector<1x1024xf32>
    %get3A_12 = arith.constant 0 : index
    %get3A_13 = arith.constant 0 : index
    %get3A_14 = vector.load %arg3[%get3A_12, %get3A_13] : memref<8x1024xf32, #tpu.memory_space<vmem>>, vector<8x1024xf32>
    %mul3A_15 = vector.broadcast %add3A : vector<1x1024xf32> to vector<8x1024xf32>
    %mul3A_16 = arith.mulf %get3A_14, %mul3A_15 : vector<8x1024xf32>
    %reduce_sum3A_17 = arith.constant dense<0.000000e+00> : vector<8xf32>
    %reduce_sum3A_18 = vector.multi_reduction <add>, %mul3A_16, %reduce_sum3A_17 [1] : vector<8x1024xf32> to vector<8xf32>
    %broadcast_in_dim3A_19 = vector.shape_cast %reduce_sum3A_18 : vector<8xf32> to vector<8x1xf32>
    %get3A_20 = arith.constant 0 : index
    %get3A_21 = arith.constant 0 : index
    %get3A_22 = vector.load %arg4[%get3A_20, %get3A_21] : memref<1x1024xf32, #tpu.memory_space<vmem>>, vector<1x1024xf32>
    %mul3A_23 = arith.mulf %add3A, %get3A_22 : vector<1x1024xf32>
    %reduce_sum3A_24 = arith.constant dense<0.000000e+00> : vector<1xf32>
    %reduce_sum3A_25 = vector.multi_reduction <add>, %mul3A_23, %reduce_sum3A_24 [1] : vector<1x1024xf32> to vector<1xf32>
    %broadcast_in_dim3A_26 = vector.shape_cast %reduce_sum3A_25 : vector<1xf32> to vector<1x1xf32>
    %max3A = arith.constant 0.000000e+00 : f32
    %max3A_27 = vector.broadcast %max3A : f32 to vector<1x1xf32>
    %max3A_28 = arith.maximumf %broadcast_in_dim3A_26, %max3A_27 : vector<1x1xf32>
    %abs3A = math.absf %broadcast_in_dim3A_26 : vector<1x1xf32>
    %neg3A = arith.constant 0.000000e+00 : f32
    %neg3A_29 = vector.broadcast %neg3A : f32 to vector<1x1xf32>
    %neg3A_30 = arith.subf %neg3A_29, %abs3A : vector<1x1xf32>
    %exp3A = math.exp %neg3A_30 : vector<1x1xf32>
    %log1p3A = math.log1p %exp3A : vector<1x1xf32>
    %add3A_31 = arith.addf %max3A_28, %log1p3A : vector<1x1xf32>
    %get3A_32 = arith.constant 0 : index
    %get3A_33 = arith.constant 0 : index
    %get3A_34 = vector.load %arg5[%get3A_32, %get3A_33] : memref<8x1xf32, #tpu.memory_space<vmem>>, vector<8x1xf32>
    %mul3A_35 = arith.constant 1.000000e+00 : f32
    %mul3A_36 = vector.broadcast %mul3A_35 : f32 to vector<8x1xf32>
    %mul3A_37 = arith.mulf %mul3A_36, %get3A_34 : vector<8x1xf32>
    %mul3A_38 = vector.broadcast %add3A_31 : vector<1x1xf32> to vector<8x1xf32>
    %mul3A_39 = arith.mulf %mul3A_37, %mul3A_38 : vector<8x1xf32>
    %add3A_40 = arith.addf %broadcast_in_dim3A_19, %mul3A_39 : vector<8x1xf32>
    %iota3A = tpu.iota {dimensions = array<i32: 0>} : vector<8x1xi32>
    %reduce_max3A = arith.constant dense<0xFF800000> : vector<1xf32>
    %reduce_max3A_41 = vector.multi_reduction <maximumf>, %add3A_40, %reduce_max3A [0] : vector<8x1xf32> to vector<1xf32>
    %broadcast_in_dim3A_42 = vector.shape_cast %reduce_max3A_41 : vector<1xf32> to vector<1x1xf32>
    %eq3A = vector.broadcast %broadcast_in_dim3A_42 : vector<1x1xf32> to vector<8x1xf32>
    %eq3A_43 = arith.cmpf oeq, %add3A_40, %eq3A : vector<8x1xf32>
    %jit3A = arith.constant 8 : i32
    %broadcast_in_dim3A_44 = vector.broadcast %jit3A : i32 to vector<8x1xi32>
    %select_n3A = arith.select %eq3A_43, %iota3A, %broadcast_in_dim3A_44 : vector<8x1xi1>, vector<8x1xi32>
    %reduce_min3A = arith.constant dense<2147483647> : vector<1xi32>
    %reduce_min3A_45 = vector.multi_reduction <minsi>, %select_n3A, %reduce_min3A [0] : vector<8x1xi32> to vector<1xi32>
    %broadcast_in_dim3A_46 = vector.shape_cast %reduce_min3A_45 : vector<1xi32> to vector<1x1xi32>
    %eq3A_47 = vector.broadcast %broadcast_in_dim3A_46 : vector<1x1xi32> to vector<8x1xi32>
    %eq3A_48 = arith.cmpi eq, %iota3A, %eq3A_47 : vector<8x1xi32>
    %jit3A_49 = arith.constant 0xFF800000 : f32
    %broadcast_in_dim3A_50 = vector.broadcast %jit3A_49 : f32 to vector<8x1xf32>
    %select_n3A_51 = arith.select %eq3A_48, %broadcast_in_dim3A_50, %add3A_40 : vector<8x1xi1>, vector<8x1xf32>
    %reduce_max3A_52 = arith.constant dense<0xFF800000> : vector<1xf32>
    %reduce_max3A_53 = vector.multi_reduction <maximumf>, %select_n3A_51, %reduce_max3A_52 [0] : vector<8x1xf32> to vector<1xf32>
    %broadcast_in_dim3A_54 = vector.shape_cast %reduce_max3A_53 : vector<1xf32> to vector<1x1xf32>
    %eq3A_55 = vector.broadcast %broadcast_in_dim3A_54 : vector<1x1xf32> to vector<8x1xf32>
    %eq3A_56 = arith.cmpf oeq, %select_n3A_51, %eq3A_55 : vector<8x1xf32>
    %jit3A_57 = arith.constant 8 : i32
    %broadcast_in_dim3A_58 = vector.broadcast %jit3A_57 : i32 to vector<8x1xi32>
    %select_n3A_59 = arith.select %eq3A_56, %iota3A, %broadcast_in_dim3A_58 : vector<8x1xi1>, vector<8x1xi32>
    %reduce_min3A_60 = arith.constant dense<2147483647> : vector<1xi32>
    %reduce_min3A_61 = vector.multi_reduction <minsi>, %select_n3A_59, %reduce_min3A_60 [0] : vector<8x1xi32> to vector<1xi32>
    %broadcast_in_dim3A_62 = vector.shape_cast %reduce_min3A_61 : vector<1xi32> to vector<1x1xi32>
    %eq3A_63 = vector.broadcast %broadcast_in_dim3A_62 : vector<1x1xi32> to vector<8x1xi32>
    %eq3A_64 = arith.cmpi eq, %iota3A, %eq3A_63 : vector<8x1xi32>
    %jit3A_65 = arith.constant 0xFF800000 : f32
    %broadcast_in_dim3A_66 = vector.broadcast %jit3A_65 : f32 to vector<8x1xf32>
    %select_n3A_67 = arith.select %eq3A_64, %broadcast_in_dim3A_66, %select_n3A_51 : vector<8x1xi1>, vector<8x1xf32>
    %reduce_max3A_68 = arith.constant dense<0xFF800000> : vector<1xf32>
    %reduce_max3A_69 = vector.multi_reduction <maximumf>, %select_n3A_67, %reduce_max3A_68 [0] : vector<8x1xf32> to vector<1xf32>
    %broadcast_in_dim3A_70 = vector.shape_cast %reduce_max3A_69 : vector<1xf32> to vector<1x1xf32>
    %eq3A_71 = vector.broadcast %broadcast_in_dim3A_70 : vector<1x1xf32> to vector<8x1xf32>
    %eq3A_72 = arith.cmpf oeq, %select_n3A_67, %eq3A_71 : vector<8x1xf32>
    %jit3A_73 = arith.constant 8 : i32
    %broadcast_in_dim3A_74 = vector.broadcast %jit3A_73 : i32 to vector<8x1xi32>
    %select_n3A_75 = arith.select %eq3A_72, %iota3A, %broadcast_in_dim3A_74 : vector<8x1xi1>, vector<8x1xi32>
    %reduce_min3A_76 = arith.constant dense<2147483647> : vector<1xi32>
    %reduce_min3A_77 = vector.multi_reduction <minsi>, %select_n3A_75, %reduce_min3A_76 [0] : vector<8x1xi32> to vector<1xi32>
    %broadcast_in_dim3A_78 = vector.shape_cast %reduce_min3A_77 : vector<1xi32> to vector<1x1xi32>
    %eq3A_79 = vector.broadcast %broadcast_in_dim3A_78 : vector<1x1xi32> to vector<8x1xi32>
    %eq3A_80 = arith.cmpi eq, %iota3A, %eq3A_79 : vector<8x1xi32>
    %jit3A_81 = arith.constant 0xFF800000 : f32
    %broadcast_in_dim3A_82 = vector.broadcast %jit3A_81 : f32 to vector<8x1xf32>
    %select_n3A_83 = arith.select %eq3A_80, %broadcast_in_dim3A_82, %select_n3A_67 : vector<8x1xi1>, vector<8x1xf32>
    %reduce_max3A_84 = arith.constant dense<0xFF800000> : vector<1xf32>
    %reduce_max3A_85 = vector.multi_reduction <maximumf>, %select_n3A_83, %reduce_max3A_84 [0] : vector<8x1xf32> to vector<1xf32>
    %broadcast_in_dim3A_86 = vector.shape_cast %reduce_max3A_85 : vector<1xf32> to vector<1x1xf32>
    %eq3A_87 = vector.broadcast %broadcast_in_dim3A_86 : vector<1x1xf32> to vector<8x1xf32>
    %eq3A_88 = arith.cmpf oeq, %select_n3A_83, %eq3A_87 : vector<8x1xf32>
    %jit3A_89 = arith.constant 8 : i32
    %broadcast_in_dim3A_90 = vector.broadcast %jit3A_89 : i32 to vector<8x1xi32>
    %select_n3A_91 = arith.select %eq3A_88, %iota3A, %broadcast_in_dim3A_90 : vector<8x1xi1>, vector<8x1xi32>
    %reduce_min3A_92 = arith.constant dense<2147483647> : vector<1xi32>
    %reduce_min3A_93 = vector.multi_reduction <minsi>, %select_n3A_91, %reduce_min3A_92 [0] : vector<8x1xi32> to vector<1xi32>
    %broadcast_in_dim3A_94 = vector.shape_cast %reduce_min3A_93 : vector<1xi32> to vector<1x1xi32>
    %sub3A = arith.subf %broadcast_in_dim3A_42, %broadcast_in_dim3A_42 : vector<1x1xf32>
    %exp3A_95 = math.exp %sub3A : vector<1x1xf32>
    %sub3A_96 = arith.subf %broadcast_in_dim3A_54, %broadcast_in_dim3A_42 : vector<1x1xf32>
    %exp3A_97 = math.exp %sub3A_96 : vector<1x1xf32>
    %sub3A_98 = arith.subf %broadcast_in_dim3A_70, %broadcast_in_dim3A_42 : vector<1x1xf32>
    %exp3A_99 = math.exp %sub3A_98 : vector<1x1xf32>
    %sub3A_100 = arith.subf %broadcast_in_dim3A_86, %broadcast_in_dim3A_42 : vector<1x1xf32>
    %exp3A_101 = math.exp %sub3A_100 : vector<1x1xf32>
    %add3A_102 = arith.addf %exp3A_95, %exp3A_97 : vector<1x1xf32>
    %add3A_103 = arith.addf %add3A_102, %exp3A_99 : vector<1x1xf32>
    %add3A_104 = arith.addf %add3A_103, %exp3A_101 : vector<1x1xf32>
    %broadcast_in_dim3A_105 = arith.constant 0.000000e+00 : f32
    %broadcast_in_dim3A_106 = vector.broadcast %broadcast_in_dim3A_105 : f32 to vector<8x1xf32>
    %eq3A_107 = vector.broadcast %broadcast_in_dim3A_46 : vector<1x1xi32> to vector<8x1xi32>
    %eq3A_108 = arith.cmpi eq, %iota3A, %eq3A_107 : vector<8x1xi32>
    %div3A = arith.divf %exp3A_95, %add3A_104 : vector<1x1xf32>
    %jit3A_109 = arith.constant 0.000000e+00 : f32
    %broadcast_in_dim3A_110 = vector.shape_cast %div3A : vector<1x1xf32> to vector<1x1xf32>
    %broadcast_in_dim3A_111 = vector.broadcast %broadcast_in_dim3A_110 : vector<1x1xf32> to vector<8x1xf32>
    %broadcast_in_dim3A_112 = vector.broadcast %jit3A_109 : f32 to vector<8x1xf32>
    %select_n3A_113 = arith.select %eq3A_108, %broadcast_in_dim3A_111, %broadcast_in_dim3A_112 : vector<8x1xi1>, vector<8x1xf32>
    %add3A_114 = arith.addf %broadcast_in_dim3A_106, %select_n3A_113 : vector<8x1xf32>
    %eq3A_115 = vector.broadcast %broadcast_in_dim3A_62 : vector<1x1xi32> to vector<8x1xi32>
    %eq3A_116 = arith.cmpi eq, %iota3A, %eq3A_115 : vector<8x1xi32>
    %div3A_117 = arith.divf %exp3A_97, %add3A_104 : vector<1x1xf32>
    %jit3A_118 = arith.constant 0.000000e+00 : f32
    %broadcast_in_dim3A_119 = vector.shape_cast %div3A_117 : vector<1x1xf32> to vector<1x1xf32>
    %broadcast_in_dim3A_120 = vector.broadcast %broadcast_in_dim3A_119 : vector<1x1xf32> to vector<8x1xf32>
    %broadcast_in_dim3A_121 = vector.broadcast %jit3A_118 : f32 to vector<8x1xf32>
    %select_n3A_122 = arith.select %eq3A_116, %broadcast_in_dim3A_120, %broadcast_in_dim3A_121 : vector<8x1xi1>, vector<8x1xf32>
    %add3A_123 = arith.addf %add3A_114, %select_n3A_122 : vector<8x1xf32>
    %eq3A_124 = vector.broadcast %broadcast_in_dim3A_78 : vector<1x1xi32> to vector<8x1xi32>
    %eq3A_125 = arith.cmpi eq, %iota3A, %eq3A_124 : vector<8x1xi32>
    %div3A_126 = arith.divf %exp3A_99, %add3A_104 : vector<1x1xf32>
    %jit3A_127 = arith.constant 0.000000e+00 : f32
    %broadcast_in_dim3A_128 = vector.shape_cast %div3A_126 : vector<1x1xf32> to vector<1x1xf32>
    %broadcast_in_dim3A_129 = vector.broadcast %broadcast_in_dim3A_128 : vector<1x1xf32> to vector<8x1xf32>
    %broadcast_in_dim3A_130 = vector.broadcast %jit3A_127 : f32 to vector<8x1xf32>
    %select_n3A_131 = arith.select %eq3A_125, %broadcast_in_dim3A_129, %broadcast_in_dim3A_130 : vector<8x1xi1>, vector<8x1xf32>
    %add3A_132 = arith.addf %add3A_123, %select_n3A_131 : vector<8x1xf32>
    %eq3A_133 = vector.broadcast %broadcast_in_dim3A_94 : vector<1x1xi32> to vector<8x1xi32>
    %eq3A_134 = arith.cmpi eq, %iota3A, %eq3A_133 : vector<8x1xi32>
    %div3A_135 = arith.divf %exp3A_101, %add3A_104 : vector<1x1xf32>
    %jit3A_136 = arith.constant 0.000000e+00 : f32
    %broadcast_in_dim3A_137 = vector.shape_cast %div3A_135 : vector<1x1xf32> to vector<1x1xf32>
    %broadcast_in_dim3A_138 = vector.broadcast %broadcast_in_dim3A_137 : vector<1x1xf32> to vector<8x1xf32>
    %broadcast_in_dim3A_139 = vector.broadcast %jit3A_136 : f32 to vector<8x1xf32>
    %select_n3A_140 = arith.select %eq3A_134, %broadcast_in_dim3A_138, %broadcast_in_dim3A_139 : vector<8x1xi1>, vector<8x1xf32>
    %add3A_141 = arith.addf %add3A_132, %select_n3A_140 : vector<8x1xf32>
    %swap3A = arith.constant 0 : index
    %swap3A_142 = arith.constant 0 : index
    %swap3A_143 = vector.load %arg6[%swap3A, %swap3A_142] : memref<8x1xf32, #tpu.memory_space<vmem>>, vector<8x1xf32>
    tpu.vector_store %arg6[%swap3A, %swap3A_142], %add3A_141 {strides = array<i32>} : memref<8x1xf32, #tpu.memory_space<vmem>>, vector<8x1xf32>,
    %swap3A_144 = arith.constant 0 : index
    %swap3A_145 = arith.constant 0 : index
    %swap3A_146 = vector.load %arg7[%swap3A_144, %swap3A_145] : memref<8x1xf32, #tpu.memory_space<vmem>>, vector<8x1xf32>
    tpu.vector_store %arg7[%swap3A_144, %swap3A_145], %add3A_40 {strides = array<i32>} : memref<8x1xf32, #tpu.memory_space<vmem>>, vector<8x1xf32>,
    return
  }
}

</mosaic_0001>

<sc_bundles>
// kernel: kernel.10.cloned.1.call-start
scs
__scs_entry_jumppad:
0x0: {  	(pc) =	sbr.rel $0x88, $3  }
0x1: {  	(tag) =	ssettag $0x0;
	lr =	simm.s32 $0x1  }
0x2: {  	[smem:$0x3F96] =	sst lr;
	_ =	strace $0xD0000000  }
0x3: {  	_ = 	snop  }
0x4: {  	_ = 	snop  }
0x5: {  	_ = 	snop  }
0x6: {  	_ = 	snop  }
0x7: {  	_ = 	snop  }
__scs_overlays_trampoline_lowered:
0x8: {  	[smem:$0x3FA5] =	sst s0  }
0x9: {  	[smem:$0x3FA6] =	sst s1  }
0xa: {  	[smem:$0x3FA7] =	sst s2  }
0xb: {  	[smem:$0x3FA8] =	sst s3  }
0xc: {  	[smem:$0x3FA9] =	sst s4  }
0xd: {  	[smem:$0x3FAA] =	sst s5  }
0xe: {  	[smem:$0x3FAB] =	sst s6  }
0xf: {  	[smem:$0x3FAC] =	sst s7  }
0x10: {  	[smem:$0x3FAD] =	sst s8  }
0x11: {  	[smem:$0x3FAE] =	sst s9;
	s0 =	simm.s32 @!p0 $0x0  }
0x12: {  	s1 =	sld [smem:$0x3F94];
	s0 =	simm.s32 @p0 $0x1  }
0x13: {  	[smem:$0x3FAF] =	sst s0;
	s0 =	simm.s32 @!p1 $0x0  }
0x14: {  	s2 =	sld [smem:$0x3F93];
	s0 =	simm.s32 @p1 $0x1  }
0x15: {  	[smem:$0x3FB0] =	sst s0;
	s0 =	simm.s32 @!p2 $0x0  }
0x16: {  	s3 =	sld [smem:$0x3FDB];
	s0 =	simm.s32 @p2 $0x1  }
0x17: {  	s4 =	simm.s32 $0x1BF5;
	[smem:$0x3FB2] =	sst s0  }
0x18: {  	s0 =	sld [smem:$0x3F95];
	_ =	swait.ge [sflag:s4], $0x0  }
0x19: {  	s7 =	sld [smem:$0x3F96]  }
0x1a: {  	s8 =	sadd.s32 $0xFFFFE003, lr  }
0x1b: {  	s9 =	sadd.s32 $0xFFFFFEF7, lr;
	s5 =	simm.s32 $0xFFFFFFFF;
	p2 =	slt.u32 s8, $0xFFFFF086  }
0x1c: {  	p1 =	slt.u32 s9, $0xF7A;
	s5 =	simm.s32 @!p2 $0x0  }
0x1d: {  	s5 =	simm.s32 @p1 $0x1;
	p0 =	seq.s32 s7, s2  }
0x1e: {  	s7 =	smul.u32 @!p0 $0xF7A, s2;
	p2 =	seq.s32 @!p0 s5, $0x0  }
0x1f: {  	s9 =	smul.u32 $0xF7A, s1;
	s8 =	simm.s32 @!p0 $0x1BF5;
	p2 =	por !p2, p0  }
0x20: {  	[sflag:s8] =	ssyncset.s32 @!p0 $0xFFFFF086;
	s6 =	sadd.s32 @!p0 s3, s7;
	s7 =	simm.s32 @!p0 $0x108  }
0x21: {  	s3 =	sadd.s32 s3, s9;
	s6 =	sadd.s32 @!p0 $0x88, s6;
	s7 =	simm.s32 @p2 $0x1082  }
0x22: {  	[simem:s7], [sflag:s8] =	dma.local @!p0 [hbm:s6], $0xF7A  }
0x23: {  	s9 =	sor.u32 $0xD0000000, s2;
	s6 =	simm.s32 $0x108;
	_ =	swait.ge @!p0 [sflag:s8], $0x0  }
0x24: {  	s3 =	sadd.s32 $0x88, s3;
	s6 =	simm.s32 @!p1 $0x1082;
	[sflag:s4] =	ssyncset.s32 $0xFFFFF086  }
0x25: {  	[simem:s6], [sflag:s4] =	dma.local [hbm:s3], $0xF7A  }
0x26: {  	[smem:$0x3F96] =	sst s1;
	(tag) =	ssettag s2;
	_ =	strace s9  }
0x27: {  	s1 =	sld [smem:$0x3FA6]  }
0x28: {  	s2 =	sld [smem:$0x3FA7]  }
0x29: {  	s4 =	sld [smem:$0x3FA9]  }
0x2a: {  	p0 =	seq.s32 s5, $0x0;
	s5 =	sld [smem:$0x3FAA]  }
0x2b: {  	s6 =	sld [smem:$0x3FAB]  }
0x2c: {  	s7 =	sld [smem:$0x3FAC]  }
0x2d: {  	s3 =	simm.s32 $0x108;
	s8 =	sld [smem:$0x3FAD]  }
0x2e: {  	s3 =	simm.s32 @!p0 $0x1082;
	s9 =	sld [smem:$0x3FAE]  }
0x2f: {  	lr =	sadd.s32 s0, s3;
	s0 =	sld [smem:$0x3FA5]  }
0x30: {  	s3 =	sld [smem:$0x3FA8]  }
0x31: {  	[smem:$0x3FB1] =	sst s10  }
0x32: {  	s10 =	sld [smem:$0x3FAF];
	_ =	sdelay $0x3  }
0x33: {  	p0 =	seq.s32 s10, $0x1;
	s10 =	sld [smem:$0x3FB1];
	_ =	sdelay $0x3  }
0x34: {  	[smem:$0x3FB1] =	sst s10  }
0x35: {  	s10 =	sld [smem:$0x3FB0];
	_ =	sdelay $0x3  }
0x36: {  	p1 =	seq.s32 s10, $0x1;
	s10 =	sld [smem:$0x3FB1];
	_ =	sdelay $0x3  }
0x37: {  	[smem:$0x3FB1] =	sst s10  }
0x38: {  	s10 =	sld [smem:$0x3FB2]  }
0x39: {  	_ = 	snop;
	(pc) =	sbr.ind lr, $3  }
0x3a: {  	_ = 	snop  }
0x3b: {  	_ = 	snop  }
0x3c: {  	p2 =	seq.s32 s10, $0x1;
	s10 =	sld [smem:$0x3FB1]  }
0x3d: {  	_ =	shalt  }
0x3e: {  	_ =	shalt  }
0x3f: {  	_ =	shalt  }
0x40: {  	_ =	shalt  }
0x41: {  	_ =	shalt  }
0x42: {  	_ =	shalt  }
0x43: {  	_ =	shalt  }
0x44: {  	_ =	shalt  }
0x45: {  	_ =	shalt  }
0x46: {  	_ =	shalt  }
0x47: {  	_ =	shalt  }
0x48: {  	_ =	shalt  }
0x49: {  	_ =	shalt  }
0x4a: {  	_ =	shalt  }
0x4b: {  	_ =	shalt  }
0x4c: {  	_ =	shalt  }
0x4d: {  	_ =	shalt  }
0x4e: {  	_ =	shalt  }
0x4f: {  	_ =	shalt  }
0x50: {  	_ =	shalt  }
0x51: {  	_ =	shalt  }
0x52: {  	_ =	shalt  }
0x53: {  	_ =	shalt  }
0x54: {  	_ =	shalt  }
0x55: {  	_ =	shalt  }
0x56: {  	_ =	shalt  }
0x57: {  	_ =	shalt  }
0x58: {  	_ =	shalt  }
0x59: {  	_ =	shalt  }
0x5a: {  	_ =	shalt  }
0x5b: {  	_ =	shalt  }
0x5c: {  	_ =	shalt  }
0x5d: {  	_ =	shalt  }
0x5e: {  	_ =	shalt  }
0x5f: {  	_ =	shalt  }
0x60: {  	_ =	shalt  }
0x61: {  	_ =	shalt  }
0x62: {  	_ =	shalt  }
0x63: {  	_ =	shalt  }
0x64: {  	_ =	shalt  }
0x65: {  	_ =	shalt  }
0x66: {  	_ =	shalt  }
0x67: {  	_ =	shalt  }
0x68: {  	_ =	shalt  }
0x69: {  	_ =	shalt  }
0x6a: {  	_ =	shalt  }
0x6b: {  	_ =	shalt  }
0x6c: {  	_ =	shalt  }
0x6d: {  	_ =	shalt  }
0x6e: {  	_ =	shalt  }
0x6f: {  	_ =	shalt  }
0x70: {  	_ =	shalt  }
0x71: {  	_ =	shalt  }
0x72: {  	_ =	shalt  }
0x73: {  	_ =	shalt  }
0x74: {  	_ =	shalt  }
0x75: {  	_ =	shalt  }
0x76: {  	_ =	shalt  }
0x77: {  	_ =	shalt  }
0x78: {  	_ =	shalt  }
0x79: {  	_ =	shalt  }
0x7a: {  	_ =	shalt  }
0x7b: {  	_ =	shalt  }
0x7c: {  	_ =	shalt  }
0x7d: {  	_ =	shalt  }
0x7e: {  	_ =	shalt  }
0x7f: {  	_ =	shalt  }
0x80: {  	_ =	shalt  }
0x81: {  	_ =	shalt  }
0x82: {  	_ =	shalt  }
0x83: {  	_ =	shalt  }
0x84: {  	_ =	shalt  }
0x85: {  	_ =	shalt  }
0x86: {  	_ =	shalt  }
0x87: {  	_ =	shalt  }
.Lfunc_end0:
.L_simem_size_0:
called_computation_lowered:
.L_overlay_start_0:
0x88: {  	s2 =	sld [smem:$0x3FD9]  }
0x89: {  	s3 =	sld [smem:$0x3FFE];
	_ =	sdelay $0x1  }
0x8a: {  	s1 =	srdreg.scid  }
0x8b: {  	s0 =	sand.u32 $0x1, s1  }
0x8c: {  	s17 =	sshll.u32 s0, $0xA;
	s2 =	sadd.s32 s3, s2  }
0x8d: {  	s2 =	sadd.s32 s2, s17  }
0x8e: {  	[smem:$0x3FBD] =	sst s2  }
0x8f: {  	_ = 	snop  }
0x90: {  	s2 =	sld [smem:$0x3FC7];
	(tm) =	ssettm $0x1  }
0x91: {  	s18 =	sld [smem:$0x3FFB];
	_ =	sdelay $0x3  }
0x92: {  	_ =	strace s18  }
0x93: {  	s3 =	sld [smem:$0x3FFC];
	_ =	sdelay $0x3  }
0x94: {  	_ =	strace s3  }
0x95: {  	s3 =	sld [smem:$0x3FFD];
	_ =	sdelay $0x3  }
0x96: {  	_ =	strace s3  }
0x97: {  	_ =	strace $0x8FFFFFFF  }
0x98: {  	s19 =	sld [smem:$0x3FDB];
	_ =	sdelay $0x1  }
0x99: {  	s4 =	simm.s32 $_scs_section_size  }
0x9a: {  	s5 =	simm.s32 $_size__tile_overlayer_lowered;
	s6 =	simm.s32 $_tile_overlayer_lowered  }
0x9b: {  	s22 =	simm.s32 $0x1BFF;
	s21 =	sshll.u32 s6, $0x1;
	s3 =	sadd.s32 s4, s19  }
0x9c: {  	s7 =	simm.s32 $0x0;
	s20 =	sshll.u32 s5, $0x1;
	s5 =	sadd.s32 s21, s3  }
0x9d: {  	[timem:s7], [sflag:s22] =	dma.local [hbm:s5], s20  }
0x9e: {  	_ =	swait.ge [sflag:s22], s20  }
0x9f: {  	s4 =	ssub.s32 $0x0, s20;
	[sflag:s22] =	ssyncset.done $0x0  }
0xa0: {  	[sflag:s22] =	ssyncadd.s32 s4;
	_ =	sdelay $0x1  }
0xa1: {  	s23 =	simm.s32 $0x1B8B  }
0xa2: {  	_ =	swait.ge [sflag:s23], $0x1  }
0xa3: {  	[sflag:s23] =	ssyncset.done $0x0  }
0xa4: {  	s25 =	simm.s32 $0x1B8E;
	s24 =	sld [smem:$0x3FFE];
	[sflag:s23] =	ssyncadd.s32 $0xFFFFFFFF  }
0xa5: {  	s26 =	simm.s32 $execute0_lowered;
	[smem:$0x3FD2] =	sst s25  }
0xa6: {  	s5 =	sshll.u32 s26, $0x1;
	_ =	strace $0x80000046;
	[dreg:$0x1] =	wrdreg $0xFFFFFFFF  }
0xa7: {  	s28 =	simm.s32 $_size_execute0_lowered;
	s3 =	sadd.s32 s3, s5;
	[dreg:$0x0] =	wrdreg $0x0  }
0xa8: {  	s5 =	sshll.u32 s28, $0x1;
	[dreg:$0x2] =	wrdreg s3  }
0xa9: {  	[dreg:$0x3] =	wrdreg s5  }
0xaa: {  	[dreg:$0x4] =	wrdreg $0xC0  }
0xab: {  	_ =	task [dreg:s7], $0x5FFFF  }
0xac: {  	[dreg:$0x1] =	wrdreg $0xFFFFFFFF  }
0xad: {  	[dreg:$0x0] =	wrdreg $0x60  }
0xae: {  	[dreg:$0x2] =	wrdreg s2  }
0xaf: {  	[dreg:$0x3] =	wrdreg s24  }
0xb0: {  	[dreg:$0x4] =	wrdreg $0x9  }
0xb1: {  	_ =	task.clear_ibuf [dreg:s7], $0x5FFFF;
	_ =	strace $0x90000046  }
0xb2: {  	s29 =	simm.s32 $0x9;
	_ =	strace $0x80000048  }
0xb3: {  	_ =	swait.ge [sflag:s29], $0x1  }
0xb4: {  	[sflag:s29] =	ssyncadd.s32 $0xFFFFFFFF  }
0xb5: {  	_ =	strace $0x90000048  }
0xb6: {  	_ =	sfence  }
0xb7: {  	s30 =	sld [smem:$0x0];
	_ =	sdelay $0x2  }
0xb8: {  	s31 =	sshll.u32 s1, $0xD;
	s1 =	sshrl.u32 s1, $0x2  }
0xb9: {  	s3 =	sand.u32 $0x4000, s31;
	s1 =	sadd.s32 s1, s30  }
0xba: {  	s0 =	sor.u32 s3, s0;
	s1 =	sshll.u32 s1, $0x11  }
0xbb: {  	s0 =	sor.u32 s1, s0  }
0xbc: {  	s0 =	sadd.s32 $0x8F2B, s0  }
0xbd: {  	[sflag:s0] =	ssyncadd.remote.s32 $0x1  }
0xbe: {  	_ =	sfence.sel $0xFFFF  }
0xbf: {  	[dreg:$0x0] =	wrdreg $0xFFFFFFFF;
	(pc) =	sbr.abs _section_cstart, $3  }
0xc0: {  	[dreg:$0x1] =	wrdreg $0xFFFFFFFF  }
0xc1: {  	_ =	task.clear_ibuf [dreg:s7], $0x2FFFF;
	_ =	strace $0x9FFFFFFF  }
0xc2: {  	(tm) =	ssettm $0x7FFFFFFF  }
0xc3: {  	_ =	shalt  }
tec
execute0_lowered:
.L_overlay_start_1:
0x0: {  	(tag) =	ssettag $0x1  }
0x1: {  	s0 =	srdreg.scid;
	s2 =	rddreg [dreg:$0x0]  }
0x2: {  	s1 =	stileid.u32;
	s4 =	rddreg [dreg:$0x1];
	s8 =	simm.s32 $0x3  }
0x3: {  	s9 =	simm.s32 $0x100;
	s28 =	simm.s32 $0x3100;
	s29 =	simm.s32 $0x3900  }
0x4: {  	s30 =	simm.s32 $0x4100;
	s31 =	simm.s32 $0x4900;
	s0 =	sand.u32 $0x1, s0  }
0x5: {  	s16 =	simm.s32 $0x5100;
	s1 =	sshll.u32 s1, $0x9;
	s3 =	sshll.u32 s0, $0x8  }
0x6: {  	s15 =	simm.s32 $0x5900;
	s11 =	simm.s32 $0x6900;
	s1 =	sor.u32 s3, s1  }
0x7: {  	s12 =	simm.s32 $0x7100;
	s13 =	simm.s32 $0x7900;
	s5 =	sshrl.u32 s1, $0x3  }
0x8: {  	s3 =	simm.s32 $0x0;
	s1 =	sshll.u32 s1, $0x7;
	s5 =	sadd.s32 s5, s4  }
0x9: {  	[smem:$0x7FF] =	sst s3;
	s1 =	sadd.s32 s1, s4;
	s18 =	sadd.s32 $0x2600, s5  }
0xa: {  	_ =	strace $0x80000047;
	s19 =	sadd.s32 $0x2E00, s1;
	[dreg:$0x3] =	wrdreg s18  }
0xb: {  	s6 =	sadd.s32 $0x300, s2;
	s20 =	sadd.s32 $0x3E00, s1;
	[dreg:$0x4] =	wrdreg s19  }
0xc: {  	s0 =	ssub.s32 $0x2, s0;
	s21 =	sadd.s32 $0x4E00, s1;
	[dreg:$0x5] =	wrdreg s20  }
0xd: {  	s24 =	sshrl.u32 s0, $0x1;
	s22 =	sadd.s32 $0x5E00, s1;
	[dreg:$0x6] =	wrdreg s21  }
0xe: {  	s0 =	ssub.s32 s0, s24;
	s23 =	sadd.s32 $0x6E00, s1;
	[dreg:$0x7] =	wrdreg s22  }
0xf: {  	s24 =	simm.s32 $0x2100;
	s25 =	sadd.s32 $0x7E00, s1;
	[dreg:$0x8] =	wrdreg s23  }
0x10: {  	s4 =	sadd.s32 $0x100, s2;
	s26 =	sadd.s32 $0x8E00, s1;
	[dreg:$0x9] =	wrdreg s25  }
0x11: {  	s7 =	smax.u32 s0, $0x1;
	s1 =	sadd.s32 $0x9E00, s1;
	[dreg:$0xa] =	wrdreg s26  }
0x12: {  	v2 =	vlaneseq.u32;
	s5 =	sadd.s32 $0x200, s2;
	[dreg:$0xb] =	wrdreg s1;
	s25 =	simm.s32 $0x8100  }
0x13: {  	vm0 =	vmmov $0xffff;
	v1 =	vshrl.u32 v2, $0x3;
	s18 =	simm.s32 $0x1;
	s19 =	simm.s32 $0x2;
	s21 =	simm.s32 $0x900  }
0x14: {  	v0 =	vand.u32 $0x7, v2;
	v2 =	vor.u32 $0x8, v2;
	v1 =	vmul.u32 $0x8, v1;
	s22 =	simm.s32 $0x1100;
	s23 =	simm.s32 $0x1900;
	s26 =	simm.s32 $0x2900  }
.LBB2_1:
0x15: {  	s20 =	rddreg [dreg:$0x3]  }
0x16: {  	[tilespmem:s3], [sflag:$0x3] =	stream.linear.gather [hbm4b:s20+s3], $0x100, $0x38;
	[tilespmem:$0x10100] =	vst v63  }
0x17: {  	_ =	swait.ge [sflag:s8], $0x100  }
0x18: {  	[sflag:s8] =	ssyncset.done $0x0  }
0x19: {  	[sflag:s8] =	ssyncadd.s32 $0xFFFFFF00  }
0x1a: {  	v3 =	vld [tilespmem:$0x0];
	_ =	sdelay $0x4  }
0x1b: {  	v4 =	vshll.u32 v3, $0x3  }
0x1c: {  	v3 =	vand.u32 $0x7, v3;
	v4 =	vand.u32 $0xFFFFFFC0, v4  }
0x1d: {  	v3 =	vor.u32 v3, v4  }
0x1e: {  	v4 =	vperm.xlane v3, v0;
	_ =	sdelay $0x1  }
0x1f: {  	v4 =	vadd.s32 v1, v4;
	_ =	sdelay $0x4  }
0x20: {  	[tilespmem:s9], [sflag:$0x1] =	stream.indirect_vreg.gather [hbm4b:s2+s3], $0x80, v4, vm0, $0xb8;
	[tilespmem:$0x10100] =	vst v63  }
0x21: {  	v3 =	vperm.xlane v3, v2  }
0x22: {  	[tilespmem:s21], [sflag:$0x1] =	stream.indirect_vreg.gather [hbm4b:s4+s3], $0x80, v4, vm0, $0xb8;
	[tilespmem:$0x10100] =	vst v63  }
0x23: {  	v3 =	vadd.s32 v1, v3  }
0x24: {  	[tilespmem:s22], [sflag:$0x1] =	stream.indirect_vreg.gather [hbm4b:s5+s3], $0x80, v4, vm0, $0xb8;
	[tilespmem:$0x10100] =	vst v63  }
0x25: {  	_ = 	snop  }
0x26: {  	[tilespmem:s23], [sflag:$0x1] =	stream.indirect_vreg.gather [hbm4b:s6+s3], $0x80, v4, vm0, $0xb8;
	[tilespmem:$0x10100] =	vst v63  }
0x27: {  	_ = 	snop  }
0x28: {  	[tilespmem:s24], [sflag:$0x1] =	stream.indirect_vreg.gather [hbm4b:s2+s3], $0x80, v3, vm0, $0xb8;
	[tilespmem:$0x10100] =	vst v63  }
0x29: {  	_ = 	snop  }
0x2a: {  	[tilespmem:s26], [sflag:$0x1] =	stream.indirect_vreg.gather [hbm4b:s4+s3], $0x80, v3, vm0, $0xb8;
	[tilespmem:$0x10100] =	vst v63  }
0x2b: {  	_ = 	snop  }
0x2c: {  	[tilespmem:s28], [sflag:$0x1] =	stream.indirect_vreg.gather [hbm4b:s5+s3], $0x80, v3, vm0, $0xb8;
	[tilespmem:$0x10100] =	vst v63  }
0x2d: {  	_ = 	snop  }
0x2e: {  	[tilespmem:s29], [sflag:$0x1] =	stream.indirect_vreg.gather [hbm4b:s6+s3], $0x80, v3, vm0, $0xb8;
	[tilespmem:$0x10100] =	vst v63  }
0x2f: {  	v3 =	vld [tilespmem:$0x10];
	_ =	sdelay $0x4  }
0x30: {  	v49 =	vshll.u32 v3, $0x3  }
0x31: {  	v3 =	vand.u32 $0x7, v3;
	v4 =	vand.u32 $0xFFFFFFC0, v49  }
0x32: {  	v3 =	vor.u32 v3, v4  }
0x33: {  	v4 =	vperm.xlane v3, v0;
	_ =	sdelay $0x1  }
0x34: {  	v4 =	vadd.s32 v1, v4;
	_ =	sdelay $0x4  }
0x35: {  	[tilespmem:s30], [sflag:$0x1] =	stream.indirect_vreg.gather [hbm4b:s2+s3], $0x80, v4, vm0, $0xb8;
	[tilespmem:$0x10100] =	vst v63  }
0x36: {  	v3 =	vperm.xlane v3, v2  }
0x37: {  	[tilespmem:s31], [sflag:$0x1] =	stream.indirect_vreg.gather [hbm4b:s4+s3], $0x80, v4, vm0, $0xb8;
	[tilespmem:$0x10100] =	vst v63  }
0x38: {  	v3 =	vadd.s32 v1, v3  }
0x39: {  	[tilespmem:s16], [sflag:$0x1] =	stream.indirect_vreg.gather [hbm4b:s5+s3], $0x80, v4, vm0, $0xb8;
	[tilespmem:$0x10100] =	vst v63  }
0x3a: {  	_ = 	snop  }
0x3b: {  	[tilespmem:s15], [sflag:$0x1] =	stream.indirect_vreg.gather [hbm4b:s6+s3], $0x80, v4, vm0, $0xb8;
	[tilespmem:$0x10100] =	vst v63  }
0x3c: {  	s10 =	simm.s32 $0x6100  }
0x3d: {  	[tilespmem:s10], [sflag:$0x1] =	stream.indirect_vreg.gather [hbm4b:s2+s3], $0x80, v3, vm0, $0xb8;
	[tilespmem:$0x10100] =	vst v63  }
0x3e: {  	_ = 	snop  }
0x3f: {  	[tilespmem:s11], [sflag:$0x1] =	stream.indirect_vreg.gather [hbm4b:s4+s3], $0x80, v3, vm0, $0xb8;
	[tilespmem:$0x10100] =	vst v63  }
0x40: {  	_ = 	snop  }
0x41: {  	[tilespmem:s12], [sflag:$0x1] =	stream.indirect_vreg.gather [hbm4b:s5+s3], $0x80, v3, vm0, $0xb8;
	[tilespmem:$0x10100] =	vst v63  }
0x42: {  	_ = 	snop  }
0x43: {  	[tilespmem:s13], [sflag:$0x1] =	stream.indirect_vreg.gather [hbm4b:s6+s3], $0x80, v3, vm0, $0xb8;
	[tilespmem:$0x10100] =	vst v63  }
0x44: {  	v3 =	vld [tilespmem:$0x20];
	_ =	sdelay $0x4  }
0x45: {  	v50 =	vshll.u32 v3, $0x3  }
0x46: {  	v3 =	vand.u32 $0x7, v3;
	v4 =	vand.u32 $0xFFFFFFC0, v50  }
0x47: {  	v3 =	vor.u32 v3, v4  }
0x48: {  	v4 =	vperm.xlane v3, v0;
	_ =	sdelay $0x1  }
0x49: {  	v4 =	vadd.s32 v1, v4;
	_ =	sdelay $0x4  }
0x4a: {  	[tilespmem:s25], [sflag:$0x2] =	stream.indirect_vreg.gather [hbm4b:s2+s3], $0x80, v4, vm0, $0xb8;
	[tilespmem:$0x10100] =	vst v63  }
0x4b: {  	s14 =	simm.s32 $0x8900;
	v3 =	vperm.xlane v3, v2  }
0x4c: {  	[tilespmem:s14], [sflag:$0x2] =	stream.indirect_vreg.gather [hbm4b:s4+s3], $0x80, v4, vm0, $0xb8;
	[tilespmem:$0x10100] =	vst v63  }
0x4d: {  	s17 =	simm.s32 $0x9100;
	v3 =	vadd.s32 v1, v3  }
0x4e: {  	[tilespmem:s17], [sflag:$0x2] =	stream.indirect_vreg.gather [hbm4b:s5+s3], $0x80, v4, vm0, $0xb8;
	[tilespmem:$0x10100] =	vst v63  }
0x4f: {  	s20 =	simm.s32 $0x9900  }
0x50: {  	[tilespmem:s20], [sflag:$0x2] =	stream.indirect_vreg.gather [hbm4b:s6+s3], $0x80, v4, vm0, $0xb8;
	[tilespmem:$0x10100] =	vst v63  }
0x51: {  	s1 =	simm.s32 $0xA100  }
0x52: {  	[tilespmem:s1], [sflag:$0x2] =	stream.indirect_vreg.gather [hbm4b:s2+s3], $0x80, v3, vm0, $0xb8;
	[tilespmem:$0x10100] =	vst v63  }
0x53: {  	s17 =	simm.s32 $0xA900  }
0x54: {  	[tilespmem:s17], [sflag:$0x2] =	stream.indirect_vreg.gather [hbm4b:s4+s3], $0x80, v3, vm0, $0xb8;
	[tilespmem:$0x10100] =	vst v63  }
0x55: {  	s1 =	simm.s32 $0xB100  }
0x56: {  	[tilespmem:s1], [sflag:$0x2] =	stream.indirect_vreg.gather [hbm4b:s5+s3], $0x80, v3, vm0, $0xb8;
	[tilespmem:$0x10100] =	vst v63  }
0x57: {  	s14 =	simm.s32 $0xB900  }
0x58: {  	[tilespmem:s14], [sflag:$0x2] =	stream.indirect_vreg.gather [hbm4b:s6+s3], $0x80, v3, vm0, $0xb8;
	[tilespmem:$0x10100] =	vst v63  }
0x59: {  	v3 =	vld [tilespmem:$0x30];
	_ =	sdelay $0x4  }
0x5a: {  	v51 =	vshll.u32 v3, $0x3  }
0x5b: {  	v3 =	vand.u32 $0x7, v3;
	v4 =	vand.u32 $0xFFFFFFC0, v51  }
0x5c: {  	v3 =	vor.u32 v3, v4  }
0x5d: {  	v4 =	vperm.xlane v3, v0;
	_ =	sdelay $0x1  }
0x5e: {  	v4 =	vadd.s32 v1, v4;
	_ =	sdelay $0x3  }
0x5f: {  	s17 =	simm.s32 $0xC100  }
0x60: {  	[tilespmem:s17], [sflag:$0x2] =	stream.indirect_vreg.gather [hbm4b:s2+s3], $0x80, v4, vm0, $0xb8;
	[tilespmem:$0x10100] =	vst v63  }
0x61: {  	s1 =	simm.s32 $0xC900;
	v3 =	vperm.xlane v3, v2  }
0x62: {  	[tilespmem:s1], [sflag:$0x2] =	stream.indirect_vreg.gather [hbm4b:s4+s3], $0x80, v4, vm0, $0xb8;
	[tilespmem:$0x10100] =	vst v63  }
0x63: {  	v3 =	vadd.s32 v1, v3;
	s1 =	simm.s32 $0xD100  }
0x64: {  	[tilespmem:s1], [sflag:$0x2] =	stream.indirect_vreg.gather [hbm4b:s5+s3], $0x80, v4, vm0, $0xb8;
	[tilespmem:$0x10100] =	vst v63  }
0x65: {  	s1 =	simm.s32 $0xD900  }
0x66: {  	[tilespmem:s1], [sflag:$0x2] =	stream.indirect_vreg.gather [hbm4b:s6+s3], $0x80, v4, vm0, $0xb8;
	[tilespmem:$0x10100] =	vst v63  }
0x67: {  	s1 =	simm.s32 $0xE100  }
0x68: {  	[tilespmem:s1], [sflag:$0x2] =	stream.indirect_vreg.gather [hbm4b:s2+s3], $0x80, v3, vm0, $0xb8;
	[tilespmem:$0x10100] =	vst v63  }
0x69: {  	s1 =	simm.s32 $0xE900  }
0x6a: {  	[tilespmem:s1], [sflag:$0x2] =	stream.indirect_vreg.gather [hbm4b:s4+s3], $0x80, v3, vm0, $0xb8;
	[tilespmem:$0x10100] =	vst v63  }
0x6b: {  	s1 =	simm.s32 $0xF100  }
0x6c: {  	[tilespmem:s1], [sflag:$0x2] =	stream.indirect_vreg.gather [hbm4b:s5+s3], $0x80, v3, vm0, $0xb8;
	[tilespmem:$0x10100] =	vst v63  }
0x6d: {  	s1 =	simm.s32 $0xF900  }
0x6e: {  	[tilespmem:s1], [sflag:$0x2] =	stream.indirect_vreg.gather [hbm4b:s6+s3], $0x80, v3, vm0, $0xb8;
	[tilespmem:$0x10100] =	vst v63  }
0x6f: {  	_ =	swait.ge [sflag:s18], $0x8000  }
0x70: {  	[sflag:s18] =	ssyncset.done $0x0  }
0x71: {  	s1 =	rddreg [dreg:$0x4];
	[sflag:s18] =	ssyncadd.s32 $0xFFFF8000  }
0x72: {  	[hbm4b:s1+s3] =	stream.linear.scatter [tilespmem:s9], [sflag:$0x3], $0x8000, $0x38;
	[tilespmem:$0x10100] =	vst v63  }
0x73: {  	_ =	swait.ge [sflag:s8], $0x8000  }
0x74: {  	[sflag:s8] =	ssyncset.done $0x0  }
0x75: {  	[sflag:s8] =	ssyncadd.s32 $0xFFFF8000  }
0x76: {  	v3 =	vld [tilespmem:$0x40];
	_ =	sdelay $0x4  }
0x77: {  	v52 =	vshll.u32 v3, $0x3  }
0x78: {  	v3 =	vand.u32 $0x7, v3;
	v4 =	vand.u32 $0xFFFFFFC0, v52  }
0x79: {  	v3 =	vor.u32 v3, v4  }
0x7a: {  	v4 =	vperm.xlane v3, v0;
	_ =	sdelay $0x1  }
0x7b: {  	v4 =	vadd.s32 v1, v4;
	_ =	sdelay $0x4  }
0x7c: {  	[tilespmem:s9], [sflag:$0x1] =	stream.indirect_vreg.gather [hbm4b:s2+s3], $0x80, v4, vm0, $0xb8;
	[tilespmem:$0x10100] =	vst v63  }
0x7d: {  	v3 =	vperm.xlane v3, v2  }
0x7e: {  	[tilespmem:s21], [sflag:$0x1] =	stream.indirect_vreg.gather [hbm4b:s4+s3], $0x80, v4, vm0, $0xb8;
	[tilespmem:$0x10100] =	vst v63  }
0x7f: {  	v3 =	vadd.s32 v1, v3  }
0x80: {  	[tilespmem:s22], [sflag:$0x1] =	stream.indirect_vreg.gather [hbm4b:s5+s3], $0x80, v4, vm0, $0xb8;
	[tilespmem:$0x10100] =	vst v63  }
0x81: {  	_ = 	snop  }
0x82: {  	[tilespmem:s23], [sflag:$0x1] =	stream.indirect_vreg.gather [hbm4b:s6+s3], $0x80, v4, vm0, $0xb8;
	[tilespmem:$0x10100] =	vst v63  }
0x83: {  	_ = 	snop  }
0x84: {  	[tilespmem:s24], [sflag:$0x1] =	stream.indirect_vreg.gather [hbm4b:s2+s3], $0x80, v3, vm0, $0xb8;
	[tilespmem:$0x10100] =	vst v63  }
0x85: {  	_ = 	snop  }
0x86: {  	[tilespmem:s26], [sflag:$0x1] =	stream.indirect_vreg.gather [hbm4b:s4+s3], $0x80, v3, vm0, $0xb8;
	[tilespmem:$0x10100] =	vst v63  }
0x87: {  	_ = 	snop  }
0x88: {  	[tilespmem:s28], [sflag:$0x1] =	stream.indirect_vreg.gather [hbm4b:s5+s3], $0x80, v3, vm0, $0xb8;
	[tilespmem:$0x10100] =	vst v63  }
0x89: {  	_ = 	snop  }
0x8a: {  	[tilespmem:s29], [sflag:$0x1] =	stream.indirect_vreg.gather [hbm4b:s6+s3], $0x80, v3, vm0, $0xb8;
	[tilespmem:$0x10100] =	vst v63  }
0x8b: {  	v3 =	vld [tilespmem:$0x50];
	_ =	sdelay $0x4  }
0x8c: {  	v53 =	vshll.u32 v3, $0x3  }
0x8d: {  	v3 =	vand.u32 $0x7, v3;
	v4 =	vand.u32 $0xFFFFFFC0, v53  }
0x8e: {  	v3 =	vor.u32 v3, v4  }
0x8f: {  	v4 =	vperm.xlane v3, v0;
	_ =	sdelay $0x1  }
0x90: {  	v4 =	vadd.s32 v1, v4;
	_ =	sdelay $0x4  }
0x91: {  	[tilespmem:s30], [sflag:$0x1] =	stream.indirect_vreg.gather [hbm4b:s2+s3], $0x80, v4, vm0, $0xb8;
	[tilespmem:$0x10100] =	vst v63  }
0x92: {  	v3 =	vperm.xlane v3, v2  }
0x93: {  	[tilespmem:s31], [sflag:$0x1] =	stream.indirect_vreg.gather [hbm4b:s4+s3], $0x80, v4, vm0, $0xb8;
	[tilespmem:$0x10100] =	vst v63  }
0x94: {  	v3 =	vadd.s32 v1, v3  }
0x95: {  	[tilespmem:s16], [sflag:$0x1] =	stream.indirect_vreg.gather [hbm4b:s5+s3], $0x80, v4, vm0, $0xb8;
	[tilespmem:$0x10100] =	vst v63  }
0x96: {  	_ = 	snop  }
0x97: {  	[tilespmem:s15], [sflag:$0x1] =	stream.indirect_vreg.gather [hbm4b:s6+s3], $0x80, v4, vm0, $0xb8;
	[tilespmem:$0x10100] =	vst v63  }
0x98: {  	_ = 	snop  }
0x99: {  	[tilespmem:s10], [sflag:$0x1] =	stream.indirect_vreg.gather [hbm4b:s2+s3], $0x80, v3, vm0, $0xb8;
	[tilespmem:$0x10100] =	vst v63  }
0x9a: {  	_ = 	snop  }
0x9b: {  	[tilespmem:s11], [sflag:$0x1] =	stream.indirect_vreg.gather [hbm4b:s4+s3], $0x80, v3, vm0, $0xb8;
	[tilespmem:$0x10100] =	vst v63  }
0x9c: {  	_ = 	snop  }
0x9d: {  	[tilespmem:s12], [sflag:$0x1] =	stream.indirect_vreg.gather [hbm4b:s5+s3], $0x80, v3, vm0, $0xb8;
	[tilespmem:$0x10100] =	vst v63  }
0x9e: {  	_ = 	snop  }
0x9f: {  	[tilespmem:s13], [sflag:$0x1] =	stream.indirect_vreg.gather [hbm4b:s6+s3], $0x80, v3, vm0, $0xb8;
	[tilespmem:$0x10100] =	vst v63  }
0xa0: {  	_ =	swait.ge [sflag:s19], $0x8000  }
0xa1: {  	[sflag:s19] =	ssyncset.done $0x0  }
0xa2: {  	s1 =	rddreg [dreg:$0x5];
	[sflag:s19] =	ssyncadd.s32 $0xFFFF8000  }
0xa3: {  	[hbm4b:s1+s3] =	stream.linear.scatter [tilespmem:s25], [sflag:$0x3], $0x8000, $0x38;
	[tilespmem:$0x10100] =	vst v63  }
0xa4: {  	_ =	swait.ge [sflag:s8], $0x8000  }
0xa5: {  	[sflag:s8] =	ssyncset.done $0x0  }
0xa6: {  	[sflag:s8] =	ssyncadd.s32 $0xFFFF8000  }
0xa7: {  	v3 =	vld [tilespmem:$0x60];
	_ =	sdelay $0x4  }
0xa8: {  	v54 =	vshll.u32 v3, $0x3  }
0xa9: {  	v3 =	vand.u32 $0x7, v3;
	v4 =	vand.u32 $0xFFFFFFC0, v54  }
0xaa: {  	v3 =	vor.u32 v3, v4  }
0xab: {  	v4 =	vperm.xlane v3, v0;
	_ =	sdelay $0x1  }
0xac: {  	v4 =	vadd.s32 v1, v4;
	_ =	sdelay $0x4  }
0xad: {  	[tilespmem:s25], [sflag:$0x2] =	stream.indirect_vreg.gather [hbm4b:s2+s3], $0x80, v4, vm0, $0xb8;
	[tilespmem:$0x10100] =	vst v63  }
0xae: {  	s0 =	simm.s32 $0x8900;
	v3 =	vperm.xlane v3, v2  }
0xaf: {  	[tilespmem:s0], [sflag:$0x2] =	stream.indirect_vreg.gather [hbm4b:s4+s3], $0x80, v4, vm0, $0xb8;
	[tilespmem:$0x10100] =	vst v63  }
0xb0: {  	v3 =	vadd.s32 v1, v3;
	s0 =	simm.s32 $0x9100  }
0xb1: {  	[tilespmem:s0], [sflag:$0x2] =	stream.indirect_vreg.gather [hbm4b:s5+s3], $0x80, v4, vm0, $0xb8;
	[tilespmem:$0x10100] =	vst v63  }
0xb2: {  	s1 =	simm.s32 $0x9900  }
0xb3: {  	[tilespmem:s1], [sflag:$0x2] =	stream.indirect_vreg.gather [hbm4b:s6+s3], $0x80, v4, vm0, $0xb8;
	[tilespmem:$0x10100] =	vst v63  }
0xb4: {  	s20 =	simm.s32 $0xA100  }
0xb5: {  	[tilespmem:s20], [sflag:$0x2] =	stream.indirect_vreg.gather [hbm4b:s2+s3], $0x80, v3, vm0, $0xb8;
	[tilespmem:$0x10100] =	vst v63  }
0xb6: {  	s20 =	simm.s32 $0xA900  }
0xb7: {  	[tilespmem:s20], [sflag:$0x2] =	stream.indirect_vreg.gather [hbm4b:s4+s3], $0x80, v3, vm0, $0xb8;
	[tilespmem:$0x10100] =	vst v63  }
0xb8: {  	s20 =	simm.s32 $0xB100  }
0xb9: {  	[tilespmem:s20], [sflag:$0x2] =	stream.indirect_vreg.gather [hbm4b:s5+s3], $0x80, v3, vm0, $0xb8;
	[tilespmem:$0x10100] =	vst v63  }
0xba: {  	s14 =	simm.s32 $0xB900  }
0xbb: {  	[tilespmem:s14], [sflag:$0x2] =	stream.indirect_vreg.gather [hbm4b:s6+s3], $0x80, v3, vm0, $0xb8;
	[tilespmem:$0x10100] =	vst v63  }
0xbc: {  	v3 =	vld [tilespmem:$0x70];
	_ =	sdelay $0x4  }
0xbd: {  	v55 =	vshll.u32 v3, $0x3  }
0xbe: {  	v3 =	vand.u32 $0x7, v3;
	v4 =	vand.u32 $0xFFFFFFC0, v55  }
0xbf: {  	v3 =	vor.u32 v3, v4  }
0xc0: {  	v4 =	vperm.xlane v3, v0;
	_ =	sdelay $0x1  }
0xc1: {  	v4 =	vadd.s32 v1, v4;
	_ =	sdelay $0x3  }
0xc2: {  	s17 =	simm.s32 $0xC100  }
0xc3: {  	[tilespmem:s17], [sflag:$0x2] =	stream.indirect_vreg.gather [hbm4b:s2+s3], $0x80, v4, vm0, $0xb8;
	[tilespmem:$0x10100] =	vst v63  }
0xc4: {  	s20 =	simm.s32 $0xC900;
	v3 =	vperm.xlane v3, v2  }
0xc5: {  	[tilespmem:s20], [sflag:$0x2] =	stream.indirect_vreg.gather [hbm4b:s4+s3], $0x80, v4, vm0, $0xb8;
	[tilespmem:$0x10100] =	vst v63  }
0xc6: {  	v3 =	vadd.s32 v1, v3;
	s17 =	simm.s32 $0xD100  }
0xc7: {  	[tilespmem:s17], [sflag:$0x2] =	stream.indirect_vreg.gather [hbm4b:s5+s3], $0x80, v4, vm0, $0xb8;
	[tilespmem:$0x10100] =	vst v63  }
0xc8: {  	s20 =	simm.s32 $0xD900  }
0xc9: {  	[tilespmem:s20], [sflag:$0x2] =	stream.indirect_vreg.gather [hbm4b:s6+s3], $0x80, v4, vm0, $0xb8;
	[tilespmem:$0x10100] =	vst v63  }
0xca: {  	s17 =	simm.s32 $0xE100  }
0xcb: {  	[tilespmem:s17], [sflag:$0x2] =	stream.indirect_vreg.gather [hbm4b:s2+s3], $0x80, v3, vm0, $0xb8;
	[tilespmem:$0x10100] =	vst v63  }
0xcc: {  	s20 =	simm.s32 $0xE900  }
0xcd: {  	[tilespmem:s20], [sflag:$0x2] =	stream.indirect_vreg.gather [hbm4b:s4+s3], $0x80, v3, vm0, $0xb8;
	[tilespmem:$0x10100] =	vst v63  }
0xce: {  	s17 =	simm.s32 $0xF100  }
0xcf: {  	[tilespmem:s17], [sflag:$0x2] =	stream.indirect_vreg.gather [hbm4b:s5+s3], $0x80, v3, vm0, $0xb8;
	[tilespmem:$0x10100] =	vst v63  }
0xd0: {  	s20 =	simm.s32 $0xF900  }
0xd1: {  	[tilespmem:s20], [sflag:$0x2] =	stream.indirect_vreg.gather [hbm4b:s6+s3], $0x80, v3, vm0, $0xb8;
	[tilespmem:$0x10100] =	vst v63  }
0xd2: {  	_ =	swait.ge [sflag:s18], $0x8000  }
0xd3: {  	[sflag:s18] =	ssyncset.done $0x0  }
0xd4: {  	s17 =	rddreg [dreg:$0x6];
	[sflag:s18] =	ssyncadd.s32 $0xFFFF8000  }
0xd5: {  	[hbm4b:s17+s3] =	stream.linear.scatter [tilespmem:s9], [sflag:$0x3], $0x8000, $0x38;
	[tilespmem:$0x10100] =	vst v63  }
0xd6: {  	_ =	swait.ge [sflag:s8], $0x8000  }
0xd7: {  	[sflag:s8] =	ssyncset.done $0x0  }
0xd8: {  	[sflag:s8] =	ssyncadd.s32 $0xFFFF8000  }
0xd9: {  	v3 =	vld [tilespmem:$0x80];
	_ =	sdelay $0x4  }
0xda: {  	v56 =	vshll.u32 v3, $0x3  }
0xdb: {  	v3 =	vand.u32 $0x7, v3;
	v4 =	vand.u32 $0xFFFFFFC0, v56  }
0xdc: {  	v3 =	vor.u32 v3, v4  }
0xdd: {  	v4 =	vperm.xlane v3, v0;
	_ =	sdelay $0x1  }
0xde: {  	v4 =	vadd.s32 v1, v4;
	_ =	sdelay $0x4  }
0xdf: {  	[tilespmem:s9], [sflag:$0x1] =	stream.indirect_vreg.gather [hbm4b:s2+s3], $0x80, v4, vm0, $0xb8;
	[tilespmem:$0x10100] =	vst v63  }
0xe0: {  	v3 =	vperm.xlane v3, v2  }
0xe1: {  	[tilespmem:s21], [sflag:$0x1] =	stream.indirect_vreg.gather [hbm4b:s4+s3], $0x80, v4, vm0, $0xb8;
	[tilespmem:$0x10100] =	vst v63  }
0xe2: {  	v3 =	vadd.s32 v1, v3  }
0xe3: {  	[tilespmem:s22], [sflag:$0x1] =	stream.indirect_vreg.gather [hbm4b:s5+s3], $0x80, v4, vm0, $0xb8;
	[tilespmem:$0x10100] =	vst v63  }
0xe4: {  	_ = 	snop  }
0xe5: {  	[tilespmem:s23], [sflag:$0x1] =	stream.indirect_vreg.gather [hbm4b:s6+s3], $0x80, v4, vm0, $0xb8;
	[tilespmem:$0x10100] =	vst v63  }
0xe6: {  	_ = 	snop  }
0xe7: {  	[tilespmem:s24], [sflag:$0x1] =	stream.indirect_vreg.gather [hbm4b:s2+s3], $0x80, v3, vm0, $0xb8;
	[tilespmem:$0x10100] =	vst v63  }
0xe8: {  	_ = 	snop  }
0xe9: {  	[tilespmem:s26], [sflag:$0x1] =	stream.indirect_vreg.gather [hbm4b:s4+s3], $0x80, v3, vm0, $0xb8;
	[tilespmem:$0x10100] =	vst v63  }
0xea: {  	_ = 	snop  }
0xeb: {  	[tilespmem:s28], [sflag:$0x1] =	stream.indirect_vreg.gather [hbm4b:s5+s3], $0x80, v3, vm0, $0xb8;
	[tilespmem:$0x10100] =	vst v63  }
0xec: {  	_ = 	snop  }
0xed: {  	[tilespmem:s29], [sflag:$0x1] =	stream.indirect_vreg.gather [hbm4b:s6+s3], $0x80, v3, vm0, $0xb8;
	[tilespmem:$0x10100] =	vst v63  }
0xee: {  	v3 =	vld [tilespmem:$0x90];
	_ =	sdelay $0x4  }
0xef: {  	v57 =	vshll.u32 v3, $0x3  }
0xf0: {  	v3 =	vand.u32 $0x7, v3;
	v4 =	vand.u32 $0xFFFFFFC0, v57  }
0xf1: {  	v3 =	vor.u32 v3, v4  }
0xf2: {  	v4 =	vperm.xlane v3, v0;
	_ =	sdelay $0x1  }
0xf3: {  	v4 =	vadd.s32 v1, v4;
	_ =	sdelay $0x4  }
0xf4: {  	[tilespmem:s30], [sflag:$0x1] =	stream.indirect_vreg.gather [hbm4b:s2+s3], $0x80, v4, vm0, $0xb8;
	[tilespmem:$0x10100] =	vst v63  }
0xf5: {  	v3 =	vperm.xlane v3, v2  }
0xf6: {  	[tilespmem:s31], [sflag:$0x1] =	stream.indirect_vreg.gather [hbm4b:s4+s3], $0x80, v4, vm0, $0xb8;
	[tilespmem:$0x10100] =	vst v63  }
0xf7: {  	v3 =	vadd.s32 v1, v3  }
0xf8: {  	[tilespmem:s16], [sflag:$0x1] =	stream.indirect_vreg.gather [hbm4b:s5+s3], $0x80, v4, vm0, $0xb8;
	[tilespmem:$0x10100] =	vst v63  }
0xf9: {  	_ = 	snop  }
0xfa: {  	[tilespmem:s15], [sflag:$0x1] =	stream.indirect_vreg.gather [hbm4b:s6+s3], $0x80, v4, vm0, $0xb8;
	[tilespmem:$0x10100] =	vst v63  }
0xfb: {  	_ = 	snop  }
0xfc: {  	[tilespmem:s10], [sflag:$0x1] =	stream.indirect_vreg.gather [hbm4b:s2+s3], $0x80, v3, vm0, $0xb8;
	[tilespmem:$0x10100] =	vst v63  }
0xfd: {  	_ = 	snop  }
0xfe: {  	[tilespmem:s11], [sflag:$0x1] =	stream.indirect_vreg.gather [hbm4b:s4+s3], $0x80, v3, vm0, $0xb8;
	[tilespmem:$0x10100] =	vst v63  }
0xff: {  	_ = 	snop  }
0x100: {  	[tilespmem:s12], [sflag:$0x1] =	stream.indirect_vreg.gather [hbm4b:s5+s3], $0x80, v3, vm0, $0xb8;
	[tilespmem:$0x10100] =	vst v63  }
0x101: {  	_ = 	snop  }
0x102: {  	[tilespmem:s13], [sflag:$0x1] =	stream.indirect_vreg.gather [hbm4b:s6+s3], $0x80, v3, vm0, $0xb8;
	[tilespmem:$0x10100] =	vst v63  }
0x103: {  	_ =	swait.ge [sflag:s19], $0x8000  }
0x104: {  	[sflag:s19] =	ssyncset.done $0x0  }
0x105: {  	s14 =	rddreg [dreg:$0x7];
	[sflag:s19] =	ssyncadd.s32 $0xFFFF8000  }
0x106: {  	[hbm4b:s14+s3] =	stream.linear.scatter [tilespmem:s25], [sflag:$0x3], $0x8000, $0x38;
	[tilespmem:$0x10100] =	vst v63  }
0x107: {  	_ =	swait.ge [sflag:s8], $0x8000  }
0x108: {  	[sflag:s8] =	ssyncset.done $0x0  }
0x109: {  	[sflag:s8] =	ssyncadd.s32 $0xFFFF8000  }
0x10a: {  	v3 =	vld [tilespmem:$0xA0];
	_ =	sdelay $0x4  }
0x10b: {  	v58 =	vshll.u32 v3, $0x3  }
0x10c: {  	v3 =	vand.u32 $0x7, v3;
	v4 =	vand.u32 $0xFFFFFFC0, v58  }
0x10d: {  	v3 =	vor.u32 v3, v4  }
0x10e: {  	v4 =	vperm.xlane v3, v0;
	_ =	sdelay $0x1  }
0x10f: {  	v4 =	vadd.s32 v1, v4;
	_ =	sdelay $0x4  }
0x110: {  	[tilespmem:s25], [sflag:$0x2] =	stream.indirect_vreg.gather [hbm4b:s2+s3], $0x80, v4, vm0, $0xb8;
	[tilespmem:$0x10100] =	vst v63  }
0x111: {  	s17 =	simm.s32 $0x8900;
	v3 =	vperm.xlane v3, v2  }
0x112: {  	[tilespmem:s17], [sflag:$0x2] =	stream.indirect_vreg.gather [hbm4b:s4+s3], $0x80, v4, vm0, $0xb8;
	[tilespmem:$0x10100] =	vst v63  }
0x113: {  	v3 =	vadd.s32 v1, v3  }
0x114: {  	[tilespmem:s0], [sflag:$0x2] =	stream.indirect_vreg.gather [hbm4b:s5+s3], $0x80, v4, vm0, $0xb8;
	[tilespmem:$0x10100] =	vst v63  }
0x115: {  	_ = 	snop  }
0x116: {  	[tilespmem:s1], [sflag:$0x2] =	stream.indirect_vreg.gather [hbm4b:s6+s3], $0x80, v4, vm0, $0xb8;
	[tilespmem:$0x10100] =	vst v63  }
0x117: {  	s20 =	simm.s32 $0xA100  }
0x118: {  	[tilespmem:s20], [sflag:$0x2] =	stream.indirect_vreg.gather [hbm4b:s2+s3], $0x80, v3, vm0, $0xb8;
	[tilespmem:$0x10100] =	vst v63  }
0x119: {  	s17 =	simm.s32 $0xA900  }
0x11a: {  	[tilespmem:s17], [sflag:$0x2] =	stream.indirect_vreg.gather [hbm4b:s4+s3], $0x80, v3, vm0, $0xb8;
	[tilespmem:$0x10100] =	vst v63  }
0x11b: {  	s20 =	simm.s32 $0xB100  }
0x11c: {  	[tilespmem:s20], [sflag:$0x2] =	stream.indirect_vreg.gather [hbm4b:s5+s3], $0x80, v3, vm0, $0xb8;
	[tilespmem:$0x10100] =	vst v63  }
0x11d: {  	s20 =	simm.s32 $0xB900  }
0x11e: {  	[tilespmem:s20], [sflag:$0x2] =	stream.indirect_vreg.gather [hbm4b:s6+s3], $0x80, v3, vm0, $0xb8;
	[tilespmem:$0x10100] =	vst v63  }
0x11f: {  	v3 =	vld [tilespmem:$0xB0];
	_ =	sdelay $0x4  }
0x120: {  	v59 =	vshll.u32 v3, $0x3  }
0x121: {  	v3 =	vand.u32 $0x7, v3;
	v4 =	vand.u32 $0xFFFFFFC0, v59  }
0x122: {  	v3 =	vor.u32 v3, v4  }
0x123: {  	v4 =	vperm.xlane v3, v0;
	_ =	sdelay $0x1  }
0x124: {  	v4 =	vadd.s32 v1, v4;
	_ =	sdelay $0x3  }
0x125: {  	s20 =	simm.s32 $0xC100  }
0x126: {  	[tilespmem:s20], [sflag:$0x2] =	stream.indirect_vreg.gather [hbm4b:s2+s3], $0x80, v4, vm0, $0xb8;
	[tilespmem:$0x10100] =	vst v63  }
0x127: {  	v3 =	vperm.xlane v3, v2;
	s20 =	simm.s32 $0xC900  }
0x128: {  	[tilespmem:s20], [sflag:$0x2] =	stream.indirect_vreg.gather [hbm4b:s4+s3], $0x80, v4, vm0, $0xb8;
	[tilespmem:$0x10100] =	vst v63  }
0x129: {  	v3 =	vadd.s32 v1, v3;
	s20 =	simm.s32 $0xD100  }
0x12a: {  	[tilespmem:s20], [sflag:$0x2] =	stream.indirect_vreg.gather [hbm4b:s5+s3], $0x80, v4, vm0, $0xb8;
	[tilespmem:$0x10100] =	vst v63  }
0x12b: {  	s20 =	simm.s32 $0xD900  }
0x12c: {  	[tilespmem:s20], [sflag:$0x2] =	stream.indirect_vreg.gather [hbm4b:s6+s3], $0x80, v4, vm0, $0xb8;
	[tilespmem:$0x10100] =	vst v63  }
0x12d: {  	s20 =	simm.s32 $0xE100  }
0x12e: {  	[tilespmem:s20], [sflag:$0x2] =	stream.indirect_vreg.gather [hbm4b:s2+s3], $0x80, v3, vm0, $0xb8;
	[tilespmem:$0x10100] =	vst v63  }
0x12f: {  	s20 =	simm.s32 $0xE900  }
0x130: {  	[tilespmem:s20], [sflag:$0x2] =	stream.indirect_vreg.gather [hbm4b:s4+s3], $0x80, v3, vm0, $0xb8;
	[tilespmem:$0x10100] =	vst v63  }
0x131: {  	s20 =	simm.s32 $0xF100  }
0x132: {  	[tilespmem:s20], [sflag:$0x2] =	stream.indirect_vreg.gather [hbm4b:s5+s3], $0x80, v3, vm0, $0xb8;
	[tilespmem:$0x10100] =	vst v63  }
0x133: {  	s20 =	simm.s32 $0xF900  }
0x134: {  	[tilespmem:s20], [sflag:$0x2] =	stream.indirect_vreg.gather [hbm4b:s6+s3], $0x80, v3, vm0, $0xb8;
	[tilespmem:$0x10100] =	vst v63  }
0x135: {  	_ =	swait.ge [sflag:s18], $0x8000  }
0x136: {  	[sflag:s18] =	ssyncset.done $0x0  }
0x137: {  	s20 =	rddreg [dreg:$0x8];
	[sflag:s18] =	ssyncadd.s32 $0xFFFF8000  }
0x138: {  	[hbm4b:s20+s3] =	stream.linear.scatter [tilespmem:s9], [sflag:$0x3], $0x8000, $0x38;
	[tilespmem:$0x10100] =	vst v63  }
0x139: {  	_ =	swait.ge [sflag:s8], $0x8000  }
0x13a: {  	[sflag:s8] =	ssyncset.done $0x0  }
0x13b: {  	[sflag:s8] =	ssyncadd.s32 $0xFFFF8000  }
0x13c: {  	v3 =	vld [tilespmem:$0xC0];
	_ =	sdelay $0x4  }
0x13d: {  	v60 =	vshll.u32 v3, $0x3  }
0x13e: {  	v3 =	vand.u32 $0x7, v3;
	v4 =	vand.u32 $0xFFFFFFC0, v60  }
0x13f: {  	v3 =	vor.u32 v3, v4  }
0x140: {  	v4 =	vperm.xlane v3, v0;
	_ =	sdelay $0x1  }
0x141: {  	v4 =	vadd.s32 v1, v4;
	_ =	sdelay $0x4  }
0x142: {  	[tilespmem:s9], [sflag:$0x1] =	stream.indirect_vreg.gather [hbm4b:s2+s3], $0x80, v4, vm0, $0xb8;
	[tilespmem:$0x10100] =	vst v63  }
0x143: {  	v3 =	vperm.xlane v3, v2  }
0x144: {  	[tilespmem:s21], [sflag:$0x1] =	stream.indirect_vreg.gather [hbm4b:s4+s3], $0x80, v4, vm0, $0xb8;
	[tilespmem:$0x10100] =	vst v63  }
0x145: {  	v3 =	vadd.s32 v1, v3  }
0x146: {  	[tilespmem:s22], [sflag:$0x1] =	stream.indirect_vreg.gather [hbm4b:s5+s3], $0x80, v4, vm0, $0xb8;
	[tilespmem:$0x10100] =	vst v63  }
0x147: {  	_ = 	snop  }
0x148: {  	[tilespmem:s23], [sflag:$0x1] =	stream.indirect_vreg.gather [hbm4b:s6+s3], $0x80, v4, vm0, $0xb8;
	[tilespmem:$0x10100] =	vst v63  }
0x149: {  	_ = 	snop  }
0x14a: {  	[tilespmem:s24], [sflag:$0x1] =	stream.indirect_vreg.gather [hbm4b:s2+s3], $0x80, v3, vm0, $0xb8;
	[tilespmem:$0x10100] =	vst v63  }
0x14b: {  	_ = 	snop  }
0x14c: {  	[tilespmem:s26], [sflag:$0x1] =	stream.indirect_vreg.gather [hbm4b:s4+s3], $0x80, v3, vm0, $0xb8;
	[tilespmem:$0x10100] =	vst v63  }
0x14d: {  	_ = 	snop  }
0x14e: {  	[tilespmem:s28], [sflag:$0x1] =	stream.indirect_vreg.gather [hbm4b:s5+s3], $0x80, v3, vm0, $0xb8;
	[tilespmem:$0x10100] =	vst v63  }
0x14f: {  	_ = 	snop  }
0x150: {  	[tilespmem:s29], [sflag:$0x1] =	stream.indirect_vreg.gather [hbm4b:s6+s3], $0x80, v3, vm0, $0xb8;
	[tilespmem:$0x10100] =	vst v63  }
0x151: {  	v3 =	vld [tilespmem:$0xD0];
	_ =	sdelay $0x4  }
0x152: {  	v61 =	vshll.u32 v3, $0x3  }
0x153: {  	v3 =	vand.u32 $0x7, v3;
	v4 =	vand.u32 $0xFFFFFFC0, v61  }
0x154: {  	v3 =	vor.u32 v3, v4  }
0x155: {  	v4 =	vperm.xlane v3, v0;
	_ =	sdelay $0x1  }
0x156: {  	v4 =	vadd.s32 v1, v4;
	_ =	sdelay $0x4  }
0x157: {  	[tilespmem:s30], [sflag:$0x1] =	stream.indirect_vreg.gather [hbm4b:s2+s3], $0x80, v4, vm0, $0xb8;
	[tilespmem:$0x10100] =	vst v63  }
0x158: {  	v3 =	vperm.xlane v3, v2  }
0x159: {  	[tilespmem:s31], [sflag:$0x1] =	stream.indirect_vreg.gather [hbm4b:s4+s3], $0x80, v4, vm0, $0xb8;
	[tilespmem:$0x10100] =	vst v63  }
0x15a: {  	v3 =	vadd.s32 v1, v3  }
0x15b: {  	[tilespmem:s16], [sflag:$0x1] =	stream.indirect_vreg.gather [hbm4b:s5+s3], $0x80, v4, vm0, $0xb8;
	[tilespmem:$0x10100] =	vst v63  }
0x15c: {  	_ = 	snop  }
0x15d: {  	[tilespmem:s15], [sflag:$0x1] =	stream.indirect_vreg.gather [hbm4b:s6+s3], $0x80, v4, vm0, $0xb8;
	[tilespmem:$0x10100] =	vst v63  }
0x15e: {  	_ = 	snop  }
0x15f: {  	[tilespmem:s10], [sflag:$0x1] =	stream.indirect_vreg.gather [hbm4b:s2+s3], $0x80, v3, vm0, $0xb8;
	[tilespmem:$0x10100] =	vst v63  }
0x160: {  	_ = 	snop  }
0x161: {  	[tilespmem:s11], [sflag:$0x1] =	stream.indirect_vreg.gather [hbm4b:s4+s3], $0x80, v3, vm0, $0xb8;
	[tilespmem:$0x10100] =	vst v63  }
0x162: {  	_ = 	snop  }
0x163: {  	[tilespmem:s12], [sflag:$0x1] =	stream.indirect_vreg.gather [hbm4b:s5+s3], $0x80, v3, vm0, $0xb8;
	[tilespmem:$0x10100] =	vst v63  }
0x164: {  	_ = 	snop  }
0x165: {  	[tilespmem:s13], [sflag:$0x1] =	stream.indirect_vreg.gather [hbm4b:s6+s3], $0x80, v3, vm0, $0xb8;
	[tilespmem:$0x10100] =	vst v63  }
0x166: {  	_ =	swait.ge [sflag:s19], $0x8000  }
0x167: {  	[sflag:s19] =	ssyncset.done $0x0  }
0x168: {  	s10 =	rddreg [dreg:$0x9];
	[sflag:s19] =	ssyncadd.s32 $0xFFFF8000  }
0x169: {  	[hbm4b:s10+s3] =	stream.linear.scatter [tilespmem:s25], [sflag:$0x3], $0x8000, $0x38;
	[tilespmem:$0x10100] =	vst v63  }
0x16a: {  	_ =	swait.ge [sflag:s8], $0x8000  }
0x16b: {  	[sflag:s8] =	ssyncset.done $0x0  }
0x16c: {  	[sflag:s8] =	ssyncadd.s32 $0xFFFF8000  }
0x16d: {  	v3 =	vld [tilespmem:$0xE0];
	_ =	sdelay $0x4  }
0x16e: {  	v62 =	vshll.u32 v3, $0x3  }
0x16f: {  	v3 =	vand.u32 $0x7, v3;
	v4 =	vand.u32 $0xFFFFFFC0, v62  }
0x170: {  	v3 =	vor.u32 v3, v4  }
0x171: {  	v4 =	vperm.xlane v3, v0;
	_ =	sdelay $0x1  }
0x172: {  	v4 =	vadd.s32 v1, v4;
	_ =	sdelay $0x4  }
0x173: {  	[tilespmem:s25], [sflag:$0x2] =	stream.indirect_vreg.gather [hbm4b:s2+s3], $0x80, v4, vm0, $0xb8;
	[tilespmem:$0x10100] =	vst v63  }
0x174: {  	s20 =	simm.s32 $0x8900;
	v3 =	vperm.xlane v3, v2  }
0x175: {  	[tilespmem:s20], [sflag:$0x2] =	stream.indirect_vreg.gather [hbm4b:s4+s3], $0x80, v4, vm0, $0xb8;
	[tilespmem:$0x10100] =	vst v63  }
0x176: {  	s0 =	simm.s32 $0x9100;
	v3 =	vadd.s32 v1, v3  }
0x177: {  	[tilespmem:s0], [sflag:$0x2] =	stream.indirect_vreg.gather [hbm4b:s5+s3], $0x80, v4, vm0, $0xb8;
	[tilespmem:$0x10100] =	vst v63  }
0x178: {  	s1 =	simm.s32 $0x9900  }
0x179: {  	[tilespmem:s1], [sflag:$0x2] =	stream.indirect_vreg.gather [hbm4b:s6+s3], $0x80, v4, vm0, $0xb8;
	[tilespmem:$0x10100] =	vst v63  }
0x17a: {  	s10 =	simm.s32 $0xA100  }
0x17b: {  	[tilespmem:s10], [sflag:$0x2] =	stream.indirect_vreg.gather [hbm4b:s2+s3], $0x80, v3, vm0, $0xb8;
	[tilespmem:$0x10100] =	vst v63  }
0x17c: {  	s14 =	simm.s32 $0xA900  }
0x17d: {  	[tilespmem:s14], [sflag:$0x2] =	stream.indirect_vreg.gather [hbm4b:s4+s3], $0x80, v3, vm0, $0xb8;
	[tilespmem:$0x10100] =	vst v63  }
0x17e: {  	s17 =	simm.s32 $0xB100  }
0x17f: {  	[tilespmem:s17], [sflag:$0x2] =	stream.indirect_vreg.gather [hbm4b:s5+s3], $0x80, v3, vm0, $0xb8;
	[tilespmem:$0x10100] =	vst v63  }
0x180: {  	s17 =	simm.s32 $0xB900  }
0x181: {  	[tilespmem:s17], [sflag:$0x2] =	stream.indirect_vreg.gather [hbm4b:s6+s3], $0x80, v3, vm0, $0xb8;
	[tilespmem:$0x10100] =	vst v63  }
0x182: {  	v3 =	vld [tilespmem:$0xF0];
	_ =	sdelay $0x4  }
0x183: {  	v63 =	vshll.u32 v3, $0x3  }
0x184: {  	v3 =	vand.u32 $0x7, v3;
	v4 =	vand.u32 $0xFFFFFFC0, v63  }
0x185: {  	v3 =	vor.u32 v3, v4  }
0x186: {  	v4 =	vperm.xlane v3, v0;
	_ =	sdelay $0x1  }
0x187: {  	v4 =	vadd.s32 v1, v4;
	_ =	sdelay $0x3  }
0x188: {  	s20 =	simm.s32 $0xC100  }
0x189: {  	[tilespmem:s20], [sflag:$0x2] =	stream.indirect_vreg.gather [hbm4b:s2+s3], $0x80, v4, vm0, $0xb8;
	[tilespmem:$0x10100] =	vst v63  }
0x18a: {  	s1 =	simm.s32 $0xC900;
	v3 =	vperm.xlane v3, v2  }
0x18b: {  	[tilespmem:s1], [sflag:$0x2] =	stream.indirect_vreg.gather [hbm4b:s4+s3], $0x80, v4, vm0, $0xb8;
	[tilespmem:$0x10100] =	vst v63  }
0x18c: {  	s10 =	simm.s32 $0xD100;
	v3 =	vadd.s32 v1, v3  }
0x18d: {  	[tilespmem:s10], [sflag:$0x2] =	stream.indirect_vreg.gather [hbm4b:s5+s3], $0x80, v4, vm0, $0xb8;
	[tilespmem:$0x10100] =	vst v63  }
0x18e: {  	s14 =	simm.s32 $0xD900  }
0x18f: {  	[tilespmem:s14], [sflag:$0x2] =	stream.indirect_vreg.gather [hbm4b:s6+s3], $0x80, v4, vm0, $0xb8;
	[tilespmem:$0x10100] =	vst v63  }
0x190: {  	s17 =	simm.s32 $0xE100  }
0x191: {  	[tilespmem:s17], [sflag:$0x2] =	stream.indirect_vreg.gather [hbm4b:s2+s3], $0x80, v3, vm0, $0xb8;
	[tilespmem:$0x10100] =	vst v63  }
0x192: {  	s20 =	simm.s32 $0xE900  }
0x193: {  	[tilespmem:s20], [sflag:$0x2] =	stream.indirect_vreg.gather [hbm4b:s4+s3], $0x80, v3, vm0, $0xb8;
	[tilespmem:$0x10100] =	vst v63  }
0x194: {  	s1 =	simm.s32 $0xF100  }
0x195: {  	[tilespmem:s1], [sflag:$0x2] =	stream.indirect_vreg.gather [hbm4b:s5+s3], $0x80, v3, vm0, $0xb8;
	[tilespmem:$0x10100] =	vst v63  }
0x196: {  	s10 =	simm.s32 $0xF900  }
0x197: {  	[tilespmem:s10], [sflag:$0x2] =	stream.indirect_vreg.gather [hbm4b:s6+s3], $0x80, v3, vm0, $0xb8;
	[tilespmem:$0x10100] =	vst v63  }
0x198: {  	_ =	swait.ge [sflag:s18], $0x8000  }
0x199: {  	[sflag:s18] =	ssyncset.done $0x0  }
0x19a: {  	s14 =	rddreg [dreg:$0xa];
	[sflag:s18] =	ssyncadd.s32 $0xFFFF8000  }
0x19b: {  	[hbm4b:s14+s3] =	stream.linear.scatter [tilespmem:s9], [sflag:$0x3], $0x8000, $0x38;
	[tilespmem:$0x10100] =	vst v63  }
0x19c: {  	_ =	swait.ge [sflag:s8], $0x8000  }
0x19d: {  	[sflag:s8] =	ssyncset.done $0x0  }
0x19e: {  	[sflag:s8] =	ssyncadd.s32 $0xFFFF8000  }
0x19f: {  	_ =	swait.ge [sflag:s19], $0x8000  }
0x1a0: {  	p0 =	sne.s32 s7, $0x1;
	[sflag:s19] =	ssyncset.done $0x0  }
.Ltmp0:
0x1a1: {  	s17 =	rddreg [dreg:$0xb];
	[sflag:s19] =	ssyncadd.s32 $0xFFFF8000;
	(pc) =	sbr.rel @p0 .LBB2_1-.Ltmp0, $4  }
0x1a2: {  	[hbm4b:s17+s3] =	stream.linear.scatter [tilespmem:s25], [sflag:$0x3], $0x8000, $0x38;
	[tilespmem:$0x10100] =	vst v63  }
0x1a3: {  	_ =	swait.ge [sflag:s8], $0x8000  }
0x1a4: {  	[sflag:s8] =	ssyncset.done $0x0  }
0x1a5: {  	s7 =	sadd.s32 $0xFFFFFFFF, s7;
	[sflag:s8] =	ssyncadd.s32 $0xFFFF8000  }
0x1a6: {  	_ =	sfence.sel $0x180000  }
0x1a7: {  	[bflag:$0x0] =	sbarrier.arrive $0xFFFF  }
0x1a8: {  	_ =	strace $0x90000047  }
0x1a9: {  	s0 =	stileid.u32;
	[bflag:$0x2] =	sbarrier.arrive $0xFFFF  }
0x1aa: {  	p0 =	sne.s32 s0, $0x0;
	s0 =	rddreg [dreg:$0x2]  }
0x1ab: {  	s0 =	sadd.s32 @!p0 $0x100000, s0  }
0x1ac: {  	[sflag:s0] =	ssyncadd.tile.s32 @!p0 $0x1;
	_ =	shalt  }
.Lfunc_end2:
_tile_overlayer_lowered:
.L_overlay_start_2:
0x1ad: {  	(tag) =	ssettag $0x2  }
0x1ae: {  	s0 =	rddreg [dreg:$0x0];
	s2 =	stileid.u32  }
0x1af: {  	s1 =	rddreg [dreg:$0x1];
	p0 =	sne.s32 s2, $0x0  }
0x1b0: {  	s3 =	rddreg [dreg:$0x2];
	[bflag:$0x3] =	sbarrier.arrive $0xFFFF;
	s2 =	simm.s32 @!p0 $0x1C03  }
0x1b1: {  	[timem:s3], [sflag:s2] =	dma.local @!p0 [hbm:s0], s1  }
0x1b2: {  	s0 =	simm.s32 @!p0 $0x3  }
0x1b3: {  	_ =	swait.ge @!p0 [sflag:s0], s1  }
0x1b4: {  	s1 =	ssub.s32 @!p0 $0x0, s1;
	[sflag:s0] =	ssyncset.done @!p0 $0x0  }
0x1b5: {  	[sflag:s0] =	ssyncadd.s32 @!p0 s1  }
0x1b6: {  	[bflag:$0x3] =	sbarrier.arrive $0xFFFF  }
0x1b7: {  	_ =	shalt  }

// kernel: kernel.13.cloned.1.call-start
scs
__scs_entry_jumppad:
0x0: {  	(pc) =	sbr.rel $0x88, $3  }
0x1: {  	(tag) =	ssettag $0x0;
	lr =	simm.s32 $0x1  }
0x2: {  	[smem:$0x3F96] =	sst lr;
	_ =	strace $0xD0000000  }
0x3: {  	_ = 	snop  }
0x4: {  	_ = 	snop  }
0x5: {  	_ = 	snop  }
0x6: {  	_ = 	snop  }
0x7: {  	_ = 	snop  }
__scs_overlays_trampoline_lowered:
0x8: {  	[smem:$0x3FA5] =	sst s0  }
0x9: {  	[smem:$0x3FA6] =	sst s1  }
0xa: {  	[smem:$0x3FA7] =	sst s2  }
0xb: {  	[smem:$0x3FA8] =	sst s3  }
0xc: {  	[smem:$0x3FA9] =	sst s4  }
0xd: {  	[smem:$0x3FAA] =	sst s5  }
0xe: {  	[smem:$0x3FAB] =	sst s6  }
0xf: {  	[smem:$0x3FAC] =	sst s7  }
0x10: {  	[smem:$0x3FAD] =	sst s8  }
0x11: {  	[smem:$0x3FAE] =	sst s9;
	s0 =	simm.s32 @!p0 $0x0  }
0x12: {  	s1 =	sld [smem:$0x3F94];
	s0 =	simm.s32 @p0 $0x1  }
0x13: {  	[smem:$0x3FAF] =	sst s0;
	s0 =	simm.s32 @!p1 $0x0  }
0x14: {  	s2 =	sld [smem:$0x3F93];
	s0 =	simm.s32 @p1 $0x1  }
0x15: {  	[smem:$0x3FB0] =	sst s0;
	s0 =	simm.s32 @!p2 $0x0  }
0x16: {  	s3 =	sld [smem:$0x3FDB];
	s0 =	simm.s32 @p2 $0x1  }
0x17: {  	s4 =	simm.s32 $0x1BF5;
	[smem:$0x3FB2] =	sst s0  }
0x18: {  	s0 =	sld [smem:$0x3F95];
	_ =	swait.ge [sflag:s4], $0x0  }
0x19: {  	s7 =	sld [smem:$0x3F96]  }
0x1a: {  	s8 =	sadd.s32 $0xFFFFE003, lr  }
0x1b: {  	s9 =	sadd.s32 $0xFFFFFEF7, lr;
	s5 =	simm.s32 $0xFFFFFFFF;
	p2 =	slt.u32 s8, $0xFFFFF086  }
0x1c: {  	p1 =	slt.u32 s9, $0xF7A;
	s5 =	simm.s32 @!p2 $0x0  }
0x1d: {  	s5 =	simm.s32 @p1 $0x1;
	p0 =	seq.s32 s7, s2  }
0x1e: {  	s7 =	smul.u32 @!p0 $0xF7A, s2;
	p2 =	seq.s32 @!p0 s5, $0x0  }
0x1f: {  	s9 =	smul.u32 $0xF7A, s1;
	s8 =	simm.s32 @!p0 $0x1BF5;
	p2 =	por !p2, p0  }
0x20: {  	[sflag:s8] =	ssyncset.s32 @!p0 $0xFFFFF086;
	s6 =	sadd.s32 @!p0 s3, s7;
	s7 =	simm.s32 @!p0 $0x108  }
0x21: {  	s3 =	sadd.s32 s3, s9;
	s6 =	sadd.s32 @!p0 $0x88, s6;
	s7 =	simm.s32 @p2 $0x1082  }
0x22: {  	[simem:s7], [sflag:s8] =	dma.local @!p0 [hbm:s6], $0xF7A  }
0x23: {  	s9 =	sor.u32 $0xD0000000, s2;
	s6 =	simm.s32 $0x108;
	_ =	swait.ge @!p0 [sflag:s8], $0x0  }
0x24: {  	s3 =	sadd.s32 $0x88, s3;
	s6 =	simm.s32 @!p1 $0x1082;
	[sflag:s4] =	ssyncset.s32 $0xFFFFF086  }
0x25: {  	[simem:s6], [sflag:s4] =	dma.local [hbm:s3], $0xF7A  }
0x26: {  	[smem:$0x3F96] =	sst s1;
	(tag) =	ssettag s2;
	_ =	strace s9  }
0x27: {  	s1 =	sld [smem:$0x3FA6]  }
0x28: {  	s2 =	sld [smem:$0x3FA7]  }
0x29: {  	s4 =	sld [smem:$0x3FA9]  }
0x2a: {  	p0 =	seq.s32 s5, $0x0;
	s5 =	sld [smem:$0x3FAA]  }
0x2b: {  	s6 =	sld [smem:$0x3FAB]  }
0x2c: {  	s7 =	sld [smem:$0x3FAC]  }
0x2d: {  	s3 =	simm.s32 $0x108;
	s8 =	sld [smem:$0x3FAD]  }
0x2e: {  	s3 =	simm.s32 @!p0 $0x1082;
	s9 =	sld [smem:$0x3FAE]  }
0x2f: {  	lr =	sadd.s32 s0, s3;
	s0 =	sld [smem:$0x3FA5]  }
0x30: {  	s3 =	sld [smem:$0x3FA8]  }
0x31: {  	[smem:$0x3FB1] =	sst s10  }
0x32: {  	s10 =	sld [smem:$0x3FAF];
	_ =	sdelay $0x3  }
0x33: {  	p0 =	seq.s32 s10, $0x1;
	s10 =	sld [smem:$0x3FB1];
	_ =	sdelay $0x3  }
0x34: {  	[smem:$0x3FB1] =	sst s10  }
0x35: {  	s10 =	sld [smem:$0x3FB0];
	_ =	sdelay $0x3  }
0x36: {  	p1 =	seq.s32 s10, $0x1;
	s10 =	sld [smem:$0x3FB1];
	_ =	sdelay $0x3  }
0x37: {  	[smem:$0x3FB1] =	sst s10  }
0x38: {  	s10 =	sld [smem:$0x3FB2]  }
0x39: {  	_ = 	snop;
	(pc) =	sbr.ind lr, $3  }
0x3a: {  	_ = 	snop  }
0x3b: {  	_ = 	snop  }
0x3c: {  	p2 =	seq.s32 s10, $0x1;
	s10 =	sld [smem:$0x3FB1]  }
0x3d: {  	_ =	shalt  }
0x3e: {  	_ =	shalt  }
0x3f: {  	_ =	shalt  }
0x40: {  	_ =	shalt  }
0x41: {  	_ =	shalt  }
0x42: {  	_ =	shalt  }
0x43: {  	_ =	shalt  }
0x44: {  	_ =	shalt  }
0x45: {  	_ =	shalt  }
0x46: {  	_ =	shalt  }
0x47: {  	_ =	shalt  }
0x48: {  	_ =	shalt  }
0x49: {  	_ =	shalt  }
0x4a: {  	_ =	shalt  }
0x4b: {  	_ =	shalt  }
0x4c: {  	_ =	shalt  }
0x4d: {  	_ =	shalt  }
0x4e: {  	_ =	shalt  }
0x4f: {  	_ =	shalt  }
0x50: {  	_ =	shalt  }
0x51: {  	_ =	shalt  }
0x52: {  	_ =	shalt  }
0x53: {  	_ =	shalt  }
0x54: {  	_ =	shalt  }
0x55: {  	_ =	shalt  }
0x56: {  	_ =	shalt  }
0x57: {  	_ =	shalt  }
0x58: {  	_ =	shalt  }
0x59: {  	_ =	shalt  }
0x5a: {  	_ =	shalt  }
0x5b: {  	_ =	shalt  }
0x5c: {  	_ =	shalt  }
0x5d: {  	_ =	shalt  }
0x5e: {  	_ =	shalt  }
0x5f: {  	_ =	shalt  }
0x60: {  	_ =	shalt  }
0x61: {  	_ =	shalt  }
0x62: {  	_ =	shalt  }
0x63: {  	_ =	shalt  }
0x64: {  	_ =	shalt  }
0x65: {  	_ =	shalt  }
0x66: {  	_ =	shalt  }
0x67: {  	_ =	shalt  }
0x68: {  	_ =	shalt  }
0x69: {  	_ =	shalt  }
0x6a: {  	_ =	shalt  }
0x6b: {  	_ =	shalt  }
0x6c: {  	_ =	shalt  }
0x6d: {  	_ =	shalt  }
0x6e: {  	_ =	shalt  }
0x6f: {  	_ =	shalt  }
0x70: {  	_ =	shalt  }
0x71: {  	_ =	shalt  }
0x72: {  	_ =	shalt  }
0x73: {  	_ =	shalt  }
0x74: {  	_ =	shalt  }
0x75: {  	_ =	shalt  }
0x76: {  	_ =	shalt  }
0x77: {  	_ =	shalt  }
0x78: {  	_ =	shalt  }
0x79: {  	_ =	shalt  }
0x7a: {  	_ =	shalt  }
0x7b: {  	_ =	shalt  }
0x7c: {  	_ =	shalt  }
0x7d: {  	_ =	shalt  }
0x7e: {  	_ =	shalt  }
0x7f: {  	_ =	shalt  }
0x80: {  	_ =	shalt  }
0x81: {  	_ =	shalt  }
0x82: {  	_ =	shalt  }
0x83: {  	_ =	shalt  }
0x84: {  	_ =	shalt  }
0x85: {  	_ =	shalt  }
0x86: {  	_ =	shalt  }
0x87: {  	_ =	shalt  }
.Lfunc_end0:
.L_simem_size_0:
called_computation.1_lowered:
.L_overlay_start_0:
0x88: {  	s2 =	sld [smem:$0x3FD9]  }
0x89: {  	s3 =	sld [smem:$0x3FFE];
	_ =	sdelay $0x1  }
0x8a: {  	s1 =	srdreg.scid  }
0x8b: {  	s0 =	sand.u32 $0x1, s1  }
0x8c: {  	s17 =	sshll.u32 s0, $0xA;
	s2 =	sadd.s32 s3, s2  }
0x8d: {  	s2 =	sadd.s32 s2, s17  }
0x8e: {  	[smem:$0x3FBD] =	sst s2  }
0x8f: {  	_ = 	snop  }
0x90: {  	s18 =	sld [smem:$0x3FC7];
	(tm) =	ssettm $0x1  }
0x91: {  	s19 =	sld [smem:$0x3FFB];
	_ =	sdelay $0x3  }
0x92: {  	_ =	strace s19  }
0x93: {  	s2 =	sld [smem:$0x3FFC];
	_ =	sdelay $0x3  }
0x94: {  	_ =	strace s2  }
0x95: {  	s2 =	sld [smem:$0x3FFD];
	_ =	sdelay $0x3  }
0x96: {  	_ =	strace s2  }
0x97: {  	_ =	strace $0x8FFFFFFF  }
0x98: {  	s20 =	sld [smem:$0x3FDB];
	_ =	sdelay $0x1  }
0x99: {  	s4 =	simm.s32 $_scs_section_size  }
0x9a: {  	s5 =	simm.s32 $_size__tile_overlayer_lowered;
	s6 =	simm.s32 $_tile_overlayer_lowered  }
0x9b: {  	s7 =	simm.s32 $0x1BFF;
	s21 =	sshll.u32 s6, $0x1;
	s4 =	sadd.s32 s4, s20  }
0x9c: {  	s22 =	simm.s32 $0x0;
	s5 =	sshll.u32 s5, $0x1;
	s6 =	sadd.s32 s21, s4  }
0x9d: {  	[timem:s22], [sflag:s7] =	dma.local [hbm:s6], s5  }
0x9e: {  	_ =	swait.ge [sflag:s7], s5  }
0x9f: {  	s5 =	ssub.s32 $0x0, s5;
	[sflag:s7] =	ssyncset.done $0x0  }
0xa0: {  	[sflag:s7] =	ssyncadd.s32 s5;
	_ =	sdelay $0x1  }
0xa1: {  	s23 =	simm.s32 $0x1B8B  }
0xa2: {  	_ =	swait.ge [sflag:s23], $0x1  }
0xa3: {  	[sflag:s23] =	ssyncset.done $0x0  }
0xa4: {  	[sflag:s23] =	ssyncadd.s32 $0xFFFFFFFF  }
0xa5: {  	s5 =	sld [smem:$0x0]  }
0xa6: {  	s6 =	sand.u32 $0xFFFFFFFE, s1  }
0xa7: {  	p0 =	sne.s32 s1, s6  }
0xa8: {  	s6 =	sshll.u32 @p0 s6, $0xE  }
0xa9: {  	s6 =	sadd.s32 @p0 $0x11B8D, s6;
	s7 =	sshll.u32 @p0 s5, $0x11  }
0xaa: {  	s6 =	sor.u32 @p0 s7, s6  }
0xab: {  	[sflag:s6] =	ssyncadd.remote.s32 @p0 $0x1;
	_ =	sdelay $0x1  }
0xac: {  	s6 =	simm.s32 @p0 $0x1B8D  }
0xad: {  	_ =	swait.eq @p0 [sflag:s6], $0x1  }
0xae: {  	[sflag:s6] =	ssyncadd.s32 @p0 $0xFFFFFFFF  }
0xaf: {  	s7 =	sshll.u32 @!p0 s1, $0xE  }
0xb0: {  	s7 =	sor.u32 @!p0 $0x4000, s7;
	s6 =	simm.s32 @!p0 $0x1B8D  }
0xb1: {  	s5 =	sshll.u32 @!p0 s5, $0x11;
	s7 =	sadd.s32 @!p0 $0x11B8D, s7;
	_ =	swait.eq @!p0 [sflag:s6], $0x1  }
0xb2: {  	s5 =	sor.u32 @!p0 s5, s7;
	[sflag:s6] =	ssyncadd.s32 @!p0 $0xFFFFFFFF  }
0xb3: {  	s25 =	simm.s32 $0x1B8E;
	s24 =	sld [smem:$0x3FFE];
	[sflag:s5] =	ssyncadd.remote.s32 @!p0 $0x1  }
0xb4: {  	s26 =	simm.s32 $execute0_lowered;
	[smem:$0x3FD2] =	sst s25  }
0xb5: {  	s6 =	sshll.u32 s26, $0x1;
	_ =	strace $0x8000004C;
	[dreg:$0x1] =	wrdreg $0xFFFFFFFF  }
0xb6: {  	s28 =	simm.s32 $_size_execute0_lowered;
	s4 =	sadd.s32 s4, s6;
	[dreg:$0x0] =	wrdreg $0x0  }
0xb7: {  	s6 =	sshll.u32 s28, $0x1;
	[dreg:$0x2] =	wrdreg s4  }
0xb8: {  	[dreg:$0x3] =	wrdreg s6  }
0xb9: {  	[dreg:$0x4] =	wrdreg $0xC0  }
0xba: {  	_ =	task [dreg:s22], $0x5FFFF  }
0xbb: {  	[dreg:$0x1] =	wrdreg $0xFFFFFFFF  }
0xbc: {  	[dreg:$0x0] =	wrdreg $0x60  }
0xbd: {  	[dreg:$0x2] =	wrdreg s18  }
0xbe: {  	[dreg:$0x3] =	wrdreg s24  }
0xbf: {  	[dreg:$0x4] =	wrdreg $0x9  }
0xc0: {  	_ =	task.clear_ibuf [dreg:s22], $0x5FFFF;
	_ =	strace $0x9000004C  }
0xc1: {  	s29 =	simm.s32 $0x9;
	_ =	strace $0x8000004E  }
0xc2: {  	_ =	swait.ge [sflag:s29], $0x1  }
0xc3: {  	[sflag:s29] =	ssyncadd.s32 $0xFFFFFFFF  }
0xc4: {  	_ =	strace $0x9000004E  }
0xc5: {  	_ =	sfence  }
0xc6: {  	s30 =	sld [smem:$0x0];
	_ =	sdelay $0x2  }
0xc7: {  	s31 =	sshll.u32 s1, $0xD;
	s1 =	sshrl.u32 s1, $0x2  }
0xc8: {  	s4 =	sand.u32 $0x4000, s31;
	s1 =	sadd.s32 s1, s30  }
0xc9: {  	s0 =	sor.u32 s4, s0;
	s1 =	sshll.u32 s1, $0x11  }
0xca: {  	s0 =	sor.u32 s1, s0  }
0xcb: {  	s0 =	sadd.s32 $0x8F2B, s0  }
0xcc: {  	[sflag:s0] =	ssyncadd.remote.s32 $0x1  }
0xcd: {  	_ =	sfence.sel $0xFFFF  }
0xce: {  	[dreg:$0x0] =	wrdreg $0xFFFFFFFF;
	(pc) =	sbr.abs _section_cstart, $3  }
0xcf: {  	[dreg:$0x1] =	wrdreg $0xFFFFFFFF  }
0xd0: {  	_ =	task.clear_ibuf [dreg:s22], $0x2FFFF;
	_ =	strace $0x9FFFFFFF  }
0xd1: {  	(tm) =	ssettm $0x7FFFFFFF  }
tec
execute0_lowered:
.L_overlay_start_1:
0x0: {  	(tag) =	ssettag $0x1  }
0x1: {  	s0 =	srdreg.scid;
	s2 =	rddreg [dreg:$0x0]  }
0x2: {  	s1 =	stileid.u32;
	s4 =	rddreg [dreg:$0x1];
	s8 =	simm.s32 $0x3  }
0x3: {  	s9 =	simm.s32 $0x100;
	s28 =	simm.s32 $0x3100;
	s29 =	simm.s32 $0x3900  }
0x4: {  	s30 =	simm.s32 $0x4100;
	s31 =	simm.s32 $0x4900;
	s0 =	sand.u32 $0x1, s0  }
0x5: {  	s16 =	simm.s32 $0x5100;
	s1 =	sshll.u32 s1, $0x9;
	s3 =	sshll.u32 s0, $0x8  }
0x6: {  	s15 =	simm.s32 $0x5900;
	s11 =	simm.s32 $0x6900;
	s1 =	sor.u32 s3, s1  }
0x7: {  	s12 =	simm.s32 $0x7100;
	s13 =	simm.s32 $0x7900;
	s5 =	sshrl.u32 s1, $0x3  }
0x8: {  	s3 =	simm.s32 $0x0;
	s1 =	sshll.u32 s1, $0x7;
	s5 =	sadd.s32 s5, s4  }
0x9: {  	[smem:$0x7FF] =	sst s3;
	s1 =	sadd.s32 s1, s4;
	s18 =	sadd.s32 $0x2A00, s5  }
0xa: {  	_ =	strace $0x8000004D;
	s19 =	sadd.s32 $0x1A3600, s1;
	[dreg:$0x3] =	wrdreg s18  }
0xb: {  	s6 =	sadd.s32 $0x300, s2;
	s20 =	sadd.s32 $0x1A4600, s1;
	[dreg:$0x4] =	wrdreg s19  }
0xc: {  	s0 =	ssub.s32 $0x2, s0;
	s21 =	sadd.s32 $0x1A5600, s1;
	[dreg:$0x5] =	wrdreg s20  }
0xd: {  	s24 =	sshrl.u32 s0, $0x1;
	s22 =	sadd.s32 $0x1A6600, s1;
	[dreg:$0x6] =	wrdreg s21  }
0xe: {  	s0 =	ssub.s32 s0, s24;
	s23 =	sadd.s32 $0x1A7600, s1;
	[dreg:$0x7] =	wrdreg s22  }
0xf: {  	s24 =	simm.s32 $0x2100;
	s25 =	sadd.s32 $0x1A8600, s1;
	[dreg:$0x8] =	wrdreg s23  }
0x10: {  	s4 =	sadd.s32 $0x100, s2;
	s26 =	sadd.s32 $0x1A9600, s1;
	[dreg:$0x9] =	wrdreg s25  }
0x11: {  	s7 =	smax.u32 s0, $0x1;
	s1 =	sadd.s32 $0x1AA600, s1;
	[dreg:$0xa] =	wrdreg s26  }
0x12: {  	v2 =	vlaneseq.u32;
	s5 =	sadd.s32 $0x200, s2;
	[dreg:$0xb] =	wrdreg s1;
	s25 =	simm.s32 $0x8100  }
0x13: {  	vm0 =	vmmov $0xffff;
	v1 =	vshrl.u32 v2, $0x3;
	s18 =	simm.s32 $0x1;
	s19 =	simm.s32 $0x2;
	s21 =	simm.s32 $0x900  }
0x14: {  	v0 =	vand.u32 $0x7, v2;
	v2 =	vor.u32 $0x8, v2;
	v1 =	vmul.u32 $0x8, v1;
	s22 =	simm.s32 $0x1100;
	s23 =	simm.s32 $0x1900;
	s26 =	simm.s32 $0x2900  }
.LBB2_1:
0x15: {  	s20 =	rddreg [dreg:$0x3]  }
0x16: {  	[tilespmem:s3], [sflag:$0x3] =	stream.linear.gather [hbm4b:s20+s3], $0x100, $0x38;
	[tilespmem:$0x10100] =	vst v63  }
0x17: {  	_ =	swait.ge [sflag:s8], $0x100  }
0x18: {  	[sflag:s8] =	ssyncset.done $0x0  }
0x19: {  	[sflag:s8] =	ssyncadd.s32 $0xFFFFFF00  }
0x1a: {  	v3 =	vld [tilespmem:$0x0];
	_ =	sdelay $0x4  }
0x1b: {  	v4 =	vshll.u32 v3, $0x3  }
0x1c: {  	v3 =	vand.u32 $0x7, v3;
	v4 =	vand.u32 $0xFFFFFFC0, v4  }
0x1d: {  	v3 =	vor.u32 v3, v4  }
0x1e: {  	v4 =	vperm.xlane v3, v0;
	_ =	sdelay $0x1  }
0x1f: {  	v4 =	vadd.s32 v1, v4;
	_ =	sdelay $0x4  }
0x20: {  	[tilespmem:s9], [sflag:$0x1] =	stream.indirect_vreg.gather [hbm4b:s2+s3], $0x80, v4, vm0, $0xb8;
	[tilespmem:$0x10100] =	vst v63  }
0x21: {  	v3 =	vperm.xlane v3, v2  }
0x22: {  	[tilespmem:s21], [sflag:$0x1] =	stream.indirect_vreg.gather [hbm4b:s4+s3], $0x80, v4, vm0, $0xb8;
	[tilespmem:$0x10100] =	vst v63  }
0x23: {  	v3 =	vadd.s32 v1, v3  }
0x24: {  	[tilespmem:s22], [sflag:$0x1] =	stream.indirect_vreg.gather [hbm4b:s5+s3], $0x80, v4, vm0, $0xb8;
	[tilespmem:$0x10100] =	vst v63  }
0x25: {  	_ = 	snop  }
0x26: {  	[tilespmem:s23], [sflag:$0x1] =	stream.indirect_vreg.gather [hbm4b:s6+s3], $0x80, v4, vm0, $0xb8;
	[tilespmem:$0x10100] =	vst v63  }
0x27: {  	_ = 	snop  }
0x28: {  	[tilespmem:s24], [sflag:$0x1] =	stream.indirect_vreg.gather [hbm4b:s2+s3], $0x80, v3, vm0, $0xb8;
	[tilespmem:$0x10100] =	vst v63  }
0x29: {  	_ = 	snop  }
0x2a: {  	[tilespmem:s26], [sflag:$0x1] =	stream.indirect_vreg.gather [hbm4b:s4+s3], $0x80, v3, vm0, $0xb8;
	[tilespmem:$0x10100] =	vst v63  }
0x2b: {  	_ = 	snop  }
0x2c: {  	[tilespmem:s28], [sflag:$0x1] =	stream.indirect_vreg.gather [hbm4b:s5+s3], $0x80, v3, vm0, $0xb8;
	[tilespmem:$0x10100] =	vst v63  }
0x2d: {  	_ = 	snop  }
0x2e: {  	[tilespmem:s29], [sflag:$0x1] =	stream.indirect_vreg.gather [hbm4b:s6+s3], $0x80, v3, vm0, $0xb8;
	[tilespmem:$0x10100] =	vst v63  }
0x2f: {  	v3 =	vld [tilespmem:$0x10];
	_ =	sdelay $0x4  }
0x30: {  	v49 =	vshll.u32 v3, $0x3  }
0x31: {  	v3 =	vand.u32 $0x7, v3;
	v4 =	vand.u32 $0xFFFFFFC0, v49  }
0x32: {  	v3 =	vor.u32 v3, v4  }
0x33: {  	v4 =	vperm.xlane v3, v0;
	_ =	sdelay $0x1  }
0x34: {  	v4 =	vadd.s32 v1, v4;
	_ =	sdelay $0x4  }
0x35: {  	[tilespmem:s30], [sflag:$0x1] =	stream.indirect_vreg.gather [hbm4b:s2+s3], $0x80, v4, vm0, $0xb8;
	[tilespmem:$0x10100] =	vst v63  }
0x36: {  	v3 =	vperm.xlane v3, v2  }
0x37: {  	[tilespmem:s31], [sflag:$0x1] =	stream.indirect_vreg.gather [hbm4b:s4+s3], $0x80, v4, vm0, $0xb8;
	[tilespmem:$0x10100] =	vst v63  }
0x38: {  	v3 =	vadd.s32 v1, v3  }
0x39: {  	[tilespmem:s16], [sflag:$0x1] =	stream.indirect_vreg.gather [hbm4b:s5+s3], $0x80, v4, vm0, $0xb8;
	[tilespmem:$0x10100] =	vst v63  }
0x3a: {  	_ = 	snop  }
0x3b: {  	[tilespmem:s15], [sflag:$0x1] =	stream.indirect_vreg.gather [hbm4b:s6+s3], $0x80, v4, vm0, $0xb8;
	[tilespmem:$0x10100] =	vst v63  }
0x3c: {  	s10 =	simm.s32 $0x6100  }
0x3d: {  	[tilespmem:s10], [sflag:$0x1] =	stream.indirect_vreg.gather [hbm4b:s2+s3], $0x80, v3, vm0, $0xb8;
	[tilespmem:$0x10100] =	vst v63  }
0x3e: {  	_ = 	snop  }
0x3f: {  	[tilespmem:s11], [sflag:$0x1] =	stream.indirect_vreg.gather [hbm4b:s4+s3], $0x80, v3, vm0, $0xb8;
	[tilespmem:$0x10100] =	vst v63  }
0x40: {  	_ = 	snop  }
0x41: {  	[tilespmem:s12], [sflag:$0x1] =	stream.indirect_vreg.gather [hbm4b:s5+s3], $0x80, v3, vm0, $0xb8;
	[tilespmem:$0x10100] =	vst v63  }
0x42: {  	_ = 	snop  }
0x43: {  	[tilespmem:s13], [sflag:$0x1] =	stream.indirect_vreg.gather [hbm4b:s6+s3], $0x80, v3, vm0, $0xb8;
	[tilespmem:$0x10100] =	vst v63  }
0x44: {  	v3 =	vld [tilespmem:$0x20];
	_ =	sdelay $0x4  }
0x45: {  	v50 =	vshll.u32 v3, $0x3  }
0x46: {  	v3 =	vand.u32 $0x7, v3;
	v4 =	vand.u32 $0xFFFFFFC0, v50  }
0x47: {  	v3 =	vor.u32 v3, v4  }
0x48: {  	v4 =	vperm.xlane v3, v0;
	_ =	sdelay $0x1  }
0x49: {  	v4 =	vadd.s32 v1, v4;
	_ =	sdelay $0x4  }
0x4a: {  	[tilespmem:s25], [sflag:$0x2] =	stream.indirect_vreg.gather [hbm4b:s2+s3], $0x80, v4, vm0, $0xb8;
	[tilespmem:$0x10100] =	vst v63  }
0x4b: {  	s14 =	simm.s32 $0x8900;
	v3 =	vperm.xlane v3, v2  }
0x4c: {  	[tilespmem:s14], [sflag:$0x2] =	stream.indirect_vreg.gather [hbm4b:s4+s3], $0x80, v4, vm0, $0xb8;
	[tilespmem:$0x10100] =	vst v63  }
0x4d: {  	s17 =	simm.s32 $0x9100;
	v3 =	vadd.s32 v1, v3  }
0x4e: {  	[tilespmem:s17], [sflag:$0x2] =	stream.indirect_vreg.gather [hbm4b:s5+s3], $0x80, v4, vm0, $0xb8;
	[tilespmem:$0x10100] =	vst v63  }
0x4f: {  	s20 =	simm.s32 $0x9900  }
0x50: {  	[tilespmem:s20], [sflag:$0x2] =	stream.indirect_vreg.gather [hbm4b:s6+s3], $0x80, v4, vm0, $0xb8;
	[tilespmem:$0x10100] =	vst v63  }
0x51: {  	s1 =	simm.s32 $0xA100  }
0x52: {  	[tilespmem:s1], [sflag:$0x2] =	stream.indirect_vreg.gather [hbm4b:s2+s3], $0x80, v3, vm0, $0xb8;
	[tilespmem:$0x10100] =	vst v63  }
0x53: {  	s17 =	simm.s32 $0xA900  }
0x54: {  	[tilespmem:s17], [sflag:$0x2] =	stream.indirect_vreg.gather [hbm4b:s4+s3], $0x80, v3, vm0, $0xb8;
	[tilespmem:$0x10100] =	vst v63  }
0x55: {  	s1 =	simm.s32 $0xB100  }
0x56: {  	[tilespmem:s1], [sflag:$0x2] =	stream.indirect_vreg.gather [hbm4b:s5+s3], $0x80, v3, vm0, $0xb8;
	[tilespmem:$0x10100] =	vst v63  }
0x57: {  	s14 =	simm.s32 $0xB900  }
0x58: {  	[tilespmem:s14], [sflag:$0x2] =	stream.indirect_vreg.gather [hbm4b:s6+s3], $0x80, v3, vm0, $0xb8;
	[tilespmem:$0x10100] =	vst v63  }
0x59: {  	v3 =	vld [tilespmem:$0x30];
	_ =	sdelay $0x4  }
0x5a: {  	v51 =	vshll.u32 v3, $0x3  }
0x5b: {  	v3 =	vand.u32 $0x7, v3;
	v4 =	vand.u32 $0xFFFFFFC0, v51  }
0x5c: {  	v3 =	vor.u32 v3, v4  }
0x5d: {  	v4 =	vperm.xlane v3, v0;
	_ =	sdelay $0x1  }
0x5e: {  	v4 =	vadd.s32 v1, v4;
	_ =	sdelay $0x3  }
0x5f: {  	s17 =	simm.s32 $0xC100  }
0x60: {  	[tilespmem:s17], [sflag:$0x2] =	stream.indirect_vreg.gather [hbm4b:s2+s3], $0x80, v4, vm0, $0xb8;
	[tilespmem:$0x10100] =	vst v63  }
0x61: {  	s1 =	simm.s32 $0xC900;
	v3 =	vperm.xlane v3, v2  }
0x62: {  	[tilespmem:s1], [sflag:$0x2] =	stream.indirect_vreg.gather [hbm4b:s4+s3], $0x80, v4, vm0, $0xb8;
	[tilespmem:$0x10100] =	vst v63  }
0x63: {  	v3 =	vadd.s32 v1, v3;
	s1 =	simm.s32 $0xD100  }
0x64: {  	[tilespmem:s1], [sflag:$0x2] =	stream.indirect_vreg.gather [hbm4b:s5+s3], $0x80, v4, vm0, $0xb8;
	[tilespmem:$0x10100] =	vst v63  }
0x65: {  	s1 =	simm.s32 $0xD900  }
0x66: {  	[tilespmem:s1], [sflag:$0x2] =	stream.indirect_vreg.gather [hbm4b:s6+s3], $0x80, v4, vm0, $0xb8;
	[tilespmem:$0x10100] =	vst v63  }
0x67: {  	s1 =	simm.s32 $0xE100  }
0x68: {  	[tilespmem:s1], [sflag:$0x2] =	stream.indirect_vreg.gather [hbm4b:s2+s3], $0x80, v3, vm0, $0xb8;
	[tilespmem:$0x10100] =	vst v63  }
0x69: {  	s1 =	simm.s32 $0xE900  }
0x6a: {  	[tilespmem:s1], [sflag:$0x2] =	stream.indirect_vreg.gather [hbm4b:s4+s3], $0x80, v3, vm0, $0xb8;
	[tilespmem:$0x10100] =	vst v63  }
0x6b: {  	s1 =	simm.s32 $0xF100  }
0x6c: {  	[tilespmem:s1], [sflag:$0x2] =	stream.indirect_vreg.gather [hbm4b:s5+s3], $0x80, v3, vm0, $0xb8;
	[tilespmem:$0x10100] =	vst v63  }
0x6d: {  	s1 =	simm.s32 $0xF900  }
0x6e: {  	[tilespmem:s1], [sflag:$0x2] =	stream.indirect_vreg.gather [hbm4b:s6+s3], $0x80, v3, vm0, $0xb8;
	[tilespmem:$0x10100] =	vst v63  }
0x6f: {  	_ =	swait.ge [sflag:s18], $0x8000  }
0x70: {  	[sflag:s18] =	ssyncset.done $0x0  }
0x71: {  	s1 =	rddreg [dreg:$0x4];
	[sflag:s18] =	ssyncadd.s32 $0xFFFF8000  }
0x72: {  	[hbm4b:s1+s3] =	stream.linear.scatter [tilespmem:s9], [sflag:$0x3], $0x8000, $0x38;
	[tilespmem:$0x10100] =	vst v63  }
0x73: {  	_ =	swait.ge [sflag:s8], $0x8000  }
0x74: {  	[sflag:s8] =	ssyncset.done $0x0  }
0x75: {  	[sflag:s8] =	ssyncadd.s32 $0xFFFF8000  }
0x76: {  	v3 =	vld [tilespmem:$0x40];
	_ =	sdelay $0x4  }
0x77: {  	v52 =	vshll.u32 v3, $0x3  }
0x78: {  	v3 =	vand.u32 $0x7, v3;
	v4 =	vand.u32 $0xFFFFFFC0, v52  }
0x79: {  	v3 =	vor.u32 v3, v4  }
0x7a: {  	v4 =	vperm.xlane v3, v0;
	_ =	sdelay $0x1  }
0x7b: {  	v4 =	vadd.s32 v1, v4;
	_ =	sdelay $0x4  }
0x7c: {  	[tilespmem:s9], [sflag:$0x1] =	stream.indirect_vreg.gather [hbm4b:s2+s3], $0x80, v4, vm0, $0xb8;
	[tilespmem:$0x10100] =	vst v63  }
0x7d: {  	v3 =	vperm.xlane v3, v2  }
0x7e: {  	[tilespmem:s21], [sflag:$0x1] =	stream.indirect_vreg.gather [hbm4b:s4+s3], $0x80, v4, vm0, $0xb8;
	[tilespmem:$0x10100] =	vst v63  }
0x7f: {  	v3 =	vadd.s32 v1, v3  }
0x80: {  	[tilespmem:s22], [sflag:$0x1] =	stream.indirect_vreg.gather [hbm4b:s5+s3], $0x80, v4, vm0, $0xb8;
	[tilespmem:$0x10100] =	vst v63  }
0x81: {  	_ = 	snop  }
0x82: {  	[tilespmem:s23], [sflag:$0x1] =	stream.indirect_vreg.gather [hbm4b:s6+s3], $0x80, v4, vm0, $0xb8;
	[tilespmem:$0x10100] =	vst v63  }
0x83: {  	_ = 	snop  }
0x84: {  	[tilespmem:s24], [sflag:$0x1] =	stream.indirect_vreg.gather [hbm4b:s2+s3], $0x80, v3, vm0, $0xb8;
	[tilespmem:$0x10100] =	vst v63  }
0x85: {  	_ = 	snop  }
0x86: {  	[tilespmem:s26], [sflag:$0x1] =	stream.indirect_vreg.gather [hbm4b:s4+s3], $0x80, v3, vm0, $0xb8;
	[tilespmem:$0x10100] =	vst v63  }
0x87: {  	_ = 	snop  }
0x88: {  	[tilespmem:s28], [sflag:$0x1] =	stream.indirect_vreg.gather [hbm4b:s5+s3], $0x80, v3, vm0, $0xb8;
	[tilespmem:$0x10100] =	vst v63  }
0x89: {  	_ = 	snop  }
0x8a: {  	[tilespmem:s29], [sflag:$0x1] =	stream.indirect_vreg.gather [hbm4b:s6+s3], $0x80, v3, vm0, $0xb8;
	[tilespmem:$0x10100] =	vst v63  }
0x8b: {  	v3 =	vld [tilespmem:$0x50];
	_ =	sdelay $0x4  }
0x8c: {  	v53 =	vshll.u32 v3, $0x3  }
0x8d: {  	v3 =	vand.u32 $0x7, v3;
	v4 =	vand.u32 $0xFFFFFFC0, v53  }
0x8e: {  	v3 =	vor.u32 v3, v4  }
0x8f: {  	v4 =	vperm.xlane v3, v0;
	_ =	sdelay $0x1  }
0x90: {  	v4 =	vadd.s32 v1, v4;
	_ =	sdelay $0x4  }
0x91: {  	[tilespmem:s30], [sflag:$0x1] =	stream.indirect_vreg.gather [hbm4b:s2+s3], $0x80, v4, vm0, $0xb8;
	[tilespmem:$0x10100] =	vst v63  }
0x92: {  	v3 =	vperm.xlane v3, v2  }
0x93: {  	[tilespmem:s31], [sflag:$0x1] =	stream.indirect_vreg.gather [hbm4b:s4+s3], $0x80, v4, vm0, $0xb8;
	[tilespmem:$0x10100] =	vst v63  }
0x94: {  	v3 =	vadd.s32 v1, v3  }
0x95: {  	[tilespmem:s16], [sflag:$0x1] =	stream.indirect_vreg.gather [hbm4b:s5+s3], $0x80, v4, vm0, $0xb8;
	[tilespmem:$0x10100] =	vst v63  }
0x96: {  	_ = 	snop  }
0x97: {  	[tilespmem:s15], [sflag:$0x1] =	stream.indirect_vreg.gather [hbm4b:s6+s3], $0x80, v4, vm0, $0xb8;
	[tilespmem:$0x10100] =	vst v63  }
0x98: {  	_ = 	snop  }
0x99: {  	[tilespmem:s10], [sflag:$0x1] =	stream.indirect_vreg.gather [hbm4b:s2+s3], $0x80, v3, vm0, $0xb8;
	[tilespmem:$0x10100] =	vst v63  }
0x9a: {  	_ = 	snop  }
0x9b: {  	[tilespmem:s11], [sflag:$0x1] =	stream.indirect_vreg.gather [hbm4b:s4+s3], $0x80, v3, vm0, $0xb8;
	[tilespmem:$0x10100] =	vst v63  }
0x9c: {  	_ = 	snop  }
0x9d: {  	[tilespmem:s12], [sflag:$0x1] =	stream.indirect_vreg.gather [hbm4b:s5+s3], $0x80, v3, vm0, $0xb8;
	[tilespmem:$0x10100] =	vst v63  }
0x9e: {  	_ = 	snop  }
0x9f: {  	[tilespmem:s13], [sflag:$0x1] =	stream.indirect_vreg.gather [hbm4b:s6+s3], $0x80, v3, vm0, $0xb8;
	[tilespmem:$0x10100] =	vst v63  }
0xa0: {  	_ =	swait.ge [sflag:s19], $0x8000  }
0xa1: {  	[sflag:s19] =	ssyncset.done $0x0  }
0xa2: {  	s1 =	rddreg [dreg:$0x5];
	[sflag:s19] =	ssyncadd.s32 $0xFFFF8000  }
0xa3: {  	[hbm4b:s1+s3] =	stream.linear.scatter [tilespmem:s25], [sflag:$0x3], $0x8000, $0x38;
	[tilespmem:$0x10100] =	vst v63  }
0xa4: {  	_ =	swait.ge [sflag:s8], $0x8000  }
0xa5: {  	[sflag:s8] =	ssyncset.done $0x0  }
0xa6: {  	[sflag:s8] =	ssyncadd.s32 $0xFFFF8000  }
0xa7: {  	v3 =	vld [tilespmem:$0x60];
	_ =	sdelay $0x4  }
0xa8: {  	v54 =	vshll.u32 v3, $0x3  }
0xa9: {  	v3 =	vand.u32 $0x7, v3;
	v4 =	vand.u32 $0xFFFFFFC0, v54  }
0xaa: {  	v3 =	vor.u32 v3, v4  }
0xab: {  	v4 =	vperm.xlane v3, v0;
	_ =	sdelay $0x1  }
0xac: {  	v4 =	vadd.s32 v1, v4;
	_ =	sdelay $0x4  }
0xad: {  	[tilespmem:s25], [sflag:$0x2] =	stream.indirect_vreg.gather [hbm4b:s2+s3], $0x80, v4, vm0, $0xb8;
	[tilespmem:$0x10100] =	vst v63  }
0xae: {  	s0 =	simm.s32 $0x8900;
	v3 =	vperm.xlane v3, v2  }
0xaf: {  	[tilespmem:s0], [sflag:$0x2] =	stream.indirect_vreg.gather [hbm4b:s4+s3], $0x80, v4, vm0, $0xb8;
	[tilespmem:$0x10100] =	vst v63  }
0xb0: {  	v3 =	vadd.s32 v1, v3;
	s0 =	simm.s32 $0x9100  }
0xb1: {  	[tilespmem:s0], [sflag:$0x2] =	stream.indirect_vreg.gather [hbm4b:s5+s3], $0x80, v4, vm0, $0xb8;
	[tilespmem:$0x10100] =	vst v63  }
0xb2: {  	s1 =	simm.s32 $0x9900  }
0xb3: {  	[tilespmem:s1], [sflag:$0x2] =	stream.indirect_vreg.gather [hbm4b:s6+s3], $0x80, v4, vm0, $0xb8;
	[tilespmem:$0x10100] =	vst v63  }
0xb4: {  	s20 =	simm.s32 $0xA100  }
0xb5: {  	[tilespmem:s20], [sflag:$0x2] =	stream.indirect_vreg.gather [hbm4b:s2+s3], $0x80, v3, vm0, $0xb8;
	[tilespmem:$0x10100] =	vst v63  }
0xb6: {  	s20 =	simm.s32 $0xA900  }
0xb7: {  	[tilespmem:s20], [sflag:$0x2] =	stream.indirect_vreg.gather [hbm4b:s4+s3], $0x80, v3, vm0, $0xb8;
	[tilespmem:$0x10100] =	vst v63  }
0xb8: {  	s20 =	simm.s32 $0xB100  }
0xb9: {  	[tilespmem:s20], [sflag:$0x2] =	stream.indirect_vreg.gather [hbm4b:s5+s3], $0x80, v3, vm0, $0xb8;
	[tilespmem:$0x10100] =	vst v63  }
0xba: {  	s14 =	simm.s32 $0xB900  }
0xbb: {  	[tilespmem:s14], [sflag:$0x2] =	stream.indirect_vreg.gather [hbm4b:s6+s3], $0x80, v3, vm0, $0xb8;
	[tilespmem:$0x10100] =	vst v63  }
0xbc: {  	v3 =	vld [tilespmem:$0x70];
	_ =	sdelay $0x4  }
0xbd: {  	v55 =	vshll.u32 v3, $0x3  }
0xbe: {  	v3 =	vand.u32 $0x7, v3;
	v4 =	vand.u32 $0xFFFFFFC0, v55  }
0xbf: {  	v3 =	vor.u32 v3, v4  }
0xc0: {  	v4 =	vperm.xlane v3, v0;
	_ =	sdelay $0x1  }
0xc1: {  	v4 =	vadd.s32 v1, v4;
	_ =	sdelay $0x3  }
0xc2: {  	s17 =	simm.s32 $0xC100  }
0xc3: {  	[tilespmem:s17], [sflag:$0x2] =	stream.indirect_vreg.gather [hbm4b:s2+s3], $0x80, v4, vm0, $0xb8;
	[tilespmem:$0x10100] =	vst v63  }
0xc4: {  	s20 =	simm.s32 $0xC900;
	v3 =	vperm.xlane v3, v2  }
0xc5: {  	[tilespmem:s20], [sflag:$0x2] =	stream.indirect_vreg.gather [hbm4b:s4+s3], $0x80, v4, vm0, $0xb8;
	[tilespmem:$0x10100] =	vst v63  }
0xc6: {  	v3 =	vadd.s32 v1, v3;
	s17 =	simm.s32 $0xD100  }
0xc7: {  	[tilespmem:s17], [sflag:$0x2] =	stream.indirect_vreg.gather [hbm4b:s5+s3], $0x80, v4, vm0, $0xb8;
	[tilespmem:$0x10100] =	vst v63  }
0xc8: {  	s20 =	simm.s32 $0xD900  }
0xc9: {  	[tilespmem:s20], [sflag:$0x2] =	stream.indirect_vreg.gather [hbm4b:s6+s3], $0x80, v4, vm0, $0xb8;
	[tilespmem:$0x10100] =	vst v63  }
0xca: {  	s17 =	simm.s32 $0xE100  }
0xcb: {  	[tilespmem:s17], [sflag:$0x2] =	stream.indirect_vreg.gather [hbm4b:s2+s3], $0x80, v3, vm0, $0xb8;
	[tilespmem:$0x10100] =	vst v63  }
0xcc: {  	s20 =	simm.s32 $0xE900  }
0xcd: {  	[tilespmem:s20], [sflag:$0x2] =	stream.indirect_vreg.gather [hbm4b:s4+s3], $0x80, v3, vm0, $0xb8;
	[tilespmem:$0x10100] =	vst v63  }
0xce: {  	s17 =	simm.s32 $0xF100  }
0xcf: {  	[tilespmem:s17], [sflag:$0x2] =	stream.indirect_vreg.gather [hbm4b:s5+s3], $0x80, v3, vm0, $0xb8;
	[tilespmem:$0x10100] =	vst v63  }
0xd0: {  	s20 =	simm.s32 $0xF900  }
0xd1: {  	[tilespmem:s20], [sflag:$0x2] =	stream.indirect_vreg.gather [hbm4b:s6+s3], $0x80, v3, vm0, $0xb8;
	[tilespmem:$0x10100] =	vst v63  }
0xd2: {  	_ =	swait.ge [sflag:s18], $0x8000  }
0xd3: {  	[sflag:s18] =	ssyncset.done $0x0  }
0xd4: {  	s17 =	rddreg [dreg:$0x6];
	[sflag:s18] =	ssyncadd.s32 $0xFFFF8000  }
0xd5: {  	[hbm4b:s17+s3] =	stream.linear.scatter [tilespmem:s9], [sflag:$0x3], $0x8000, $0x38;
	[tilespmem:$0x10100] =	vst v63  }
0xd6: {  	_ =	swait.ge [sflag:s8], $0x8000  }
0xd7: {  	[sflag:s8] =	ssyncset.done $0x0  }
0xd8: {  	[sflag:s8] =	ssyncadd.s32 $0xFFFF8000  }
0xd9: {  	v3 =	vld [tilespmem:$0x80];
	_ =	sdelay $0x4  }
0xda: {  	v56 =	vshll.u32 v3, $0x3  }
0xdb: {  	v3 =	vand.u32 $0x7, v3;
	v4 =	vand.u32 $0xFFFFFFC0, v56  }
0xdc: {  	v3 =	vor.u32 v3, v4  }
0xdd: {  	v4 =	vperm.xlane v3, v0;
	_ =	sdelay $0x1  }
0xde: {  	v4 =	vadd.s32 v1, v4;
	_ =	sdelay $0x4  }
0xdf: {  	[tilespmem:s9], [sflag:$0x1] =	stream.indirect_vreg.gather [hbm4b:s2+s3], $0x80, v4, vm0, $0xb8;
	[tilespmem:$0x10100] =	vst v63  }
0xe0: {  	v3 =	vperm.xlane v3, v2  }
0xe1: {  	[tilespmem:s21], [sflag:$0x1] =	stream.indirect_vreg.gather [hbm4b:s4+s3], $0x80, v4, vm0, $0xb8;
	[tilespmem:$0x10100] =	vst v63  }
0xe2: {  	v3 =	vadd.s32 v1, v3  }
0xe3: {  	[tilespmem:s22], [sflag:$0x1] =	stream.indirect_vreg.gather [hbm4b:s5+s3], $0x80, v4, vm0, $0xb8;
	[tilespmem:$0x10100] =	vst v63  }
0xe4: {  	_ = 	snop  }
0xe5: {  	[tilespmem:s23], [sflag:$0x1] =	stream.indirect_vreg.gather [hbm4b:s6+s3], $0x80, v4, vm0, $0xb8;
	[tilespmem:$0x10100] =	vst v63  }
0xe6: {  	_ = 	snop  }
0xe7: {  	[tilespmem:s24], [sflag:$0x1] =	stream.indirect_vreg.gather [hbm4b:s2+s3], $0x80, v3, vm0, $0xb8;
	[tilespmem:$0x10100] =	vst v63  }
0xe8: {  	_ = 	snop  }
0xe9: {  	[tilespmem:s26], [sflag:$0x1] =	stream.indirect_vreg.gather [hbm4b:s4+s3], $0x80, v3, vm0, $0xb8;
	[tilespmem:$0x10100] =	vst v63  }
0xea: {  	_ = 	snop  }
0xeb: {  	[tilespmem:s28], [sflag:$0x1] =	stream.indirect_vreg.gather [hbm4b:s5+s3], $0x80, v3, vm0, $0xb8;
	[tilespmem:$0x10100] =	vst v63  }
0xec: {  	_ = 	snop  }
0xed: {  	[tilespmem:s29], [sflag:$0x1] =	stream.indirect_vreg.gather [hbm4b:s6+s3], $0x80, v3, vm0, $0xb8;
	[tilespmem:$0x10100] =	vst v63  }
0xee: {  	v3 =	vld [tilespmem:$0x90];
	_ =	sdelay $0x4  }
0xef: {  	v57 =	vshll.u32 v3, $0x3  }
0xf0: {  	v3 =	vand.u32 $0x7, v3;
	v4 =	vand.u32 $0xFFFFFFC0, v57  }
0xf1: {  	v3 =	vor.u32 v3, v4  }
0xf2: {  	v4 =	vperm.xlane v3, v0;
	_ =	sdelay $0x1  }
0xf3: {  	v4 =	vadd.s32 v1, v4;
	_ =	sdelay $0x4  }
0xf4: {  	[tilespmem:s30], [sflag:$0x1] =	stream.indirect_vreg.gather [hbm4b:s2+s3], $0x80, v4, vm0, $0xb8;
	[tilespmem:$0x10100] =	vst v63  }
0xf5: {  	v3 =	vperm.xlane v3, v2  }
0xf6: {  	[tilespmem:s31], [sflag:$0x1] =	stream.indirect_vreg.gather [hbm4b:s4+s3], $0x80, v4, vm0, $0xb8;
	[tilespmem:$0x10100] =	vst v63  }
0xf7: {  	v3 =	vadd.s32 v1, v3  }
0xf8: {  	[tilespmem:s16], [sflag:$0x1] =	stream.indirect_vreg.gather [hbm4b:s5+s3], $0x80, v4, vm0, $0xb8;
	[tilespmem:$0x10100] =	vst v63  }
0xf9: {  	_ = 	snop  }
0xfa: {  	[tilespmem:s15], [sflag:$0x1] =	stream.indirect_vreg.gather [hbm4b:s6+s3], $0x80, v4, vm0, $0xb8;
	[tilespmem:$0x10100] =	vst v63  }
0xfb: {  	_ = 	snop  }
0xfc: {  	[tilespmem:s10], [sflag:$0x1] =	stream.indirect_vreg.gather [hbm4b:s2+s3], $0x80, v3, vm0, $0xb8;
	[tilespmem:$0x10100] =	vst v63  }
0xfd: {  	_ = 	snop  }
0xfe: {  	[tilespmem:s11], [sflag:$0x1] =	stream.indirect_vreg.gather [hbm4b:s4+s3], $0x80, v3, vm0, $0xb8;
	[tilespmem:$0x10100] =	vst v63  }
0xff: {  	_ = 	snop  }
0x100: {  	[tilespmem:s12], [sflag:$0x1] =	stream.indirect_vreg.gather [hbm4b:s5+s3], $0x80, v3, vm0, $0xb8;
	[tilespmem:$0x10100] =	vst v63  }
0x101: {  	_ = 	snop  }
0x102: {  	[tilespmem:s13], [sflag:$0x1] =	stream.indirect_vreg.gather [hbm4b:s6+s3], $0x80, v3, vm0, $0xb8;
	[tilespmem:$0x10100] =	vst v63  }
0x103: {  	_ =	swait.ge [sflag:s19], $0x8000  }
0x104: {  	[sflag:s19] =	ssyncset.done $0x0  }
0x105: {  	s14 =	rddreg [dreg:$0x7];
	[sflag:s19] =	ssyncadd.s32 $0xFFFF8000  }
0x106: {  	[hbm4b:s14+s3] =	stream.linear.scatter [tilespmem:s25], [sflag:$0x3], $0x8000, $0x38;
	[tilespmem:$0x10100] =	vst v63  }
0x107: {  	_ =	swait.ge [sflag:s8], $0x8000  }
0x108: {  	[sflag:s8] =	ssyncset.done $0x0  }
0x109: {  	[sflag:s8] =	ssyncadd.s32 $0xFFFF8000  }
0x10a: {  	v3 =	vld [tilespmem:$0xA0];
	_ =	sdelay $0x4  }
0x10b: {  	v58 =	vshll.u32 v3, $0x3  }
0x10c: {  	v3 =	vand.u32 $0x7, v3;
	v4 =	vand.u32 $0xFFFFFFC0, v58  }
0x10d: {  	v3 =	vor.u32 v3, v4  }
0x10e: {  	v4 =	vperm.xlane v3, v0;
	_ =	sdelay $0x1  }
0x10f: {  	v4 =	vadd.s32 v1, v4;
	_ =	sdelay $0x4  }
0x110: {  	[tilespmem:s25], [sflag:$0x2] =	stream.indirect_vreg.gather [hbm4b:s2+s3], $0x80, v4, vm0, $0xb8;
	[tilespmem:$0x10100] =	vst v63  }
0x111: {  	s17 =	simm.s32 $0x8900;
	v3 =	vperm.xlane v3, v2  }
0x112: {  	[tilespmem:s17], [sflag:$0x2] =	stream.indirect_vreg.gather [hbm4b:s4+s3], $0x80, v4, vm0, $0xb8;
	[tilespmem:$0x10100] =	vst v63  }
0x113: {  	v3 =	vadd.s32 v1, v3  }
0x114: {  	[tilespmem:s0], [sflag:$0x2] =	stream.indirect_vreg.gather [hbm4b:s5+s3], $0x80, v4, vm0, $0xb8;
	[tilespmem:$0x10100] =	vst v63  }
0x115: {  	_ = 	snop  }
0x116: {  	[tilespmem:s1], [sflag:$0x2] =	stream.indirect_vreg.gather [hbm4b:s6+s3], $0x80, v4, vm0, $0xb8;
	[tilespmem:$0x10100] =	vst v63  }
0x117: {  	s20 =	simm.s32 $0xA100  }
0x118: {  	[tilespmem:s20], [sflag:$0x2] =	stream.indirect_vreg.gather [hbm4b:s2+s3], $0x80, v3, vm0, $0xb8;
	[tilespmem:$0x10100] =	vst v63  }
0x119: {  	s17 =	simm.s32 $0xA900  }
0x11a: {  	[tilespmem:s17], [sflag:$0x2] =	stream.indirect_vreg.gather [hbm4b:s4+s3], $0x80, v3, vm0, $0xb8;
	[tilespmem:$0x10100] =	vst v63  }
0x11b: {  	s20 =	simm.s32 $0xB100  }
0x11c: {  	[tilespmem:s20], [sflag:$0x2] =	stream.indirect_vreg.gather [hbm4b:s5+s3], $0x80, v3, vm0, $0xb8;
	[tilespmem:$0x10100] =	vst v63  }
0x11d: {  	s20 =	simm.s32 $0xB900  }
0x11e: {  	[tilespmem:s20], [sflag:$0x2] =	stream.indirect_vreg.gather [hbm4b:s6+s3], $0x80, v3, vm0, $0xb8;
	[tilespmem:$0x10100] =	vst v63  }
0x11f: {  	v3 =	vld [tilespmem:$0xB0];
	_ =	sdelay $0x4  }
0x120: {  	v59 =	vshll.u32 v3, $0x3  }
0x121: {  	v3 =	vand.u32 $0x7, v3;
	v4 =	vand.u32 $0xFFFFFFC0, v59  }
0x122: {  	v3 =	vor.u32 v3, v4  }
0x123: {  	v4 =	vperm.xlane v3, v0;
	_ =	sdelay $0x1  }
0x124: {  	v4 =	vadd.s32 v1, v4;
	_ =	sdelay $0x3  }
0x125: {  	s20 =	simm.s32 $0xC100  }
0x126: {  	[tilespmem:s20], [sflag:$0x2] =	stream.indirect_vreg.gather [hbm4b:s2+s3], $0x80, v4, vm0, $0xb8;
	[tilespmem:$0x10100] =	vst v63  }
0x127: {  	v3 =	vperm.xlane v3, v2;
	s20 =	simm.s32 $0xC900  }
0x128: {  	[tilespmem:s20], [sflag:$0x2] =	stream.indirect_vreg.gather [hbm4b:s4+s3], $0x80, v4, vm0, $0xb8;
	[tilespmem:$0x10100] =	vst v63  }
0x129: {  	v3 =	vadd.s32 v1, v3;
	s20 =	simm.s32 $0xD100  }
0x12a: {  	[tilespmem:s20], [sflag:$0x2] =	stream.indirect_vreg.gather [hbm4b:s5+s3], $0x80, v4, vm0, $0xb8;
	[tilespmem:$0x10100] =	vst v63  }
0x12b: {  	s20 =	simm.s32 $0xD900  }
0x12c: {  	[tilespmem:s20], [sflag:$0x2] =	stream.indirect_vreg.gather [hbm4b:s6+s3], $0x80, v4, vm0, $0xb8;
	[tilespmem:$0x10100] =	vst v63  }
0x12d: {  	s20 =	simm.s32 $0xE100  }
0x12e: {  	[tilespmem:s20], [sflag:$0x2] =	stream.indirect_vreg.gather [hbm4b:s2+s3], $0x80, v3, vm0, $0xb8;
	[tilespmem:$0x10100] =	vst v63  }
0x12f: {  	s20 =	simm.s32 $0xE900  }
0x130: {  	[tilespmem:s20], [sflag:$0x2] =	stream.indirect_vreg.gather [hbm4b:s4+s3], $0x80, v3, vm0, $0xb8;
	[tilespmem:$0x10100] =	vst v63  }
0x131: {  	s20 =	simm.s32 $0xF100  }
0x132: {  	[tilespmem:s20], [sflag:$0x2] =	stream.indirect_vreg.gather [hbm4b:s5+s3], $0x80, v3, vm0, $0xb8;
	[tilespmem:$0x10100] =	vst v63  }
0x133: {  	s20 =	simm.s32 $0xF900  }
0x134: {  	[tilespmem:s20], [sflag:$0x2] =	stream.indirect_vreg.gather [hbm4b:s6+s3], $0x80, v3, vm0, $0xb8;
	[tilespmem:$0x10100] =	vst v63  }
0x135: {  	_ =	swait.ge [sflag:s18], $0x8000  }
0x136: {  	[sflag:s18] =	ssyncset.done $0x0  }
0x137: {  	s20 =	rddreg [dreg:$0x8];
	[sflag:s18] =	ssyncadd.s32 $0xFFFF8000  }
0x138: {  	[hbm4b:s20+s3] =	stream.linear.scatter [tilespmem:s9], [sflag:$0x3], $0x8000, $0x38;
	[tilespmem:$0x10100] =	vst v63  }
0x139: {  	_ =	swait.ge [sflag:s8], $0x8000  }
0x13a: {  	[sflag:s8] =	ssyncset.done $0x0  }
0x13b: {  	[sflag:s8] =	ssyncadd.s32 $0xFFFF8000  }
0x13c: {  	v3 =	vld [tilespmem:$0xC0];
	_ =	sdelay $0x4  }
0x13d: {  	v60 =	vshll.u32 v3, $0x3  }
0x13e: {  	v3 =	vand.u32 $0x7, v3;
	v4 =	vand.u32 $0xFFFFFFC0, v60  }
0x13f: {  	v3 =	vor.u32 v3, v4  }
0x140: {  	v4 =	vperm.xlane v3, v0;
	_ =	sdelay $0x1  }
0x141: {  	v4 =	vadd.s32 v1, v4;
	_ =	sdelay $0x4  }
0x142: {  	[tilespmem:s9], [sflag:$0x1] =	stream.indirect_vreg.gather [hbm4b:s2+s3], $0x80, v4, vm0, $0xb8;
	[tilespmem:$0x10100] =	vst v63  }
0x143: {  	v3 =	vperm.xlane v3, v2  }
0x144: {  	[tilespmem:s21], [sflag:$0x1] =	stream.indirect_vreg.gather [hbm4b:s4+s3], $0x80, v4, vm0, $0xb8;
	[tilespmem:$0x10100] =	vst v63  }
0x145: {  	v3 =	vadd.s32 v1, v3  }
0x146: {  	[tilespmem:s22], [sflag:$0x1] =	stream.indirect_vreg.gather [hbm4b:s5+s3], $0x80, v4, vm0, $0xb8;
	[tilespmem:$0x10100] =	vst v63  }
0x147: {  	_ = 	snop  }
0x148: {  	[tilespmem:s23], [sflag:$0x1] =	stream.indirect_vreg.gather [hbm4b:s6+s3], $0x80, v4, vm0, $0xb8;
	[tilespmem:$0x10100] =	vst v63  }
0x149: {  	_ = 	snop  }
0x14a: {  	[tilespmem:s24], [sflag:$0x1] =	stream.indirect_vreg.gather [hbm4b:s2+s3], $0x80, v3, vm0, $0xb8;
	[tilespmem:$0x10100] =	vst v63  }
0x14b: {  	_ = 	snop  }
0x14c: {  	[tilespmem:s26], [sflag:$0x1] =	stream.indirect_vreg.gather [hbm4b:s4+s3], $0x80, v3, vm0, $0xb8;
	[tilespmem:$0x10100] =	vst v63  }
0x14d: {  	_ = 	snop  }
0x14e: {  	[tilespmem:s28], [sflag:$0x1] =	stream.indirect_vreg.gather [hbm4b:s5+s3], $0x80, v3, vm0, $0xb8;
	[tilespmem:$0x10100] =	vst v63  }
0x14f: {  	_ = 	snop  }
0x150: {  	[tilespmem:s29], [sflag:$0x1] =	stream.indirect_vreg.gather [hbm4b:s6+s3], $0x80, v3, vm0, $0xb8;
	[tilespmem:$0x10100] =	vst v63  }
0x151: {  	v3 =	vld [tilespmem:$0xD0];
	_ =	sdelay $0x4  }
0x152: {  	v61 =	vshll.u32 v3, $0x3  }
0x153: {  	v3 =	vand.u32 $0x7, v3;
	v4 =	vand.u32 $0xFFFFFFC0, v61  }
0x154: {  	v3 =	vor.u32 v3, v4  }
0x155: {  	v4 =	vperm.xlane v3, v0;
	_ =	sdelay $0x1  }
0x156: {  	v4 =	vadd.s32 v1, v4;
	_ =	sdelay $0x4  }
0x157: {  	[tilespmem:s30], [sflag:$0x1] =	stream.indirect_vreg.gather [hbm4b:s2+s3], $0x80, v4, vm0, $0xb8;
	[tilespmem:$0x10100] =	vst v63  }
0x158: {  	v3 =	vperm.xlane v3, v2  }
0x159: {  	[tilespmem:s31], [sflag:$0x1] =	stream.indirect_vreg.gather [hbm4b:s4+s3], $0x80, v4, vm0, $0xb8;
	[tilespmem:$0x10100] =	vst v63  }
0x15a: {  	v3 =	vadd.s32 v1, v3  }
0x15b: {  	[tilespmem:s16], [sflag:$0x1] =	stream.indirect_vreg.gather [hbm4b:s5+s3], $0x80, v4, vm0, $0xb8;
	[tilespmem:$0x10100] =	vst v63  }
0x15c: {  	_ = 	snop  }
0x15d: {  	[tilespmem:s15], [sflag:$0x1] =	stream.indirect_vreg.gather [hbm4b:s6+s3], $0x80, v4, vm0, $0xb8;
	[tilespmem:$0x10100] =	vst v63  }
0x15e: {  	_ = 	snop  }
0x15f: {  	[tilespmem:s10], [sflag:$0x1] =	stream.indirect_vreg.gather [hbm4b:s2+s3], $0x80, v3, vm0, $0xb8;
	[tilespmem:$0x10100] =	vst v63  }
0x160: {  	_ = 	snop  }
0x161: {  	[tilespmem:s11], [sflag:$0x1] =	stream.indirect_vreg.gather [hbm4b:s4+s3], $0x80, v3, vm0, $0xb8;
	[tilespmem:$0x10100] =	vst v63  }
0x162: {  	_ = 	snop  }
0x163: {  	[tilespmem:s12], [sflag:$0x1] =	stream.indirect_vreg.gather [hbm4b:s5+s3], $0x80, v3, vm0, $0xb8;
	[tilespmem:$0x10100] =	vst v63  }
0x164: {  	_ = 	snop  }
0x165: {  	[tilespmem:s13], [sflag:$0x1] =	stream.indirect_vreg.gather [hbm4b:s6+s3], $0x80, v3, vm0, $0xb8;
	[tilespmem:$0x10100] =	vst v63  }
0x166: {  	_ =	swait.ge [sflag:s19], $0x8000  }
0x167: {  	[sflag:s19] =	ssyncset.done $0x0  }
0x168: {  	s10 =	rddreg [dreg:$0x9];
	[sflag:s19] =	ssyncadd.s32 $0xFFFF8000  }
0x169: {  	[hbm4b:s10+s3] =	stream.linear.scatter [tilespmem:s25], [sflag:$0x3], $0x8000, $0x38;
	[tilespmem:$0x10100] =	vst v63  }
0x16a: {  	_ =	swait.ge [sflag:s8], $0x8000  }
0x16b: {  	[sflag:s8] =	ssyncset.done $0x0  }
0x16c: {  	[sflag:s8] =	ssyncadd.s32 $0xFFFF8000  }
0x16d: {  	v3 =	vld [tilespmem:$0xE0];
	_ =	sdelay $0x4  }
0x16e: {  	v62 =	vshll.u32 v3, $0x3  }
0x16f: {  	v3 =	vand.u32 $0x7, v3;
	v4 =	vand.u32 $0xFFFFFFC0, v62  }
0x170: {  	v3 =	vor.u32 v3, v4  }
0x171: {  	v4 =	vperm.xlane v3, v0;
	_ =	sdelay $0x1  }
0x172: {  	v4 =	vadd.s32 v1, v4;
	_ =	sdelay $0x4  }
0x173: {  	[tilespmem:s25], [sflag:$0x2] =	stream.indirect_vreg.gather [hbm4b:s2+s3], $0x80, v4, vm0, $0xb8;
	[tilespmem:$0x10100] =	vst v63  }
0x174: {  	s20 =	simm.s32 $0x8900;
	v3 =	vperm.xlane v3, v2  }
0x175: {  	[tilespmem:s20], [sflag:$0x2] =	stream.indirect_vreg.gather [hbm4b:s4+s3], $0x80, v4, vm0, $0xb8;
	[tilespmem:$0x10100] =	vst v63  }
0x176: {  	s0 =	simm.s32 $0x9100;
	v3 =	vadd.s32 v1, v3  }
0x177: {  	[tilespmem:s0], [sflag:$0x2] =	stream.indirect_vreg.gather [hbm4b:s5+s3], $0x80, v4, vm0, $0xb8;
	[tilespmem:$0x10100] =	vst v63  }
0x178: {  	s1 =	simm.s32 $0x9900  }
0x179: {  	[tilespmem:s1], [sflag:$0x2] =	stream.indirect_vreg.gather [hbm4b:s6+s3], $0x80, v4, vm0, $0xb8;
	[tilespmem:$0x10100] =	vst v63  }
0x17a: {  	s10 =	simm.s32 $0xA100  }
0x17b: {  	[tilespmem:s10], [sflag:$0x2] =	stream.indirect_vreg.gather [hbm4b:s2+s3], $0x80, v3, vm0, $0xb8;
	[tilespmem:$0x10100] =	vst v63  }
0x17c: {  	s14 =	simm.s32 $0xA900  }
0x17d: {  	[tilespmem:s14], [sflag:$0x2] =	stream.indirect_vreg.gather [hbm4b:s4+s3], $0x80, v3, vm0, $0xb8;
	[tilespmem:$0x10100] =	vst v63  }
0x17e: {  	s17 =	simm.s32 $0xB100  }
0x17f: {  	[tilespmem:s17], [sflag:$0x2] =	stream.indirect_vreg.gather [hbm4b:s5+s3], $0x80, v3, vm0, $0xb8;
	[tilespmem:$0x10100] =	vst v63  }
0x180: {  	s17 =	simm.s32 $0xB900  }
0x181: {  	[tilespmem:s17], [sflag:$0x2] =	stream.indirect_vreg.gather [hbm4b:s6+s3], $0x80, v3, vm0, $0xb8;
	[tilespmem:$0x10100] =	vst v63  }
0x182: {  	v3 =	vld [tilespmem:$0xF0];
	_ =	sdelay $0x4  }
0x183: {  	v63 =	vshll.u32 v3, $0x3  }
0x184: {  	v3 =	vand.u32 $0x7, v3;
	v4 =	vand.u32 $0xFFFFFFC0, v63  }
0x185: {  	v3 =	vor.u32 v3, v4  }
0x186: {  	v4 =	vperm.xlane v3, v0;
	_ =	sdelay $0x1  }
0x187: {  	v4 =	vadd.s32 v1, v4;
	_ =	sdelay $0x3  }
0x188: {  	s20 =	simm.s32 $0xC100  }
0x189: {  	[tilespmem:s20], [sflag:$0x2] =	stream.indirect_vreg.gather [hbm4b:s2+s3], $0x80, v4, vm0, $0xb8;
	[tilespmem:$0x10100] =	vst v63  }
0x18a: {  	s1 =	simm.s32 $0xC900;
	v3 =	vperm.xlane v3, v2  }
0x18b: {  	[tilespmem:s1], [sflag:$0x2] =	stream.indirect_vreg.gather [hbm4b:s4+s3], $0x80, v4, vm0, $0xb8;
	[tilespmem:$0x10100] =	vst v63  }
0x18c: {  	s10 =	simm.s32 $0xD100;
	v3 =	vadd.s32 v1, v3  }
0x18d: {  	[tilespmem:s10], [sflag:$0x2] =	stream.indirect_vreg.gather [hbm4b:s5+s3], $0x80, v4, vm0, $0xb8;
	[tilespmem:$0x10100] =	vst v63  }
0x18e: {  	s14 =	simm.s32 $0xD900  }
0x18f: {  	[tilespmem:s14], [sflag:$0x2] =	stream.indirect_vreg.gather [hbm4b:s6+s3], $0x80, v4, vm0, $0xb8;
	[tilespmem:$0x10100] =	vst v63  }
0x190: {  	s17 =	simm.s32 $0xE100  }
0x191: {  	[tilespmem:s17], [sflag:$0x2] =	stream.indirect_vreg.gather [hbm4b:s2+s3], $0x80, v3, vm0, $0xb8;
	[tilespmem:$0x10100] =	vst v63  }
0x192: {  	s20 =	simm.s32 $0xE900  }
0x193: {  	[tilespmem:s20], [sflag:$0x2] =	stream.indirect_vreg.gather [hbm4b:s4+s3], $0x80, v3, vm0, $0xb8;
	[tilespmem:$0x10100] =	vst v63  }
0x194: {  	s1 =	simm.s32 $0xF100  }
0x195: {  	[tilespmem:s1], [sflag:$0x2] =	stream.indirect_vreg.gather [hbm4b:s5+s3], $0x80, v3, vm0, $0xb8;
	[tilespmem:$0x10100] =	vst v63  }
0x196: {  	s10 =	simm.s32 $0xF900  }
0x197: {  	[tilespmem:s10], [sflag:$0x2] =	stream.indirect_vreg.gather [hbm4b:s6+s3], $0x80, v3, vm0, $0xb8;
	[tilespmem:$0x10100] =	vst v63  }
0x198: {  	_ =	swait.ge [sflag:s18], $0x8000  }
0x199: {  	[sflag:s18] =	ssyncset.done $0x0  }
0x19a: {  	s14 =	rddreg [dreg:$0xa];
	[sflag:s18] =	ssyncadd.s32 $0xFFFF8000  }
0x19b: {  	[hbm4b:s14+s3] =	stream.linear.scatter [tilespmem:s9], [sflag:$0x3], $0x8000, $0x38;
	[tilespmem:$0x10100] =	vst v63  }
0x19c: {  	_ =	swait.ge [sflag:s8], $0x8000  }
0x19d: {  	[sflag:s8] =	ssyncset.done $0x0  }
0x19e: {  	[sflag:s8] =	ssyncadd.s32 $0xFFFF8000  }
0x19f: {  	_ =	swait.ge [sflag:s19], $0x8000  }
0x1a0: {  	p0 =	sne.s32 s7, $0x1;
	[sflag:s19] =	ssyncset.done $0x0  }
.Ltmp0:
0x1a1: {  	s17 =	rddreg [dreg:$0xb];
	[sflag:s19] =	ssyncadd.s32 $0xFFFF8000;
	(pc) =	sbr.rel @p0 .LBB2_1-.Ltmp0, $4  }
0x1a2: {  	[hbm4b:s17+s3] =	stream.linear.scatter [tilespmem:s25], [sflag:$0x3], $0x8000, $0x38;
	[tilespmem:$0x10100] =	vst v63  }
0x1a3: {  	_ =	swait.ge [sflag:s8], $0x8000  }
0x1a4: {  	[sflag:s8] =	ssyncset.done $0x0  }
0x1a5: {  	s7 =	sadd.s32 $0xFFFFFFFF, s7;
	[sflag:s8] =	ssyncadd.s32 $0xFFFF8000  }
0x1a6: {  	_ =	sfence.sel $0x180000  }
0x1a7: {  	[bflag:$0x0] =	sbarrier.arrive $0xFFFF  }
0x1a8: {  	_ =	strace $0x9000004D  }
0x1a9: {  	s0 =	stileid.u32;
	[bflag:$0x2] =	sbarrier.arrive $0xFFFF  }
0x1aa: {  	p0 =	sne.s32 s0, $0x0;
	s0 =	rddreg [dreg:$0x2]  }
0x1ab: {  	s0 =	sadd.s32 @!p0 $0x100000, s0  }
0x1ac: {  	[sflag:s0] =	ssyncadd.tile.s32 @!p0 $0x1;
	_ =	shalt  }
.Lfunc_end2:
_tile_overlayer_lowered:
.L_overlay_start_2:
0x1ad: {  	(tag) =	ssettag $0x2  }
0x1ae: {  	s0 =	rddreg [dreg:$0x0];
	s2 =	stileid.u32  }
0x1af: {  	s1 =	rddreg [dreg:$0x1];
	p0 =	sne.s32 s2, $0x0  }
0x1b0: {  	s3 =	rddreg [dreg:$0x2];
	[bflag:$0x3] =	sbarrier.arrive $0xFFFF;
	s2 =	simm.s32 @!p0 $0x1C03  }
0x1b1: {  	[timem:s3], [sflag:s2] =	dma.local @!p0 [hbm:s0], s1  }
0x1b2: {  	s0 =	simm.s32 @!p0 $0x3  }
0x1b3: {  	_ =	swait.ge @!p0 [sflag:s0], s1  }
0x1b4: {  	s1 =	ssub.s32 @!p0 $0x0, s1;
	[sflag:s0] =	ssyncset.done @!p0 $0x0  }
0x1b5: {  	[sflag:s0] =	ssyncadd.s32 @!p0 s1  }
0x1b6: {  	[bflag:$0x3] =	sbarrier.arrive $0xFFFF  }
0x1b7: {  	_ =	shalt  }

// kernel: kernel.16.cloned.1.call-start
scs
__scs_entry_jumppad:
0x0: {  	(pc) =	sbr.rel $0x88, $3  }
0x1: {  	(tag) =	ssettag $0x0;
	lr =	simm.s32 $0x1  }
0x2: {  	[smem:$0x3F96] =	sst lr;
	_ =	strace $0xD0000000  }
0x3: {  	_ = 	snop  }
0x4: {  	_ = 	snop  }
0x5: {  	_ = 	snop  }
0x6: {  	_ = 	snop  }
0x7: {  	_ = 	snop  }
__scs_overlays_trampoline_lowered:
0x8: {  	[smem:$0x3FA5] =	sst s0  }
0x9: {  	[smem:$0x3FA6] =	sst s1  }
0xa: {  	[smem:$0x3FA7] =	sst s2  }
0xb: {  	[smem:$0x3FA8] =	sst s3  }
0xc: {  	[smem:$0x3FA9] =	sst s4  }
0xd: {  	[smem:$0x3FAA] =	sst s5  }
0xe: {  	[smem:$0x3FAB] =	sst s6  }
0xf: {  	[smem:$0x3FAC] =	sst s7  }
0x10: {  	[smem:$0x3FAD] =	sst s8  }
0x11: {  	[smem:$0x3FAE] =	sst s9;
	s0 =	simm.s32 @!p0 $0x0  }
0x12: {  	s1 =	sld [smem:$0x3F94];
	s0 =	simm.s32 @p0 $0x1  }
0x13: {  	[smem:$0x3FAF] =	sst s0;
	s0 =	simm.s32 @!p1 $0x0  }
0x14: {  	s2 =	sld [smem:$0x3F93];
	s0 =	simm.s32 @p1 $0x1  }
0x15: {  	[smem:$0x3FB0] =	sst s0;
	s0 =	simm.s32 @!p2 $0x0  }
0x16: {  	s3 =	sld [smem:$0x3FDB];
	s0 =	simm.s32 @p2 $0x1  }
0x17: {  	s4 =	simm.s32 $0x1BF5;
	[smem:$0x3FB2] =	sst s0  }
0x18: {  	s0 =	sld [smem:$0x3F95];
	_ =	swait.ge [sflag:s4], $0x0  }
0x19: {  	s7 =	sld [smem:$0x3F96]  }
0x1a: {  	s8 =	sadd.s32 $0xFFFFE003, lr  }
0x1b: {  	s9 =	sadd.s32 $0xFFFFFEF7, lr;
	s5 =	simm.s32 $0xFFFFFFFF;
	p2 =	slt.u32 s8, $0xFFFFF086  }
0x1c: {  	p1 =	slt.u32 s9, $0xF7A;
	s5 =	simm.s32 @!p2 $0x0  }
0x1d: {  	s5 =	simm.s32 @p1 $0x1;
	p0 =	seq.s32 s7, s2  }
0x1e: {  	s7 =	smul.u32 @!p0 $0xF7A, s2;
	p2 =	seq.s32 @!p0 s5, $0x0  }
0x1f: {  	s9 =	smul.u32 $0xF7A, s1;
	s8 =	simm.s32 @!p0 $0x1BF5;
	p2 =	por !p2, p0  }
0x20: {  	[sflag:s8] =	ssyncset.s32 @!p0 $0xFFFFF086;
	s6 =	sadd.s32 @!p0 s3, s7;
	s7 =	simm.s32 @!p0 $0x108  }
0x21: {  	s3 =	sadd.s32 s3, s9;
	s6 =	sadd.s32 @!p0 $0x88, s6;
	s7 =	simm.s32 @p2 $0x1082  }
0x22: {  	[simem:s7], [sflag:s8] =	dma.local @!p0 [hbm:s6], $0xF7A  }
0x23: {  	s9 =	sor.u32 $0xD0000000, s2;
	s6 =	simm.s32 $0x108;
	_ =	swait.ge @!p0 [sflag:s8], $0x0  }
0x24: {  	s3 =	sadd.s32 $0x88, s3;
	s6 =	simm.s32 @!p1 $0x1082;
	[sflag:s4] =	ssyncset.s32 $0xFFFFF086  }
0x25: {  	[simem:s6], [sflag:s4] =	dma.local [hbm:s3], $0xF7A  }
0x26: {  	[smem:$0x3F96] =	sst s1;
	(tag) =	ssettag s2;
	_ =	strace s9  }
0x27: {  	s1 =	sld [smem:$0x3FA6]  }
0x28: {  	s2 =	sld [smem:$0x3FA7]  }
0x29: {  	s4 =	sld [smem:$0x3FA9]  }
0x2a: {  	p0 =	seq.s32 s5, $0x0;
	s5 =	sld [smem:$0x3FAA]  }
0x2b: {  	s6 =	sld [smem:$0x3FAB]  }
0x2c: {  	s7 =	sld [smem:$0x3FAC]  }
0x2d: {  	s3 =	simm.s32 $0x108;
	s8 =	sld [smem:$0x3FAD]  }
0x2e: {  	s3 =	simm.s32 @!p0 $0x1082;
	s9 =	sld [smem:$0x3FAE]  }
0x2f: {  	lr =	sadd.s32 s0, s3;
	s0 =	sld [smem:$0x3FA5]  }
0x30: {  	s3 =	sld [smem:$0x3FA8]  }
0x31: {  	[smem:$0x3FB1] =	sst s10  }
0x32: {  	s10 =	sld [smem:$0x3FAF];
	_ =	sdelay $0x3  }
0x33: {  	p0 =	seq.s32 s10, $0x1;
	s10 =	sld [smem:$0x3FB1];
	_ =	sdelay $0x3  }
0x34: {  	[smem:$0x3FB1] =	sst s10  }
0x35: {  	s10 =	sld [smem:$0x3FB0];
	_ =	sdelay $0x3  }
0x36: {  	p1 =	seq.s32 s10, $0x1;
	s10 =	sld [smem:$0x3FB1];
	_ =	sdelay $0x3  }
0x37: {  	[smem:$0x3FB1] =	sst s10  }
0x38: {  	s10 =	sld [smem:$0x3FB2]  }
0x39: {  	_ = 	snop;
	(pc) =	sbr.ind lr, $3  }
0x3a: {  	_ = 	snop  }
0x3b: {  	_ = 	snop  }
0x3c: {  	p2 =	seq.s32 s10, $0x1;
	s10 =	sld [smem:$0x3FB1]  }
0x3d: {  	_ =	shalt  }
0x3e: {  	_ =	shalt  }
0x3f: {  	_ =	shalt  }
0x40: {  	_ =	shalt  }
0x41: {  	_ =	shalt  }
0x42: {  	_ =	shalt  }
0x43: {  	_ =	shalt  }
0x44: {  	_ =	shalt  }
0x45: {  	_ =	shalt  }
0x46: {  	_ =	shalt  }
0x47: {  	_ =	shalt  }
0x48: {  	_ =	shalt  }
0x49: {  	_ =	shalt  }
0x4a: {  	_ =	shalt  }
0x4b: {  	_ =	shalt  }
0x4c: {  	_ =	shalt  }
0x4d: {  	_ =	shalt  }
0x4e: {  	_ =	shalt  }
0x4f: {  	_ =	shalt  }
0x50: {  	_ =	shalt  }
0x51: {  	_ =	shalt  }
0x52: {  	_ =	shalt  }
0x53: {  	_ =	shalt  }
0x54: {  	_ =	shalt  }
0x55: {  	_ =	shalt  }
0x56: {  	_ =	shalt  }
0x57: {  	_ =	shalt  }
0x58: {  	_ =	shalt  }
0x59: {  	_ =	shalt  }
0x5a: {  	_ =	shalt  }
0x5b: {  	_ =	shalt  }
0x5c: {  	_ =	shalt  }
0x5d: {  	_ =	shalt  }
0x5e: {  	_ =	shalt  }
0x5f: {  	_ =	shalt  }
0x60: {  	_ =	shalt  }
0x61: {  	_ =	shalt  }
0x62: {  	_ =	shalt  }
0x63: {  	_ =	shalt  }
0x64: {  	_ =	shalt  }
0x65: {  	_ =	shalt  }
0x66: {  	_ =	shalt  }
0x67: {  	_ =	shalt  }
0x68: {  	_ =	shalt  }
0x69: {  	_ =	shalt  }
0x6a: {  	_ =	shalt  }
0x6b: {  	_ =	shalt  }
0x6c: {  	_ =	shalt  }
0x6d: {  	_ =	shalt  }
0x6e: {  	_ =	shalt  }
0x6f: {  	_ =	shalt  }
0x70: {  	_ =	shalt  }
0x71: {  	_ =	shalt  }
0x72: {  	_ =	shalt  }
0x73: {  	_ =	shalt  }
0x74: {  	_ =	shalt  }
0x75: {  	_ =	shalt  }
0x76: {  	_ =	shalt  }
0x77: {  	_ =	shalt  }
0x78: {  	_ =	shalt  }
0x79: {  	_ =	shalt  }
0x7a: {  	_ =	shalt  }
0x7b: {  	_ =	shalt  }
0x7c: {  	_ =	shalt  }
0x7d: {  	_ =	shalt  }
0x7e: {  	_ =	shalt  }
0x7f: {  	_ =	shalt  }
0x80: {  	_ =	shalt  }
0x81: {  	_ =	shalt  }
0x82: {  	_ =	shalt  }
0x83: {  	_ =	shalt  }
0x84: {  	_ =	shalt  }
0x85: {  	_ =	shalt  }
0x86: {  	_ =	shalt  }
0x87: {  	_ =	shalt  }
.Lfunc_end0:
.L_simem_size_0:
called_computation.2_lowered:
.L_overlay_start_0:
0x88: {  	s2 =	sld [smem:$0x3FD9]  }
0x89: {  	s3 =	sld [smem:$0x3FFE];
	_ =	sdelay $0x1  }
0x8a: {  	s1 =	srdreg.scid  }
0x8b: {  	s0 =	sand.u32 $0x1, s1  }
0x8c: {  	s16 =	sshll.u32 s0, $0xA;
	s2 =	sadd.s32 s3, s2  }
0x8d: {  	s2 =	sadd.s32 s2, s16  }
0x8e: {  	[smem:$0x3FBD] =	sst s2  }
0x8f: {  	_ = 	snop  }
0x90: {  	(tm) =	ssettm $0x1  }
0x91: {  	s17 =	sld [smem:$0x3FFB];
	_ =	sdelay $0x3  }
0x92: {  	_ =	strace s17  }
0x93: {  	s2 =	sld [smem:$0x3FFC];
	_ =	sdelay $0x3  }
0x94: {  	_ =	strace s2  }
0x95: {  	s2 =	sld [smem:$0x3FFD];
	_ =	sdelay $0x3  }
0x96: {  	_ =	strace s2  }
0x97: {  	_ =	strace $0x8FFFFFFF  }
0x98: {  	s18 =	sld [smem:$0x3FDB];
	_ =	sdelay $0x1  }
0x99: {  	s19 =	simm.s32 $_scs_section_size  }
0x9a: {  	s4 =	simm.s32 $_size__tile_overlayer_lowered;
	s5 =	simm.s32 $_tile_overlayer_lowered  }
0x9b: {  	s22 =	simm.s32 $0x1BFF;
	s21 =	sshll.u32 s5, $0x1;
	s2 =	sadd.s32 s19, s18  }
0x9c: {  	s6 =	simm.s32 $0x0;
	s20 =	sshll.u32 s4, $0x1;
	s4 =	sadd.s32 s21, s2  }
0x9d: {  	[timem:s6], [sflag:s22] =	dma.local [hbm:s4], s20  }
0x9e: {  	_ =	swait.ge [sflag:s22], s20  }
0x9f: {  	s3 =	ssub.s32 $0x0, s20;
	[sflag:s22] =	ssyncset.done $0x0  }
0xa0: {  	[sflag:s22] =	ssyncadd.s32 s3;
	_ =	sdelay $0x1  }
0xa1: {  	s23 =	simm.s32 $0x1B8B  }
0xa2: {  	_ =	swait.ge [sflag:s23], $0x1  }
0xa3: {  	[sflag:s23] =	ssyncset.done $0x0  }
0xa4: {  	s25 =	simm.s32 $0x1B8E;
	s24 =	sld [smem:$0x3FFE];
	[sflag:s23] =	ssyncadd.s32 $0xFFFFFFFF  }
0xa5: {  	s26 =	simm.s32 $execute0_lowered;
	[smem:$0x3FD2] =	sst s25  }
0xa6: {  	s4 =	sshll.u32 s26, $0x1;
	_ =	strace $0x80000049;
	[dreg:$0x1] =	wrdreg $0xFFFFFFFF  }
0xa7: {  	s28 =	simm.s32 $_size_execute0_lowered;
	s2 =	sadd.s32 s2, s4;
	[dreg:$0x0] =	wrdreg $0x0  }
0xa8: {  	s4 =	sshll.u32 s28, $0x1;
	[dreg:$0x2] =	wrdreg s2  }
0xa9: {  	[dreg:$0x3] =	wrdreg s4  }
0xaa: {  	[dreg:$0x4] =	wrdreg $0xC0  }
0xab: {  	_ =	task [dreg:s6], $0x5FFFF  }
0xac: {  	[dreg:$0x1] =	wrdreg $0xFFFFFFFF  }
0xad: {  	[dreg:$0x0] =	wrdreg $0x60  }
0xae: {  	[dreg:$0x2] =	wrdreg s24  }
0xaf: {  	[dreg:$0x3] =	wrdreg $0xA  }
0xb0: {  	_ =	task.clear_ibuf [dreg:s6], $0x4FFFF;
	_ =	strace $0x90000049  }
0xb1: {  	s29 =	simm.s32 $0xA;
	_ =	strace $0x8000004B  }
0xb2: {  	_ =	swait.ge [sflag:s29], $0x1  }
0xb3: {  	[sflag:s29] =	ssyncadd.s32 $0xFFFFFFFF  }
0xb4: {  	_ =	strace $0x9000004B  }
0xb5: {  	_ =	sfence  }
0xb6: {  	s30 =	sld [smem:$0x0];
	_ =	sdelay $0x2  }
0xb7: {  	s31 =	sshll.u32 s1, $0xD;
	s1 =	sshrl.u32 s1, $0x2  }
0xb8: {  	s3 =	sand.u32 $0x4000, s31;
	s1 =	sadd.s32 s1, s30  }
0xb9: {  	s0 =	sor.u32 s3, s0;
	s1 =	sshll.u32 s1, $0x11  }
0xba: {  	s0 =	sor.u32 s1, s0  }
0xbb: {  	s0 =	sadd.s32 $0x8F2B, s0  }
0xbc: {  	[sflag:s0] =	ssyncadd.remote.s32 $0x1  }
0xbd: {  	_ =	sfence.sel $0xFFFF  }
0xbe: {  	[dreg:$0x0] =	wrdreg $0xFFFFFFFF;
	(pc) =	sbr.abs _section_cstart, $3  }
0xbf: {  	[dreg:$0x1] =	wrdreg $0xFFFFFFFF  }
0xc0: {  	_ =	task.clear_ibuf [dreg:s6], $0x2FFFF;
	_ =	strace $0x9FFFFFFF  }
0xc1: {  	(tm) =	ssettm $0x7FFFFFFF  }
tec
execute0_lowered:
.L_overlay_start_1:
0x0: {  	(tag) =	ssettag $0x1  }
0x1: {  	s0 =	rddreg [dreg:$0x0];
	s2 =	srdreg.scid  }
0x2: {  	s1 =	stileid.u32;
	s13 =	simm.s32 $0x3;
	s14 =	simm.s32 $0x100  }
0x3: {  	s15 =	simm.s32 $0x900;
	s16 =	simm.s32 $0x1100;
	s17 =	simm.s32 $0x1900  }
0x4: {  	s18 =	simm.s32 $0x2100;
	s19 =	simm.s32 $0x2900;
	s20 =	simm.s32 $0x3100  }
0x5: {  	s21 =	simm.s32 $0x3900;
	s22 =	simm.s32 $0x4100;
	s23 =	simm.s32 $0x4900  }
0x6: {  	s28 =	simm.s32 $0x6900;
	s29 =	simm.s32 $0x7100;
	s30 =	simm.s32 $0x7900  }
0x7: {  	s4 =	sand.u32 $0x1, s2;
	s2 =	simm.s32 $0x0;
	s3 =	sshll.u32 s1, $0x9  }
0x8: {  	s5 =	sshll.u32 s4, $0x8;
	[smem:$0x7FF] =	sst s2;
	s24 =	ssub.s32 $0x2, s4  }
0x9: {  	s4 =	sadd.s32 $0x113700, s0;
	s5 =	sor.u32 s5, s3;
	_ =	strace $0x8000004A  }
0xa: {  	s3 =	sadd.s32 $0x113600, s0;
	s25 =	sshrl.u32 s24, $0x1;
	s6 =	sshrl.u32 s5, $0x3  }
0xb: {  	s5 =	sshll.u32 s5, $0x6;
	s12 =	ssub.s32 s24, s25;
	s24 =	simm.s32 $0x5100  }
0xc: {  	s25 =	simm.s32 $0x5900;
	s6 =	sadd.s32 s6, s0;
	s11 =	sadd.s32 s5, s0  }
0xd: {  	s31 =	simm.s32 $0x1;
	s7 =	sadd.s32 $0x102E00, s6;
	s26 =	sadd.s32 $0x123600, s11  }
0xe: {  	s12 =	smax.u32 s12, $0x1;
	s5 =	sadd.s32 $0x123E00, s11;
	s6 =	sadd.s32 $0x124600, s11  }
0xf: {  	v2 =	vlaneseq.u32;
	s0 =	simm.s32 $0x2;
	s8 =	sadd.s32 $0x125600, s11;
	s9 =	sadd.s32 $0x125E00, s11  }
0x10: {  	vm0 =	vmmov $0xffff;
	v1 =	vshrl.u32 v2, $0x3;
	s10 =	sadd.s32 $0x126600, s11;
	[dreg:$0x2] =	wrdreg s7;
	s7 =	sadd.s32 $0x124E00, s11  }
0x11: {  	v0 =	vand.u32 $0x7, v2;
	v2 =	vor.u32 $0x8, v2;
	v1 =	vmul.u32 $0x8, v1;
	[dreg:$0x3] =	wrdreg s26;
	s11 =	sadd.s32 $0x126E00, s11;
	s26 =	simm.s32 $0x6100  }
.LBB2_1:
0x12: {  	s1 =	rddreg [dreg:$0x2]  }
0x13: {  	[tilespmem:s2], [sflag:$0x3] =	stream.linear.gather [hbm4b:s1+s2], $0x100, $0x38;
	[tilespmem:$0x8100] =	vst v63  }
0x14: {  	_ =	swait.ge [sflag:s13], $0x100  }
0x15: {  	[sflag:s13] =	ssyncset.done $0x0  }
0x16: {  	[sflag:s13] =	ssyncadd.s32 $0xFFFFFF00  }
0x17: {  	v3 =	vld [tilespmem:$0x0];
	_ =	sdelay $0x4  }
0x18: {  	v4 =	vshll.u32 v3, $0x2  }
0x19: {  	v3 =	vand.u32 $0x7, v3;
	v4 =	vand.u32 $0xFFFFFFE0, v4  }
0x1a: {  	v3 =	vor.u32 v3, v4  }
0x1b: {  	v4 =	vperm.xlane v3, v0;
	_ =	sdelay $0x1  }
0x1c: {  	v4 =	vadd.s32 v1, v4;
	_ =	sdelay $0x1  }
0x1d: {  	v3 =	vperm.xlane v3, v2;
	_ =	sdelay $0x1  }
0x1e: {  	v3 =	vadd.s32 v1, v3  }
0x1f: {  	[tilespmem:s14], [sflag:$0x1] =	stream.indirect_vreg.gather [hbm4b:s3+s2], $0x80, v4, vm0, $0xb8;
	[tilespmem:$0x8100] =	vst v63  }
0x20: {  	_ = 	snop  }
0x21: {  	[tilespmem:s15], [sflag:$0x1] =	stream.indirect_vreg.gather [hbm4b:s4+s2], $0x80, v4, vm0, $0xb8;
	[tilespmem:$0x8100] =	vst v63  }
0x22: {  	_ = 	snop  }
0x23: {  	[tilespmem:s16], [sflag:$0x1] =	stream.indirect_vreg.gather [hbm4b:s3+s2], $0x80, v3, vm0, $0xb8;
	[tilespmem:$0x8100] =	vst v63  }
0x24: {  	_ = 	snop  }
0x25: {  	[tilespmem:s17], [sflag:$0x1] =	stream.indirect_vreg.gather [hbm4b:s4+s2], $0x80, v3, vm0, $0xb8;
	[tilespmem:$0x8100] =	vst v63  }
0x26: {  	v3 =	vld [tilespmem:$0x10];
	_ =	sdelay $0x4  }
0x27: {  	v49 =	vshll.u32 v3, $0x2  }
0x28: {  	v3 =	vand.u32 $0x7, v3;
	v4 =	vand.u32 $0xFFFFFFE0, v49  }
0x29: {  	v3 =	vor.u32 v3, v4  }
0x2a: {  	v4 =	vperm.xlane v3, v0;
	_ =	sdelay $0x1  }
0x2b: {  	v4 =	vadd.s32 v1, v4;
	_ =	sdelay $0x1  }
0x2c: {  	v3 =	vperm.xlane v3, v2;
	_ =	sdelay $0x1  }
0x2d: {  	v3 =	vadd.s32 v1, v3  }
0x2e: {  	[tilespmem:s18], [sflag:$0x1] =	stream.indirect_vreg.gather [hbm4b:s3+s2], $0x80, v4, vm0, $0xb8;
	[tilespmem:$0x8100] =	vst v63  }
0x2f: {  	_ = 	snop  }
0x30: {  	[tilespmem:s19], [sflag:$0x1] =	stream.indirect_vreg.gather [hbm4b:s4+s2], $0x80, v4, vm0, $0xb8;
	[tilespmem:$0x8100] =	vst v63  }
0x31: {  	_ = 	snop  }
0x32: {  	[tilespmem:s20], [sflag:$0x1] =	stream.indirect_vreg.gather [hbm4b:s3+s2], $0x80, v3, vm0, $0xb8;
	[tilespmem:$0x8100] =	vst v63  }
0x33: {  	_ = 	snop  }
0x34: {  	[tilespmem:s21], [sflag:$0x1] =	stream.indirect_vreg.gather [hbm4b:s4+s2], $0x80, v3, vm0, $0xb8;
	[tilespmem:$0x8100] =	vst v63  }
0x35: {  	v3 =	vld [tilespmem:$0x20];
	_ =	sdelay $0x4  }
0x36: {  	v50 =	vshll.u32 v3, $0x2  }
0x37: {  	v3 =	vand.u32 $0x7, v3;
	v4 =	vand.u32 $0xFFFFFFE0, v50  }
0x38: {  	v3 =	vor.u32 v3, v4  }
0x39: {  	v4 =	vperm.xlane v3, v0;
	_ =	sdelay $0x1  }
0x3a: {  	v4 =	vadd.s32 v1, v4;
	_ =	sdelay $0x1  }
0x3b: {  	v3 =	vperm.xlane v3, v2;
	_ =	sdelay $0x1  }
0x3c: {  	v3 =	vadd.s32 v1, v3  }
0x3d: {  	[tilespmem:s22], [sflag:$0x2] =	stream.indirect_vreg.gather [hbm4b:s3+s2], $0x80, v4, vm0, $0xb8;
	[tilespmem:$0x8100] =	vst v63  }
0x3e: {  	_ = 	snop  }
0x3f: {  	[tilespmem:s23], [sflag:$0x2] =	stream.indirect_vreg.gather [hbm4b:s4+s2], $0x80, v4, vm0, $0xb8;
	[tilespmem:$0x8100] =	vst v63  }
0x40: {  	_ = 	snop  }
0x41: {  	[tilespmem:s24], [sflag:$0x2] =	stream.indirect_vreg.gather [hbm4b:s3+s2], $0x80, v3, vm0, $0xb8;
	[tilespmem:$0x8100] =	vst v63  }
0x42: {  	_ = 	snop  }
0x43: {  	[tilespmem:s25], [sflag:$0x2] =	stream.indirect_vreg.gather [hbm4b:s4+s2], $0x80, v3, vm0, $0xb8;
	[tilespmem:$0x8100] =	vst v63  }
0x44: {  	v3 =	vld [tilespmem:$0x30];
	_ =	sdelay $0x4  }
0x45: {  	v51 =	vshll.u32 v3, $0x2  }
0x46: {  	v3 =	vand.u32 $0x7, v3;
	v4 =	vand.u32 $0xFFFFFFE0, v51  }
0x47: {  	v3 =	vor.u32 v3, v4  }
0x48: {  	v4 =	vperm.xlane v3, v0;
	_ =	sdelay $0x1  }
0x49: {  	v4 =	vadd.s32 v1, v4;
	_ =	sdelay $0x1  }
0x4a: {  	v3 =	vperm.xlane v3, v2;
	_ =	sdelay $0x1  }
0x4b: {  	v3 =	vadd.s32 v1, v3  }
0x4c: {  	[tilespmem:s26], [sflag:$0x2] =	stream.indirect_vreg.gather [hbm4b:s3+s2], $0x80, v4, vm0, $0xb8;
	[tilespmem:$0x8100] =	vst v63  }
0x4d: {  	_ = 	snop  }
0x4e: {  	[tilespmem:s28], [sflag:$0x2] =	stream.indirect_vreg.gather [hbm4b:s4+s2], $0x80, v4, vm0, $0xb8;
	[tilespmem:$0x8100] =	vst v63  }
0x4f: {  	_ = 	snop  }
0x50: {  	[tilespmem:s29], [sflag:$0x2] =	stream.indirect_vreg.gather [hbm4b:s3+s2], $0x80, v3, vm0, $0xb8;
	[tilespmem:$0x8100] =	vst v63  }
0x51: {  	_ = 	snop  }
0x52: {  	[tilespmem:s30], [sflag:$0x2] =	stream.indirect_vreg.gather [hbm4b:s4+s2], $0x80, v3, vm0, $0xb8;
	[tilespmem:$0x8100] =	vst v63  }
0x53: {  	_ =	swait.ge [sflag:s31], $0x4000  }
0x54: {  	[sflag:s31] =	ssyncset.done $0x0  }
0x55: {  	s1 =	rddreg [dreg:$0x3];
	[sflag:s31] =	ssyncadd.s32 $0xFFFFC000  }
0x56: {  	[hbm4b:s1+s2] =	stream.linear.scatter [tilespmem:s14], [sflag:$0x3], $0x4000, $0x38;
	[tilespmem:$0x8100] =	vst v63  }
0x57: {  	_ =	swait.ge [sflag:s13], $0x4000  }
0x58: {  	[sflag:s13] =	ssyncset.done $0x0  }
0x59: {  	[sflag:s13] =	ssyncadd.s32 $0xFFFFC000  }
0x5a: {  	v3 =	vld [tilespmem:$0x40];
	_ =	sdelay $0x4  }
0x5b: {  	v52 =	vshll.u32 v3, $0x2  }
0x5c: {  	v3 =	vand.u32 $0x7, v3;
	v4 =	vand.u32 $0xFFFFFFE0, v52  }
0x5d: {  	v3 =	vor.u32 v3, v4  }
0x5e: {  	v4 =	vperm.xlane v3, v0;
	_ =	sdelay $0x1  }
0x5f: {  	v4 =	vadd.s32 v1, v4;
	_ =	sdelay $0x1  }
0x60: {  	v3 =	vperm.xlane v3, v2;
	_ =	sdelay $0x1  }
0x61: {  	v3 =	vadd.s32 v1, v3  }
0x62: {  	[tilespmem:s14], [sflag:$0x1] =	stream.indirect_vreg.gather [hbm4b:s3+s2], $0x80, v4, vm0, $0xb8;
	[tilespmem:$0x8100] =	vst v63  }
0x63: {  	_ = 	snop  }
0x64: {  	[tilespmem:s15], [sflag:$0x1] =	stream.indirect_vreg.gather [hbm4b:s4+s2], $0x80, v4, vm0, $0xb8;
	[tilespmem:$0x8100] =	vst v63  }
0x65: {  	_ = 	snop  }
0x66: {  	[tilespmem:s16], [sflag:$0x1] =	stream.indirect_vreg.gather [hbm4b:s3+s2], $0x80, v3, vm0, $0xb8;
	[tilespmem:$0x8100] =	vst v63  }
0x67: {  	_ = 	snop  }
0x68: {  	[tilespmem:s17], [sflag:$0x1] =	stream.indirect_vreg.gather [hbm4b:s4+s2], $0x80, v3, vm0, $0xb8;
	[tilespmem:$0x8100] =	vst v63  }
0x69: {  	v3 =	vld [tilespmem:$0x50];
	_ =	sdelay $0x4  }
0x6a: {  	v53 =	vshll.u32 v3, $0x2  }
0x6b: {  	v3 =	vand.u32 $0x7, v3;
	v4 =	vand.u32 $0xFFFFFFE0, v53  }
0x6c: {  	v3 =	vor.u32 v3, v4  }
0x6d: {  	v4 =	vperm.xlane v3, v0;
	_ =	sdelay $0x1  }
0x6e: {  	v4 =	vadd.s32 v1, v4;
	_ =	sdelay $0x1  }
0x6f: {  	v3 =	vperm.xlane v3, v2;
	_ =	sdelay $0x1  }
0x70: {  	v3 =	vadd.s32 v1, v3  }
0x71: {  	[tilespmem:s18], [sflag:$0x1] =	stream.indirect_vreg.gather [hbm4b:s3+s2], $0x80, v4, vm0, $0xb8;
	[tilespmem:$0x8100] =	vst v63  }
0x72: {  	_ = 	snop  }
0x73: {  	[tilespmem:s19], [sflag:$0x1] =	stream.indirect_vreg.gather [hbm4b:s4+s2], $0x80, v4, vm0, $0xb8;
	[tilespmem:$0x8100] =	vst v63  }
0x74: {  	_ = 	snop  }
0x75: {  	[tilespmem:s20], [sflag:$0x1] =	stream.indirect_vreg.gather [hbm4b:s3+s2], $0x80, v3, vm0, $0xb8;
	[tilespmem:$0x8100] =	vst v63  }
0x76: {  	_ = 	snop  }
0x77: {  	[tilespmem:s21], [sflag:$0x1] =	stream.indirect_vreg.gather [hbm4b:s4+s2], $0x80, v3, vm0, $0xb8;
	[tilespmem:$0x8100] =	vst v63  }
0x78: {  	_ =	swait.ge [sflag:s0], $0x4000  }
0x79: {  	[sflag:s0] =	ssyncset.done $0x0  }
0x7a: {  	[sflag:s0] =	ssyncadd.s32 $0xFFFFC000  }
0x7b: {  	[hbm4b:s5+s2] =	stream.linear.scatter [tilespmem:s22], [sflag:$0x3], $0x4000, $0x38;
	[tilespmem:$0x8100] =	vst v63  }
0x7c: {  	_ =	swait.ge [sflag:s13], $0x4000  }
0x7d: {  	[sflag:s13] =	ssyncset.done $0x0  }
0x7e: {  	[sflag:s13] =	ssyncadd.s32 $0xFFFFC000  }
0x7f: {  	v3 =	vld [tilespmem:$0x60];
	_ =	sdelay $0x4  }
0x80: {  	v54 =	vshll.u32 v3, $0x2  }
0x81: {  	v3 =	vand.u32 $0x7, v3;
	v4 =	vand.u32 $0xFFFFFFE0, v54  }
0x82: {  	v3 =	vor.u32 v3, v4  }
0x83: {  	v4 =	vperm.xlane v3, v0;
	_ =	sdelay $0x1  }
0x84: {  	v4 =	vadd.s32 v1, v4;
	_ =	sdelay $0x1  }
0x85: {  	v3 =	vperm.xlane v3, v2;
	_ =	sdelay $0x1  }
0x86: {  	v3 =	vadd.s32 v1, v3  }
0x87: {  	[tilespmem:s22], [sflag:$0x2] =	stream.indirect_vreg.gather [hbm4b:s3+s2], $0x80, v4, vm0, $0xb8;
	[tilespmem:$0x8100] =	vst v63  }
0x88: {  	_ = 	snop  }
0x89: {  	[tilespmem:s23], [sflag:$0x2] =	stream.indirect_vreg.gather [hbm4b:s4+s2], $0x80, v4, vm0, $0xb8;
	[tilespmem:$0x8100] =	vst v63  }
0x8a: {  	_ = 	snop  }
0x8b: {  	[tilespmem:s24], [sflag:$0x2] =	stream.indirect_vreg.gather [hbm4b:s3+s2], $0x80, v3, vm0, $0xb8;
	[tilespmem:$0x8100] =	vst v63  }
0x8c: {  	_ = 	snop  }
0x8d: {  	[tilespmem:s25], [sflag:$0x2] =	stream.indirect_vreg.gather [hbm4b:s4+s2], $0x80, v3, vm0, $0xb8;
	[tilespmem:$0x8100] =	vst v63  }
0x8e: {  	v3 =	vld [tilespmem:$0x70];
	_ =	sdelay $0x4  }
0x8f: {  	v55 =	vshll.u32 v3, $0x2  }
0x90: {  	v3 =	vand.u32 $0x7, v3;
	v4 =	vand.u32 $0xFFFFFFE0, v55  }
0x91: {  	v3 =	vor.u32 v3, v4  }
0x92: {  	v4 =	vperm.xlane v3, v0;
	_ =	sdelay $0x1  }
0x93: {  	v4 =	vadd.s32 v1, v4;
	_ =	sdelay $0x1  }
0x94: {  	v3 =	vperm.xlane v3, v2;
	_ =	sdelay $0x1  }
0x95: {  	v3 =	vadd.s32 v1, v3  }
0x96: {  	[tilespmem:s26], [sflag:$0x2] =	stream.indirect_vreg.gather [hbm4b:s3+s2], $0x80, v4, vm0, $0xb8;
	[tilespmem:$0x8100] =	vst v63  }
0x97: {  	_ = 	snop  }
0x98: {  	[tilespmem:s28], [sflag:$0x2] =	stream.indirect_vreg.gather [hbm4b:s4+s2], $0x80, v4, vm0, $0xb8;
	[tilespmem:$0x8100] =	vst v63  }
0x99: {  	_ = 	snop  }
0x9a: {  	[tilespmem:s29], [sflag:$0x2] =	stream.indirect_vreg.gather [hbm4b:s3+s2], $0x80, v3, vm0, $0xb8;
	[tilespmem:$0x8100] =	vst v63  }
0x9b: {  	_ = 	snop  }
0x9c: {  	[tilespmem:s30], [sflag:$0x2] =	stream.indirect_vreg.gather [hbm4b:s4+s2], $0x80, v3, vm0, $0xb8;
	[tilespmem:$0x8100] =	vst v63  }
0x9d: {  	_ =	swait.ge [sflag:s31], $0x4000  }
0x9e: {  	[sflag:s31] =	ssyncset.done $0x0  }
0x9f: {  	[sflag:s31] =	ssyncadd.s32 $0xFFFFC000  }
0xa0: {  	[hbm4b:s6+s2] =	stream.linear.scatter [tilespmem:s14], [sflag:$0x3], $0x4000, $0x38;
	[tilespmem:$0x8100] =	vst v63  }
0xa1: {  	_ =	swait.ge [sflag:s13], $0x4000  }
0xa2: {  	[sflag:s13] =	ssyncset.done $0x0  }
0xa3: {  	[sflag:s13] =	ssyncadd.s32 $0xFFFFC000  }
0xa4: {  	v3 =	vld [tilespmem:$0x80];
	_ =	sdelay $0x4  }
0xa5: {  	v56 =	vshll.u32 v3, $0x2  }
0xa6: {  	v3 =	vand.u32 $0x7, v3;
	v4 =	vand.u32 $0xFFFFFFE0, v56  }
0xa7: {  	v3 =	vor.u32 v3, v4  }
0xa8: {  	v4 =	vperm.xlane v3, v0;
	_ =	sdelay $0x1  }
0xa9: {  	v4 =	vadd.s32 v1, v4;
	_ =	sdelay $0x1  }
0xaa: {  	v3 =	vperm.xlane v3, v2;
	_ =	sdelay $0x1  }
0xab: {  	v3 =	vadd.s32 v1, v3  }
0xac: {  	[tilespmem:s14], [sflag:$0x1] =	stream.indirect_vreg.gather [hbm4b:s3+s2], $0x80, v4, vm0, $0xb8;
	[tilespmem:$0x8100] =	vst v63  }
0xad: {  	_ = 	snop  }
0xae: {  	[tilespmem:s15], [sflag:$0x1] =	stream.indirect_vreg.gather [hbm4b:s4+s2], $0x80, v4, vm0, $0xb8;
	[tilespmem:$0x8100] =	vst v63  }
0xaf: {  	_ = 	snop  }
0xb0: {  	[tilespmem:s16], [sflag:$0x1] =	stream.indirect_vreg.gather [hbm4b:s3+s2], $0x80, v3, vm0, $0xb8;
	[tilespmem:$0x8100] =	vst v63  }
0xb1: {  	_ = 	snop  }
0xb2: {  	[tilespmem:s17], [sflag:$0x1] =	stream.indirect_vreg.gather [hbm4b:s4+s2], $0x80, v3, vm0, $0xb8;
	[tilespmem:$0x8100] =	vst v63  }
0xb3: {  	v3 =	vld [tilespmem:$0x90];
	_ =	sdelay $0x4  }
0xb4: {  	v57 =	vshll.u32 v3, $0x2  }
0xb5: {  	v3 =	vand.u32 $0x7, v3;
	v4 =	vand.u32 $0xFFFFFFE0, v57  }
0xb6: {  	v3 =	vor.u32 v3, v4  }
0xb7: {  	v4 =	vperm.xlane v3, v0;
	_ =	sdelay $0x1  }
0xb8: {  	v4 =	vadd.s32 v1, v4;
	_ =	sdelay $0x1  }
0xb9: {  	v3 =	vperm.xlane v3, v2;
	_ =	sdelay $0x1  }
0xba: {  	v3 =	vadd.s32 v1, v3  }
0xbb: {  	[tilespmem:s18], [sflag:$0x1] =	stream.indirect_vreg.gather [hbm4b:s3+s2], $0x80, v4, vm0, $0xb8;
	[tilespmem:$0x8100] =	vst v63  }
0xbc: {  	_ = 	snop  }
0xbd: {  	[tilespmem:s19], [sflag:$0x1] =	stream.indirect_vreg.gather [hbm4b:s4+s2], $0x80, v4, vm0, $0xb8;
	[tilespmem:$0x8100] =	vst v63  }
0xbe: {  	_ = 	snop  }
0xbf: {  	[tilespmem:s20], [sflag:$0x1] =	stream.indirect_vreg.gather [hbm4b:s3+s2], $0x80, v3, vm0, $0xb8;
	[tilespmem:$0x8100] =	vst v63  }
0xc0: {  	_ = 	snop  }
0xc1: {  	[tilespmem:s21], [sflag:$0x1] =	stream.indirect_vreg.gather [hbm4b:s4+s2], $0x80, v3, vm0, $0xb8;
	[tilespmem:$0x8100] =	vst v63  }
0xc2: {  	_ =	swait.ge [sflag:s0], $0x4000  }
0xc3: {  	[sflag:s0] =	ssyncset.done $0x0  }
0xc4: {  	[sflag:s0] =	ssyncadd.s32 $0xFFFFC000  }
0xc5: {  	[hbm4b:s7+s2] =	stream.linear.scatter [tilespmem:s22], [sflag:$0x3], $0x4000, $0x38;
	[tilespmem:$0x8100] =	vst v63  }
0xc6: {  	_ =	swait.ge [sflag:s13], $0x4000  }
0xc7: {  	[sflag:s13] =	ssyncset.done $0x0  }
0xc8: {  	[sflag:s13] =	ssyncadd.s32 $0xFFFFC000  }
0xc9: {  	v3 =	vld [tilespmem:$0xA0];
	_ =	sdelay $0x4  }
0xca: {  	v58 =	vshll.u32 v3, $0x2  }
0xcb: {  	v3 =	vand.u32 $0x7, v3;
	v4 =	vand.u32 $0xFFFFFFE0, v58  }
0xcc: {  	v3 =	vor.u32 v3, v4  }
0xcd: {  	v4 =	vperm.xlane v3, v0;
	_ =	sdelay $0x1  }
0xce: {  	v4 =	vadd.s32 v1, v4;
	_ =	sdelay $0x1  }
0xcf: {  	v3 =	vperm.xlane v3, v2;
	_ =	sdelay $0x1  }
0xd0: {  	v3 =	vadd.s32 v1, v3  }
0xd1: {  	[tilespmem:s22], [sflag:$0x2] =	stream.indirect_vreg.gather [hbm4b:s3+s2], $0x80, v4, vm0, $0xb8;
	[tilespmem:$0x8100] =	vst v63  }
0xd2: {  	_ = 	snop  }
0xd3: {  	[tilespmem:s23], [sflag:$0x2] =	stream.indirect_vreg.gather [hbm4b:s4+s2], $0x80, v4, vm0, $0xb8;
	[tilespmem:$0x8100] =	vst v63  }
0xd4: {  	_ = 	snop  }
0xd5: {  	[tilespmem:s24], [sflag:$0x2] =	stream.indirect_vreg.gather [hbm4b:s3+s2], $0x80, v3, vm0, $0xb8;
	[tilespmem:$0x8100] =	vst v63  }
0xd6: {  	_ = 	snop  }
0xd7: {  	[tilespmem:s25], [sflag:$0x2] =	stream.indirect_vreg.gather [hbm4b:s4+s2], $0x80, v3, vm0, $0xb8;
	[tilespmem:$0x8100] =	vst v63  }
0xd8: {  	v3 =	vld [tilespmem:$0xB0];
	_ =	sdelay $0x4  }
0xd9: {  	v59 =	vshll.u32 v3, $0x2  }
0xda: {  	v3 =	vand.u32 $0x7, v3;
	v4 =	vand.u32 $0xFFFFFFE0, v59  }
0xdb: {  	v3 =	vor.u32 v3, v4  }
0xdc: {  	v4 =	vperm.xlane v3, v0;
	_ =	sdelay $0x1  }
0xdd: {  	v4 =	vadd.s32 v1, v4;
	_ =	sdelay $0x1  }
0xde: {  	v3 =	vperm.xlane v3, v2;
	_ =	sdelay $0x1  }
0xdf: {  	v3 =	vadd.s32 v1, v3  }
0xe0: {  	[tilespmem:s26], [sflag:$0x2] =	stream.indirect_vreg.gather [hbm4b:s3+s2], $0x80, v4, vm0, $0xb8;
	[tilespmem:$0x8100] =	vst v63  }
0xe1: {  	_ = 	snop  }
0xe2: {  	[tilespmem:s28], [sflag:$0x2] =	stream.indirect_vreg.gather [hbm4b:s4+s2], $0x80, v4, vm0, $0xb8;
	[tilespmem:$0x8100] =	vst v63  }
0xe3: {  	_ = 	snop  }
0xe4: {  	[tilespmem:s29], [sflag:$0x2] =	stream.indirect_vreg.gather [hbm4b:s3+s2], $0x80, v3, vm0, $0xb8;
	[tilespmem:$0x8100] =	vst v63  }
0xe5: {  	_ = 	snop  }
0xe6: {  	[tilespmem:s30], [sflag:$0x2] =	stream.indirect_vreg.gather [hbm4b:s4+s2], $0x80, v3, vm0, $0xb8;
	[tilespmem:$0x8100] =	vst v63  }
0xe7: {  	_ =	swait.ge [sflag:s31], $0x4000  }
0xe8: {  	[sflag:s31] =	ssyncset.done $0x0  }
0xe9: {  	[sflag:s31] =	ssyncadd.s32 $0xFFFFC000  }
0xea: {  	[hbm4b:s8+s2] =	stream.linear.scatter [tilespmem:s14], [sflag:$0x3], $0x4000, $0x38;
	[tilespmem:$0x8100] =	vst v63  }
0xeb: {  	_ =	swait.ge [sflag:s13], $0x4000  }
0xec: {  	[sflag:s13] =	ssyncset.done $0x0  }
0xed: {  	[sflag:s13] =	ssyncadd.s32 $0xFFFFC000  }
0xee: {  	v3 =	vld [tilespmem:$0xC0];
	_ =	sdelay $0x4  }
0xef: {  	v60 =	vshll.u32 v3, $0x2  }
0xf0: {  	v3 =	vand.u32 $0x7, v3;
	v4 =	vand.u32 $0xFFFFFFE0, v60  }
0xf1: {  	v3 =	vor.u32 v3, v4  }
0xf2: {  	v4 =	vperm.xlane v3, v0;
	_ =	sdelay $0x1  }
0xf3: {  	v4 =	vadd.s32 v1, v4;
	_ =	sdelay $0x1  }
0xf4: {  	v3 =	vperm.xlane v3, v2;
	_ =	sdelay $0x1  }
0xf5: {  	v3 =	vadd.s32 v1, v3  }
0xf6: {  	[tilespmem:s14], [sflag:$0x1] =	stream.indirect_vreg.gather [hbm4b:s3+s2], $0x80, v4, vm0, $0xb8;
	[tilespmem:$0x8100] =	vst v63  }
0xf7: {  	_ = 	snop  }
0xf8: {  	[tilespmem:s15], [sflag:$0x1] =	stream.indirect_vreg.gather [hbm4b:s4+s2], $0x80, v4, vm0, $0xb8;
	[tilespmem:$0x8100] =	vst v63  }
0xf9: {  	_ = 	snop  }
0xfa: {  	[tilespmem:s16], [sflag:$0x1] =	stream.indirect_vreg.gather [hbm4b:s3+s2], $0x80, v3, vm0, $0xb8;
	[tilespmem:$0x8100] =	vst v63  }
0xfb: {  	_ = 	snop  }
0xfc: {  	[tilespmem:s17], [sflag:$0x1] =	stream.indirect_vreg.gather [hbm4b:s4+s2], $0x80, v3, vm0, $0xb8;
	[tilespmem:$0x8100] =	vst v63  }
0xfd: {  	v3 =	vld [tilespmem:$0xD0];
	_ =	sdelay $0x4  }
0xfe: {  	v61 =	vshll.u32 v3, $0x2  }
0xff: {  	v3 =	vand.u32 $0x7, v3;
	v4 =	vand.u32 $0xFFFFFFE0, v61  }
0x100: {  	v3 =	vor.u32 v3, v4  }
0x101: {  	v4 =	vperm.xlane v3, v0;
	_ =	sdelay $0x1  }
0x102: {  	v4 =	vadd.s32 v1, v4;
	_ =	sdelay $0x1  }
0x103: {  	v3 =	vperm.xlane v3, v2;
	_ =	sdelay $0x1  }
0x104: {  	v3 =	vadd.s32 v1, v3  }
0x105: {  	[tilespmem:s18], [sflag:$0x1] =	stream.indirect_vreg.gather [hbm4b:s3+s2], $0x80, v4, vm0, $0xb8;
	[tilespmem:$0x8100] =	vst v63  }
0x106: {  	_ = 	snop  }
0x107: {  	[tilespmem:s19], [sflag:$0x1] =	stream.indirect_vreg.gather [hbm4b:s4+s2], $0x80, v4, vm0, $0xb8;
	[tilespmem:$0x8100] =	vst v63  }
0x108: {  	_ = 	snop  }
0x109: {  	[tilespmem:s20], [sflag:$0x1] =	stream.indirect_vreg.gather [hbm4b:s3+s2], $0x80, v3, vm0, $0xb8;
	[tilespmem:$0x8100] =	vst v63  }
0x10a: {  	_ = 	snop  }
0x10b: {  	[tilespmem:s21], [sflag:$0x1] =	stream.indirect_vreg.gather [hbm4b:s4+s2], $0x80, v3, vm0, $0xb8;
	[tilespmem:$0x8100] =	vst v63  }
0x10c: {  	_ =	swait.ge [sflag:s0], $0x4000  }
0x10d: {  	[sflag:s0] =	ssyncset.done $0x0  }
0x10e: {  	[sflag:s0] =	ssyncadd.s32 $0xFFFFC000  }
0x10f: {  	[hbm4b:s9+s2] =	stream.linear.scatter [tilespmem:s22], [sflag:$0x3], $0x4000, $0x38;
	[tilespmem:$0x8100] =	vst v63  }
0x110: {  	_ =	swait.ge [sflag:s13], $0x4000  }
0x111: {  	[sflag:s13] =	ssyncset.done $0x0  }
0x112: {  	[sflag:s13] =	ssyncadd.s32 $0xFFFFC000  }
0x113: {  	v3 =	vld [tilespmem:$0xE0];
	_ =	sdelay $0x4  }
0x114: {  	v62 =	vshll.u32 v3, $0x2  }
0x115: {  	v3 =	vand.u32 $0x7, v3;
	v4 =	vand.u32 $0xFFFFFFE0, v62  }
0x116: {  	v3 =	vor.u32 v3, v4  }
0x117: {  	v4 =	vperm.xlane v3, v0;
	_ =	sdelay $0x1  }
0x118: {  	v4 =	vadd.s32 v1, v4;
	_ =	sdelay $0x1  }
0x119: {  	v3 =	vperm.xlane v3, v2;
	_ =	sdelay $0x1  }
0x11a: {  	v3 =	vadd.s32 v1, v3  }
0x11b: {  	[tilespmem:s22], [sflag:$0x2] =	stream.indirect_vreg.gather [hbm4b:s3+s2], $0x80, v4, vm0, $0xb8;
	[tilespmem:$0x8100] =	vst v63  }
0x11c: {  	_ = 	snop  }
0x11d: {  	[tilespmem:s23], [sflag:$0x2] =	stream.indirect_vreg.gather [hbm4b:s4+s2], $0x80, v4, vm0, $0xb8;
	[tilespmem:$0x8100] =	vst v63  }
0x11e: {  	_ = 	snop  }
0x11f: {  	[tilespmem:s24], [sflag:$0x2] =	stream.indirect_vreg.gather [hbm4b:s3+s2], $0x80, v3, vm0, $0xb8;
	[tilespmem:$0x8100] =	vst v63  }
0x120: {  	_ = 	snop  }
0x121: {  	[tilespmem:s25], [sflag:$0x2] =	stream.indirect_vreg.gather [hbm4b:s4+s2], $0x80, v3, vm0, $0xb8;
	[tilespmem:$0x8100] =	vst v63  }
0x122: {  	v3 =	vld [tilespmem:$0xF0];
	_ =	sdelay $0x4  }
0x123: {  	v63 =	vshll.u32 v3, $0x2  }
0x124: {  	v3 =	vand.u32 $0x7, v3;
	v4 =	vand.u32 $0xFFFFFFE0, v63  }
0x125: {  	v3 =	vor.u32 v3, v4  }
0x126: {  	v4 =	vperm.xlane v3, v0;
	_ =	sdelay $0x1  }
0x127: {  	v4 =	vadd.s32 v1, v4;
	_ =	sdelay $0x1  }
0x128: {  	v3 =	vperm.xlane v3, v2;
	_ =	sdelay $0x1  }
0x129: {  	v3 =	vadd.s32 v1, v3  }
0x12a: {  	[tilespmem:s26], [sflag:$0x2] =	stream.indirect_vreg.gather [hbm4b:s3+s2], $0x80, v4, vm0, $0xb8;
	[tilespmem:$0x8100] =	vst v63  }
0x12b: {  	_ = 	snop  }
0x12c: {  	[tilespmem:s28], [sflag:$0x2] =	stream.indirect_vreg.gather [hbm4b:s4+s2], $0x80, v4, vm0, $0xb8;
	[tilespmem:$0x8100] =	vst v63  }
0x12d: {  	_ = 	snop  }
0x12e: {  	[tilespmem:s29], [sflag:$0x2] =	stream.indirect_vreg.gather [hbm4b:s3+s2], $0x80, v3, vm0, $0xb8;
	[tilespmem:$0x8100] =	vst v63  }
0x12f: {  	_ = 	snop  }
0x130: {  	[tilespmem:s30], [sflag:$0x2] =	stream.indirect_vreg.gather [hbm4b:s4+s2], $0x80, v3, vm0, $0xb8;
	[tilespmem:$0x8100] =	vst v63  }
0x131: {  	_ =	swait.ge [sflag:s31], $0x4000  }
0x132: {  	[sflag:s31] =	ssyncset.done $0x0  }
0x133: {  	[sflag:s31] =	ssyncadd.s32 $0xFFFFC000  }
0x134: {  	[hbm4b:s10+s2] =	stream.linear.scatter [tilespmem:s14], [sflag:$0x3], $0x4000, $0x38;
	[tilespmem:$0x8100] =	vst v63  }
0x135: {  	_ =	swait.ge [sflag:s13], $0x4000  }
0x136: {  	[sflag:s13] =	ssyncset.done $0x0  }
0x137: {  	[sflag:s13] =	ssyncadd.s32 $0xFFFFC000  }
0x138: {  	_ =	swait.ge [sflag:s0], $0x4000  }
0x139: {  	p0 =	sne.s32 s12, $0x1;
	[sflag:s0] =	ssyncset.done $0x0  }
.Ltmp0:
0x13a: {  	[sflag:s0] =	ssyncadd.s32 $0xFFFFC000;
	(pc) =	sbr.rel @p0 .LBB2_1-.Ltmp0, $4  }
0x13b: {  	[hbm4b:s11+s2] =	stream.linear.scatter [tilespmem:s22], [sflag:$0x3], $0x4000, $0x38;
	[tilespmem:$0x8100] =	vst v63  }
0x13c: {  	_ =	swait.ge [sflag:s13], $0x4000  }
0x13d: {  	[sflag:s13] =	ssyncset.done $0x0  }
0x13e: {  	s12 =	sadd.s32 $0xFFFFFFFF, s12;
	[sflag:s13] =	ssyncadd.s32 $0xFFFFC000  }
0x13f: {  	_ =	sfence.sel $0x180000  }
0x140: {  	[bflag:$0x0] =	sbarrier.arrive $0xFFFF  }
0x141: {  	_ =	strace $0x9000004A  }
0x142: {  	s0 =	stileid.u32;
	[bflag:$0x2] =	sbarrier.arrive $0xFFFF  }
0x143: {  	p0 =	sne.s32 s0, $0x0;
	s0 =	rddreg [dreg:$0x1]  }
0x144: {  	s0 =	sadd.s32 @!p0 $0x100000, s0  }
0x145: {  	[sflag:s0] =	ssyncadd.tile.s32 @!p0 $0x1;
	_ =	shalt  }
.Lfunc_end2:
_tile_overlayer_lowered:
.L_overlay_start_2:
0x146: {  	(tag) =	ssettag $0x2  }
0x147: {  	s0 =	rddreg [dreg:$0x0];
	s2 =	stileid.u32  }
0x148: {  	s1 =	rddreg [dreg:$0x1];
	p0 =	sne.s32 s2, $0x0  }
0x149: {  	s3 =	rddreg [dreg:$0x2];
	[bflag:$0x3] =	sbarrier.arrive $0xFFFF;
	s2 =	simm.s32 @!p0 $0x1C03  }
0x14a: {  	[timem:s3], [sflag:s2] =	dma.local @!p0 [hbm:s0], s1  }
0x14b: {  	s0 =	simm.s32 @!p0 $0x3  }
0x14c: {  	_ =	swait.ge @!p0 [sflag:s0], s1  }
0x14d: {  	s1 =	ssub.s32 @!p0 $0x0, s1;
	[sflag:s0] =	ssyncset.done @!p0 $0x0  }
0x14e: {  	[sflag:s0] =	ssyncadd.s32 @!p0 s1  }
0x14f: {  	[bflag:$0x3] =	sbarrier.arrive $0xFFFF  }
0x150: {  	_ =	shalt  }

// kernel: kernel.19.cloned.1.call-start
scs
__scs_entry_jumppad:
0x0: {  	(pc) =	sbr.rel $0x88, $3  }
0x1: {  	(tag) =	ssettag $0x0;
	lr =	simm.s32 $0x1  }
0x2: {  	[smem:$0x3F96] =	sst lr;
	_ =	strace $0xD0000000  }
0x3: {  	_ = 	snop  }
0x4: {  	_ = 	snop  }
0x5: {  	_ = 	snop  }
0x6: {  	_ = 	snop  }
0x7: {  	_ = 	snop  }
__scs_overlays_trampoline_lowered:
0x8: {  	[smem:$0x3FA5] =	sst s0  }
0x9: {  	[smem:$0x3FA6] =	sst s1  }
0xa: {  	[smem:$0x3FA7] =	sst s2  }
0xb: {  	[smem:$0x3FA8] =	sst s3  }
0xc: {  	[smem:$0x3FA9] =	sst s4  }
0xd: {  	[smem:$0x3FAA] =	sst s5  }
0xe: {  	[smem:$0x3FAB] =	sst s6  }
0xf: {  	[smem:$0x3FAC] =	sst s7  }
0x10: {  	[smem:$0x3FAD] =	sst s8  }
0x11: {  	[smem:$0x3FAE] =	sst s9;
	s0 =	simm.s32 @!p0 $0x0  }
0x12: {  	s1 =	sld [smem:$0x3F94];
	s0 =	simm.s32 @p0 $0x1  }
0x13: {  	[smem:$0x3FAF] =	sst s0;
	s0 =	simm.s32 @!p1 $0x0  }
0x14: {  	s2 =	sld [smem:$0x3F93];
	s0 =	simm.s32 @p1 $0x1  }
0x15: {  	[smem:$0x3FB0] =	sst s0;
	s0 =	simm.s32 @!p2 $0x0  }
0x16: {  	s3 =	sld [smem:$0x3FDB];
	s0 =	simm.s32 @p2 $0x1  }
0x17: {  	s4 =	simm.s32 $0x1BF5;
	[smem:$0x3FB2] =	sst s0  }
0x18: {  	s0 =	sld [smem:$0x3F95];
	_ =	swait.ge [sflag:s4], $0x0  }
0x19: {  	s7 =	sld [smem:$0x3F96]  }
0x1a: {  	s8 =	sadd.s32 $0xFFFFE003, lr  }
0x1b: {  	s9 =	sadd.s32 $0xFFFFFEF7, lr;
	s5 =	simm.s32 $0xFFFFFFFF;
	p2 =	slt.u32 s8, $0xFFFFF086  }
0x1c: {  	p1 =	slt.u32 s9, $0xF7A;
	s5 =	simm.s32 @!p2 $0x0  }
0x1d: {  	s5 =	simm.s32 @p1 $0x1;
	p0 =	seq.s32 s7, s2  }
0x1e: {  	s7 =	smul.u32 @!p0 $0xF7A, s2;
	p2 =	seq.s32 @!p0 s5, $0x0  }
0x1f: {  	s9 =	smul.u32 $0xF7A, s1;
	s8 =	simm.s32 @!p0 $0x1BF5;
	p2 =	por !p2, p0  }
0x20: {  	[sflag:s8] =	ssyncset.s32 @!p0 $0xFFFFF086;
	s6 =	sadd.s32 @!p0 s3, s7;
	s7 =	simm.s32 @!p0 $0x108  }
0x21: {  	s3 =	sadd.s32 s3, s9;
	s6 =	sadd.s32 @!p0 $0x88, s6;
	s7 =	simm.s32 @p2 $0x1082  }
0x22: {  	[simem:s7], [sflag:s8] =	dma.local @!p0 [hbm:s6], $0xF7A  }
0x23: {  	s9 =	sor.u32 $0xD0000000, s2;
	s6 =	simm.s32 $0x108;
	_ =	swait.ge @!p0 [sflag:s8], $0x0  }
0x24: {  	s3 =	sadd.s32 $0x88, s3;
	s6 =	simm.s32 @!p1 $0x1082;
	[sflag:s4] =	ssyncset.s32 $0xFFFFF086  }
0x25: {  	[simem:s6], [sflag:s4] =	dma.local [hbm:s3], $0xF7A  }
0x26: {  	[smem:$0x3F96] =	sst s1;
	(tag) =	ssettag s2;
	_ =	strace s9  }
0x27: {  	s1 =	sld [smem:$0x3FA6]  }
0x28: {  	s2 =	sld [smem:$0x3FA7]  }
0x29: {  	s4 =	sld [smem:$0x3FA9]  }
0x2a: {  	p0 =	seq.s32 s5, $0x0;
	s5 =	sld [smem:$0x3FAA]  }
0x2b: {  	s6 =	sld [smem:$0x3FAB]  }
0x2c: {  	s7 =	sld [smem:$0x3FAC]  }
0x2d: {  	s3 =	simm.s32 $0x108;
	s8 =	sld [smem:$0x3FAD]  }
0x2e: {  	s3 =	simm.s32 @!p0 $0x1082;
	s9 =	sld [smem:$0x3FAE]  }
0x2f: {  	lr =	sadd.s32 s0, s3;
	s0 =	sld [smem:$0x3FA5]  }
0x30: {  	s3 =	sld [smem:$0x3FA8]  }
0x31: {  	[smem:$0x3FB1] =	sst s10  }
0x32: {  	s10 =	sld [smem:$0x3FAF];
	_ =	sdelay $0x3  }
0x33: {  	p0 =	seq.s32 s10, $0x1;
	s10 =	sld [smem:$0x3FB1];
	_ =	sdelay $0x3  }
0x34: {  	[smem:$0x3FB1] =	sst s10  }
0x35: {  	s10 =	sld [smem:$0x3FB0];
	_ =	sdelay $0x3  }
0x36: {  	p1 =	seq.s32 s10, $0x1;
	s10 =	sld [smem:$0x3FB1];
	_ =	sdelay $0x3  }
0x37: {  	[smem:$0x3FB1] =	sst s10  }
0x38: {  	s10 =	sld [smem:$0x3FB2]  }
0x39: {  	_ = 	snop;
	(pc) =	sbr.ind lr, $3  }
0x3a: {  	_ = 	snop  }
0x3b: {  	_ = 	snop  }
0x3c: {  	p2 =	seq.s32 s10, $0x1;
	s10 =	sld [smem:$0x3FB1]  }
0x3d: {  	_ =	shalt  }
0x3e: {  	_ =	shalt  }
0x3f: {  	_ =	shalt  }
0x40: {  	_ =	shalt  }
0x41: {  	_ =	shalt  }
0x42: {  	_ =	shalt  }
0x43: {  	_ =	shalt  }
0x44: {  	_ =	shalt  }
0x45: {  	_ =	shalt  }
0x46: {  	_ =	shalt  }
0x47: {  	_ =	shalt  }
0x48: {  	_ =	shalt  }
0x49: {  	_ =	shalt  }
0x4a: {  	_ =	shalt  }
0x4b: {  	_ =	shalt  }
0x4c: {  	_ =	shalt  }
0x4d: {  	_ =	shalt  }
0x4e: {  	_ =	shalt  }
0x4f: {  	_ =	shalt  }
0x50: {  	_ =	shalt  }
0x51: {  	_ =	shalt  }
0x52: {  	_ =	shalt  }
0x53: {  	_ =	shalt  }
0x54: {  	_ =	shalt  }
0x55: {  	_ =	shalt  }
0x56: {  	_ =	shalt  }
0x57: {  	_ =	shalt  }
0x58: {  	_ =	shalt  }
0x59: {  	_ =	shalt  }
0x5a: {  	_ =	shalt  }
0x5b: {  	_ =	shalt  }
0x5c: {  	_ =	shalt  }
0x5d: {  	_ =	shalt  }
0x5e: {  	_ =	shalt  }
0x5f: {  	_ =	shalt  }
0x60: {  	_ =	shalt  }
0x61: {  	_ =	shalt  }
0x62: {  	_ =	shalt  }
0x63: {  	_ =	shalt  }
0x64: {  	_ =	shalt  }
0x65: {  	_ =	shalt  }
0x66: {  	_ =	shalt  }
0x67: {  	_ =	shalt  }
0x68: {  	_ =	shalt  }
0x69: {  	_ =	shalt  }
0x6a: {  	_ =	shalt  }
0x6b: {  	_ =	shalt  }
0x6c: {  	_ =	shalt  }
0x6d: {  	_ =	shalt  }
0x6e: {  	_ =	shalt  }
0x6f: {  	_ =	shalt  }
0x70: {  	_ =	shalt  }
0x71: {  	_ =	shalt  }
0x72: {  	_ =	shalt  }
0x73: {  	_ =	shalt  }
0x74: {  	_ =	shalt  }
0x75: {  	_ =	shalt  }
0x76: {  	_ =	shalt  }
0x77: {  	_ =	shalt  }
0x78: {  	_ =	shalt  }
0x79: {  	_ =	shalt  }
0x7a: {  	_ =	shalt  }
0x7b: {  	_ =	shalt  }
0x7c: {  	_ =	shalt  }
0x7d: {  	_ =	shalt  }
0x7e: {  	_ =	shalt  }
0x7f: {  	_ =	shalt  }
0x80: {  	_ =	shalt  }
0x81: {  	_ =	shalt  }
0x82: {  	_ =	shalt  }
0x83: {  	_ =	shalt  }
0x84: {  	_ =	shalt  }
0x85: {  	_ =	shalt  }
0x86: {  	_ =	shalt  }
0x87: {  	_ =	shalt  }
.Lfunc_end0:
.L_simem_size_0:
called_computation.3_lowered:
.L_overlay_start_0:
0x88: {  	s2 =	sld [smem:$0x3FD9]  }
0x89: {  	s3 =	sld [smem:$0x3FFE];
	_ =	sdelay $0x1  }
0x8a: {  	s1 =	srdreg.scid  }
0x8b: {  	s0 =	sand.u32 $0x1, s1  }
0x8c: {  	s17 =	sshll.u32 s0, $0xA;
	s2 =	sadd.s32 s3, s2  }
0x8d: {  	s2 =	sadd.s32 s2, s17  }
0x8e: {  	[smem:$0x3FBD] =	sst s2  }
0x8f: {  	_ = 	snop  }
0x90: {  	(tm) =	ssettm $0x1  }
0x91: {  	s18 =	sld [smem:$0x3FFB];
	_ =	sdelay $0x3  }
0x92: {  	_ =	strace s18  }
0x93: {  	s2 =	sld [smem:$0x3FFC];
	_ =	sdelay $0x3  }
0x94: {  	_ =	strace s2  }
0x95: {  	s2 =	sld [smem:$0x3FFD];
	_ =	sdelay $0x3  }
0x96: {  	_ =	strace s2  }
0x97: {  	_ =	strace $0x8FFFFFFF  }
0x98: {  	s19 =	sld [smem:$0x3FDB];
	_ =	sdelay $0x1  }
0x99: {  	s20 =	simm.s32 $_scs_section_size  }
0x9a: {  	s4 =	simm.s32 $_size__tile_overlayer_lowered;
	s5 =	simm.s32 $_tile_overlayer_lowered  }
0x9b: {  	s6 =	simm.s32 $0x1BFF;
	s21 =	sshll.u32 s5, $0x1;
	s3 =	sadd.s32 s20, s19  }
0x9c: {  	s22 =	simm.s32 $0x0;
	s4 =	sshll.u32 s4, $0x1;
	s5 =	sadd.s32 s21, s3  }
0x9d: {  	[timem:s22], [sflag:s6] =	dma.local [hbm:s5], s4  }
0x9e: {  	_ =	swait.ge [sflag:s6], s4  }
0x9f: {  	s4 =	ssub.s32 $0x0, s4;
	[sflag:s6] =	ssyncset.done $0x0  }
0xa0: {  	[sflag:s6] =	ssyncadd.s32 s4;
	_ =	sdelay $0x1  }
0xa1: {  	s23 =	simm.s32 $0x1B8B  }
0xa2: {  	_ =	swait.ge [sflag:s23], $0x1  }
0xa3: {  	[sflag:s23] =	ssyncset.done $0x0  }
0xa4: {  	[sflag:s23] =	ssyncadd.s32 $0xFFFFFFFF  }
0xa5: {  	s4 =	sld [smem:$0x0]  }
0xa6: {  	s5 =	sand.u32 $0xFFFFFFFE, s1  }
0xa7: {  	p0 =	sne.s32 s1, s5  }
0xa8: {  	s5 =	sshll.u32 @p0 s5, $0xE  }
0xa9: {  	s5 =	sadd.s32 @p0 $0x11B8D, s5;
	s6 =	sshll.u32 @p0 s4, $0x11  }
0xaa: {  	s5 =	sor.u32 @p0 s6, s5  }
0xab: {  	[sflag:s5] =	ssyncadd.remote.s32 @p0 $0x1;
	_ =	sdelay $0x1  }
0xac: {  	s5 =	simm.s32 @p0 $0x1B8D  }
0xad: {  	_ =	swait.eq @p0 [sflag:s5], $0x1  }
0xae: {  	[sflag:s5] =	ssyncadd.s32 @p0 $0xFFFFFFFF  }
0xaf: {  	s6 =	sshll.u32 @!p0 s1, $0xE  }
0xb0: {  	s6 =	sor.u32 @!p0 $0x4000, s6;
	s5 =	simm.s32 @!p0 $0x1B8D  }
0xb1: {  	s4 =	sshll.u32 @!p0 s4, $0x11;
	s6 =	sadd.s32 @!p0 $0x11B8D, s6;
	_ =	swait.eq @!p0 [sflag:s5], $0x1  }
0xb2: {  	s4 =	sor.u32 @!p0 s4, s6;
	[sflag:s5] =	ssyncadd.s32 @!p0 $0xFFFFFFFF  }
0xb3: {  	s25 =	simm.s32 $0x1B8E;
	s24 =	sld [smem:$0x3FFE];
	[sflag:s4] =	ssyncadd.remote.s32 @!p0 $0x1  }
0xb4: {  	s26 =	simm.s32 $execute0_lowered;
	[smem:$0x3FD2] =	sst s25  }
0xb5: {  	s5 =	sshll.u32 s26, $0x1;
	_ =	strace $0x8000004F;
	[dreg:$0x1] =	wrdreg $0xFFFFFFFF  }
0xb6: {  	s28 =	simm.s32 $_size_execute0_lowered;
	s3 =	sadd.s32 s3, s5;
	[dreg:$0x0] =	wrdreg $0x0  }
0xb7: {  	s5 =	sshll.u32 s28, $0x1;
	[dreg:$0x2] =	wrdreg s3  }
0xb8: {  	[dreg:$0x3] =	wrdreg s5  }
0xb9: {  	[dreg:$0x4] =	wrdreg $0xC0  }
0xba: {  	_ =	task [dreg:s22], $0x5FFFF  }
0xbb: {  	[dreg:$0x1] =	wrdreg $0xFFFFFFFF  }
0xbc: {  	[dreg:$0x0] =	wrdreg $0x60  }
0xbd: {  	[dreg:$0x2] =	wrdreg s24  }
0xbe: {  	[dreg:$0x3] =	wrdreg $0xB  }
0xbf: {  	_ =	task.clear_ibuf [dreg:s22], $0x4FFFF;
	_ =	strace $0x9000004F  }
0xc0: {  	s29 =	simm.s32 $0xB;
	_ =	strace $0x80000051  }
0xc1: {  	_ =	swait.ge [sflag:s29], $0x1  }
0xc2: {  	[sflag:s29] =	ssyncadd.s32 $0xFFFFFFFF  }
0xc3: {  	_ =	strace $0x90000051  }
0xc4: {  	_ =	sfence  }
0xc5: {  	s30 =	sld [smem:$0x0];
	_ =	sdelay $0x2  }
0xc6: {  	s31 =	sshll.u32 s1, $0xD;
	s1 =	sshrl.u32 s1, $0x2  }
0xc7: {  	s4 =	sand.u32 $0x4000, s31;
	s1 =	sadd.s32 s1, s30  }
0xc8: {  	s0 =	sor.u32 s4, s0;
	s1 =	sshll.u32 s1, $0x11  }
0xc9: {  	s0 =	sor.u32 s1, s0  }
0xca: {  	s0 =	sadd.s32 $0x8F2B, s0  }
0xcb: {  	[sflag:s0] =	ssyncadd.remote.s32 $0x1  }
0xcc: {  	_ =	sfence.sel $0xFFFF  }
0xcd: {  	[dreg:$0x0] =	wrdreg $0xFFFFFFFF;
	(pc) =	sbr.abs _section_cstart, $3  }
0xce: {  	[dreg:$0x1] =	wrdreg $0xFFFFFFFF  }
0xcf: {  	_ =	task.clear_ibuf [dreg:s22], $0x2FFFF;
	_ =	strace $0x9FFFFFFF  }
0xd0: {  	(tm) =	ssettm $0x7FFFFFFF  }
0xd1: {  	_ =	shalt  }
tec
execute0_lowered:
.L_overlay_start_1:
0x0: {  	(tag) =	ssettag $0x1  }
0x1: {  	s0 =	rddreg [dreg:$0x0];
	s2 =	srdreg.scid  }
0x2: {  	s1 =	stileid.u32;
	s13 =	simm.s32 $0x3;
	s14 =	simm.s32 $0x100  }
0x3: {  	s15 =	simm.s32 $0x900;
	s16 =	simm.s32 $0x1100;
	s17 =	simm.s32 $0x1900  }
0x4: {  	s18 =	simm.s32 $0x2100;
	s19 =	simm.s32 $0x2900;
	s20 =	simm.s32 $0x3100  }
0x5: {  	s21 =	simm.s32 $0x3900;
	s22 =	simm.s32 $0x4100;
	s23 =	simm.s32 $0x4900  }
0x6: {  	s28 =	simm.s32 $0x6900;
	s29 =	simm.s32 $0x7100;
	s30 =	simm.s32 $0x7900  }
0x7: {  	s4 =	sand.u32 $0x1, s2;
	s2 =	simm.s32 $0x0;
	s3 =	sshll.u32 s1, $0x9  }
0x8: {  	s5 =	sshll.u32 s4, $0x8;
	[smem:$0x7FF] =	sst s2;
	s24 =	ssub.s32 $0x2, s4  }
0x9: {  	s4 =	sadd.s32 $0x113700, s0;
	s5 =	sor.u32 s5, s3;
	_ =	strace $0x80000050  }
0xa: {  	s3 =	sadd.s32 $0x113600, s0;
	s25 =	sshrl.u32 s24, $0x1;
	s6 =	sshrl.u32 s5, $0x3  }
0xb: {  	s5 =	sshll.u32 s5, $0x6;
	s12 =	ssub.s32 s24, s25;
	s24 =	simm.s32 $0x5100  }
0xc: {  	s25 =	simm.s32 $0x5900;
	s6 =	sadd.s32 s6, s0;
	s11 =	sadd.s32 s5, s0  }
0xd: {  	s31 =	simm.s32 $0x1;
	s7 =	sadd.s32 $0x103200, s6;
	s26 =	sadd.s32 $0x2A3600, s11  }
0xe: {  	s12 =	smax.u32 s12, $0x1;
	s5 =	sadd.s32 $0x2A3E00, s11;
	s6 =	sadd.s32 $0x2A4600, s11  }
0xf: {  	v2 =	vlaneseq.u32;
	s0 =	simm.s32 $0x2;
	s8 =	sadd.s32 $0x2A5600, s11;
	s9 =	sadd.s32 $0x2A5E00, s11  }
0x10: {  	vm0 =	vmmov $0xffff;
	v1 =	vshrl.u32 v2, $0x3;
	s10 =	sadd.s32 $0x2A6600, s11;
	[dreg:$0x2] =	wrdreg s7;
	s7 =	sadd.s32 $0x2A4E00, s11  }
0x11: {  	v0 =	vand.u32 $0x7, v2;
	v2 =	vor.u32 $0x8, v2;
	v1 =	vmul.u32 $0x8, v1;
	[dreg:$0x3] =	wrdreg s26;
	s11 =	sadd.s32 $0x2A6E00, s11;
	s26 =	simm.s32 $0x6100  }
.LBB2_1:
0x12: {  	s1 =	rddreg [dreg:$0x2]  }
0x13: {  	[tilespmem:s2], [sflag:$0x3] =	stream.linear.gather [hbm4b:s1+s2], $0x100, $0x38;
	[tilespmem:$0x8100] =	vst v63  }
0x14: {  	_ =	swait.ge [sflag:s13], $0x100  }
0x15: {  	[sflag:s13] =	ssyncset.done $0x0  }
0x16: {  	[sflag:s13] =	ssyncadd.s32 $0xFFFFFF00  }
0x17: {  	v3 =	vld [tilespmem:$0x0];
	_ =	sdelay $0x4  }
0x18: {  	v4 =	vshll.u32 v3, $0x2  }
0x19: {  	v3 =	vand.u32 $0x7, v3;
	v4 =	vand.u32 $0xFFFFFFE0, v4  }
0x1a: {  	v3 =	vor.u32 v3, v4  }
0x1b: {  	v4 =	vperm.xlane v3, v0;
	_ =	sdelay $0x1  }
0x1c: {  	v4 =	vadd.s32 v1, v4;
	_ =	sdelay $0x1  }
0x1d: {  	v3 =	vperm.xlane v3, v2;
	_ =	sdelay $0x1  }
0x1e: {  	v3 =	vadd.s32 v1, v3  }
0x1f: {  	[tilespmem:s14], [sflag:$0x1] =	stream.indirect_vreg.gather [hbm4b:s3+s2], $0x80, v4, vm0, $0xb8;
	[tilespmem:$0x8100] =	vst v63  }
0x20: {  	_ = 	snop  }
0x21: {  	[tilespmem:s15], [sflag:$0x1] =	stream.indirect_vreg.gather [hbm4b:s4+s2], $0x80, v4, vm0, $0xb8;
	[tilespmem:$0x8100] =	vst v63  }
0x22: {  	_ = 	snop  }
0x23: {  	[tilespmem:s16], [sflag:$0x1] =	stream.indirect_vreg.gather [hbm4b:s3+s2], $0x80, v3, vm0, $0xb8;
	[tilespmem:$0x8100] =	vst v63  }
0x24: {  	_ = 	snop  }
0x25: {  	[tilespmem:s17], [sflag:$0x1] =	stream.indirect_vreg.gather [hbm4b:s4+s2], $0x80, v3, vm0, $0xb8;
	[tilespmem:$0x8100] =	vst v63  }
0x26: {  	v3 =	vld [tilespmem:$0x10];
	_ =	sdelay $0x4  }
0x27: {  	v49 =	vshll.u32 v3, $0x2  }
0x28: {  	v3 =	vand.u32 $0x7, v3;
	v4 =	vand.u32 $0xFFFFFFE0, v49  }
0x29: {  	v3 =	vor.u32 v3, v4  }
0x2a: {  	v4 =	vperm.xlane v3, v0;
	_ =	sdelay $0x1  }
0x2b: {  	v4 =	vadd.s32 v1, v4;
	_ =	sdelay $0x1  }
0x2c: {  	v3 =	vperm.xlane v3, v2;
	_ =	sdelay $0x1  }
0x2d: {  	v3 =	vadd.s32 v1, v3  }
0x2e: {  	[tilespmem:s18], [sflag:$0x1] =	stream.indirect_vreg.gather [hbm4b:s3+s2], $0x80, v4, vm0, $0xb8;
	[tilespmem:$0x8100] =	vst v63  }
0x2f: {  	_ = 	snop  }
0x30: {  	[tilespmem:s19], [sflag:$0x1] =	stream.indirect_vreg.gather [hbm4b:s4+s2], $0x80, v4, vm0, $0xb8;
	[tilespmem:$0x8100] =	vst v63  }
0x31: {  	_ = 	snop  }
0x32: {  	[tilespmem:s20], [sflag:$0x1] =	stream.indirect_vreg.gather [hbm4b:s3+s2], $0x80, v3, vm0, $0xb8;
	[tilespmem:$0x8100] =	vst v63  }
0x33: {  	_ = 	snop  }
0x34: {  	[tilespmem:s21], [sflag:$0x1] =	stream.indirect_vreg.gather [hbm4b:s4+s2], $0x80, v3, vm0, $0xb8;
	[tilespmem:$0x8100] =	vst v63  }
0x35: {  	v3 =	vld [tilespmem:$0x20];
	_ =	sdelay $0x4  }
0x36: {  	v50 =	vshll.u32 v3, $0x2  }
0x37: {  	v3 =	vand.u32 $0x7, v3;
	v4 =	vand.u32 $0xFFFFFFE0, v50  }
0x38: {  	v3 =	vor.u32 v3, v4  }
0x39: {  	v4 =	vperm.xlane v3, v0;
	_ =	sdelay $0x1  }
0x3a: {  	v4 =	vadd.s32 v1, v4;
	_ =	sdelay $0x1  }
0x3b: {  	v3 =	vperm.xlane v3, v2;
	_ =	sdelay $0x1  }
0x3c: {  	v3 =	vadd.s32 v1, v3  }
0x3d: {  	[tilespmem:s22], [sflag:$0x2] =	stream.indirect_vreg.gather [hbm4b:s3+s2], $0x80, v4, vm0, $0xb8;
	[tilespmem:$0x8100] =	vst v63  }
0x3e: {  	_ = 	snop  }
0x3f: {  	[tilespmem:s23], [sflag:$0x2] =	stream.indirect_vreg.gather [hbm4b:s4+s2], $0x80, v4, vm0, $0xb8;
	[tilespmem:$0x8100] =	vst v63  }
0x40: {  	_ = 	snop  }
0x41: {  	[tilespmem:s24], [sflag:$0x2] =	stream.indirect_vreg.gather [hbm4b:s3+s2], $0x80, v3, vm0, $0xb8;
	[tilespmem:$0x8100] =	vst v63  }
0x42: {  	_ = 	snop  }
0x43: {  	[tilespmem:s25], [sflag:$0x2] =	stream.indirect_vreg.gather [hbm4b:s4+s2], $0x80, v3, vm0, $0xb8;
	[tilespmem:$0x8100] =	vst v63  }
0x44: {  	v3 =	vld [tilespmem:$0x30];
	_ =	sdelay $0x4  }
0x45: {  	v51 =	vshll.u32 v3, $0x2  }
0x46: {  	v3 =	vand.u32 $0x7, v3;
	v4 =	vand.u32 $0xFFFFFFE0, v51  }
0x47: {  	v3 =	vor.u32 v3, v4  }
0x48: {  	v4 =	vperm.xlane v3, v0;
	_ =	sdelay $0x1  }
0x49: {  	v4 =	vadd.s32 v1, v4;
	_ =	sdelay $0x1  }
0x4a: {  	v3 =	vperm.xlane v3, v2;
	_ =	sdelay $0x1  }
0x4b: {  	v3 =	vadd.s32 v1, v3  }
0x4c: {  	[tilespmem:s26], [sflag:$0x2] =	stream.indirect_vreg.gather [hbm4b:s3+s2], $0x80, v4, vm0, $0xb8;
	[tilespmem:$0x8100] =	vst v63  }
0x4d: {  	_ = 	snop  }
0x4e: {  	[tilespmem:s28], [sflag:$0x2] =	stream.indirect_vreg.gather [hbm4b:s4+s2], $0x80, v4, vm0, $0xb8;
	[tilespmem:$0x8100] =	vst v63  }
0x4f: {  	_ = 	snop  }
0x50: {  	[tilespmem:s29], [sflag:$0x2] =	stream.indirect_vreg.gather [hbm4b:s3+s2], $0x80, v3, vm0, $0xb8;
	[tilespmem:$0x8100] =	vst v63  }
0x51: {  	_ = 	snop  }
0x52: {  	[tilespmem:s30], [sflag:$0x2] =	stream.indirect_vreg.gather [hbm4b:s4+s2], $0x80, v3, vm0, $0xb8;
	[tilespmem:$0x8100] =	vst v63  }
0x53: {  	_ =	swait.ge [sflag:s31], $0x4000  }
0x54: {  	[sflag:s31] =	ssyncset.done $0x0  }
0x55: {  	s1 =	rddreg [dreg:$0x3];
	[sflag:s31] =	ssyncadd.s32 $0xFFFFC000  }
0x56: {  	[hbm4b:s1+s2] =	stream.linear.scatter [tilespmem:s14], [sflag:$0x3], $0x4000, $0x38;
	[tilespmem:$0x8100] =	vst v63  }
0x57: {  	_ =	swait.ge [sflag:s13], $0x4000  }
0x58: {  	[sflag:s13] =	ssyncset.done $0x0  }
0x59: {  	[sflag:s13] =	ssyncadd.s32 $0xFFFFC000  }
0x5a: {  	v3 =	vld [tilespmem:$0x40];
	_ =	sdelay $0x4  }
0x5b: {  	v52 =	vshll.u32 v3, $0x2  }
0x5c: {  	v3 =	vand.u32 $0x7, v3;
	v4 =	vand.u32 $0xFFFFFFE0, v52  }
0x5d: {  	v3 =	vor.u32 v3, v4  }
0x5e: {  	v4 =	vperm.xlane v3, v0;
	_ =	sdelay $0x1  }
0x5f: {  	v4 =	vadd.s32 v1, v4;
	_ =	sdelay $0x1  }
0x60: {  	v3 =	vperm.xlane v3, v2;
	_ =	sdelay $0x1  }
0x61: {  	v3 =	vadd.s32 v1, v3  }
0x62: {  	[tilespmem:s14], [sflag:$0x1] =	stream.indirect_vreg.gather [hbm4b:s3+s2], $0x80, v4, vm0, $0xb8;
	[tilespmem:$0x8100] =	vst v63  }
0x63: {  	_ = 	snop  }
0x64: {  	[tilespmem:s15], [sflag:$0x1] =	stream.indirect_vreg.gather [hbm4b:s4+s2], $0x80, v4, vm0, $0xb8;
	[tilespmem:$0x8100] =	vst v63  }
0x65: {  	_ = 	snop  }
0x66: {  	[tilespmem:s16], [sflag:$0x1] =	stream.indirect_vreg.gather [hbm4b:s3+s2], $0x80, v3, vm0, $0xb8;
	[tilespmem:$0x8100] =	vst v63  }
0x67: {  	_ = 	snop  }
0x68: {  	[tilespmem:s17], [sflag:$0x1] =	stream.indirect_vreg.gather [hbm4b:s4+s2], $0x80, v3, vm0, $0xb8;
	[tilespmem:$0x8100] =	vst v63  }
0x69: {  	v3 =	vld [tilespmem:$0x50];
	_ =	sdelay $0x4  }
0x6a: {  	v53 =	vshll.u32 v3, $0x2  }
0x6b: {  	v3 =	vand.u32 $0x7, v3;
	v4 =	vand.u32 $0xFFFFFFE0, v53  }
0x6c: {  	v3 =	vor.u32 v3, v4  }
0x6d: {  	v4 =	vperm.xlane v3, v0;
	_ =	sdelay $0x1  }
0x6e: {  	v4 =	vadd.s32 v1, v4;
	_ =	sdelay $0x1  }
0x6f: {  	v3 =	vperm.xlane v3, v2;
	_ =	sdelay $0x1  }
0x70: {  	v3 =	vadd.s32 v1, v3  }
0x71: {  	[tilespmem:s18], [sflag:$0x1] =	stream.indirect_vreg.gather [hbm4b:s3+s2], $0x80, v4, vm0, $0xb8;
	[tilespmem:$0x8100] =	vst v63  }
0x72: {  	_ = 	snop  }
0x73: {  	[tilespmem:s19], [sflag:$0x1] =	stream.indirect_vreg.gather [hbm4b:s4+s2], $0x80, v4, vm0, $0xb8;
	[tilespmem:$0x8100] =	vst v63  }
0x74: {  	_ = 	snop  }
0x75: {  	[tilespmem:s20], [sflag:$0x1] =	stream.indirect_vreg.gather [hbm4b:s3+s2], $0x80, v3, vm0, $0xb8;
	[tilespmem:$0x8100] =	vst v63  }
0x76: {  	_ = 	snop  }
0x77: {  	[tilespmem:s21], [sflag:$0x1] =	stream.indirect_vreg.gather [hbm4b:s4+s2], $0x80, v3, vm0, $0xb8;
	[tilespmem:$0x8100] =	vst v63  }
0x78: {  	_ =	swait.ge [sflag:s0], $0x4000  }
0x79: {  	[sflag:s0] =	ssyncset.done $0x0  }
0x7a: {  	[sflag:s0] =	ssyncadd.s32 $0xFFFFC000  }
0x7b: {  	[hbm4b:s5+s2] =	stream.linear.scatter [tilespmem:s22], [sflag:$0x3], $0x4000, $0x38;
	[tilespmem:$0x8100] =	vst v63  }
0x7c: {  	_ =	swait.ge [sflag:s13], $0x4000  }
0x7d: {  	[sflag:s13] =	ssyncset.done $0x0  }
0x7e: {  	[sflag:s13] =	ssyncadd.s32 $0xFFFFC000  }
0x7f: {  	v3 =	vld [tilespmem:$0x60];
	_ =	sdelay $0x4  }
0x80: {  	v54 =	vshll.u32 v3, $0x2  }
0x81: {  	v3 =	vand.u32 $0x7, v3;
	v4 =	vand.u32 $0xFFFFFFE0, v54  }
0x82: {  	v3 =	vor.u32 v3, v4  }
0x83: {  	v4 =	vperm.xlane v3, v0;
	_ =	sdelay $0x1  }
0x84: {  	v4 =	vadd.s32 v1, v4;
	_ =	sdelay $0x1  }
0x85: {  	v3 =	vperm.xlane v3, v2;
	_ =	sdelay $0x1  }
0x86: {  	v3 =	vadd.s32 v1, v3  }
0x87: {  	[tilespmem:s22], [sflag:$0x2] =	stream.indirect_vreg.gather [hbm4b:s3+s2], $0x80, v4, vm0, $0xb8;
	[tilespmem:$0x8100] =	vst v63  }
0x88: {  	_ = 	snop  }
0x89: {  	[tilespmem:s23], [sflag:$0x2] =	stream.indirect_vreg.gather [hbm4b:s4+s2], $0x80, v4, vm0, $0xb8;
	[tilespmem:$0x8100] =	vst v63  }
0x8a: {  	_ = 	snop  }
0x8b: {  	[tilespmem:s24], [sflag:$0x2] =	stream.indirect_vreg.gather [hbm4b:s3+s2], $0x80, v3, vm0, $0xb8;
	[tilespmem:$0x8100] =	vst v63  }
0x8c: {  	_ = 	snop  }
0x8d: {  	[tilespmem:s25], [sflag:$0x2] =	stream.indirect_vreg.gather [hbm4b:s4+s2], $0x80, v3, vm0, $0xb8;
	[tilespmem:$0x8100] =	vst v63  }
0x8e: {  	v3 =	vld [tilespmem:$0x70];
	_ =	sdelay $0x4  }
0x8f: {  	v55 =	vshll.u32 v3, $0x2  }
0x90: {  	v3 =	vand.u32 $0x7, v3;
	v4 =	vand.u32 $0xFFFFFFE0, v55  }
0x91: {  	v3 =	vor.u32 v3, v4  }
0x92: {  	v4 =	vperm.xlane v3, v0;
	_ =	sdelay $0x1  }
0x93: {  	v4 =	vadd.s32 v1, v4;
	_ =	sdelay $0x1  }
0x94: {  	v3 =	vperm.xlane v3, v2;
	_ =	sdelay $0x1  }
0x95: {  	v3 =	vadd.s32 v1, v3  }
0x96: {  	[tilespmem:s26], [sflag:$0x2] =	stream.indirect_vreg.gather [hbm4b:s3+s2], $0x80, v4, vm0, $0xb8;
	[tilespmem:$0x8100] =	vst v63  }
0x97: {  	_ = 	snop  }
0x98: {  	[tilespmem:s28], [sflag:$0x2] =	stream.indirect_vreg.gather [hbm4b:s4+s2], $0x80, v4, vm0, $0xb8;
	[tilespmem:$0x8100] =	vst v63  }
0x99: {  	_ = 	snop  }
0x9a: {  	[tilespmem:s29], [sflag:$0x2] =	stream.indirect_vreg.gather [hbm4b:s3+s2], $0x80, v3, vm0, $0xb8;
	[tilespmem:$0x8100] =	vst v63  }
0x9b: {  	_ = 	snop  }
0x9c: {  	[tilespmem:s30], [sflag:$0x2] =	stream.indirect_vreg.gather [hbm4b:s4+s2], $0x80, v3, vm0, $0xb8;
	[tilespmem:$0x8100] =	vst v63  }
0x9d: {  	_ =	swait.ge [sflag:s31], $0x4000  }
0x9e: {  	[sflag:s31] =	ssyncset.done $0x0  }
0x9f: {  	[sflag:s31] =	ssyncadd.s32 $0xFFFFC000  }
0xa0: {  	[hbm4b:s6+s2] =	stream.linear.scatter [tilespmem:s14], [sflag:$0x3], $0x4000, $0x38;
	[tilespmem:$0x8100] =	vst v63  }
0xa1: {  	_ =	swait.ge [sflag:s13], $0x4000  }
0xa2: {  	[sflag:s13] =	ssyncset.done $0x0  }
0xa3: {  	[sflag:s13] =	ssyncadd.s32 $0xFFFFC000  }
0xa4: {  	v3 =	vld [tilespmem:$0x80];
	_ =	sdelay $0x4  }
0xa5: {  	v56 =	vshll.u32 v3, $0x2  }
0xa6: {  	v3 =	vand.u32 $0x7, v3;
	v4 =	vand.u32 $0xFFFFFFE0, v56  }
0xa7: {  	v3 =	vor.u32 v3, v4  }
0xa8: {  	v4 =	vperm.xlane v3, v0;
	_ =	sdelay $0x1  }
0xa9: {  	v4 =	vadd.s32 v1, v4;
	_ =	sdelay $0x1  }
0xaa: {  	v3 =	vperm.xlane v3, v2;
	_ =	sdelay $0x1  }
0xab: {  	v3 =	vadd.s32 v1, v3  }
0xac: {  	[tilespmem:s14], [sflag:$0x1] =	stream.indirect_vreg.gather [hbm4b:s3+s2], $0x80, v4, vm0, $0xb8;
	[tilespmem:$0x8100] =	vst v63  }
0xad: {  	_ = 	snop  }
0xae: {  	[tilespmem:s15], [sflag:$0x1] =	stream.indirect_vreg.gather [hbm4b:s4+s2], $0x80, v4, vm0, $0xb8;
	[tilespmem:$0x8100] =	vst v63  }
0xaf: {  	_ = 	snop  }
0xb0: {  	[tilespmem:s16], [sflag:$0x1] =	stream.indirect_vreg.gather [hbm4b:s3+s2], $0x80, v3, vm0, $0xb8;
	[tilespmem:$0x8100] =	vst v63  }
0xb1: {  	_ = 	snop  }
0xb2: {  	[tilespmem:s17], [sflag:$0x1] =	stream.indirect_vreg.gather [hbm4b:s4+s2], $0x80, v3, vm0, $0xb8;
	[tilespmem:$0x8100] =	vst v63  }
0xb3: {  	v3 =	vld [tilespmem:$0x90];
	_ =	sdelay $0x4  }
0xb4: {  	v57 =	vshll.u32 v3, $0x2  }
0xb5: {  	v3 =	vand.u32 $0x7, v3;
	v4 =	vand.u32 $0xFFFFFFE0, v57  }
0xb6: {  	v3 =	vor.u32 v3, v4  }
0xb7: {  	v4 =	vperm.xlane v3, v0;
	_ =	sdelay $0x1  }
0xb8: {  	v4 =	vadd.s32 v1, v4;
	_ =	sdelay $0x1  }
0xb9: {  	v3 =	vperm.xlane v3, v2;
	_ =	sdelay $0x1  }
0xba: {  	v3 =	vadd.s32 v1, v3  }
0xbb: {  	[tilespmem:s18], [sflag:$0x1] =	stream.indirect_vreg.gather [hbm4b:s3+s2], $0x80, v4, vm0, $0xb8;
	[tilespmem:$0x8100] =	vst v63  }
0xbc: {  	_ = 	snop  }
0xbd: {  	[tilespmem:s19], [sflag:$0x1] =	stream.indirect_vreg.gather [hbm4b:s4+s2], $0x80, v4, vm0, $0xb8;
	[tilespmem:$0x8100] =	vst v63  }
0xbe: {  	_ = 	snop  }
0xbf: {  	[tilespmem:s20], [sflag:$0x1] =	stream.indirect_vreg.gather [hbm4b:s3+s2], $0x80, v3, vm0, $0xb8;
	[tilespmem:$0x8100] =	vst v63  }
0xc0: {  	_ = 	snop  }
0xc1: {  	[tilespmem:s21], [sflag:$0x1] =	stream.indirect_vreg.gather [hbm4b:s4+s2], $0x80, v3, vm0, $0xb8;
	[tilespmem:$0x8100] =	vst v63  }
0xc2: {  	_ =	swait.ge [sflag:s0], $0x4000  }
0xc3: {  	[sflag:s0] =	ssyncset.done $0x0  }
0xc4: {  	[sflag:s0] =	ssyncadd.s32 $0xFFFFC000  }
0xc5: {  	[hbm4b:s7+s2] =	stream.linear.scatter [tilespmem:s22], [sflag:$0x3], $0x4000, $0x38;
	[tilespmem:$0x8100] =	vst v63  }
0xc6: {  	_ =	swait.ge [sflag:s13], $0x4000  }
0xc7: {  	[sflag:s13] =	ssyncset.done $0x0  }
0xc8: {  	[sflag:s13] =	ssyncadd.s32 $0xFFFFC000  }
0xc9: {  	v3 =	vld [tilespmem:$0xA0];
	_ =	sdelay $0x4  }
0xca: {  	v58 =	vshll.u32 v3, $0x2  }
0xcb: {  	v3 =	vand.u32 $0x7, v3;
	v4 =	vand.u32 $0xFFFFFFE0, v58  }
0xcc: {  	v3 =	vor.u32 v3, v4  }
0xcd: {  	v4 =	vperm.xlane v3, v0;
	_ =	sdelay $0x1  }
0xce: {  	v4 =	vadd.s32 v1, v4;
	_ =	sdelay $0x1  }
0xcf: {  	v3 =	vperm.xlane v3, v2;
	_ =	sdelay $0x1  }
0xd0: {  	v3 =	vadd.s32 v1, v3  }
0xd1: {  	[tilespmem:s22], [sflag:$0x2] =	stream.indirect_vreg.gather [hbm4b:s3+s2], $0x80, v4, vm0, $0xb8;
	[tilespmem:$0x8100] =	vst v63  }
0xd2: {  	_ = 	snop  }
0xd3: {  	[tilespmem:s23], [sflag:$0x2] =	stream.indirect_vreg.gather [hbm4b:s4+s2], $0x80, v4, vm0, $0xb8;
	[tilespmem:$0x8100] =	vst v63  }
0xd4: {  	_ = 	snop  }
0xd5: {  	[tilespmem:s24], [sflag:$0x2] =	stream.indirect_vreg.gather [hbm4b:s3+s2], $0x80, v3, vm0, $0xb8;
	[tilespmem:$0x8100] =	vst v63  }
0xd6: {  	_ = 	snop  }
0xd7: {  	[tilespmem:s25], [sflag:$0x2] =	stream.indirect_vreg.gather [hbm4b:s4+s2], $0x80, v3, vm0, $0xb8;
	[tilespmem:$0x8100] =	vst v63  }
0xd8: {  	v3 =	vld [tilespmem:$0xB0];
	_ =	sdelay $0x4  }
0xd9: {  	v59 =	vshll.u32 v3, $0x2  }
0xda: {  	v3 =	vand.u32 $0x7, v3;
	v4 =	vand.u32 $0xFFFFFFE0, v59  }
0xdb: {  	v3 =	vor.u32 v3, v4  }
0xdc: {  	v4 =	vperm.xlane v3, v0;
	_ =	sdelay $0x1  }
0xdd: {  	v4 =	vadd.s32 v1, v4;
	_ =	sdelay $0x1  }
0xde: {  	v3 =	vperm.xlane v3, v2;
	_ =	sdelay $0x1  }
0xdf: {  	v3 =	vadd.s32 v1, v3  }
0xe0: {  	[tilespmem:s26], [sflag:$0x2] =	stream.indirect_vreg.gather [hbm4b:s3+s2], $0x80, v4, vm0, $0xb8;
	[tilespmem:$0x8100] =	vst v63  }
0xe1: {  	_ = 	snop  }
0xe2: {  	[tilespmem:s28], [sflag:$0x2] =	stream.indirect_vreg.gather [hbm4b:s4+s2], $0x80, v4, vm0, $0xb8;
	[tilespmem:$0x8100] =	vst v63  }
0xe3: {  	_ = 	snop  }
0xe4: {  	[tilespmem:s29], [sflag:$0x2] =	stream.indirect_vreg.gather [hbm4b:s3+s2], $0x80, v3, vm0, $0xb8;
	[tilespmem:$0x8100] =	vst v63  }
0xe5: {  	_ = 	snop  }
0xe6: {  	[tilespmem:s30], [sflag:$0x2] =	stream.indirect_vreg.gather [hbm4b:s4+s2], $0x80, v3, vm0, $0xb8;
	[tilespmem:$0x8100] =	vst v63  }
0xe7: {  	_ =	swait.ge [sflag:s31], $0x4000  }
0xe8: {  	[sflag:s31] =	ssyncset.done $0x0  }
0xe9: {  	[sflag:s31] =	ssyncadd.s32 $0xFFFFC000  }
0xea: {  	[hbm4b:s8+s2] =	stream.linear.scatter [tilespmem:s14], [sflag:$0x3], $0x4000, $0x38;
	[tilespmem:$0x8100] =	vst v63  }
0xeb: {  	_ =	swait.ge [sflag:s13], $0x4000  }
0xec: {  	[sflag:s13] =	ssyncset.done $0x0  }
0xed: {  	[sflag:s13] =	ssyncadd.s32 $0xFFFFC000  }
0xee: {  	v3 =	vld [tilespmem:$0xC0];
	_ =	sdelay $0x4  }
0xef: {  	v60 =	vshll.u32 v3, $0x2  }
0xf0: {  	v3 =	vand.u32 $0x7, v3;
	v4 =	vand.u32 $0xFFFFFFE0, v60  }
0xf1: {  	v3 =	vor.u32 v3, v4  }
0xf2: {  	v4 =	vperm.xlane v3, v0;
	_ =	sdelay $0x1  }
0xf3: {  	v4 =	vadd.s32 v1, v4;
	_ =	sdelay $0x1  }
0xf4: {  	v3 =	vperm.xlane v3, v2;
	_ =	sdelay $0x1  }
0xf5: {  	v3 =	vadd.s32 v1, v3  }
0xf6: {  	[tilespmem:s14], [sflag:$0x1] =	stream.indirect_vreg.gather [hbm4b:s3+s2], $0x80, v4, vm0, $0xb8;
	[tilespmem:$0x8100] =	vst v63  }
0xf7: {  	_ = 	snop  }
0xf8: {  	[tilespmem:s15], [sflag:$0x1] =	stream.indirect_vreg.gather [hbm4b:s4+s2], $0x80, v4, vm0, $0xb8;
	[tilespmem:$0x8100] =	vst v63  }
0xf9: {  	_ = 	snop  }
0xfa: {  	[tilespmem:s16], [sflag:$0x1] =	stream.indirect_vreg.gather [hbm4b:s3+s2], $0x80, v3, vm0, $0xb8;
	[tilespmem:$0x8100] =	vst v63  }
0xfb: {  	_ = 	snop  }
0xfc: {  	[tilespmem:s17], [sflag:$0x1] =	stream.indirect_vreg.gather [hbm4b:s4+s2], $0x80, v3, vm0, $0xb8;
	[tilespmem:$0x8100] =	vst v63  }
0xfd: {  	v3 =	vld [tilespmem:$0xD0];
	_ =	sdelay $0x4  }
0xfe: {  	v61 =	vshll.u32 v3, $0x2  }
0xff: {  	v3 =	vand.u32 $0x7, v3;
	v4 =	vand.u32 $0xFFFFFFE0, v61  }
0x100: {  	v3 =	vor.u32 v3, v4  }
0x101: {  	v4 =	vperm.xlane v3, v0;
	_ =	sdelay $0x1  }
0x102: {  	v4 =	vadd.s32 v1, v4;
	_ =	sdelay $0x1  }
0x103: {  	v3 =	vperm.xlane v3, v2;
	_ =	sdelay $0x1  }
0x104: {  	v3 =	vadd.s32 v1, v3  }
0x105: {  	[tilespmem:s18], [sflag:$0x1] =	stream.indirect_vreg.gather [hbm4b:s3+s2], $0x80, v4, vm0, $0xb8;
	[tilespmem:$0x8100] =	vst v63  }
0x106: {  	_ = 	snop  }
0x107: {  	[tilespmem:s19], [sflag:$0x1] =	stream.indirect_vreg.gather [hbm4b:s4+s2], $0x80, v4, vm0, $0xb8;
	[tilespmem:$0x8100] =	vst v63  }
0x108: {  	_ = 	snop  }
0x109: {  	[tilespmem:s20], [sflag:$0x1] =	stream.indirect_vreg.gather [hbm4b:s3+s2], $0x80, v3, vm0, $0xb8;
	[tilespmem:$0x8100] =	vst v63  }
0x10a: {  	_ = 	snop  }
0x10b: {  	[tilespmem:s21], [sflag:$0x1] =	stream.indirect_vreg.gather [hbm4b:s4+s2], $0x80, v3, vm0, $0xb8;
	[tilespmem:$0x8100] =	vst v63  }
0x10c: {  	_ =	swait.ge [sflag:s0], $0x4000  }
0x10d: {  	[sflag:s0] =	ssyncset.done $0x0  }
0x10e: {  	[sflag:s0] =	ssyncadd.s32 $0xFFFFC000  }
0x10f: {  	[hbm4b:s9+s2] =	stream.linear.scatter [tilespmem:s22], [sflag:$0x3], $0x4000, $0x38;
	[tilespmem:$0x8100] =	vst v63  }
0x110: {  	_ =	swait.ge [sflag:s13], $0x4000  }
0x111: {  	[sflag:s13] =	ssyncset.done $0x0  }
0x112: {  	[sflag:s13] =	ssyncadd.s32 $0xFFFFC000  }
0x113: {  	v3 =	vld [tilespmem:$0xE0];
	_ =	sdelay $0x4  }
0x114: {  	v62 =	vshll.u32 v3, $0x2  }
0x115: {  	v3 =	vand.u32 $0x7, v3;
	v4 =	vand.u32 $0xFFFFFFE0, v62  }
0x116: {  	v3 =	vor.u32 v3, v4  }
0x117: {  	v4 =	vperm.xlane v3, v0;
	_ =	sdelay $0x1  }
0x118: {  	v4 =	vadd.s32 v1, v4;
	_ =	sdelay $0x1  }
0x119: {  	v3 =	vperm.xlane v3, v2;
	_ =	sdelay $0x1  }
0x11a: {  	v3 =	vadd.s32 v1, v3  }
0x11b: {  	[tilespmem:s22], [sflag:$0x2] =	stream.indirect_vreg.gather [hbm4b:s3+s2], $0x80, v4, vm0, $0xb8;
	[tilespmem:$0x8100] =	vst v63  }
0x11c: {  	_ = 	snop  }
0x11d: {  	[tilespmem:s23], [sflag:$0x2] =	stream.indirect_vreg.gather [hbm4b:s4+s2], $0x80, v4, vm0, $0xb8;
	[tilespmem:$0x8100] =	vst v63  }
0x11e: {  	_ = 	snop  }
0x11f: {  	[tilespmem:s24], [sflag:$0x2] =	stream.indirect_vreg.gather [hbm4b:s3+s2], $0x80, v3, vm0, $0xb8;
	[tilespmem:$0x8100] =	vst v63  }
0x120: {  	_ = 	snop  }
0x121: {  	[tilespmem:s25], [sflag:$0x2] =	stream.indirect_vreg.gather [hbm4b:s4+s2], $0x80, v3, vm0, $0xb8;
	[tilespmem:$0x8100] =	vst v63  }
0x122: {  	v3 =	vld [tilespmem:$0xF0];
	_ =	sdelay $0x4  }
0x123: {  	v63 =	vshll.u32 v3, $0x2  }
0x124: {  	v3 =	vand.u32 $0x7, v3;
	v4 =	vand.u32 $0xFFFFFFE0, v63  }
0x125: {  	v3 =	vor.u32 v3, v4  }
0x126: {  	v4 =	vperm.xlane v3, v0;
	_ =	sdelay $0x1  }
0x127: {  	v4 =	vadd.s32 v1, v4;
	_ =	sdelay $0x1  }
0x128: {  	v3 =	vperm.xlane v3, v2;
	_ =	sdelay $0x1  }
0x129: {  	v3 =	vadd.s32 v1, v3  }
0x12a: {  	[tilespmem:s26], [sflag:$0x2] =	stream.indirect_vreg.gather [hbm4b:s3+s2], $0x80, v4, vm0, $0xb8;
	[tilespmem:$0x8100] =	vst v63  }
0x12b: {  	_ = 	snop  }
0x12c: {  	[tilespmem:s28], [sflag:$0x2] =	stream.indirect_vreg.gather [hbm4b:s4+s2], $0x80, v4, vm0, $0xb8;
	[tilespmem:$0x8100] =	vst v63  }
0x12d: {  	_ = 	snop  }
0x12e: {  	[tilespmem:s29], [sflag:$0x2] =	stream.indirect_vreg.gather [hbm4b:s3+s2], $0x80, v3, vm0, $0xb8;
	[tilespmem:$0x8100] =	vst v63  }
0x12f: {  	_ = 	snop  }
0x130: {  	[tilespmem:s30], [sflag:$0x2] =	stream.indirect_vreg.gather [hbm4b:s4+s2], $0x80, v3, vm0, $0xb8;
	[tilespmem:$0x8100] =	vst v63  }
0x131: {  	_ =	swait.ge [sflag:s31], $0x4000  }
0x132: {  	[sflag:s31] =	ssyncset.done $0x0  }
0x133: {  	[sflag:s31] =	ssyncadd.s32 $0xFFFFC000  }
0x134: {  	[hbm4b:s10+s2] =	stream.linear.scatter [tilespmem:s14], [sflag:$0x3], $0x4000, $0x38;
	[tilespmem:$0x8100] =	vst v63  }
0x135: {  	_ =	swait.ge [sflag:s13], $0x4000  }
0x136: {  	[sflag:s13] =	ssyncset.done $0x0  }
0x137: {  	[sflag:s13] =	ssyncadd.s32 $0xFFFFC000  }
0x138: {  	_ =	swait.ge [sflag:s0], $0x4000  }
0x139: {  	p0 =	sne.s32 s12, $0x1;
	[sflag:s0] =	ssyncset.done $0x0  }
.Ltmp0:
0x13a: {  	[sflag:s0] =	ssyncadd.s32 $0xFFFFC000;
	(pc) =	sbr.rel @p0 .LBB2_1-.Ltmp0, $4  }
0x13b: {  	[hbm4b:s11+s2] =	stream.linear.scatter [tilespmem:s22], [sflag:$0x3], $0x4000, $0x38;
	[tilespmem:$0x8100] =	vst v63  }
0x13c: {  	_ =	swait.ge [sflag:s13], $0x4000  }
0x13d: {  	[sflag:s13] =	ssyncset.done $0x0  }
0x13e: {  	s12 =	sadd.s32 $0xFFFFFFFF, s12;
	[sflag:s13] =	ssyncadd.s32 $0xFFFFC000  }
0x13f: {  	_ =	sfence.sel $0x180000  }
0x140: {  	[bflag:$0x0] =	sbarrier.arrive $0xFFFF  }
0x141: {  	_ =	strace $0x90000050  }
0x142: {  	s0 =	stileid.u32;
	[bflag:$0x2] =	sbarrier.arrive $0xFFFF  }
0x143: {  	p0 =	sne.s32 s0, $0x0;
	s0 =	rddreg [dreg:$0x1]  }
0x144: {  	s0 =	sadd.s32 @!p0 $0x100000, s0  }
0x145: {  	[sflag:s0] =	ssyncadd.tile.s32 @!p0 $0x1;
	_ =	shalt  }
.Lfunc_end2:
_tile_overlayer_lowered:
.L_overlay_start_2:
0x146: {  	(tag) =	ssettag $0x2  }
0x147: {  	s0 =	rddreg [dreg:$0x0];
	s2 =	stileid.u32  }
0x148: {  	s1 =	rddreg [dreg:$0x1];
	p0 =	sne.s32 s2, $0x0  }
0x149: {  	s3 =	rddreg [dreg:$0x2];
	[bflag:$0x3] =	sbarrier.arrive $0xFFFF;
	s2 =	simm.s32 @!p0 $0x1C03  }
0x14a: {  	[timem:s3], [sflag:s2] =	dma.local @!p0 [hbm:s0], s1  }
0x14b: {  	s0 =	simm.s32 @!p0 $0x3  }
0x14c: {  	_ =	swait.ge @!p0 [sflag:s0], s1  }
0x14d: {  	s1 =	ssub.s32 @!p0 $0x0, s1;
	[sflag:s0] =	ssyncset.done @!p0 $0x0  }
0x14e: {  	[sflag:s0] =	ssyncadd.s32 @!p0 s1  }
0x14f: {  	[bflag:$0x3] =	sbarrier.arrive $0xFFFF  }
0x150: {  	_ =	shalt  }

</sc_bundles>
